<compile_context>
chip_gen: v7x
topology: tpu7x:2x2x1
jax: 0.10.2.dev20260603
libtpu: 0.0.44.dev20260713+nightly
codegen_flags: <defaults>
</compile_context>

<pallas_src>
import functools

import jax
import jax.numpy as jnp
from jax import lax
from jax.experimental import pallas as pl
from jax.experimental.pallas import tpu as pltpu
from jax.experimental.pallas import tpu_sc as plsc

D_MODEL = 1024
NUM_CORES = 2
NUM_SUBCORES = 16
NUM_WORKERS = NUM_CORES * NUM_SUBCORES
CHUNK = 32
NBUF = 2
LOOKAHEAD = 1


@functools.partial(jax.jit, static_argnames=("b_per_w", "n_chunks"))
def _gather_rows(pe, idx, *, b_per_w, n_chunks):
    total = idx.shape[0]
    mesh = plsc.VectorSubcoreMesh(core_axis_name="c", subcore_axis_name="s")

    @functools.partial(
        pl.kernel,
        out_type=jax.ShapeDtypeStruct((total, D_MODEL), jnp.float32),
        mesh=mesh,
        scratch_types=[
            pltpu.VMEM((b_per_w,), jnp.int32),
            pltpu.VMEM((NBUF, CHUNK, D_MODEL), jnp.float32),
            [pltpu.SemaphoreType.DMA] * NBUF,
            [pltpu.SemaphoreType.DMA] * NBUF,
        ],
    )
    def body(pe_hbm, idx_hbm, out_hbm, idx_v, rows_v, sems_g, sems_s):
        wid = lax.axis_index("s") * NUM_CORES + lax.axis_index("c")
        base = wid * b_per_w
        pltpu.sync_copy(idx_hbm.at[pl.ds(base, b_per_w)], idx_v)

        def gather_start(chunk, b):
            pltpu.async_copy(
                pe_hbm.at[idx_v.at[pl.ds(chunk * CHUNK, CHUNK)]],
                rows_v.at[b],
                sems_g[b],
            )

        def gather_wait(b):
            pltpu.make_async_copy(
                pe_hbm.at[idx_v.at[pl.ds(0, CHUNK)]], rows_v.at[b], sems_g[b]
            ).wait()

        def scatter_start(chunk, b):
            pltpu.async_copy(
                rows_v.at[b],
                out_hbm.at[pl.ds(base + chunk * CHUNK, CHUNK)],
                sems_s[b],
            )

        def scatter_wait(b):
            pltpu.make_async_copy(
                rows_v.at[b], out_hbm.at[pl.ds(base, CHUNK)], sems_s[b]
            ).wait()

        lookahead = LOOKAHEAD
        for j in range(min(lookahead, n_chunks)):
            gather_start(j, j % NBUF)
        for j in range(n_chunks):
            nxt = j + lookahead
            if nxt < n_chunks:
                b_nxt = nxt % NBUF
                if nxt >= NBUF:
                    scatter_wait(b_nxt)
                gather_start(nxt, b_nxt)
            b = j % NBUF
            gather_wait(b)
            scatter_start(j, b)
        for j in range(max(0, n_chunks - NBUF), n_chunks):
            scatter_wait(j % NBUF)

    return body(pe, idx)


def kernel(position_ids, pe):
    idx = position_ids.reshape(-1)
    total = idx.shape[0]
    b_per_w = total // NUM_WORKERS
    out = _gather_rows(pe, idx, b_per_w=b_per_w, n_chunks=b_per_w // CHUNK)
    return out.reshape(position_ids.shape + (pe.shape[1],))

# --- scband reference (transcript-rebuilt; emitter-appended) ---
"""Pipeline reference for scband-positional-encoding-30056181137654 (READ-ONLY COPY).

The authoritative reference and input builder live on the scoring server;
editing this copy changes nothing except your own understanding.
"""

import jax, jax.numpy as jnp
import numpy as np
import math

D_MODEL = 1024
MAX_LEN = 8192
BATCH = 4
SEQ_LEN = 8192


def make_pe(max_len, d_model):
    position = np.arange(max_len, dtype=np.float32)[:, None]
    div_term = np.exp(np.arange(0, d_model, 2).astype(np.float32) * (-math.log(10000.0) / d_model))
    pe = np.zeros((max_len, d_model), dtype=np.float32)
    pe[:, 0::2] = np.sin(position * div_term)
    pe[:, 1::2] = np.cos(position * div_term)
    return jnp.asarray(pe)


def setup_inputs(seed: int = 0) -> dict:
    key = jax.random.key(seed)
    position_ids = jax.random.randint(key, (BATCH, SEQ_LEN), 0, MAX_LEN, dtype=jnp.int32)
    pe = make_pe(MAX_LEN, D_MODEL)
    return {"position_ids": position_ids, "pe": pe}


def reference(position_ids, pe):
    # F.embedding(position_ids, self.pe) -> row gather from the positional table
    return jnp.take(pe, position_ids, axis=0)

if __name__ == "__main__":
    import jax
    _d = setup_inputs()
    print(jax.jit(kernel)(*tuple(_d.values())))

</pallas_src>

<mosaic_0001>
#map = affine_map<(d0, d1) -> (0, 0)>
#map1 = affine_map<(d0, d1) -> (0)>
module attributes {stable_mosaic.version = 14 : i64} {
  func.func @body(%arg0: i32, %arg1: i32, %arg2: memref<8192x1024xf32, #tpu.memory_space<hbm>>, %arg3: memref<32768xi32, #tpu.memory_space<hbm>>, %arg4: memref<32768x1024xf32, #tpu.memory_space<hbm>>, %arg5: memref<1024xi32, #tpu.memory_space<vmem>>, %arg6: memref<2x32x1024xf32, #tpu.memory_space<vmem>>, %arg7: memref<!tpu.dma_semaphore, #tpu.memory_space<semaphore_mem>>, %arg8: memref<!tpu.dma_semaphore, #tpu.memory_space<semaphore_mem>>, %arg9: memref<!tpu.dma_semaphore, #tpu.memory_space<semaphore_mem>>, %arg10: memref<!tpu.dma_semaphore, #tpu.memory_space<semaphore_mem>>) attributes {dimension_semantics = [#tpu.dimension_semantics<core_parallel>, #tpu.dimension_semantics<subcore_parallel>], iteration_bounds = array<i64: 2, 16>, scalar_prefetch = 0 : i64, scratch_operands = 6 : i64, tpu.core_type = #tpu.core_type<sc_vector_subcore>, window_params = [{transform_indices = #map}, {transform_indices = #map1}, {transform_indices = #map}]} {
    %mul3A = arith.constant 2 : i32
    %mul3A_0 = arith.muli %arg1, %mul3A : i32
    %add3A = arith.addi %mul3A_0, %arg0 : i32
    %mul3A_1 = arith.constant 1024 : i32
    %mul3A_2 = arith.muli %add3A, %mul3A_1 : i32
    "tpu.region"() ({
      %run_scoped3A = tpu.sem_alloc : memref<!tpu.dma_semaphore, #tpu.memory_space<semaphore_mem>>
      %dma_start3A_1537 = tpu.memref_slice %arg3[%mul3A_2] : memref<32768xi32, #tpu.memory_space<hbm>> -> memref<1024xi32, #tpu.memory_space<hbm>>
      %dma_start3A_1538 = tpu.memref_slice %arg3[%mul3A_2] : memref<32768xi32, #tpu.memory_space<hbm>> -> memref<1024xi32, #tpu.memory_space<hbm>>
      tpu.enqueue_dma source(%dma_start3A_1538 : memref<1024xi32, #tpu.memory_space<hbm>>) target(%arg5 : memref<1024xi32, #tpu.memory_space<vmem>>) target_semaphore(%run_scoped3A : memref<!tpu.dma_semaphore, #tpu.memory_space<semaphore_mem>>)
      %dma_wait3A_1539 = tpu.memref_slice %arg3[%mul3A_2] : memref<32768xi32, #tpu.memory_space<hbm>> -> memref<1024xi32, #tpu.memory_space<hbm>>
      %dma_wait3A_1540 = tpu.memref_slice %arg3[%mul3A_2] : memref<32768xi32, #tpu.memory_space<hbm>> -> memref<1024xi32, #tpu.memory_space<hbm>>
      tpu.wait_dma2 semaphore(%run_scoped3A : memref<!tpu.dma_semaphore, #tpu.memory_space<semaphore_mem>>) src(%dma_wait3A_1540 : memref<1024xi32, #tpu.memory_space<hbm>>) dst(%arg5 : memref<1024xi32, #tpu.memory_space<vmem>>)
      tpu.yield
    }) : () -> ()
    %dma_start3A = arith.constant 0 : i32
    %dma_start3A_3 = arith.constant 0 : i32
    %dma_start3A_4 = arith.constant 0 : i32
    %dma_start3A_5 = tpu.memref_slice %arg6[%dma_start3A, %dma_start3A_3, %dma_start3A_4] : memref<2x32x1024xf32, #tpu.memory_space<vmem>> -> memref<1x32x1024xf32, #tpu.memory_space<vmem>>
    %dma_start3A_6 = tpu.memref_squeeze %dma_start3A_5 : memref<1x32x1024xf32, #tpu.memory_space<vmem>> -> memref<32x1024xf32, #tpu.memory_space<vmem>>
    %dma_start3A_7 = arith.constant 0 : i32
    %dma_start3A_8 = tpu.memref_slice %arg5[%dma_start3A_7] : memref<1024xi32, #tpu.memory_space<vmem>> -> memref<32xi32, #tpu.memory_space<vmem>>
    %dma_start3A_9 = arith.constant 0 : i32
    %dma_start3A_10 = arith.constant 0 : i32
    %dma_start3A_11 = tpu.memref_slice %arg2[%dma_start3A_9, %dma_start3A_10] : memref<8192x1024xf32, #tpu.memory_space<hbm>> -> memref<8192x1024xf32, #tpu.memory_space<hbm>>
    tpu.enqueue_indirect_dma source(%dma_start3A_11 : memref<8192x1024xf32, #tpu.memory_space<hbm>>) target(%dma_start3A_6 : memref<32x1024xf32, #tpu.memory_space<vmem>>) offsets(%dma_start3A_8 : memref<32xi32, #tpu.memory_space<vmem>>) semaphore(%arg7 : memref<!tpu.dma_semaphore, #tpu.memory_space<semaphore_mem>>)
    %dma_start3A_12 = arith.constant 1 : i32
    %dma_start3A_13 = arith.constant 0 : i32
    %dma_start3A_14 = arith.constant 0 : i32
    %dma_start3A_15 = tpu.memref_slice %arg6[%dma_start3A_12, %dma_start3A_13, %dma_start3A_14] : memref<2x32x1024xf32, #tpu.memory_space<vmem>> -> memref<1x32x1024xf32, #tpu.memory_space<vmem>>
    %dma_start3A_16 = tpu.memref_squeeze %dma_start3A_15 : memref<1x32x1024xf32, #tpu.memory_space<vmem>> -> memref<32x1024xf32, #tpu.memory_space<vmem>>
    %dma_start3A_17 = arith.constant 32 : i32
    %dma_start3A_18 = tpu.memref_slice %arg5[%dma_start3A_17] : memref<1024xi32, #tpu.memory_space<vmem>> -> memref<32xi32, #tpu.memory_space<vmem>>
    %dma_start3A_19 = arith.constant 0 : i32
    %dma_start3A_20 = arith.constant 0 : i32
    %dma_start3A_21 = tpu.memref_slice %arg2[%dma_start3A_19, %dma_start3A_20] : memref<8192x1024xf32, #tpu.memory_space<hbm>> -> memref<8192x1024xf32, #tpu.memory_space<hbm>>
    tpu.enqueue_indirect_dma source(%dma_start3A_21 : memref<8192x1024xf32, #tpu.memory_space<hbm>>) target(%dma_start3A_16 : memref<32x1024xf32, #tpu.memory_space<vmem>>) offsets(%dma_start3A_18 : memref<32xi32, #tpu.memory_space<vmem>>) semaphore(%arg8 : memref<!tpu.dma_semaphore, #tpu.memory_space<semaphore_mem>>)
    %dma_wait3A = arith.constant 0 : i32
    %dma_wait3A_22 = arith.constant 0 : i32
    %dma_wait3A_23 = arith.constant 0 : i32
    %dma_wait3A_24 = tpu.memref_slice %arg6[%dma_wait3A, %dma_wait3A_22, %dma_wait3A_23] : memref<2x32x1024xf32, #tpu.memory_space<vmem>> -> memref<1x32x1024xf32, #tpu.memory_space<vmem>>
    %dma_wait3A_25 = tpu.memref_squeeze %dma_wait3A_24 : memref<1x32x1024xf32, #tpu.memory_space<vmem>> -> memref<32x1024xf32, #tpu.memory_space<vmem>>
    %dma_wait3A_26 = arith.constant 0 : i32
    %dma_wait3A_27 = tpu.memref_slice %arg5[%dma_wait3A_26] : memref<1024xi32, #tpu.memory_space<vmem>> -> memref<32xi32, #tpu.memory_space<vmem>>
    %dma_wait3A_28 = arith.constant 0 : i32
    %dma_wait3A_29 = arith.constant 0 : i32
    %dma_wait3A_30 = tpu.memref_slice %arg2[%dma_wait3A_28, %dma_wait3A_29] : memref<8192x1024xf32, #tpu.memory_space<hbm>> -> memref<8192x1024xf32, #tpu.memory_space<hbm>>
    tpu.wait_indirect_dma semaphore(%arg7 : memref<!tpu.dma_semaphore, #tpu.memory_space<semaphore_mem>>) src(%dma_wait3A_30 : memref<8192x1024xf32, #tpu.memory_space<hbm>>) dst(%dma_wait3A_25 : memref<32x1024xf32, #tpu.memory_space<vmem>>)
    %add3A_31 = arith.constant 0 : i32
    %add3A_32 = arith.addi %mul3A_2, %add3A_31 : i32
    %dma_start3A_33 = arith.constant 0 : i32
    %dma_start3A_34 = arith.constant 0 : i32
    %dma_start3A_35 = arith.constant 0 : i32
    %dma_start3A_36 = tpu.memref_slice %arg6[%dma_start3A_33, %dma_start3A_34, %dma_start3A_35] : memref<2x32x1024xf32, #tpu.memory_space<vmem>> -> memref<1x32x1024xf32, #tpu.memory_space<vmem>>
    %dma_start3A_37 = tpu.memref_squeeze %dma_start3A_36 : memref<1x32x1024xf32, #tpu.memory_space<vmem>> -> memref<32x1024xf32, #tpu.memory_space<vmem>>
    %dma_start3A_38 = arith.constant 0 : i32
    %dma_start3A_39 = tpu.memref_slice %arg4[%add3A_32, %dma_start3A_38] : memref<32768x1024xf32, #tpu.memory_space<hbm>> -> memref<32x1024xf32, #tpu.memory_space<hbm>>
    %dma_start3A_40 = arith.constant 0 : i32
    %dma_start3A_41 = tpu.memref_slice %arg4[%add3A_32, %dma_start3A_40] : memref<32768x1024xf32, #tpu.memory_space<hbm>> -> memref<32x1024xf32, #tpu.memory_space<hbm>>
    %dma_start3A_42 = arith.constant 0 : i32
    %dma_start3A_43 = arith.constant 0 : i32
    %dma_start3A_44 = tpu.memref_slice %arg6[%dma_start3A_33, %dma_start3A_42, %dma_start3A_43] : memref<2x32x1024xf32, #tpu.memory_space<vmem>> -> memref<1x32x1024xf32, #tpu.memory_space<vmem>>
    %dma_start3A_45 = tpu.memref_squeeze %dma_start3A_44 : memref<1x32x1024xf32, #tpu.memory_space<vmem>> -> memref<32x1024xf32, #tpu.memory_space<vmem>>
    tpu.enqueue_dma source(%dma_start3A_45 : memref<32x1024xf32, #tpu.memory_space<vmem>>) target(%dma_start3A_41 : memref<32x1024xf32, #tpu.memory_space<hbm>>) target_semaphore(%arg9 : memref<!tpu.dma_semaphore, #tpu.memory_space<semaphore_mem>>)
    %dma_wait3A_46 = arith.constant 0 : i32
    %dma_wait3A_47 = arith.constant 0 : i32
    %dma_wait3A_48 = arith.constant 0 : i32
    %dma_wait3A_49 = tpu.memref_slice %arg6[%dma_wait3A_46, %dma_wait3A_47, %dma_wait3A_48] : memref<2x32x1024xf32, #tpu.memory_space<vmem>> -> memref<1x32x1024xf32, #tpu.memory_space<vmem>>
    %dma_wait3A_50 = tpu.memref_squeeze %dma_wait3A_49 : memref<1x32x1024xf32, #tpu.memory_space<vmem>> -> memref<32x1024xf32, #tpu.memory_space<vmem>>
    %dma_wait3A_51 = arith.constant 0 : i32
    %dma_wait3A_52 = tpu.memref_slice %arg4[%mul3A_2, %dma_wait3A_51] : memref<32768x1024xf32, #tpu.memory_space<hbm>> -> memref<32x1024xf32, #tpu.memory_space<hbm>>
    %dma_wait3A_53 = arith.constant 0 : i32
    %dma_wait3A_54 = tpu.memref_slice %arg4[%mul3A_2, %dma_wait3A_53] : memref<32768x1024xf32, #tpu.memory_space<hbm>> -> memref<32x1024xf32, #tpu.memory_space<hbm>>
    %dma_wait3A_55 = arith.constant 0 : i32
    %dma_wait3A_56 = arith.constant 0 : i32
    %dma_wait3A_57 = tpu.memref_slice %arg6[%dma_wait3A_46, %dma_wait3A_55, %dma_wait3A_56] : memref<2x32x1024xf32, #tpu.memory_space<vmem>> -> memref<1x32x1024xf32, #tpu.memory_space<vmem>>
    %dma_wait3A_58 = tpu.memref_squeeze %dma_wait3A_57 : memref<1x32x1024xf32, #tpu.memory_space<vmem>> -> memref<32x1024xf32, #tpu.memory_space<vmem>>
    tpu.wait_dma2 semaphore(%arg9 : memref<!tpu.dma_semaphore, #tpu.memory_space<semaphore_mem>>) src(%dma_wait3A_58 : memref<32x1024xf32, #tpu.memory_space<vmem>>) dst(%dma_wait3A_54 : memref<32x1024xf32, #tpu.memory_space<hbm>>)
    %dma_start3A_59 = arith.constant 0 : i32
    %dma_start3A_60 = arith.constant 0 : i32
    %dma_start3A_61 = arith.constant 0 : i32
    %dma_start3A_62 = tpu.memref_slice %arg6[%dma_start3A_59, %dma_start3A_60, %dma_start3A_61] : memref<2x32x1024xf32, #tpu.memory_space<vmem>> -> memref<1x32x1024xf32, #tpu.memory_space<vmem>>
    %dma_start3A_63 = tpu.memref_squeeze %dma_start3A_62 : memref<1x32x1024xf32, #tpu.memory_space<vmem>> -> memref<32x1024xf32, #tpu.memory_space<vmem>>
    %dma_start3A_64 = arith.constant 64 : i32
    %dma_start3A_65 = tpu.memref_slice %arg5[%dma_start3A_64] : memref<1024xi32, #tpu.memory_space<vmem>> -> memref<32xi32, #tpu.memory_space<vmem>>
    %dma_start3A_66 = arith.constant 0 : i32
    %dma_start3A_67 = arith.constant 0 : i32
    %dma_start3A_68 = tpu.memref_slice %arg2[%dma_start3A_66, %dma_start3A_67] : memref<8192x1024xf32, #tpu.memory_space<hbm>> -> memref<8192x1024xf32, #tpu.memory_space<hbm>>
    tpu.enqueue_indirect_dma source(%dma_start3A_68 : memref<8192x1024xf32, #tpu.memory_space<hbm>>) target(%dma_start3A_63 : memref<32x1024xf32, #tpu.memory_space<vmem>>) offsets(%dma_start3A_65 : memref<32xi32, #tpu.memory_space<vmem>>) semaphore(%arg7 : memref<!tpu.dma_semaphore, #tpu.memory_space<semaphore_mem>>)
    %dma_wait3A_69 = arith.constant 1 : i32
    %dma_wait3A_70 = arith.constant 0 : i32
    %dma_wait3A_71 = arith.constant 0 : i32
    %dma_wait3A_72 = tpu.memref_slice %arg6[%dma_wait3A_69, %dma_wait3A_70, %dma_wait3A_71] : memref<2x32x1024xf32, #tpu.memory_space<vmem>> -> memref<1x32x1024xf32, #tpu.memory_space<vmem>>
    %dma_wait3A_73 = tpu.memref_squeeze %dma_wait3A_72 : memref<1x32x1024xf32, #tpu.memory_space<vmem>> -> memref<32x1024xf32, #tpu.memory_space<vmem>>
    %dma_wait3A_74 = arith.constant 0 : i32
    %dma_wait3A_75 = tpu.memref_slice %arg5[%dma_wait3A_74] : memref<1024xi32, #tpu.memory_space<vmem>> -> memref<32xi32, #tpu.memory_space<vmem>>
    %dma_wait3A_76 = arith.constant 0 : i32
    %dma_wait3A_77 = arith.constant 0 : i32
    %dma_wait3A_78 = tpu.memref_slice %arg2[%dma_wait3A_76, %dma_wait3A_77] : memref<8192x1024xf32, #tpu.memory_space<hbm>> -> memref<8192x1024xf32, #tpu.memory_space<hbm>>
    tpu.wait_indirect_dma semaphore(%arg8 : memref<!tpu.dma_semaphore, #tpu.memory_space<semaphore_mem>>) src(%dma_wait3A_78 : memref<8192x1024xf32, #tpu.memory_space<hbm>>) dst(%dma_wait3A_73 : memref<32x1024xf32, #tpu.memory_space<vmem>>)
    %add3A_79 = arith.constant 32 : i32
    %add3A_80 = arith.addi %mul3A_2, %add3A_79 : i32
    %dma_start3A_81 = arith.constant 1 : i32
    %dma_start3A_82 = arith.constant 0 : i32
    %dma_start3A_83 = arith.constant 0 : i32
    %dma_start3A_84 = tpu.memref_slice %arg6[%dma_start3A_81, %dma_start3A_82, %dma_start3A_83] : memref<2x32x1024xf32, #tpu.memory_space<vmem>> -> memref<1x32x1024xf32, #tpu.memory_space<vmem>>
    %dma_start3A_85 = tpu.memref_squeeze %dma_start3A_84 : memref<1x32x1024xf32, #tpu.memory_space<vmem>> -> memref<32x1024xf32, #tpu.memory_space<vmem>>
    %dma_start3A_86 = arith.constant 0 : i32
    %dma_start3A_87 = tpu.memref_slice %arg4[%add3A_80, %dma_start3A_86] : memref<32768x1024xf32, #tpu.memory_space<hbm>> -> memref<32x1024xf32, #tpu.memory_space<hbm>>
    %dma_start3A_88 = arith.constant 0 : i32
    %dma_start3A_89 = tpu.memref_slice %arg4[%add3A_80, %dma_start3A_88] : memref<32768x1024xf32, #tpu.memory_space<hbm>> -> memref<32x1024xf32, #tpu.memory_space<hbm>>
    %dma_start3A_90 = arith.constant 0 : i32
    %dma_start3A_91 = arith.constant 0 : i32
    %dma_start3A_92 = tpu.memref_slice %arg6[%dma_start3A_81, %dma_start3A_90, %dma_start3A_91] : memref<2x32x1024xf32, #tpu.memory_space<vmem>> -> memref<1x32x1024xf32, #tpu.memory_space<vmem>>
    %dma_start3A_93 = tpu.memref_squeeze %dma_start3A_92 : memref<1x32x1024xf32, #tpu.memory_space<vmem>> -> memref<32x1024xf32, #tpu.memory_space<vmem>>
    tpu.enqueue_dma source(%dma_start3A_93 : memref<32x1024xf32, #tpu.memory_space<vmem>>) target(%dma_start3A_89 : memref<32x1024xf32, #tpu.memory_space<hbm>>) target_semaphore(%arg10 : memref<!tpu.dma_semaphore, #tpu.memory_space<semaphore_mem>>)
    %dma_wait3A_94 = arith.constant 1 : i32
    %dma_wait3A_95 = arith.constant 0 : i32
    %dma_wait3A_96 = arith.constant 0 : i32
    %dma_wait3A_97 = tpu.memref_slice %arg6[%dma_wait3A_94, %dma_wait3A_95, %dma_wait3A_96] : memref<2x32x1024xf32, #tpu.memory_space<vmem>> -> memref<1x32x1024xf32, #tpu.memory_space<vmem>>
    %dma_wait3A_98 = tpu.memref_squeeze %dma_wait3A_97 : memref<1x32x1024xf32, #tpu.memory_space<vmem>> -> memref<32x1024xf32, #tpu.memory_space<vmem>>
    %dma_wait3A_99 = arith.constant 0 : i32
    %dma_wait3A_100 = tpu.memref_slice %arg4[%mul3A_2, %dma_wait3A_99] : memref<32768x1024xf32, #tpu.memory_space<hbm>> -> memref<32x1024xf32, #tpu.memory_space<hbm>>
    %dma_wait3A_101 = arith.constant 0 : i32
    %dma_wait3A_102 = tpu.memref_slice %arg4[%mul3A_2, %dma_wait3A_101] : memref<32768x1024xf32, #tpu.memory_space<hbm>> -> memref<32x1024xf32, #tpu.memory_space<hbm>>
    %dma_wait3A_103 = arith.constant 0 : i32
    %dma_wait3A_104 = arith.constant 0 : i32
    %dma_wait3A_105 = tpu.memref_slice %arg6[%dma_wait3A_94, %dma_wait3A_103, %dma_wait3A_104] : memref<2x32x1024xf32, #tpu.memory_space<vmem>> -> memref<1x32x1024xf32, #tpu.memory_space<vmem>>
    %dma_wait3A_106 = tpu.memref_squeeze %dma_wait3A_105 : memref<1x32x1024xf32, #tpu.memory_space<vmem>> -> memref<32x1024xf32, #tpu.memory_space<vmem>>
    tpu.wait_dma2 semaphore(%arg10 : memref<!tpu.dma_semaphore, #tpu.memory_space<semaphore_mem>>) src(%dma_wait3A_106 : memref<32x1024xf32, #tpu.memory_space<vmem>>) dst(%dma_wait3A_102 : memref<32x1024xf32, #tpu.memory_space<hbm>>)
    %dma_start3A_107 = arith.constant 1 : i32
    %dma_start3A_108 = arith.constant 0 : i32
    %dma_start3A_109 = arith.constant 0 : i32
    %dma_start3A_110 = tpu.memref_slice %arg6[%dma_start3A_107, %dma_start3A_108, %dma_start3A_109] : memref<2x32x1024xf32, #tpu.memory_space<vmem>> -> memref<1x32x1024xf32, #tpu.memory_space<vmem>>
    %dma_start3A_111 = tpu.memref_squeeze %dma_start3A_110 : memref<1x32x1024xf32, #tpu.memory_space<vmem>> -> memref<32x1024xf32, #tpu.memory_space<vmem>>
    %dma_start3A_112 = arith.constant 96 : i32
    %dma_start3A_113 = tpu.memref_slice %arg5[%dma_start3A_112] : memref<1024xi32, #tpu.memory_space<vmem>> -> memref<32xi32, #tpu.memory_space<vmem>>
    %dma_start3A_114 = arith.constant 0 : i32
    %dma_start3A_115 = arith.constant 0 : i32
    %dma_start3A_116 = tpu.memref_slice %arg2[%dma_start3A_114, %dma_start3A_115] : memref<8192x1024xf32, #tpu.memory_space<hbm>> -> memref<8192x1024xf32, #tpu.memory_space<hbm>>
    tpu.enqueue_indirect_dma source(%dma_start3A_116 : memref<8192x1024xf32, #tpu.memory_space<hbm>>) target(%dma_start3A_111 : memref<32x1024xf32, #tpu.memory_space<vmem>>) offsets(%dma_start3A_113 : memref<32xi32, #tpu.memory_space<vmem>>) semaphore(%arg8 : memref<!tpu.dma_semaphore, #tpu.memory_space<semaphore_mem>>)
    %dma_wait3A_117 = arith.constant 0 : i32
    %dma_wait3A_118 = arith.constant 0 : i32
    %dma_wait3A_119 = arith.constant 0 : i32
    %dma_wait3A_120 = tpu.memref_slice %arg6[%dma_wait3A_117, %dma_wait3A_118, %dma_wait3A_119] : memref<2x32x1024xf32, #tpu.memory_space<vmem>> -> memref<1x32x1024xf32, #tpu.memory_space<vmem>>
    %dma_wait3A_121 = tpu.memref_squeeze %dma_wait3A_120 : memref<1x32x1024xf32, #tpu.memory_space<vmem>> -> memref<32x1024xf32, #tpu.memory_space<vmem>>
    %dma_wait3A_122 = arith.constant 0 : i32
    %dma_wait3A_123 = tpu.memref_slice %arg5[%dma_wait3A_122] : memref<1024xi32, #tpu.memory_space<vmem>> -> memref<32xi32, #tpu.memory_space<vmem>>
    %dma_wait3A_124 = arith.constant 0 : i32
    %dma_wait3A_125 = arith.constant 0 : i32
    %dma_wait3A_126 = tpu.memref_slice %arg2[%dma_wait3A_124, %dma_wait3A_125] : memref<8192x1024xf32, #tpu.memory_space<hbm>> -> memref<8192x1024xf32, #tpu.memory_space<hbm>>
    tpu.wait_indirect_dma semaphore(%arg7 : memref<!tpu.dma_semaphore, #tpu.memory_space<semaphore_mem>>) src(%dma_wait3A_126 : memref<8192x1024xf32, #tpu.memory_space<hbm>>) dst(%dma_wait3A_121 : memref<32x1024xf32, #tpu.memory_space<vmem>>)
    %add3A_127 = arith.constant 64 : i32
    %add3A_128 = arith.addi %mul3A_2, %add3A_127 : i32
    %dma_start3A_129 = arith.constant 0 : i32
    %dma_start3A_130 = arith.constant 0 : i32
    %dma_start3A_131 = arith.constant 0 : i32
    %dma_start3A_132 = tpu.memref_slice %arg6[%dma_start3A_129, %dma_start3A_130, %dma_start3A_131] : memref<2x32x1024xf32, #tpu.memory_space<vmem>> -> memref<1x32x1024xf32, #tpu.memory_space<vmem>>
    %dma_start3A_133 = tpu.memref_squeeze %dma_start3A_132 : memref<1x32x1024xf32, #tpu.memory_space<vmem>> -> memref<32x1024xf32, #tpu.memory_space<vmem>>
    %dma_start3A_134 = arith.constant 0 : i32
    %dma_start3A_135 = tpu.memref_slice %arg4[%add3A_128, %dma_start3A_134] : memref<32768x1024xf32, #tpu.memory_space<hbm>> -> memref<32x1024xf32, #tpu.memory_space<hbm>>
    %dma_start3A_136 = arith.constant 0 : i32
    %dma_start3A_137 = tpu.memref_slice %arg4[%add3A_128, %dma_start3A_136] : memref<32768x1024xf32, #tpu.memory_space<hbm>> -> memref<32x1024xf32, #tpu.memory_space<hbm>>
    %dma_start3A_138 = arith.constant 0 : i32
    %dma_start3A_139 = arith.constant 0 : i32
    %dma_start3A_140 = tpu.memref_slice %arg6[%dma_start3A_129, %dma_start3A_138, %dma_start3A_139] : memref<2x32x1024xf32, #tpu.memory_space<vmem>> -> memref<1x32x1024xf32, #tpu.memory_space<vmem>>
    %dma_start3A_141 = tpu.memref_squeeze %dma_start3A_140 : memref<1x32x1024xf32, #tpu.memory_space<vmem>> -> memref<32x1024xf32, #tpu.memory_space<vmem>>
    tpu.enqueue_dma source(%dma_start3A_141 : memref<32x1024xf32, #tpu.memory_space<vmem>>) target(%dma_start3A_137 : memref<32x1024xf32, #tpu.memory_space<hbm>>) target_semaphore(%arg9 : memref<!tpu.dma_semaphore, #tpu.memory_space<semaphore_mem>>)
    %dma_wait3A_142 = arith.constant 0 : i32
    %dma_wait3A_143 = arith.constant 0 : i32
    %dma_wait3A_144 = arith.constant 0 : i32
    %dma_wait3A_145 = tpu.memref_slice %arg6[%dma_wait3A_142, %dma_wait3A_143, %dma_wait3A_144] : memref<2x32x1024xf32, #tpu.memory_space<vmem>> -> memref<1x32x1024xf32, #tpu.memory_space<vmem>>
    %dma_wait3A_146 = tpu.memref_squeeze %dma_wait3A_145 : memref<1x32x1024xf32, #tpu.memory_space<vmem>> -> memref<32x1024xf32, #tpu.memory_space<vmem>>
    %dma_wait3A_147 = arith.constant 0 : i32
    %dma_wait3A_148 = tpu.memref_slice %arg4[%mul3A_2, %dma_wait3A_147] : memref<32768x1024xf32, #tpu.memory_space<hbm>> -> memref<32x1024xf32, #tpu.memory_space<hbm>>
    %dma_wait3A_149 = arith.constant 0 : i32
    %dma_wait3A_150 = tpu.memref_slice %arg4[%mul3A_2, %dma_wait3A_149] : memref<32768x1024xf32, #tpu.memory_space<hbm>> -> memref<32x1024xf32, #tpu.memory_space<hbm>>
    %dma_wait3A_151 = arith.constant 0 : i32
    %dma_wait3A_152 = arith.constant 0 : i32
    %dma_wait3A_153 = tpu.memref_slice %arg6[%dma_wait3A_142, %dma_wait3A_151, %dma_wait3A_152] : memref<2x32x1024xf32, #tpu.memory_space<vmem>> -> memref<1x32x1024xf32, #tpu.memory_space<vmem>>
    %dma_wait3A_154 = tpu.memref_squeeze %dma_wait3A_153 : memref<1x32x1024xf32, #tpu.memory_space<vmem>> -> memref<32x1024xf32, #tpu.memory_space<vmem>>
    tpu.wait_dma2 semaphore(%arg9 : memref<!tpu.dma_semaphore, #tpu.memory_space<semaphore_mem>>) src(%dma_wait3A_154 : memref<32x1024xf32, #tpu.memory_space<vmem>>) dst(%dma_wait3A_150 : memref<32x1024xf32, #tpu.memory_space<hbm>>)
    %dma_start3A_155 = arith.constant 0 : i32
    %dma_start3A_156 = arith.constant 0 : i32
    %dma_start3A_157 = arith.constant 0 : i32
    %dma_start3A_158 = tpu.memref_slice %arg6[%dma_start3A_155, %dma_start3A_156, %dma_start3A_157] : memref<2x32x1024xf32, #tpu.memory_space<vmem>> -> memref<1x32x1024xf32, #tpu.memory_space<vmem>>
    %dma_start3A_159 = tpu.memref_squeeze %dma_start3A_158 : memref<1x32x1024xf32, #tpu.memory_space<vmem>> -> memref<32x1024xf32, #tpu.memory_space<vmem>>
    %dma_start3A_160 = arith.constant 128 : i32
    %dma_start3A_161 = tpu.memref_slice %arg5[%dma_start3A_160] : memref<1024xi32, #tpu.memory_space<vmem>> -> memref<32xi32, #tpu.memory_space<vmem>>
    %dma_start3A_162 = arith.constant 0 : i32
    %dma_start3A_163 = arith.constant 0 : i32
    %dma_start3A_164 = tpu.memref_slice %arg2[%dma_start3A_162, %dma_start3A_163] : memref<8192x1024xf32, #tpu.memory_space<hbm>> -> memref<8192x1024xf32, #tpu.memory_space<hbm>>
    tpu.enqueue_indirect_dma source(%dma_start3A_164 : memref<8192x1024xf32, #tpu.memory_space<hbm>>) target(%dma_start3A_159 : memref<32x1024xf32, #tpu.memory_space<vmem>>) offsets(%dma_start3A_161 : memref<32xi32, #tpu.memory_space<vmem>>) semaphore(%arg7 : memref<!tpu.dma_semaphore, #tpu.memory_space<semaphore_mem>>)
    %dma_wait3A_165 = arith.constant 1 : i32
    %dma_wait3A_166 = arith.constant 0 : i32
    %dma_wait3A_167 = arith.constant 0 : i32
    %dma_wait3A_168 = tpu.memref_slice %arg6[%dma_wait3A_165, %dma_wait3A_166, %dma_wait3A_167] : memref<2x32x1024xf32, #tpu.memory_space<vmem>> -> memref<1x32x1024xf32, #tpu.memory_space<vmem>>
    %dma_wait3A_169 = tpu.memref_squeeze %dma_wait3A_168 : memref<1x32x1024xf32, #tpu.memory_space<vmem>> -> memref<32x1024xf32, #tpu.memory_space<vmem>>
    %dma_wait3A_170 = arith.constant 0 : i32
    %dma_wait3A_171 = tpu.memref_slice %arg5[%dma_wait3A_170] : memref<1024xi32, #tpu.memory_space<vmem>> -> memref<32xi32, #tpu.memory_space<vmem>>
    %dma_wait3A_172 = arith.constant 0 : i32
    %dma_wait3A_173 = arith.constant 0 : i32
    %dma_wait3A_174 = tpu.memref_slice %arg2[%dma_wait3A_172, %dma_wait3A_173] : memref<8192x1024xf32, #tpu.memory_space<hbm>> -> memref<8192x1024xf32, #tpu.memory_space<hbm>>
    tpu.wait_indirect_dma semaphore(%arg8 : memref<!tpu.dma_semaphore, #tpu.memory_space<semaphore_mem>>) src(%dma_wait3A_174 : memref<8192x1024xf32, #tpu.memory_space<hbm>>) dst(%dma_wait3A_169 : memref<32x1024xf32, #tpu.memory_space<vmem>>)
    %add3A_175 = arith.constant 96 : i32
    %add3A_176 = arith.addi %mul3A_2, %add3A_175 : i32
    %dma_start3A_177 = arith.constant 1 : i32
    %dma_start3A_178 = arith.constant 0 : i32
    %dma_start3A_179 = arith.constant 0 : i32
    %dma_start3A_180 = tpu.memref_slice %arg6[%dma_start3A_177, %dma_start3A_178, %dma_start3A_179] : memref<2x32x1024xf32, #tpu.memory_space<vmem>> -> memref<1x32x1024xf32, #tpu.memory_space<vmem>>
    %dma_start3A_181 = tpu.memref_squeeze %dma_start3A_180 : memref<1x32x1024xf32, #tpu.memory_space<vmem>> -> memref<32x1024xf32, #tpu.memory_space<vmem>>
    %dma_start3A_182 = arith.constant 0 : i32
    %dma_start3A_183 = tpu.memref_slice %arg4[%add3A_176, %dma_start3A_182] : memref<32768x1024xf32, #tpu.memory_space<hbm>> -> memref<32x1024xf32, #tpu.memory_space<hbm>>
    %dma_start3A_184 = arith.constant 0 : i32
    %dma_start3A_185 = tpu.memref_slice %arg4[%add3A_176, %dma_start3A_184] : memref<32768x1024xf32, #tpu.memory_space<hbm>> -> memref<32x1024xf32, #tpu.memory_space<hbm>>
    %dma_start3A_186 = arith.constant 0 : i32
    %dma_start3A_187 = arith.constant 0 : i32
    %dma_start3A_188 = tpu.memref_slice %arg6[%dma_start3A_177, %dma_start3A_186, %dma_start3A_187] : memref<2x32x1024xf32, #tpu.memory_space<vmem>> -> memref<1x32x1024xf32, #tpu.memory_space<vmem>>
    %dma_start3A_189 = tpu.memref_squeeze %dma_start3A_188 : memref<1x32x1024xf32, #tpu.memory_space<vmem>> -> memref<32x1024xf32, #tpu.memory_space<vmem>>
    tpu.enqueue_dma source(%dma_start3A_189 : memref<32x1024xf32, #tpu.memory_space<vmem>>) target(%dma_start3A_185 : memref<32x1024xf32, #tpu.memory_space<hbm>>) target_semaphore(%arg10 : memref<!tpu.dma_semaphore, #tpu.memory_space<semaphore_mem>>)
    %dma_wait3A_190 = arith.constant 1 : i32
    %dma_wait3A_191 = arith.constant 0 : i32
    %dma_wait3A_192 = arith.constant 0 : i32
    %dma_wait3A_193 = tpu.memref_slice %arg6[%dma_wait3A_190, %dma_wait3A_191, %dma_wait3A_192] : memref<2x32x1024xf32, #tpu.memory_space<vmem>> -> memref<1x32x1024xf32, #tpu.memory_space<vmem>>
    %dma_wait3A_194 = tpu.memref_squeeze %dma_wait3A_193 : memref<1x32x1024xf32, #tpu.memory_space<vmem>> -> memref<32x1024xf32, #tpu.memory_space<vmem>>
    %dma_wait3A_195 = arith.constant 0 : i32
    %dma_wait3A_196 = tpu.memref_slice %arg4[%mul3A_2, %dma_wait3A_195] : memref<32768x1024xf32, #tpu.memory_space<hbm>> -> memref<32x1024xf32, #tpu.memory_space<hbm>>
    %dma_wait3A_197 = arith.constant 0 : i32
    %dma_wait3A_198 = tpu.memref_slice %arg4[%mul3A_2, %dma_wait3A_197] : memref<32768x1024xf32, #tpu.memory_space<hbm>> -> memref<32x1024xf32, #tpu.memory_space<hbm>>
    %dma_wait3A_199 = arith.constant 0 : i32
    %dma_wait3A_200 = arith.constant 0 : i32
    %dma_wait3A_201 = tpu.memref_slice %arg6[%dma_wait3A_190, %dma_wait3A_199, %dma_wait3A_200] : memref<2x32x1024xf32, #tpu.memory_space<vmem>> -> memref<1x32x1024xf32, #tpu.memory_space<vmem>>
    %dma_wait3A_202 = tpu.memref_squeeze %dma_wait3A_201 : memref<1x32x1024xf32, #tpu.memory_space<vmem>> -> memref<32x1024xf32, #tpu.memory_space<vmem>>
    tpu.wait_dma2 semaphore(%arg10 : memref<!tpu.dma_semaphore, #tpu.memory_space<semaphore_mem>>) src(%dma_wait3A_202 : memref<32x1024xf32, #tpu.memory_space<vmem>>) dst(%dma_wait3A_198 : memref<32x1024xf32, #tpu.memory_space<hbm>>)
    %dma_start3A_203 = arith.constant 1 : i32
    %dma_start3A_204 = arith.constant 0 : i32
    %dma_start3A_205 = arith.constant 0 : i32
    %dma_start3A_206 = tpu.memref_slice %arg6[%dma_start3A_203, %dma_start3A_204, %dma_start3A_205] : memref<2x32x1024xf32, #tpu.memory_space<vmem>> -> memref<1x32x1024xf32, #tpu.memory_space<vmem>>
    %dma_start3A_207 = tpu.memref_squeeze %dma_start3A_206 : memref<1x32x1024xf32, #tpu.memory_space<vmem>> -> memref<32x1024xf32, #tpu.memory_space<vmem>>
    %dma_start3A_208 = arith.constant 160 : i32
    %dma_start3A_209 = tpu.memref_slice %arg5[%dma_start3A_208] : memref<1024xi32, #tpu.memory_space<vmem>> -> memref<32xi32, #tpu.memory_space<vmem>>
    %dma_start3A_210 = arith.constant 0 : i32
    %dma_start3A_211 = arith.constant 0 : i32
    %dma_start3A_212 = tpu.memref_slice %arg2[%dma_start3A_210, %dma_start3A_211] : memref<8192x1024xf32, #tpu.memory_space<hbm>> -> memref<8192x1024xf32, #tpu.memory_space<hbm>>
    tpu.enqueue_indirect_dma source(%dma_start3A_212 : memref<8192x1024xf32, #tpu.memory_space<hbm>>) target(%dma_start3A_207 : memref<32x1024xf32, #tpu.memory_space<vmem>>) offsets(%dma_start3A_209 : memref<32xi32, #tpu.memory_space<vmem>>) semaphore(%arg8 : memref<!tpu.dma_semaphore, #tpu.memory_space<semaphore_mem>>)
    %dma_wait3A_213 = arith.constant 0 : i32
    %dma_wait3A_214 = arith.constant 0 : i32
    %dma_wait3A_215 = arith.constant 0 : i32
    %dma_wait3A_216 = tpu.memref_slice %arg6[%dma_wait3A_213, %dma_wait3A_214, %dma_wait3A_215] : memref<2x32x1024xf32, #tpu.memory_space<vmem>> -> memref<1x32x1024xf32, #tpu.memory_space<vmem>>
    %dma_wait3A_217 = tpu.memref_squeeze %dma_wait3A_216 : memref<1x32x1024xf32, #tpu.memory_space<vmem>> -> memref<32x1024xf32, #tpu.memory_space<vmem>>
    %dma_wait3A_218 = arith.constant 0 : i32
    %dma_wait3A_219 = tpu.memref_slice %arg5[%dma_wait3A_218] : memref<1024xi32, #tpu.memory_space<vmem>> -> memref<32xi32, #tpu.memory_space<vmem>>
    %dma_wait3A_220 = arith.constant 0 : i32
    %dma_wait3A_221 = arith.constant 0 : i32
    %dma_wait3A_222 = tpu.memref_slice %arg2[%dma_wait3A_220, %dma_wait3A_221] : memref<8192x1024xf32, #tpu.memory_space<hbm>> -> memref<8192x1024xf32, #tpu.memory_space<hbm>>
    tpu.wait_indirect_dma semaphore(%arg7 : memref<!tpu.dma_semaphore, #tpu.memory_space<semaphore_mem>>) src(%dma_wait3A_222 : memref<8192x1024xf32, #tpu.memory_space<hbm>>) dst(%dma_wait3A_217 : memref<32x1024xf32, #tpu.memory_space<vmem>>)
    %add3A_223 = arith.constant 128 : i32
    %add3A_224 = arith.addi %mul3A_2, %add3A_223 : i32
    %dma_start3A_225 = arith.constant 0 : i32
    %dma_start3A_226 = arith.constant 0 : i32
    %dma_start3A_227 = arith.constant 0 : i32
    %dma_start3A_228 = tpu.memref_slice %arg6[%dma_start3A_225, %dma_start3A_226, %dma_start3A_227] : memref<2x32x1024xf32, #tpu.memory_space<vmem>> -> memref<1x32x1024xf32, #tpu.memory_space<vmem>>
    %dma_start3A_229 = tpu.memref_squeeze %dma_start3A_228 : memref<1x32x1024xf32, #tpu.memory_space<vmem>> -> memref<32x1024xf32, #tpu.memory_space<vmem>>
    %dma_start3A_230 = arith.constant 0 : i32
    %dma_start3A_231 = tpu.memref_slice %arg4[%add3A_224, %dma_start3A_230] : memref<32768x1024xf32, #tpu.memory_space<hbm>> -> memref<32x1024xf32, #tpu.memory_space<hbm>>
    %dma_start3A_232 = arith.constant 0 : i32
    %dma_start3A_233 = tpu.memref_slice %arg4[%add3A_224, %dma_start3A_232] : memref<32768x1024xf32, #tpu.memory_space<hbm>> -> memref<32x1024xf32, #tpu.memory_space<hbm>>
    %dma_start3A_234 = arith.constant 0 : i32
    %dma_start3A_235 = arith.constant 0 : i32
    %dma_start3A_236 = tpu.memref_slice %arg6[%dma_start3A_225, %dma_start3A_234, %dma_start3A_235] : memref<2x32x1024xf32, #tpu.memory_space<vmem>> -> memref<1x32x1024xf32, #tpu.memory_space<vmem>>
    %dma_start3A_237 = tpu.memref_squeeze %dma_start3A_236 : memref<1x32x1024xf32, #tpu.memory_space<vmem>> -> memref<32x1024xf32, #tpu.memory_space<vmem>>
    tpu.enqueue_dma source(%dma_start3A_237 : memref<32x1024xf32, #tpu.memory_space<vmem>>) target(%dma_start3A_233 : memref<32x1024xf32, #tpu.memory_space<hbm>>) target_semaphore(%arg9 : memref<!tpu.dma_semaphore, #tpu.memory_space<semaphore_mem>>)
    %dma_wait3A_238 = arith.constant 0 : i32
    %dma_wait3A_239 = arith.constant 0 : i32
    %dma_wait3A_240 = arith.constant 0 : i32
    %dma_wait3A_241 = tpu.memref_slice %arg6[%dma_wait3A_238, %dma_wait3A_239, %dma_wait3A_240] : memref<2x32x1024xf32, #tpu.memory_space<vmem>> -> memref<1x32x1024xf32, #tpu.memory_space<vmem>>
    %dma_wait3A_242 = tpu.memref_squeeze %dma_wait3A_241 : memref<1x32x1024xf32, #tpu.memory_space<vmem>> -> memref<32x1024xf32, #tpu.memory_space<vmem>>
    %dma_wait3A_243 = arith.constant 0 : i32
    %dma_wait3A_244 = tpu.memref_slice %arg4[%mul3A_2, %dma_wait3A_243] : memref<32768x1024xf32, #tpu.memory_space<hbm>> -> memref<32x1024xf32, #tpu.memory_space<hbm>>
    %dma_wait3A_245 = arith.constant 0 : i32
    %dma_wait3A_246 = tpu.memref_slice %arg4[%mul3A_2, %dma_wait3A_245] : memref<32768x1024xf32, #tpu.memory_space<hbm>> -> memref<32x1024xf32, #tpu.memory_space<hbm>>
    %dma_wait3A_247 = arith.constant 0 : i32
    %dma_wait3A_248 = arith.constant 0 : i32
    %dma_wait3A_249 = tpu.memref_slice %arg6[%dma_wait3A_238, %dma_wait3A_247, %dma_wait3A_248] : memref<2x32x1024xf32, #tpu.memory_space<vmem>> -> memref<1x32x1024xf32, #tpu.memory_space<vmem>>
    %dma_wait3A_250 = tpu.memref_squeeze %dma_wait3A_249 : memref<1x32x1024xf32, #tpu.memory_space<vmem>> -> memref<32x1024xf32, #tpu.memory_space<vmem>>
    tpu.wait_dma2 semaphore(%arg9 : memref<!tpu.dma_semaphore, #tpu.memory_space<semaphore_mem>>) src(%dma_wait3A_250 : memref<32x1024xf32, #tpu.memory_space<vmem>>) dst(%dma_wait3A_246 : memref<32x1024xf32, #tpu.memory_space<hbm>>)
    %dma_start3A_251 = arith.constant 0 : i32
    %dma_start3A_252 = arith.constant 0 : i32
    %dma_start3A_253 = arith.constant 0 : i32
    %dma_start3A_254 = tpu.memref_slice %arg6[%dma_start3A_251, %dma_start3A_252, %dma_start3A_253] : memref<2x32x1024xf32, #tpu.memory_space<vmem>> -> memref<1x32x1024xf32, #tpu.memory_space<vmem>>
    %dma_start3A_255 = tpu.memref_squeeze %dma_start3A_254 : memref<1x32x1024xf32, #tpu.memory_space<vmem>> -> memref<32x1024xf32, #tpu.memory_space<vmem>>
    %dma_start3A_256 = arith.constant 192 : i32
    %dma_start3A_257 = tpu.memref_slice %arg5[%dma_start3A_256] : memref<1024xi32, #tpu.memory_space<vmem>> -> memref<32xi32, #tpu.memory_space<vmem>>
    %dma_start3A_258 = arith.constant 0 : i32
    %dma_start3A_259 = arith.constant 0 : i32
    %dma_start3A_260 = tpu.memref_slice %arg2[%dma_start3A_258, %dma_start3A_259] : memref<8192x1024xf32, #tpu.memory_space<hbm>> -> memref<8192x1024xf32, #tpu.memory_space<hbm>>
    tpu.enqueue_indirect_dma source(%dma_start3A_260 : memref<8192x1024xf32, #tpu.memory_space<hbm>>) target(%dma_start3A_255 : memref<32x1024xf32, #tpu.memory_space<vmem>>) offsets(%dma_start3A_257 : memref<32xi32, #tpu.memory_space<vmem>>) semaphore(%arg7 : memref<!tpu.dma_semaphore, #tpu.memory_space<semaphore_mem>>)
    %dma_wait3A_261 = arith.constant 1 : i32
    %dma_wait3A_262 = arith.constant 0 : i32
    %dma_wait3A_263 = arith.constant 0 : i32
    %dma_wait3A_264 = tpu.memref_slice %arg6[%dma_wait3A_261, %dma_wait3A_262, %dma_wait3A_263] : memref<2x32x1024xf32, #tpu.memory_space<vmem>> -> memref<1x32x1024xf32, #tpu.memory_space<vmem>>
    %dma_wait3A_265 = tpu.memref_squeeze %dma_wait3A_264 : memref<1x32x1024xf32, #tpu.memory_space<vmem>> -> memref<32x1024xf32, #tpu.memory_space<vmem>>
    %dma_wait3A_266 = arith.constant 0 : i32
    %dma_wait3A_267 = tpu.memref_slice %arg5[%dma_wait3A_266] : memref<1024xi32, #tpu.memory_space<vmem>> -> memref<32xi32, #tpu.memory_space<vmem>>
    %dma_wait3A_268 = arith.constant 0 : i32
    %dma_wait3A_269 = arith.constant 0 : i32
    %dma_wait3A_270 = tpu.memref_slice %arg2[%dma_wait3A_268, %dma_wait3A_269] : memref<8192x1024xf32, #tpu.memory_space<hbm>> -> memref<8192x1024xf32, #tpu.memory_space<hbm>>
    tpu.wait_indirect_dma semaphore(%arg8 : memref<!tpu.dma_semaphore, #tpu.memory_space<semaphore_mem>>) src(%dma_wait3A_270 : memref<8192x1024xf32, #tpu.memory_space<hbm>>) dst(%dma_wait3A_265 : memref<32x1024xf32, #tpu.memory_space<vmem>>)
    %add3A_271 = arith.constant 160 : i32
    %add3A_272 = arith.addi %mul3A_2, %add3A_271 : i32
    %dma_start3A_273 = arith.constant 1 : i32
    %dma_start3A_274 = arith.constant 0 : i32
    %dma_start3A_275 = arith.constant 0 : i32
    %dma_start3A_276 = tpu.memref_slice %arg6[%dma_start3A_273, %dma_start3A_274, %dma_start3A_275] : memref<2x32x1024xf32, #tpu.memory_space<vmem>> -> memref<1x32x1024xf32, #tpu.memory_space<vmem>>
    %dma_start3A_277 = tpu.memref_squeeze %dma_start3A_276 : memref<1x32x1024xf32, #tpu.memory_space<vmem>> -> memref<32x1024xf32, #tpu.memory_space<vmem>>
    %dma_start3A_278 = arith.constant 0 : i32
    %dma_start3A_279 = tpu.memref_slice %arg4[%add3A_272, %dma_start3A_278] : memref<32768x1024xf32, #tpu.memory_space<hbm>> -> memref<32x1024xf32, #tpu.memory_space<hbm>>
    %dma_start3A_280 = arith.constant 0 : i32
    %dma_start3A_281 = tpu.memref_slice %arg4[%add3A_272, %dma_start3A_280] : memref<32768x1024xf32, #tpu.memory_space<hbm>> -> memref<32x1024xf32, #tpu.memory_space<hbm>>
    %dma_start3A_282 = arith.constant 0 : i32
    %dma_start3A_283 = arith.constant 0 : i32
    %dma_start3A_284 = tpu.memref_slice %arg6[%dma_start3A_273, %dma_start3A_282, %dma_start3A_283] : memref<2x32x1024xf32, #tpu.memory_space<vmem>> -> memref<1x32x1024xf32, #tpu.memory_space<vmem>>
    %dma_start3A_285 = tpu.memref_squeeze %dma_start3A_284 : memref<1x32x1024xf32, #tpu.memory_space<vmem>> -> memref<32x1024xf32, #tpu.memory_space<vmem>>
    tpu.enqueue_dma source(%dma_start3A_285 : memref<32x1024xf32, #tpu.memory_space<vmem>>) target(%dma_start3A_281 : memref<32x1024xf32, #tpu.memory_space<hbm>>) target_semaphore(%arg10 : memref<!tpu.dma_semaphore, #tpu.memory_space<semaphore_mem>>)
    %dma_wait3A_286 = arith.constant 1 : i32
    %dma_wait3A_287 = arith.constant 0 : i32
    %dma_wait3A_288 = arith.constant 0 : i32
    %dma_wait3A_289 = tpu.memref_slice %arg6[%dma_wait3A_286, %dma_wait3A_287, %dma_wait3A_288] : memref<2x32x1024xf32, #tpu.memory_space<vmem>> -> memref<1x32x1024xf32, #tpu.memory_space<vmem>>
    %dma_wait3A_290 = tpu.memref_squeeze %dma_wait3A_289 : memref<1x32x1024xf32, #tpu.memory_space<vmem>> -> memref<32x1024xf32, #tpu.memory_space<vmem>>
    %dma_wait3A_291 = arith.constant 0 : i32
    %dma_wait3A_292 = tpu.memref_slice %arg4[%mul3A_2, %dma_wait3A_291] : memref<32768x1024xf32, #tpu.memory_space<hbm>> -> memref<32x1024xf32, #tpu.memory_space<hbm>>
    %dma_wait3A_293 = arith.constant 0 : i32
    %dma_wait3A_294 = tpu.memref_slice %arg4[%mul3A_2, %dma_wait3A_293] : memref<32768x1024xf32, #tpu.memory_space<hbm>> -> memref<32x1024xf32, #tpu.memory_space<hbm>>
    %dma_wait3A_295 = arith.constant 0 : i32
    %dma_wait3A_296 = arith.constant 0 : i32
    %dma_wait3A_297 = tpu.memref_slice %arg6[%dma_wait3A_286, %dma_wait3A_295, %dma_wait3A_296] : memref<2x32x1024xf32, #tpu.memory_space<vmem>> -> memref<1x32x1024xf32, #tpu.memory_space<vmem>>
    %dma_wait3A_298 = tpu.memref_squeeze %dma_wait3A_297 : memref<1x32x1024xf32, #tpu.memory_space<vmem>> -> memref<32x1024xf32, #tpu.memory_space<vmem>>
    tpu.wait_dma2 semaphore(%arg10 : memref<!tpu.dma_semaphore, #tpu.memory_space<semaphore_mem>>) src(%dma_wait3A_298 : memref<32x1024xf32, #tpu.memory_space<vmem>>) dst(%dma_wait3A_294 : memref<32x1024xf32, #tpu.memory_space<hbm>>)
    %dma_start3A_299 = arith.constant 1 : i32
    %dma_start3A_300 = arith.constant 0 : i32
    %dma_start3A_301 = arith.constant 0 : i32
    %dma_start3A_302 = tpu.memref_slice %arg6[%dma_start3A_299, %dma_start3A_300, %dma_start3A_301] : memref<2x32x1024xf32, #tpu.memory_space<vmem>> -> memref<1x32x1024xf32, #tpu.memory_space<vmem>>
    %dma_start3A_303 = tpu.memref_squeeze %dma_start3A_302 : memref<1x32x1024xf32, #tpu.memory_space<vmem>> -> memref<32x1024xf32, #tpu.memory_space<vmem>>
    %dma_start3A_304 = arith.constant 224 : i32
    %dma_start3A_305 = tpu.memref_slice %arg5[%dma_start3A_304] : memref<1024xi32, #tpu.memory_space<vmem>> -> memref<32xi32, #tpu.memory_space<vmem>>
    %dma_start3A_306 = arith.constant 0 : i32
    %dma_start3A_307 = arith.constant 0 : i32
    %dma_start3A_308 = tpu.memref_slice %arg2[%dma_start3A_306, %dma_start3A_307] : memref<8192x1024xf32, #tpu.memory_space<hbm>> -> memref<8192x1024xf32, #tpu.memory_space<hbm>>
    tpu.enqueue_indirect_dma source(%dma_start3A_308 : memref<8192x1024xf32, #tpu.memory_space<hbm>>) target(%dma_start3A_303 : memref<32x1024xf32, #tpu.memory_space<vmem>>) offsets(%dma_start3A_305 : memref<32xi32, #tpu.memory_space<vmem>>) semaphore(%arg8 : memref<!tpu.dma_semaphore, #tpu.memory_space<semaphore_mem>>)
    %dma_wait3A_309 = arith.constant 0 : i32
    %dma_wait3A_310 = arith.constant 0 : i32
    %dma_wait3A_311 = arith.constant 0 : i32
    %dma_wait3A_312 = tpu.memref_slice %arg6[%dma_wait3A_309, %dma_wait3A_310, %dma_wait3A_311] : memref<2x32x1024xf32, #tpu.memory_space<vmem>> -> memref<1x32x1024xf32, #tpu.memory_space<vmem>>
    %dma_wait3A_313 = tpu.memref_squeeze %dma_wait3A_312 : memref<1x32x1024xf32, #tpu.memory_space<vmem>> -> memref<32x1024xf32, #tpu.memory_space<vmem>>
    %dma_wait3A_314 = arith.constant 0 : i32
    %dma_wait3A_315 = tpu.memref_slice %arg5[%dma_wait3A_314] : memref<1024xi32, #tpu.memory_space<vmem>> -> memref<32xi32, #tpu.memory_space<vmem>>
    %dma_wait3A_316 = arith.constant 0 : i32
    %dma_wait3A_317 = arith.constant 0 : i32
    %dma_wait3A_318 = tpu.memref_slice %arg2[%dma_wait3A_316, %dma_wait3A_317] : memref<8192x1024xf32, #tpu.memory_space<hbm>> -> memref<8192x1024xf32, #tpu.memory_space<hbm>>
    tpu.wait_indirect_dma semaphore(%arg7 : memref<!tpu.dma_semaphore, #tpu.memory_space<semaphore_mem>>) src(%dma_wait3A_318 : memref<8192x1024xf32, #tpu.memory_space<hbm>>) dst(%dma_wait3A_313 : memref<32x1024xf32, #tpu.memory_space<vmem>>)
    %add3A_319 = arith.constant 192 : i32
    %add3A_320 = arith.addi %mul3A_2, %add3A_319 : i32
    %dma_start3A_321 = arith.constant 0 : i32
    %dma_start3A_322 = arith.constant 0 : i32
    %dma_start3A_323 = arith.constant 0 : i32
    %dma_start3A_324 = tpu.memref_slice %arg6[%dma_start3A_321, %dma_start3A_322, %dma_start3A_323] : memref<2x32x1024xf32, #tpu.memory_space<vmem>> -> memref<1x32x1024xf32, #tpu.memory_space<vmem>>
    %dma_start3A_325 = tpu.memref_squeeze %dma_start3A_324 : memref<1x32x1024xf32, #tpu.memory_space<vmem>> -> memref<32x1024xf32, #tpu.memory_space<vmem>>
    %dma_start3A_326 = arith.constant 0 : i32
    %dma_start3A_327 = tpu.memref_slice %arg4[%add3A_320, %dma_start3A_326] : memref<32768x1024xf32, #tpu.memory_space<hbm>> -> memref<32x1024xf32, #tpu.memory_space<hbm>>
    %dma_start3A_328 = arith.constant 0 : i32
    %dma_start3A_329 = tpu.memref_slice %arg4[%add3A_320, %dma_start3A_328] : memref<32768x1024xf32, #tpu.memory_space<hbm>> -> memref<32x1024xf32, #tpu.memory_space<hbm>>
    %dma_start3A_330 = arith.constant 0 : i32
    %dma_start3A_331 = arith.constant 0 : i32
    %dma_start3A_332 = tpu.memref_slice %arg6[%dma_start3A_321, %dma_start3A_330, %dma_start3A_331] : memref<2x32x1024xf32, #tpu.memory_space<vmem>> -> memref<1x32x1024xf32, #tpu.memory_space<vmem>>
    %dma_start3A_333 = tpu.memref_squeeze %dma_start3A_332 : memref<1x32x1024xf32, #tpu.memory_space<vmem>> -> memref<32x1024xf32, #tpu.memory_space<vmem>>
    tpu.enqueue_dma source(%dma_start3A_333 : memref<32x1024xf32, #tpu.memory_space<vmem>>) target(%dma_start3A_329 : memref<32x1024xf32, #tpu.memory_space<hbm>>) target_semaphore(%arg9 : memref<!tpu.dma_semaphore, #tpu.memory_space<semaphore_mem>>)
    %dma_wait3A_334 = arith.constant 0 : i32
    %dma_wait3A_335 = arith.constant 0 : i32
    %dma_wait3A_336 = arith.constant 0 : i32
    %dma_wait3A_337 = tpu.memref_slice %arg6[%dma_wait3A_334, %dma_wait3A_335, %dma_wait3A_336] : memref<2x32x1024xf32, #tpu.memory_space<vmem>> -> memref<1x32x1024xf32, #tpu.memory_space<vmem>>
    %dma_wait3A_338 = tpu.memref_squeeze %dma_wait3A_337 : memref<1x32x1024xf32, #tpu.memory_space<vmem>> -> memref<32x1024xf32, #tpu.memory_space<vmem>>
    %dma_wait3A_339 = arith.constant 0 : i32
    %dma_wait3A_340 = tpu.memref_slice %arg4[%mul3A_2, %dma_wait3A_339] : memref<32768x1024xf32, #tpu.memory_space<hbm>> -> memref<32x1024xf32, #tpu.memory_space<hbm>>
    %dma_wait3A_341 = arith.constant 0 : i32
    %dma_wait3A_342 = tpu.memref_slice %arg4[%mul3A_2, %dma_wait3A_341] : memref<32768x1024xf32, #tpu.memory_space<hbm>> -> memref<32x1024xf32, #tpu.memory_space<hbm>>
    %dma_wait3A_343 = arith.constant 0 : i32
    %dma_wait3A_344 = arith.constant 0 : i32
    %dma_wait3A_345 = tpu.memref_slice %arg6[%dma_wait3A_334, %dma_wait3A_343, %dma_wait3A_344] : memref<2x32x1024xf32, #tpu.memory_space<vmem>> -> memref<1x32x1024xf32, #tpu.memory_space<vmem>>
    %dma_wait3A_346 = tpu.memref_squeeze %dma_wait3A_345 : memref<1x32x1024xf32, #tpu.memory_space<vmem>> -> memref<32x1024xf32, #tpu.memory_space<vmem>>
    tpu.wait_dma2 semaphore(%arg9 : memref<!tpu.dma_semaphore, #tpu.memory_space<semaphore_mem>>) src(%dma_wait3A_346 : memref<32x1024xf32, #tpu.memory_space<vmem>>) dst(%dma_wait3A_342 : memref<32x1024xf32, #tpu.memory_space<hbm>>)
    %dma_start3A_347 = arith.constant 0 : i32
    %dma_start3A_348 = arith.constant 0 : i32
    %dma_start3A_349 = arith.constant 0 : i32
    %dma_start3A_350 = tpu.memref_slice %arg6[%dma_start3A_347, %dma_start3A_348, %dma_start3A_349] : memref<2x32x1024xf32, #tpu.memory_space<vmem>> -> memref<1x32x1024xf32, #tpu.memory_space<vmem>>
    %dma_start3A_351 = tpu.memref_squeeze %dma_start3A_350 : memref<1x32x1024xf32, #tpu.memory_space<vmem>> -> memref<32x1024xf32, #tpu.memory_space<vmem>>
    %dma_start3A_352 = arith.constant 256 : i32
    %dma_start3A_353 = tpu.memref_slice %arg5[%dma_start3A_352] : memref<1024xi32, #tpu.memory_space<vmem>> -> memref<32xi32, #tpu.memory_space<vmem>>
    %dma_start3A_354 = arith.constant 0 : i32
    %dma_start3A_355 = arith.constant 0 : i32
    %dma_start3A_356 = tpu.memref_slice %arg2[%dma_start3A_354, %dma_start3A_355] : memref<8192x1024xf32, #tpu.memory_space<hbm>> -> memref<8192x1024xf32, #tpu.memory_space<hbm>>
    tpu.enqueue_indirect_dma source(%dma_start3A_356 : memref<8192x1024xf32, #tpu.memory_space<hbm>>) target(%dma_start3A_351 : memref<32x1024xf32, #tpu.memory_space<vmem>>) offsets(%dma_start3A_353 : memref<32xi32, #tpu.memory_space<vmem>>) semaphore(%arg7 : memref<!tpu.dma_semaphore, #tpu.memory_space<semaphore_mem>>)
    %dma_wait3A_357 = arith.constant 1 : i32
    %dma_wait3A_358 = arith.constant 0 : i32
    %dma_wait3A_359 = arith.constant 0 : i32
    %dma_wait3A_360 = tpu.memref_slice %arg6[%dma_wait3A_357, %dma_wait3A_358, %dma_wait3A_359] : memref<2x32x1024xf32, #tpu.memory_space<vmem>> -> memref<1x32x1024xf32, #tpu.memory_space<vmem>>
    %dma_wait3A_361 = tpu.memref_squeeze %dma_wait3A_360 : memref<1x32x1024xf32, #tpu.memory_space<vmem>> -> memref<32x1024xf32, #tpu.memory_space<vmem>>
    %dma_wait3A_362 = arith.constant 0 : i32
    %dma_wait3A_363 = tpu.memref_slice %arg5[%dma_wait3A_362] : memref<1024xi32, #tpu.memory_space<vmem>> -> memref<32xi32, #tpu.memory_space<vmem>>
    %dma_wait3A_364 = arith.constant 0 : i32
    %dma_wait3A_365 = arith.constant 0 : i32
    %dma_wait3A_366 = tpu.memref_slice %arg2[%dma_wait3A_364, %dma_wait3A_365] : memref<8192x1024xf32, #tpu.memory_space<hbm>> -> memref<8192x1024xf32, #tpu.memory_space<hbm>>
    tpu.wait_indirect_dma semaphore(%arg8 : memref<!tpu.dma_semaphore, #tpu.memory_space<semaphore_mem>>) src(%dma_wait3A_366 : memref<8192x1024xf32, #tpu.memory_space<hbm>>) dst(%dma_wait3A_361 : memref<32x1024xf32, #tpu.memory_space<vmem>>)
    %add3A_367 = arith.constant 224 : i32
    %add3A_368 = arith.addi %mul3A_2, %add3A_367 : i32
    %dma_start3A_369 = arith.constant 1 : i32
    %dma_start3A_370 = arith.constant 0 : i32
    %dma_start3A_371 = arith.constant 0 : i32
    %dma_start3A_372 = tpu.memref_slice %arg6[%dma_start3A_369, %dma_start3A_370, %dma_start3A_371] : memref<2x32x1024xf32, #tpu.memory_space<vmem>> -> memref<1x32x1024xf32, #tpu.memory_space<vmem>>
    %dma_start3A_373 = tpu.memref_squeeze %dma_start3A_372 : memref<1x32x1024xf32, #tpu.memory_space<vmem>> -> memref<32x1024xf32, #tpu.memory_space<vmem>>
    %dma_start3A_374 = arith.constant 0 : i32
    %dma_start3A_375 = tpu.memref_slice %arg4[%add3A_368, %dma_start3A_374] : memref<32768x1024xf32, #tpu.memory_space<hbm>> -> memref<32x1024xf32, #tpu.memory_space<hbm>>
    %dma_start3A_376 = arith.constant 0 : i32
    %dma_start3A_377 = tpu.memref_slice %arg4[%add3A_368, %dma_start3A_376] : memref<32768x1024xf32, #tpu.memory_space<hbm>> -> memref<32x1024xf32, #tpu.memory_space<hbm>>
    %dma_start3A_378 = arith.constant 0 : i32
    %dma_start3A_379 = arith.constant 0 : i32
    %dma_start3A_380 = tpu.memref_slice %arg6[%dma_start3A_369, %dma_start3A_378, %dma_start3A_379] : memref<2x32x1024xf32, #tpu.memory_space<vmem>> -> memref<1x32x1024xf32, #tpu.memory_space<vmem>>
    %dma_start3A_381 = tpu.memref_squeeze %dma_start3A_380 : memref<1x32x1024xf32, #tpu.memory_space<vmem>> -> memref<32x1024xf32, #tpu.memory_space<vmem>>
    tpu.enqueue_dma source(%dma_start3A_381 : memref<32x1024xf32, #tpu.memory_space<vmem>>) target(%dma_start3A_377 : memref<32x1024xf32, #tpu.memory_space<hbm>>) target_semaphore(%arg10 : memref<!tpu.dma_semaphore, #tpu.memory_space<semaphore_mem>>)
    %dma_wait3A_382 = arith.constant 1 : i32
    %dma_wait3A_383 = arith.constant 0 : i32
    %dma_wait3A_384 = arith.constant 0 : i32
    %dma_wait3A_385 = tpu.memref_slice %arg6[%dma_wait3A_382, %dma_wait3A_383, %dma_wait3A_384] : memref<2x32x1024xf32, #tpu.memory_space<vmem>> -> memref<1x32x1024xf32, #tpu.memory_space<vmem>>
    %dma_wait3A_386 = tpu.memref_squeeze %dma_wait3A_385 : memref<1x32x1024xf32, #tpu.memory_space<vmem>> -> memref<32x1024xf32, #tpu.memory_space<vmem>>
    %dma_wait3A_387 = arith.constant 0 : i32
    %dma_wait3A_388 = tpu.memref_slice %arg4[%mul3A_2, %dma_wait3A_387] : memref<32768x1024xf32, #tpu.memory_space<hbm>> -> memref<32x1024xf32, #tpu.memory_space<hbm>>
    %dma_wait3A_389 = arith.constant 0 : i32
    %dma_wait3A_390 = tpu.memref_slice %arg4[%mul3A_2, %dma_wait3A_389] : memref<32768x1024xf32, #tpu.memory_space<hbm>> -> memref<32x1024xf32, #tpu.memory_space<hbm>>
    %dma_wait3A_391 = arith.constant 0 : i32
    %dma_wait3A_392 = arith.constant 0 : i32
    %dma_wait3A_393 = tpu.memref_slice %arg6[%dma_wait3A_382, %dma_wait3A_391, %dma_wait3A_392] : memref<2x32x1024xf32, #tpu.memory_space<vmem>> -> memref<1x32x1024xf32, #tpu.memory_space<vmem>>
    %dma_wait3A_394 = tpu.memref_squeeze %dma_wait3A_393 : memref<1x32x1024xf32, #tpu.memory_space<vmem>> -> memref<32x1024xf32, #tpu.memory_space<vmem>>
    tpu.wait_dma2 semaphore(%arg10 : memref<!tpu.dma_semaphore, #tpu.memory_space<semaphore_mem>>) src(%dma_wait3A_394 : memref<32x1024xf32, #tpu.memory_space<vmem>>) dst(%dma_wait3A_390 : memref<32x1024xf32, #tpu.memory_space<hbm>>)
    %dma_start3A_395 = arith.constant 1 : i32
    %dma_start3A_396 = arith.constant 0 : i32
    %dma_start3A_397 = arith.constant 0 : i32
    %dma_start3A_398 = tpu.memref_slice %arg6[%dma_start3A_395, %dma_start3A_396, %dma_start3A_397] : memref<2x32x1024xf32, #tpu.memory_space<vmem>> -> memref<1x32x1024xf32, #tpu.memory_space<vmem>>
    %dma_start3A_399 = tpu.memref_squeeze %dma_start3A_398 : memref<1x32x1024xf32, #tpu.memory_space<vmem>> -> memref<32x1024xf32, #tpu.memory_space<vmem>>
    %dma_start3A_400 = arith.constant 288 : i32
    %dma_start3A_401 = tpu.memref_slice %arg5[%dma_start3A_400] : memref<1024xi32, #tpu.memory_space<vmem>> -> memref<32xi32, #tpu.memory_space<vmem>>
    %dma_start3A_402 = arith.constant 0 : i32
    %dma_start3A_403 = arith.constant 0 : i32
    %dma_start3A_404 = tpu.memref_slice %arg2[%dma_start3A_402, %dma_start3A_403] : memref<8192x1024xf32, #tpu.memory_space<hbm>> -> memref<8192x1024xf32, #tpu.memory_space<hbm>>
    tpu.enqueue_indirect_dma source(%dma_start3A_404 : memref<8192x1024xf32, #tpu.memory_space<hbm>>) target(%dma_start3A_399 : memref<32x1024xf32, #tpu.memory_space<vmem>>) offsets(%dma_start3A_401 : memref<32xi32, #tpu.memory_space<vmem>>) semaphore(%arg8 : memref<!tpu.dma_semaphore, #tpu.memory_space<semaphore_mem>>)
    %dma_wait3A_405 = arith.constant 0 : i32
    %dma_wait3A_406 = arith.constant 0 : i32
    %dma_wait3A_407 = arith.constant 0 : i32
    %dma_wait3A_408 = tpu.memref_slice %arg6[%dma_wait3A_405, %dma_wait3A_406, %dma_wait3A_407] : memref<2x32x1024xf32, #tpu.memory_space<vmem>> -> memref<1x32x1024xf32, #tpu.memory_space<vmem>>
    %dma_wait3A_409 = tpu.memref_squeeze %dma_wait3A_408 : memref<1x32x1024xf32, #tpu.memory_space<vmem>> -> memref<32x1024xf32, #tpu.memory_space<vmem>>
    %dma_wait3A_410 = arith.constant 0 : i32
    %dma_wait3A_411 = tpu.memref_slice %arg5[%dma_wait3A_410] : memref<1024xi32, #tpu.memory_space<vmem>> -> memref<32xi32, #tpu.memory_space<vmem>>
    %dma_wait3A_412 = arith.constant 0 : i32
    %dma_wait3A_413 = arith.constant 0 : i32
    %dma_wait3A_414 = tpu.memref_slice %arg2[%dma_wait3A_412, %dma_wait3A_413] : memref<8192x1024xf32, #tpu.memory_space<hbm>> -> memref<8192x1024xf32, #tpu.memory_space<hbm>>
    tpu.wait_indirect_dma semaphore(%arg7 : memref<!tpu.dma_semaphore, #tpu.memory_space<semaphore_mem>>) src(%dma_wait3A_414 : memref<8192x1024xf32, #tpu.memory_space<hbm>>) dst(%dma_wait3A_409 : memref<32x1024xf32, #tpu.memory_space<vmem>>)
    %add3A_415 = arith.constant 256 : i32
    %add3A_416 = arith.addi %mul3A_2, %add3A_415 : i32
    %dma_start3A_417 = arith.constant 0 : i32
    %dma_start3A_418 = arith.constant 0 : i32
    %dma_start3A_419 = arith.constant 0 : i32
    %dma_start3A_420 = tpu.memref_slice %arg6[%dma_start3A_417, %dma_start3A_418, %dma_start3A_419] : memref<2x32x1024xf32, #tpu.memory_space<vmem>> -> memref<1x32x1024xf32, #tpu.memory_space<vmem>>
    %dma_start3A_421 = tpu.memref_squeeze %dma_start3A_420 : memref<1x32x1024xf32, #tpu.memory_space<vmem>> -> memref<32x1024xf32, #tpu.memory_space<vmem>>
    %dma_start3A_422 = arith.constant 0 : i32
    %dma_start3A_423 = tpu.memref_slice %arg4[%add3A_416, %dma_start3A_422] : memref<32768x1024xf32, #tpu.memory_space<hbm>> -> memref<32x1024xf32, #tpu.memory_space<hbm>>
    %dma_start3A_424 = arith.constant 0 : i32
    %dma_start3A_425 = tpu.memref_slice %arg4[%add3A_416, %dma_start3A_424] : memref<32768x1024xf32, #tpu.memory_space<hbm>> -> memref<32x1024xf32, #tpu.memory_space<hbm>>
    %dma_start3A_426 = arith.constant 0 : i32
    %dma_start3A_427 = arith.constant 0 : i32
    %dma_start3A_428 = tpu.memref_slice %arg6[%dma_start3A_417, %dma_start3A_426, %dma_start3A_427] : memref<2x32x1024xf32, #tpu.memory_space<vmem>> -> memref<1x32x1024xf32, #tpu.memory_space<vmem>>
    %dma_start3A_429 = tpu.memref_squeeze %dma_start3A_428 : memref<1x32x1024xf32, #tpu.memory_space<vmem>> -> memref<32x1024xf32, #tpu.memory_space<vmem>>
    tpu.enqueue_dma source(%dma_start3A_429 : memref<32x1024xf32, #tpu.memory_space<vmem>>) target(%dma_start3A_425 : memref<32x1024xf32, #tpu.memory_space<hbm>>) target_semaphore(%arg9 : memref<!tpu.dma_semaphore, #tpu.memory_space<semaphore_mem>>)
    %dma_wait3A_430 = arith.constant 0 : i32
    %dma_wait3A_431 = arith.constant 0 : i32
    %dma_wait3A_432 = arith.constant 0 : i32
    %dma_wait3A_433 = tpu.memref_slice %arg6[%dma_wait3A_430, %dma_wait3A_431, %dma_wait3A_432] : memref<2x32x1024xf32, #tpu.memory_space<vmem>> -> memref<1x32x1024xf32, #tpu.memory_space<vmem>>
    %dma_wait3A_434 = tpu.memref_squeeze %dma_wait3A_433 : memref<1x32x1024xf32, #tpu.memory_space<vmem>> -> memref<32x1024xf32, #tpu.memory_space<vmem>>
    %dma_wait3A_435 = arith.constant 0 : i32
    %dma_wait3A_436 = tpu.memref_slice %arg4[%mul3A_2, %dma_wait3A_435] : memref<32768x1024xf32, #tpu.memory_space<hbm>> -> memref<32x1024xf32, #tpu.memory_space<hbm>>
    %dma_wait3A_437 = arith.constant 0 : i32
    %dma_wait3A_438 = tpu.memref_slice %arg4[%mul3A_2, %dma_wait3A_437] : memref<32768x1024xf32, #tpu.memory_space<hbm>> -> memref<32x1024xf32, #tpu.memory_space<hbm>>
    %dma_wait3A_439 = arith.constant 0 : i32
    %dma_wait3A_440 = arith.constant 0 : i32
    %dma_wait3A_441 = tpu.memref_slice %arg6[%dma_wait3A_430, %dma_wait3A_439, %dma_wait3A_440] : memref<2x32x1024xf32, #tpu.memory_space<vmem>> -> memref<1x32x1024xf32, #tpu.memory_space<vmem>>
    %dma_wait3A_442 = tpu.memref_squeeze %dma_wait3A_441 : memref<1x32x1024xf32, #tpu.memory_space<vmem>> -> memref<32x1024xf32, #tpu.memory_space<vmem>>
    tpu.wait_dma2 semaphore(%arg9 : memref<!tpu.dma_semaphore, #tpu.memory_space<semaphore_mem>>) src(%dma_wait3A_442 : memref<32x1024xf32, #tpu.memory_space<vmem>>) dst(%dma_wait3A_438 : memref<32x1024xf32, #tpu.memory_space<hbm>>)
    %dma_start3A_443 = arith.constant 0 : i32
    %dma_start3A_444 = arith.constant 0 : i32
    %dma_start3A_445 = arith.constant 0 : i32
    %dma_start3A_446 = tpu.memref_slice %arg6[%dma_start3A_443, %dma_start3A_444, %dma_start3A_445] : memref<2x32x1024xf32, #tpu.memory_space<vmem>> -> memref<1x32x1024xf32, #tpu.memory_space<vmem>>
    %dma_start3A_447 = tpu.memref_squeeze %dma_start3A_446 : memref<1x32x1024xf32, #tpu.memory_space<vmem>> -> memref<32x1024xf32, #tpu.memory_space<vmem>>
    %dma_start3A_448 = arith.constant 320 : i32
    %dma_start3A_449 = tpu.memref_slice %arg5[%dma_start3A_448] : memref<1024xi32, #tpu.memory_space<vmem>> -> memref<32xi32, #tpu.memory_space<vmem>>
    %dma_start3A_450 = arith.constant 0 : i32
    %dma_start3A_451 = arith.constant 0 : i32
    %dma_start3A_452 = tpu.memref_slice %arg2[%dma_start3A_450, %dma_start3A_451] : memref<8192x1024xf32, #tpu.memory_space<hbm>> -> memref<8192x1024xf32, #tpu.memory_space<hbm>>
    tpu.enqueue_indirect_dma source(%dma_start3A_452 : memref<8192x1024xf32, #tpu.memory_space<hbm>>) target(%dma_start3A_447 : memref<32x1024xf32, #tpu.memory_space<vmem>>) offsets(%dma_start3A_449 : memref<32xi32, #tpu.memory_space<vmem>>) semaphore(%arg7 : memref<!tpu.dma_semaphore, #tpu.memory_space<semaphore_mem>>)
    %dma_wait3A_453 = arith.constant 1 : i32
    %dma_wait3A_454 = arith.constant 0 : i32
    %dma_wait3A_455 = arith.constant 0 : i32
    %dma_wait3A_456 = tpu.memref_slice %arg6[%dma_wait3A_453, %dma_wait3A_454, %dma_wait3A_455] : memref<2x32x1024xf32, #tpu.memory_space<vmem>> -> memref<1x32x1024xf32, #tpu.memory_space<vmem>>
    %dma_wait3A_457 = tpu.memref_squeeze %dma_wait3A_456 : memref<1x32x1024xf32, #tpu.memory_space<vmem>> -> memref<32x1024xf32, #tpu.memory_space<vmem>>
    %dma_wait3A_458 = arith.constant 0 : i32
    %dma_wait3A_459 = tpu.memref_slice %arg5[%dma_wait3A_458] : memref<1024xi32, #tpu.memory_space<vmem>> -> memref<32xi32, #tpu.memory_space<vmem>>
    %dma_wait3A_460 = arith.constant 0 : i32
    %dma_wait3A_461 = arith.constant 0 : i32
    %dma_wait3A_462 = tpu.memref_slice %arg2[%dma_wait3A_460, %dma_wait3A_461] : memref<8192x1024xf32, #tpu.memory_space<hbm>> -> memref<8192x1024xf32, #tpu.memory_space<hbm>>
    tpu.wait_indirect_dma semaphore(%arg8 : memref<!tpu.dma_semaphore, #tpu.memory_space<semaphore_mem>>) src(%dma_wait3A_462 : memref<8192x1024xf32, #tpu.memory_space<hbm>>) dst(%dma_wait3A_457 : memref<32x1024xf32, #tpu.memory_space<vmem>>)
    %add3A_463 = arith.constant 288 : i32
    %add3A_464 = arith.addi %mul3A_2, %add3A_463 : i32
    %dma_start3A_465 = arith.constant 1 : i32
    %dma_start3A_466 = arith.constant 0 : i32
    %dma_start3A_467 = arith.constant 0 : i32
    %dma_start3A_468 = tpu.memref_slice %arg6[%dma_start3A_465, %dma_start3A_466, %dma_start3A_467] : memref<2x32x1024xf32, #tpu.memory_space<vmem>> -> memref<1x32x1024xf32, #tpu.memory_space<vmem>>
    %dma_start3A_469 = tpu.memref_squeeze %dma_start3A_468 : memref<1x32x1024xf32, #tpu.memory_space<vmem>> -> memref<32x1024xf32, #tpu.memory_space<vmem>>
    %dma_start3A_470 = arith.constant 0 : i32
    %dma_start3A_471 = tpu.memref_slice %arg4[%add3A_464, %dma_start3A_470] : memref<32768x1024xf32, #tpu.memory_space<hbm>> -> memref<32x1024xf32, #tpu.memory_space<hbm>>
    %dma_start3A_472 = arith.constant 0 : i32
    %dma_start3A_473 = tpu.memref_slice %arg4[%add3A_464, %dma_start3A_472] : memref<32768x1024xf32, #tpu.memory_space<hbm>> -> memref<32x1024xf32, #tpu.memory_space<hbm>>
    %dma_start3A_474 = arith.constant 0 : i32
    %dma_start3A_475 = arith.constant 0 : i32
    %dma_start3A_476 = tpu.memref_slice %arg6[%dma_start3A_465, %dma_start3A_474, %dma_start3A_475] : memref<2x32x1024xf32, #tpu.memory_space<vmem>> -> memref<1x32x1024xf32, #tpu.memory_space<vmem>>
    %dma_start3A_477 = tpu.memref_squeeze %dma_start3A_476 : memref<1x32x1024xf32, #tpu.memory_space<vmem>> -> memref<32x1024xf32, #tpu.memory_space<vmem>>
    tpu.enqueue_dma source(%dma_start3A_477 : memref<32x1024xf32, #tpu.memory_space<vmem>>) target(%dma_start3A_473 : memref<32x1024xf32, #tpu.memory_space<hbm>>) target_semaphore(%arg10 : memref<!tpu.dma_semaphore, #tpu.memory_space<semaphore_mem>>)
    %dma_wait3A_478 = arith.constant 1 : i32
    %dma_wait3A_479 = arith.constant 0 : i32
    %dma_wait3A_480 = arith.constant 0 : i32
    %dma_wait3A_481 = tpu.memref_slice %arg6[%dma_wait3A_478, %dma_wait3A_479, %dma_wait3A_480] : memref<2x32x1024xf32, #tpu.memory_space<vmem>> -> memref<1x32x1024xf32, #tpu.memory_space<vmem>>
    %dma_wait3A_482 = tpu.memref_squeeze %dma_wait3A_481 : memref<1x32x1024xf32, #tpu.memory_space<vmem>> -> memref<32x1024xf32, #tpu.memory_space<vmem>>
    %dma_wait3A_483 = arith.constant 0 : i32
    %dma_wait3A_484 = tpu.memref_slice %arg4[%mul3A_2, %dma_wait3A_483] : memref<32768x1024xf32, #tpu.memory_space<hbm>> -> memref<32x1024xf32, #tpu.memory_space<hbm>>
    %dma_wait3A_485 = arith.constant 0 : i32
    %dma_wait3A_486 = tpu.memref_slice %arg4[%mul3A_2, %dma_wait3A_485] : memref<32768x1024xf32, #tpu.memory_space<hbm>> -> memref<32x1024xf32, #tpu.memory_space<hbm>>
    %dma_wait3A_487 = arith.constant 0 : i32
    %dma_wait3A_488 = arith.constant 0 : i32
    %dma_wait3A_489 = tpu.memref_slice %arg6[%dma_wait3A_478, %dma_wait3A_487, %dma_wait3A_488] : memref<2x32x1024xf32, #tpu.memory_space<vmem>> -> memref<1x32x1024xf32, #tpu.memory_space<vmem>>
    %dma_wait3A_490 = tpu.memref_squeeze %dma_wait3A_489 : memref<1x32x1024xf32, #tpu.memory_space<vmem>> -> memref<32x1024xf32, #tpu.memory_space<vmem>>
    tpu.wait_dma2 semaphore(%arg10 : memref<!tpu.dma_semaphore, #tpu.memory_space<semaphore_mem>>) src(%dma_wait3A_490 : memref<32x1024xf32, #tpu.memory_space<vmem>>) dst(%dma_wait3A_486 : memref<32x1024xf32, #tpu.memory_space<hbm>>)
    %dma_start3A_491 = arith.constant 1 : i32
    %dma_start3A_492 = arith.constant 0 : i32
    %dma_start3A_493 = arith.constant 0 : i32
    %dma_start3A_494 = tpu.memref_slice %arg6[%dma_start3A_491, %dma_start3A_492, %dma_start3A_493] : memref<2x32x1024xf32, #tpu.memory_space<vmem>> -> memref<1x32x1024xf32, #tpu.memory_space<vmem>>
    %dma_start3A_495 = tpu.memref_squeeze %dma_start3A_494 : memref<1x32x1024xf32, #tpu.memory_space<vmem>> -> memref<32x1024xf32, #tpu.memory_space<vmem>>
    %dma_start3A_496 = arith.constant 352 : i32
    %dma_start3A_497 = tpu.memref_slice %arg5[%dma_start3A_496] : memref<1024xi32, #tpu.memory_space<vmem>> -> memref<32xi32, #tpu.memory_space<vmem>>
    %dma_start3A_498 = arith.constant 0 : i32
    %dma_start3A_499 = arith.constant 0 : i32
    %dma_start3A_500 = tpu.memref_slice %arg2[%dma_start3A_498, %dma_start3A_499] : memref<8192x1024xf32, #tpu.memory_space<hbm>> -> memref<8192x1024xf32, #tpu.memory_space<hbm>>
    tpu.enqueue_indirect_dma source(%dma_start3A_500 : memref<8192x1024xf32, #tpu.memory_space<hbm>>) target(%dma_start3A_495 : memref<32x1024xf32, #tpu.memory_space<vmem>>) offsets(%dma_start3A_497 : memref<32xi32, #tpu.memory_space<vmem>>) semaphore(%arg8 : memref<!tpu.dma_semaphore, #tpu.memory_space<semaphore_mem>>)
    %dma_wait3A_501 = arith.constant 0 : i32
    %dma_wait3A_502 = arith.constant 0 : i32
    %dma_wait3A_503 = arith.constant 0 : i32
    %dma_wait3A_504 = tpu.memref_slice %arg6[%dma_wait3A_501, %dma_wait3A_502, %dma_wait3A_503] : memref<2x32x1024xf32, #tpu.memory_space<vmem>> -> memref<1x32x1024xf32, #tpu.memory_space<vmem>>
    %dma_wait3A_505 = tpu.memref_squeeze %dma_wait3A_504 : memref<1x32x1024xf32, #tpu.memory_space<vmem>> -> memref<32x1024xf32, #tpu.memory_space<vmem>>
    %dma_wait3A_506 = arith.constant 0 : i32
    %dma_wait3A_507 = tpu.memref_slice %arg5[%dma_wait3A_506] : memref<1024xi32, #tpu.memory_space<vmem>> -> memref<32xi32, #tpu.memory_space<vmem>>
    %dma_wait3A_508 = arith.constant 0 : i32
    %dma_wait3A_509 = arith.constant 0 : i32
    %dma_wait3A_510 = tpu.memref_slice %arg2[%dma_wait3A_508, %dma_wait3A_509] : memref<8192x1024xf32, #tpu.memory_space<hbm>> -> memref<8192x1024xf32, #tpu.memory_space<hbm>>
    tpu.wait_indirect_dma semaphore(%arg7 : memref<!tpu.dma_semaphore, #tpu.memory_space<semaphore_mem>>) src(%dma_wait3A_510 : memref<8192x1024xf32, #tpu.memory_space<hbm>>) dst(%dma_wait3A_505 : memref<32x1024xf32, #tpu.memory_space<vmem>>)
    %add3A_511 = arith.constant 320 : i32
    %add3A_512 = arith.addi %mul3A_2, %add3A_511 : i32
    %dma_start3A_513 = arith.constant 0 : i32
    %dma_start3A_514 = arith.constant 0 : i32
    %dma_start3A_515 = arith.constant 0 : i32
    %dma_start3A_516 = tpu.memref_slice %arg6[%dma_start3A_513, %dma_start3A_514, %dma_start3A_515] : memref<2x32x1024xf32, #tpu.memory_space<vmem>> -> memref<1x32x1024xf32, #tpu.memory_space<vmem>>
    %dma_start3A_517 = tpu.memref_squeeze %dma_start3A_516 : memref<1x32x1024xf32, #tpu.memory_space<vmem>> -> memref<32x1024xf32, #tpu.memory_space<vmem>>
    %dma_start3A_518 = arith.constant 0 : i32
    %dma_start3A_519 = tpu.memref_slice %arg4[%add3A_512, %dma_start3A_518] : memref<32768x1024xf32, #tpu.memory_space<hbm>> -> memref<32x1024xf32, #tpu.memory_space<hbm>>
    %dma_start3A_520 = arith.constant 0 : i32
    %dma_start3A_521 = tpu.memref_slice %arg4[%add3A_512, %dma_start3A_520] : memref<32768x1024xf32, #tpu.memory_space<hbm>> -> memref<32x1024xf32, #tpu.memory_space<hbm>>
    %dma_start3A_522 = arith.constant 0 : i32
    %dma_start3A_523 = arith.constant 0 : i32
    %dma_start3A_524 = tpu.memref_slice %arg6[%dma_start3A_513, %dma_start3A_522, %dma_start3A_523] : memref<2x32x1024xf32, #tpu.memory_space<vmem>> -> memref<1x32x1024xf32, #tpu.memory_space<vmem>>
    %dma_start3A_525 = tpu.memref_squeeze %dma_start3A_524 : memref<1x32x1024xf32, #tpu.memory_space<vmem>> -> memref<32x1024xf32, #tpu.memory_space<vmem>>
    tpu.enqueue_dma source(%dma_start3A_525 : memref<32x1024xf32, #tpu.memory_space<vmem>>) target(%dma_start3A_521 : memref<32x1024xf32, #tpu.memory_space<hbm>>) target_semaphore(%arg9 : memref<!tpu.dma_semaphore, #tpu.memory_space<semaphore_mem>>)
    %dma_wait3A_526 = arith.constant 0 : i32
    %dma_wait3A_527 = arith.constant 0 : i32
    %dma_wait3A_528 = arith.constant 0 : i32
    %dma_wait3A_529 = tpu.memref_slice %arg6[%dma_wait3A_526, %dma_wait3A_527, %dma_wait3A_528] : memref<2x32x1024xf32, #tpu.memory_space<vmem>> -> memref<1x32x1024xf32, #tpu.memory_space<vmem>>
    %dma_wait3A_530 = tpu.memref_squeeze %dma_wait3A_529 : memref<1x32x1024xf32, #tpu.memory_space<vmem>> -> memref<32x1024xf32, #tpu.memory_space<vmem>>
    %dma_wait3A_531 = arith.constant 0 : i32
    %dma_wait3A_532 = tpu.memref_slice %arg4[%mul3A_2, %dma_wait3A_531] : memref<32768x1024xf32, #tpu.memory_space<hbm>> -> memref<32x1024xf32, #tpu.memory_space<hbm>>
    %dma_wait3A_533 = arith.constant 0 : i32
    %dma_wait3A_534 = tpu.memref_slice %arg4[%mul3A_2, %dma_wait3A_533] : memref<32768x1024xf32, #tpu.memory_space<hbm>> -> memref<32x1024xf32, #tpu.memory_space<hbm>>
    %dma_wait3A_535 = arith.constant 0 : i32
    %dma_wait3A_536 = arith.constant 0 : i32
    %dma_wait3A_537 = tpu.memref_slice %arg6[%dma_wait3A_526, %dma_wait3A_535, %dma_wait3A_536] : memref<2x32x1024xf32, #tpu.memory_space<vmem>> -> memref<1x32x1024xf32, #tpu.memory_space<vmem>>
    %dma_wait3A_538 = tpu.memref_squeeze %dma_wait3A_537 : memref<1x32x1024xf32, #tpu.memory_space<vmem>> -> memref<32x1024xf32, #tpu.memory_space<vmem>>
    tpu.wait_dma2 semaphore(%arg9 : memref<!tpu.dma_semaphore, #tpu.memory_space<semaphore_mem>>) src(%dma_wait3A_538 : memref<32x1024xf32, #tpu.memory_space<vmem>>) dst(%dma_wait3A_534 : memref<32x1024xf32, #tpu.memory_space<hbm>>)
    %dma_start3A_539 = arith.constant 0 : i32
    %dma_start3A_540 = arith.constant 0 : i32
    %dma_start3A_541 = arith.constant 0 : i32
    %dma_start3A_542 = tpu.memref_slice %arg6[%dma_start3A_539, %dma_start3A_540, %dma_start3A_541] : memref<2x32x1024xf32, #tpu.memory_space<vmem>> -> memref<1x32x1024xf32, #tpu.memory_space<vmem>>
    %dma_start3A_543 = tpu.memref_squeeze %dma_start3A_542 : memref<1x32x1024xf32, #tpu.memory_space<vmem>> -> memref<32x1024xf32, #tpu.memory_space<vmem>>
    %dma_start3A_544 = arith.constant 384 : i32
    %dma_start3A_545 = tpu.memref_slice %arg5[%dma_start3A_544] : memref<1024xi32, #tpu.memory_space<vmem>> -> memref<32xi32, #tpu.memory_space<vmem>>
    %dma_start3A_546 = arith.constant 0 : i32
    %dma_start3A_547 = arith.constant 0 : i32
    %dma_start3A_548 = tpu.memref_slice %arg2[%dma_start3A_546, %dma_start3A_547] : memref<8192x1024xf32, #tpu.memory_space<hbm>> -> memref<8192x1024xf32, #tpu.memory_space<hbm>>
    tpu.enqueue_indirect_dma source(%dma_start3A_548 : memref<8192x1024xf32, #tpu.memory_space<hbm>>) target(%dma_start3A_543 : memref<32x1024xf32, #tpu.memory_space<vmem>>) offsets(%dma_start3A_545 : memref<32xi32, #tpu.memory_space<vmem>>) semaphore(%arg7 : memref<!tpu.dma_semaphore, #tpu.memory_space<semaphore_mem>>)
    %dma_wait3A_549 = arith.constant 1 : i32
    %dma_wait3A_550 = arith.constant 0 : i32
    %dma_wait3A_551 = arith.constant 0 : i32
    %dma_wait3A_552 = tpu.memref_slice %arg6[%dma_wait3A_549, %dma_wait3A_550, %dma_wait3A_551] : memref<2x32x1024xf32, #tpu.memory_space<vmem>> -> memref<1x32x1024xf32, #tpu.memory_space<vmem>>
    %dma_wait3A_553 = tpu.memref_squeeze %dma_wait3A_552 : memref<1x32x1024xf32, #tpu.memory_space<vmem>> -> memref<32x1024xf32, #tpu.memory_space<vmem>>
    %dma_wait3A_554 = arith.constant 0 : i32
    %dma_wait3A_555 = tpu.memref_slice %arg5[%dma_wait3A_554] : memref<1024xi32, #tpu.memory_space<vmem>> -> memref<32xi32, #tpu.memory_space<vmem>>
    %dma_wait3A_556 = arith.constant 0 : i32
    %dma_wait3A_557 = arith.constant 0 : i32
    %dma_wait3A_558 = tpu.memref_slice %arg2[%dma_wait3A_556, %dma_wait3A_557] : memref<8192x1024xf32, #tpu.memory_space<hbm>> -> memref<8192x1024xf32, #tpu.memory_space<hbm>>
    tpu.wait_indirect_dma semaphore(%arg8 : memref<!tpu.dma_semaphore, #tpu.memory_space<semaphore_mem>>) src(%dma_wait3A_558 : memref<8192x1024xf32, #tpu.memory_space<hbm>>) dst(%dma_wait3A_553 : memref<32x1024xf32, #tpu.memory_space<vmem>>)
    %add3A_559 = arith.constant 352 : i32
    %add3A_560 = arith.addi %mul3A_2, %add3A_559 : i32
    %dma_start3A_561 = arith.constant 1 : i32
    %dma_start3A_562 = arith.constant 0 : i32
    %dma_start3A_563 = arith.constant 0 : i32
    %dma_start3A_564 = tpu.memref_slice %arg6[%dma_start3A_561, %dma_start3A_562, %dma_start3A_563] : memref<2x32x1024xf32, #tpu.memory_space<vmem>> -> memref<1x32x1024xf32, #tpu.memory_space<vmem>>
    %dma_start3A_565 = tpu.memref_squeeze %dma_start3A_564 : memref<1x32x1024xf32, #tpu.memory_space<vmem>> -> memref<32x1024xf32, #tpu.memory_space<vmem>>
    %dma_start3A_566 = arith.constant 0 : i32
    %dma_start3A_567 = tpu.memref_slice %arg4[%add3A_560, %dma_start3A_566] : memref<32768x1024xf32, #tpu.memory_space<hbm>> -> memref<32x1024xf32, #tpu.memory_space<hbm>>
    %dma_start3A_568 = arith.constant 0 : i32
    %dma_start3A_569 = tpu.memref_slice %arg4[%add3A_560, %dma_start3A_568] : memref<32768x1024xf32, #tpu.memory_space<hbm>> -> memref<32x1024xf32, #tpu.memory_space<hbm>>
    %dma_start3A_570 = arith.constant 0 : i32
    %dma_start3A_571 = arith.constant 0 : i32
    %dma_start3A_572 = tpu.memref_slice %arg6[%dma_start3A_561, %dma_start3A_570, %dma_start3A_571] : memref<2x32x1024xf32, #tpu.memory_space<vmem>> -> memref<1x32x1024xf32, #tpu.memory_space<vmem>>
    %dma_start3A_573 = tpu.memref_squeeze %dma_start3A_572 : memref<1x32x1024xf32, #tpu.memory_space<vmem>> -> memref<32x1024xf32, #tpu.memory_space<vmem>>
    tpu.enqueue_dma source(%dma_start3A_573 : memref<32x1024xf32, #tpu.memory_space<vmem>>) target(%dma_start3A_569 : memref<32x1024xf32, #tpu.memory_space<hbm>>) target_semaphore(%arg10 : memref<!tpu.dma_semaphore, #tpu.memory_space<semaphore_mem>>)
    %dma_wait3A_574 = arith.constant 1 : i32
    %dma_wait3A_575 = arith.constant 0 : i32
    %dma_wait3A_576 = arith.constant 0 : i32
    %dma_wait3A_577 = tpu.memref_slice %arg6[%dma_wait3A_574, %dma_wait3A_575, %dma_wait3A_576] : memref<2x32x1024xf32, #tpu.memory_space<vmem>> -> memref<1x32x1024xf32, #tpu.memory_space<vmem>>
    %dma_wait3A_578 = tpu.memref_squeeze %dma_wait3A_577 : memref<1x32x1024xf32, #tpu.memory_space<vmem>> -> memref<32x1024xf32, #tpu.memory_space<vmem>>
    %dma_wait3A_579 = arith.constant 0 : i32
    %dma_wait3A_580 = tpu.memref_slice %arg4[%mul3A_2, %dma_wait3A_579] : memref<32768x1024xf32, #tpu.memory_space<hbm>> -> memref<32x1024xf32, #tpu.memory_space<hbm>>
    %dma_wait3A_581 = arith.constant 0 : i32
    %dma_wait3A_582 = tpu.memref_slice %arg4[%mul3A_2, %dma_wait3A_581] : memref<32768x1024xf32, #tpu.memory_space<hbm>> -> memref<32x1024xf32, #tpu.memory_space<hbm>>
    %dma_wait3A_583 = arith.constant 0 : i32
    %dma_wait3A_584 = arith.constant 0 : i32
    %dma_wait3A_585 = tpu.memref_slice %arg6[%dma_wait3A_574, %dma_wait3A_583, %dma_wait3A_584] : memref<2x32x1024xf32, #tpu.memory_space<vmem>> -> memref<1x32x1024xf32, #tpu.memory_space<vmem>>
    %dma_wait3A_586 = tpu.memref_squeeze %dma_wait3A_585 : memref<1x32x1024xf32, #tpu.memory_space<vmem>> -> memref<32x1024xf32, #tpu.memory_space<vmem>>
    tpu.wait_dma2 semaphore(%arg10 : memref<!tpu.dma_semaphore, #tpu.memory_space<semaphore_mem>>) src(%dma_wait3A_586 : memref<32x1024xf32, #tpu.memory_space<vmem>>) dst(%dma_wait3A_582 : memref<32x1024xf32, #tpu.memory_space<hbm>>)
    %dma_start3A_587 = arith.constant 1 : i32
    %dma_start3A_588 = arith.constant 0 : i32
    %dma_start3A_589 = arith.constant 0 : i32
    %dma_start3A_590 = tpu.memref_slice %arg6[%dma_start3A_587, %dma_start3A_588, %dma_start3A_589] : memref<2x32x1024xf32, #tpu.memory_space<vmem>> -> memref<1x32x1024xf32, #tpu.memory_space<vmem>>
    %dma_start3A_591 = tpu.memref_squeeze %dma_start3A_590 : memref<1x32x1024xf32, #tpu.memory_space<vmem>> -> memref<32x1024xf32, #tpu.memory_space<vmem>>
    %dma_start3A_592 = arith.constant 416 : i32
    %dma_start3A_593 = tpu.memref_slice %arg5[%dma_start3A_592] : memref<1024xi32, #tpu.memory_space<vmem>> -> memref<32xi32, #tpu.memory_space<vmem>>
    %dma_start3A_594 = arith.constant 0 : i32
    %dma_start3A_595 = arith.constant 0 : i32
    %dma_start3A_596 = tpu.memref_slice %arg2[%dma_start3A_594, %dma_start3A_595] : memref<8192x1024xf32, #tpu.memory_space<hbm>> -> memref<8192x1024xf32, #tpu.memory_space<hbm>>
    tpu.enqueue_indirect_dma source(%dma_start3A_596 : memref<8192x1024xf32, #tpu.memory_space<hbm>>) target(%dma_start3A_591 : memref<32x1024xf32, #tpu.memory_space<vmem>>) offsets(%dma_start3A_593 : memref<32xi32, #tpu.memory_space<vmem>>) semaphore(%arg8 : memref<!tpu.dma_semaphore, #tpu.memory_space<semaphore_mem>>)
    %dma_wait3A_597 = arith.constant 0 : i32
    %dma_wait3A_598 = arith.constant 0 : i32
    %dma_wait3A_599 = arith.constant 0 : i32
    %dma_wait3A_600 = tpu.memref_slice %arg6[%dma_wait3A_597, %dma_wait3A_598, %dma_wait3A_599] : memref<2x32x1024xf32, #tpu.memory_space<vmem>> -> memref<1x32x1024xf32, #tpu.memory_space<vmem>>
    %dma_wait3A_601 = tpu.memref_squeeze %dma_wait3A_600 : memref<1x32x1024xf32, #tpu.memory_space<vmem>> -> memref<32x1024xf32, #tpu.memory_space<vmem>>
    %dma_wait3A_602 = arith.constant 0 : i32
    %dma_wait3A_603 = tpu.memref_slice %arg5[%dma_wait3A_602] : memref<1024xi32, #tpu.memory_space<vmem>> -> memref<32xi32, #tpu.memory_space<vmem>>
    %dma_wait3A_604 = arith.constant 0 : i32
    %dma_wait3A_605 = arith.constant 0 : i32
    %dma_wait3A_606 = tpu.memref_slice %arg2[%dma_wait3A_604, %dma_wait3A_605] : memref<8192x1024xf32, #tpu.memory_space<hbm>> -> memref<8192x1024xf32, #tpu.memory_space<hbm>>
    tpu.wait_indirect_dma semaphore(%arg7 : memref<!tpu.dma_semaphore, #tpu.memory_space<semaphore_mem>>) src(%dma_wait3A_606 : memref<8192x1024xf32, #tpu.memory_space<hbm>>) dst(%dma_wait3A_601 : memref<32x1024xf32, #tpu.memory_space<vmem>>)
    %add3A_607 = arith.constant 384 : i32
    %add3A_608 = arith.addi %mul3A_2, %add3A_607 : i32
    %dma_start3A_609 = arith.constant 0 : i32
    %dma_start3A_610 = arith.constant 0 : i32
    %dma_start3A_611 = arith.constant 0 : i32
    %dma_start3A_612 = tpu.memref_slice %arg6[%dma_start3A_609, %dma_start3A_610, %dma_start3A_611] : memref<2x32x1024xf32, #tpu.memory_space<vmem>> -> memref<1x32x1024xf32, #tpu.memory_space<vmem>>
    %dma_start3A_613 = tpu.memref_squeeze %dma_start3A_612 : memref<1x32x1024xf32, #tpu.memory_space<vmem>> -> memref<32x1024xf32, #tpu.memory_space<vmem>>
    %dma_start3A_614 = arith.constant 0 : i32
    %dma_start3A_615 = tpu.memref_slice %arg4[%add3A_608, %dma_start3A_614] : memref<32768x1024xf32, #tpu.memory_space<hbm>> -> memref<32x1024xf32, #tpu.memory_space<hbm>>
    %dma_start3A_616 = arith.constant 0 : i32
    %dma_start3A_617 = tpu.memref_slice %arg4[%add3A_608, %dma_start3A_616] : memref<32768x1024xf32, #tpu.memory_space<hbm>> -> memref<32x1024xf32, #tpu.memory_space<hbm>>
    %dma_start3A_618 = arith.constant 0 : i32
    %dma_start3A_619 = arith.constant 0 : i32
    %dma_start3A_620 = tpu.memref_slice %arg6[%dma_start3A_609, %dma_start3A_618, %dma_start3A_619] : memref<2x32x1024xf32, #tpu.memory_space<vmem>> -> memref<1x32x1024xf32, #tpu.memory_space<vmem>>
    %dma_start3A_621 = tpu.memref_squeeze %dma_start3A_620 : memref<1x32x1024xf32, #tpu.memory_space<vmem>> -> memref<32x1024xf32, #tpu.memory_space<vmem>>
    tpu.enqueue_dma source(%dma_start3A_621 : memref<32x1024xf32, #tpu.memory_space<vmem>>) target(%dma_start3A_617 : memref<32x1024xf32, #tpu.memory_space<hbm>>) target_semaphore(%arg9 : memref<!tpu.dma_semaphore, #tpu.memory_space<semaphore_mem>>)
    %dma_wait3A_622 = arith.constant 0 : i32
    %dma_wait3A_623 = arith.constant 0 : i32
    %dma_wait3A_624 = arith.constant 0 : i32
    %dma_wait3A_625 = tpu.memref_slice %arg6[%dma_wait3A_622, %dma_wait3A_623, %dma_wait3A_624] : memref<2x32x1024xf32, #tpu.memory_space<vmem>> -> memref<1x32x1024xf32, #tpu.memory_space<vmem>>
    %dma_wait3A_626 = tpu.memref_squeeze %dma_wait3A_625 : memref<1x32x1024xf32, #tpu.memory_space<vmem>> -> memref<32x1024xf32, #tpu.memory_space<vmem>>
    %dma_wait3A_627 = arith.constant 0 : i32
    %dma_wait3A_628 = tpu.memref_slice %arg4[%mul3A_2, %dma_wait3A_627] : memref<32768x1024xf32, #tpu.memory_space<hbm>> -> memref<32x1024xf32, #tpu.memory_space<hbm>>
    %dma_wait3A_629 = arith.constant 0 : i32
    %dma_wait3A_630 = tpu.memref_slice %arg4[%mul3A_2, %dma_wait3A_629] : memref<32768x1024xf32, #tpu.memory_space<hbm>> -> memref<32x1024xf32, #tpu.memory_space<hbm>>
    %dma_wait3A_631 = arith.constant 0 : i32
    %dma_wait3A_632 = arith.constant 0 : i32
    %dma_wait3A_633 = tpu.memref_slice %arg6[%dma_wait3A_622, %dma_wait3A_631, %dma_wait3A_632] : memref<2x32x1024xf32, #tpu.memory_space<vmem>> -> memref<1x32x1024xf32, #tpu.memory_space<vmem>>
    %dma_wait3A_634 = tpu.memref_squeeze %dma_wait3A_633 : memref<1x32x1024xf32, #tpu.memory_space<vmem>> -> memref<32x1024xf32, #tpu.memory_space<vmem>>
    tpu.wait_dma2 semaphore(%arg9 : memref<!tpu.dma_semaphore, #tpu.memory_space<semaphore_mem>>) src(%dma_wait3A_634 : memref<32x1024xf32, #tpu.memory_space<vmem>>) dst(%dma_wait3A_630 : memref<32x1024xf32, #tpu.memory_space<hbm>>)
    %dma_start3A_635 = arith.constant 0 : i32
    %dma_start3A_636 = arith.constant 0 : i32
    %dma_start3A_637 = arith.constant 0 : i32
    %dma_start3A_638 = tpu.memref_slice %arg6[%dma_start3A_635, %dma_start3A_636, %dma_start3A_637] : memref<2x32x1024xf32, #tpu.memory_space<vmem>> -> memref<1x32x1024xf32, #tpu.memory_space<vmem>>
    %dma_start3A_639 = tpu.memref_squeeze %dma_start3A_638 : memref<1x32x1024xf32, #tpu.memory_space<vmem>> -> memref<32x1024xf32, #tpu.memory_space<vmem>>
    %dma_start3A_640 = arith.constant 448 : i32
    %dma_start3A_641 = tpu.memref_slice %arg5[%dma_start3A_640] : memref<1024xi32, #tpu.memory_space<vmem>> -> memref<32xi32, #tpu.memory_space<vmem>>
    %dma_start3A_642 = arith.constant 0 : i32
    %dma_start3A_643 = arith.constant 0 : i32
    %dma_start3A_644 = tpu.memref_slice %arg2[%dma_start3A_642, %dma_start3A_643] : memref<8192x1024xf32, #tpu.memory_space<hbm>> -> memref<8192x1024xf32, #tpu.memory_space<hbm>>
    tpu.enqueue_indirect_dma source(%dma_start3A_644 : memref<8192x1024xf32, #tpu.memory_space<hbm>>) target(%dma_start3A_639 : memref<32x1024xf32, #tpu.memory_space<vmem>>) offsets(%dma_start3A_641 : memref<32xi32, #tpu.memory_space<vmem>>) semaphore(%arg7 : memref<!tpu.dma_semaphore, #tpu.memory_space<semaphore_mem>>)
    %dma_wait3A_645 = arith.constant 1 : i32
    %dma_wait3A_646 = arith.constant 0 : i32
    %dma_wait3A_647 = arith.constant 0 : i32
    %dma_wait3A_648 = tpu.memref_slice %arg6[%dma_wait3A_645, %dma_wait3A_646, %dma_wait3A_647] : memref<2x32x1024xf32, #tpu.memory_space<vmem>> -> memref<1x32x1024xf32, #tpu.memory_space<vmem>>
    %dma_wait3A_649 = tpu.memref_squeeze %dma_wait3A_648 : memref<1x32x1024xf32, #tpu.memory_space<vmem>> -> memref<32x1024xf32, #tpu.memory_space<vmem>>
    %dma_wait3A_650 = arith.constant 0 : i32
    %dma_wait3A_651 = tpu.memref_slice %arg5[%dma_wait3A_650] : memref<1024xi32, #tpu.memory_space<vmem>> -> memref<32xi32, #tpu.memory_space<vmem>>
    %dma_wait3A_652 = arith.constant 0 : i32
    %dma_wait3A_653 = arith.constant 0 : i32
    %dma_wait3A_654 = tpu.memref_slice %arg2[%dma_wait3A_652, %dma_wait3A_653] : memref<8192x1024xf32, #tpu.memory_space<hbm>> -> memref<8192x1024xf32, #tpu.memory_space<hbm>>
    tpu.wait_indirect_dma semaphore(%arg8 : memref<!tpu.dma_semaphore, #tpu.memory_space<semaphore_mem>>) src(%dma_wait3A_654 : memref<8192x1024xf32, #tpu.memory_space<hbm>>) dst(%dma_wait3A_649 : memref<32x1024xf32, #tpu.memory_space<vmem>>)
    %add3A_655 = arith.constant 416 : i32
    %add3A_656 = arith.addi %mul3A_2, %add3A_655 : i32
    %dma_start3A_657 = arith.constant 1 : i32
    %dma_start3A_658 = arith.constant 0 : i32
    %dma_start3A_659 = arith.constant 0 : i32
    %dma_start3A_660 = tpu.memref_slice %arg6[%dma_start3A_657, %dma_start3A_658, %dma_start3A_659] : memref<2x32x1024xf32, #tpu.memory_space<vmem>> -> memref<1x32x1024xf32, #tpu.memory_space<vmem>>
    %dma_start3A_661 = tpu.memref_squeeze %dma_start3A_660 : memref<1x32x1024xf32, #tpu.memory_space<vmem>> -> memref<32x1024xf32, #tpu.memory_space<vmem>>
    %dma_start3A_662 = arith.constant 0 : i32
    %dma_start3A_663 = tpu.memref_slice %arg4[%add3A_656, %dma_start3A_662] : memref<32768x1024xf32, #tpu.memory_space<hbm>> -> memref<32x1024xf32, #tpu.memory_space<hbm>>
    %dma_start3A_664 = arith.constant 0 : i32
    %dma_start3A_665 = tpu.memref_slice %arg4[%add3A_656, %dma_start3A_664] : memref<32768x1024xf32, #tpu.memory_space<hbm>> -> memref<32x1024xf32, #tpu.memory_space<hbm>>
    %dma_start3A_666 = arith.constant 0 : i32
    %dma_start3A_667 = arith.constant 0 : i32
    %dma_start3A_668 = tpu.memref_slice %arg6[%dma_start3A_657, %dma_start3A_666, %dma_start3A_667] : memref<2x32x1024xf32, #tpu.memory_space<vmem>> -> memref<1x32x1024xf32, #tpu.memory_space<vmem>>
    %dma_start3A_669 = tpu.memref_squeeze %dma_start3A_668 : memref<1x32x1024xf32, #tpu.memory_space<vmem>> -> memref<32x1024xf32, #tpu.memory_space<vmem>>
    tpu.enqueue_dma source(%dma_start3A_669 : memref<32x1024xf32, #tpu.memory_space<vmem>>) target(%dma_start3A_665 : memref<32x1024xf32, #tpu.memory_space<hbm>>) target_semaphore(%arg10 : memref<!tpu.dma_semaphore, #tpu.memory_space<semaphore_mem>>)
    %dma_wait3A_670 = arith.constant 1 : i32
    %dma_wait3A_671 = arith.constant 0 : i32
    %dma_wait3A_672 = arith.constant 0 : i32
    %dma_wait3A_673 = tpu.memref_slice %arg6[%dma_wait3A_670, %dma_wait3A_671, %dma_wait3A_672] : memref<2x32x1024xf32, #tpu.memory_space<vmem>> -> memref<1x32x1024xf32, #tpu.memory_space<vmem>>
    %dma_wait3A_674 = tpu.memref_squeeze %dma_wait3A_673 : memref<1x32x1024xf32, #tpu.memory_space<vmem>> -> memref<32x1024xf32, #tpu.memory_space<vmem>>
    %dma_wait3A_675 = arith.constant 0 : i32
    %dma_wait3A_676 = tpu.memref_slice %arg4[%mul3A_2, %dma_wait3A_675] : memref<32768x1024xf32, #tpu.memory_space<hbm>> -> memref<32x1024xf32, #tpu.memory_space<hbm>>
    %dma_wait3A_677 = arith.constant 0 : i32
    %dma_wait3A_678 = tpu.memref_slice %arg4[%mul3A_2, %dma_wait3A_677] : memref<32768x1024xf32, #tpu.memory_space<hbm>> -> memref<32x1024xf32, #tpu.memory_space<hbm>>
    %dma_wait3A_679 = arith.constant 0 : i32
    %dma_wait3A_680 = arith.constant 0 : i32
    %dma_wait3A_681 = tpu.memref_slice %arg6[%dma_wait3A_670, %dma_wait3A_679, %dma_wait3A_680] : memref<2x32x1024xf32, #tpu.memory_space<vmem>> -> memref<1x32x1024xf32, #tpu.memory_space<vmem>>
    %dma_wait3A_682 = tpu.memref_squeeze %dma_wait3A_681 : memref<1x32x1024xf32, #tpu.memory_space<vmem>> -> memref<32x1024xf32, #tpu.memory_space<vmem>>
    tpu.wait_dma2 semaphore(%arg10 : memref<!tpu.dma_semaphore, #tpu.memory_space<semaphore_mem>>) src(%dma_wait3A_682 : memref<32x1024xf32, #tpu.memory_space<vmem>>) dst(%dma_wait3A_678 : memref<32x1024xf32, #tpu.memory_space<hbm>>)
    %dma_start3A_683 = arith.constant 1 : i32
    %dma_start3A_684 = arith.constant 0 : i32
    %dma_start3A_685 = arith.constant 0 : i32
    %dma_start3A_686 = tpu.memref_slice %arg6[%dma_start3A_683, %dma_start3A_684, %dma_start3A_685] : memref<2x32x1024xf32, #tpu.memory_space<vmem>> -> memref<1x32x1024xf32, #tpu.memory_space<vmem>>
    %dma_start3A_687 = tpu.memref_squeeze %dma_start3A_686 : memref<1x32x1024xf32, #tpu.memory_space<vmem>> -> memref<32x1024xf32, #tpu.memory_space<vmem>>
    %dma_start3A_688 = arith.constant 480 : i32
    %dma_start3A_689 = tpu.memref_slice %arg5[%dma_start3A_688] : memref<1024xi32, #tpu.memory_space<vmem>> -> memref<32xi32, #tpu.memory_space<vmem>>
    %dma_start3A_690 = arith.constant 0 : i32
    %dma_start3A_691 = arith.constant 0 : i32
    %dma_start3A_692 = tpu.memref_slice %arg2[%dma_start3A_690, %dma_start3A_691] : memref<8192x1024xf32, #tpu.memory_space<hbm>> -> memref<8192x1024xf32, #tpu.memory_space<hbm>>
    tpu.enqueue_indirect_dma source(%dma_start3A_692 : memref<8192x1024xf32, #tpu.memory_space<hbm>>) target(%dma_start3A_687 : memref<32x1024xf32, #tpu.memory_space<vmem>>) offsets(%dma_start3A_689 : memref<32xi32, #tpu.memory_space<vmem>>) semaphore(%arg8 : memref<!tpu.dma_semaphore, #tpu.memory_space<semaphore_mem>>)
    %dma_wait3A_693 = arith.constant 0 : i32
    %dma_wait3A_694 = arith.constant 0 : i32
    %dma_wait3A_695 = arith.constant 0 : i32
    %dma_wait3A_696 = tpu.memref_slice %arg6[%dma_wait3A_693, %dma_wait3A_694, %dma_wait3A_695] : memref<2x32x1024xf32, #tpu.memory_space<vmem>> -> memref<1x32x1024xf32, #tpu.memory_space<vmem>>
    %dma_wait3A_697 = tpu.memref_squeeze %dma_wait3A_696 : memref<1x32x1024xf32, #tpu.memory_space<vmem>> -> memref<32x1024xf32, #tpu.memory_space<vmem>>
    %dma_wait3A_698 = arith.constant 0 : i32
    %dma_wait3A_699 = tpu.memref_slice %arg5[%dma_wait3A_698] : memref<1024xi32, #tpu.memory_space<vmem>> -> memref<32xi32, #tpu.memory_space<vmem>>
    %dma_wait3A_700 = arith.constant 0 : i32
    %dma_wait3A_701 = arith.constant 0 : i32
    %dma_wait3A_702 = tpu.memref_slice %arg2[%dma_wait3A_700, %dma_wait3A_701] : memref<8192x1024xf32, #tpu.memory_space<hbm>> -> memref<8192x1024xf32, #tpu.memory_space<hbm>>
    tpu.wait_indirect_dma semaphore(%arg7 : memref<!tpu.dma_semaphore, #tpu.memory_space<semaphore_mem>>) src(%dma_wait3A_702 : memref<8192x1024xf32, #tpu.memory_space<hbm>>) dst(%dma_wait3A_697 : memref<32x1024xf32, #tpu.memory_space<vmem>>)
    %add3A_703 = arith.constant 448 : i32
    %add3A_704 = arith.addi %mul3A_2, %add3A_703 : i32
    %dma_start3A_705 = arith.constant 0 : i32
    %dma_start3A_706 = arith.constant 0 : i32
    %dma_start3A_707 = arith.constant 0 : i32
    %dma_start3A_708 = tpu.memref_slice %arg6[%dma_start3A_705, %dma_start3A_706, %dma_start3A_707] : memref<2x32x1024xf32, #tpu.memory_space<vmem>> -> memref<1x32x1024xf32, #tpu.memory_space<vmem>>
    %dma_start3A_709 = tpu.memref_squeeze %dma_start3A_708 : memref<1x32x1024xf32, #tpu.memory_space<vmem>> -> memref<32x1024xf32, #tpu.memory_space<vmem>>
    %dma_start3A_710 = arith.constant 0 : i32
    %dma_start3A_711 = tpu.memref_slice %arg4[%add3A_704, %dma_start3A_710] : memref<32768x1024xf32, #tpu.memory_space<hbm>> -> memref<32x1024xf32, #tpu.memory_space<hbm>>
    %dma_start3A_712 = arith.constant 0 : i32
    %dma_start3A_713 = tpu.memref_slice %arg4[%add3A_704, %dma_start3A_712] : memref<32768x1024xf32, #tpu.memory_space<hbm>> -> memref<32x1024xf32, #tpu.memory_space<hbm>>
    %dma_start3A_714 = arith.constant 0 : i32
    %dma_start3A_715 = arith.constant 0 : i32
    %dma_start3A_716 = tpu.memref_slice %arg6[%dma_start3A_705, %dma_start3A_714, %dma_start3A_715] : memref<2x32x1024xf32, #tpu.memory_space<vmem>> -> memref<1x32x1024xf32, #tpu.memory_space<vmem>>
    %dma_start3A_717 = tpu.memref_squeeze %dma_start3A_716 : memref<1x32x1024xf32, #tpu.memory_space<vmem>> -> memref<32x1024xf32, #tpu.memory_space<vmem>>
    tpu.enqueue_dma source(%dma_start3A_717 : memref<32x1024xf32, #tpu.memory_space<vmem>>) target(%dma_start3A_713 : memref<32x1024xf32, #tpu.memory_space<hbm>>) target_semaphore(%arg9 : memref<!tpu.dma_semaphore, #tpu.memory_space<semaphore_mem>>)
    %dma_wait3A_718 = arith.constant 0 : i32
    %dma_wait3A_719 = arith.constant 0 : i32
    %dma_wait3A_720 = arith.constant 0 : i32
    %dma_wait3A_721 = tpu.memref_slice %arg6[%dma_wait3A_718, %dma_wait3A_719, %dma_wait3A_720] : memref<2x32x1024xf32, #tpu.memory_space<vmem>> -> memref<1x32x1024xf32, #tpu.memory_space<vmem>>
    %dma_wait3A_722 = tpu.memref_squeeze %dma_wait3A_721 : memref<1x32x1024xf32, #tpu.memory_space<vmem>> -> memref<32x1024xf32, #tpu.memory_space<vmem>>
    %dma_wait3A_723 = arith.constant 0 : i32
    %dma_wait3A_724 = tpu.memref_slice %arg4[%mul3A_2, %dma_wait3A_723] : memref<32768x1024xf32, #tpu.memory_space<hbm>> -> memref<32x1024xf32, #tpu.memory_space<hbm>>
    %dma_wait3A_725 = arith.constant 0 : i32
    %dma_wait3A_726 = tpu.memref_slice %arg4[%mul3A_2, %dma_wait3A_725] : memref<32768x1024xf32, #tpu.memory_space<hbm>> -> memref<32x1024xf32, #tpu.memory_space<hbm>>
    %dma_wait3A_727 = arith.constant 0 : i32
    %dma_wait3A_728 = arith.constant 0 : i32
    %dma_wait3A_729 = tpu.memref_slice %arg6[%dma_wait3A_718, %dma_wait3A_727, %dma_wait3A_728] : memref<2x32x1024xf32, #tpu.memory_space<vmem>> -> memref<1x32x1024xf32, #tpu.memory_space<vmem>>
    %dma_wait3A_730 = tpu.memref_squeeze %dma_wait3A_729 : memref<1x32x1024xf32, #tpu.memory_space<vmem>> -> memref<32x1024xf32, #tpu.memory_space<vmem>>
    tpu.wait_dma2 semaphore(%arg9 : memref<!tpu.dma_semaphore, #tpu.memory_space<semaphore_mem>>) src(%dma_wait3A_730 : memref<32x1024xf32, #tpu.memory_space<vmem>>) dst(%dma_wait3A_726 : memref<32x1024xf32, #tpu.memory_space<hbm>>)
    %dma_start3A_731 = arith.constant 0 : i32
    %dma_start3A_732 = arith.constant 0 : i32
    %dma_start3A_733 = arith.constant 0 : i32
    %dma_start3A_734 = tpu.memref_slice %arg6[%dma_start3A_731, %dma_start3A_732, %dma_start3A_733] : memref<2x32x1024xf32, #tpu.memory_space<vmem>> -> memref<1x32x1024xf32, #tpu.memory_space<vmem>>
    %dma_start3A_735 = tpu.memref_squeeze %dma_start3A_734 : memref<1x32x1024xf32, #tpu.memory_space<vmem>> -> memref<32x1024xf32, #tpu.memory_space<vmem>>
    %dma_start3A_736 = arith.constant 512 : i32
    %dma_start3A_737 = tpu.memref_slice %arg5[%dma_start3A_736] : memref<1024xi32, #tpu.memory_space<vmem>> -> memref<32xi32, #tpu.memory_space<vmem>>
    %dma_start3A_738 = arith.constant 0 : i32
    %dma_start3A_739 = arith.constant 0 : i32
    %dma_start3A_740 = tpu.memref_slice %arg2[%dma_start3A_738, %dma_start3A_739] : memref<8192x1024xf32, #tpu.memory_space<hbm>> -> memref<8192x1024xf32, #tpu.memory_space<hbm>>
    tpu.enqueue_indirect_dma source(%dma_start3A_740 : memref<8192x1024xf32, #tpu.memory_space<hbm>>) target(%dma_start3A_735 : memref<32x1024xf32, #tpu.memory_space<vmem>>) offsets(%dma_start3A_737 : memref<32xi32, #tpu.memory_space<vmem>>) semaphore(%arg7 : memref<!tpu.dma_semaphore, #tpu.memory_space<semaphore_mem>>)
    %dma_wait3A_741 = arith.constant 1 : i32
    %dma_wait3A_742 = arith.constant 0 : i32
    %dma_wait3A_743 = arith.constant 0 : i32
    %dma_wait3A_744 = tpu.memref_slice %arg6[%dma_wait3A_741, %dma_wait3A_742, %dma_wait3A_743] : memref<2x32x1024xf32, #tpu.memory_space<vmem>> -> memref<1x32x1024xf32, #tpu.memory_space<vmem>>
    %dma_wait3A_745 = tpu.memref_squeeze %dma_wait3A_744 : memref<1x32x1024xf32, #tpu.memory_space<vmem>> -> memref<32x1024xf32, #tpu.memory_space<vmem>>
    %dma_wait3A_746 = arith.constant 0 : i32
    %dma_wait3A_747 = tpu.memref_slice %arg5[%dma_wait3A_746] : memref<1024xi32, #tpu.memory_space<vmem>> -> memref<32xi32, #tpu.memory_space<vmem>>
    %dma_wait3A_748 = arith.constant 0 : i32
    %dma_wait3A_749 = arith.constant 0 : i32
    %dma_wait3A_750 = tpu.memref_slice %arg2[%dma_wait3A_748, %dma_wait3A_749] : memref<8192x1024xf32, #tpu.memory_space<hbm>> -> memref<8192x1024xf32, #tpu.memory_space<hbm>>
    tpu.wait_indirect_dma semaphore(%arg8 : memref<!tpu.dma_semaphore, #tpu.memory_space<semaphore_mem>>) src(%dma_wait3A_750 : memref<8192x1024xf32, #tpu.memory_space<hbm>>) dst(%dma_wait3A_745 : memref<32x1024xf32, #tpu.memory_space<vmem>>)
    %add3A_751 = arith.constant 480 : i32
    %add3A_752 = arith.addi %mul3A_2, %add3A_751 : i32
    %dma_start3A_753 = arith.constant 1 : i32
    %dma_start3A_754 = arith.constant 0 : i32
    %dma_start3A_755 = arith.constant 0 : i32
    %dma_start3A_756 = tpu.memref_slice %arg6[%dma_start3A_753, %dma_start3A_754, %dma_start3A_755] : memref<2x32x1024xf32, #tpu.memory_space<vmem>> -> memref<1x32x1024xf32, #tpu.memory_space<vmem>>
    %dma_start3A_757 = tpu.memref_squeeze %dma_start3A_756 : memref<1x32x1024xf32, #tpu.memory_space<vmem>> -> memref<32x1024xf32, #tpu.memory_space<vmem>>
    %dma_start3A_758 = arith.constant 0 : i32
    %dma_start3A_759 = tpu.memref_slice %arg4[%add3A_752, %dma_start3A_758] : memref<32768x1024xf32, #tpu.memory_space<hbm>> -> memref<32x1024xf32, #tpu.memory_space<hbm>>
    %dma_start3A_760 = arith.constant 0 : i32
    %dma_start3A_761 = tpu.memref_slice %arg4[%add3A_752, %dma_start3A_760] : memref<32768x1024xf32, #tpu.memory_space<hbm>> -> memref<32x1024xf32, #tpu.memory_space<hbm>>
    %dma_start3A_762 = arith.constant 0 : i32
    %dma_start3A_763 = arith.constant 0 : i32
    %dma_start3A_764 = tpu.memref_slice %arg6[%dma_start3A_753, %dma_start3A_762, %dma_start3A_763] : memref<2x32x1024xf32, #tpu.memory_space<vmem>> -> memref<1x32x1024xf32, #tpu.memory_space<vmem>>
    %dma_start3A_765 = tpu.memref_squeeze %dma_start3A_764 : memref<1x32x1024xf32, #tpu.memory_space<vmem>> -> memref<32x1024xf32, #tpu.memory_space<vmem>>
    tpu.enqueue_dma source(%dma_start3A_765 : memref<32x1024xf32, #tpu.memory_space<vmem>>) target(%dma_start3A_761 : memref<32x1024xf32, #tpu.memory_space<hbm>>) target_semaphore(%arg10 : memref<!tpu.dma_semaphore, #tpu.memory_space<semaphore_mem>>)
    %dma_wait3A_766 = arith.constant 1 : i32
    %dma_wait3A_767 = arith.constant 0 : i32
    %dma_wait3A_768 = arith.constant 0 : i32
    %dma_wait3A_769 = tpu.memref_slice %arg6[%dma_wait3A_766, %dma_wait3A_767, %dma_wait3A_768] : memref<2x32x1024xf32, #tpu.memory_space<vmem>> -> memref<1x32x1024xf32, #tpu.memory_space<vmem>>
    %dma_wait3A_770 = tpu.memref_squeeze %dma_wait3A_769 : memref<1x32x1024xf32, #tpu.memory_space<vmem>> -> memref<32x1024xf32, #tpu.memory_space<vmem>>
    %dma_wait3A_771 = arith.constant 0 : i32
    %dma_wait3A_772 = tpu.memref_slice %arg4[%mul3A_2, %dma_wait3A_771] : memref<32768x1024xf32, #tpu.memory_space<hbm>> -> memref<32x1024xf32, #tpu.memory_space<hbm>>
    %dma_wait3A_773 = arith.constant 0 : i32
    %dma_wait3A_774 = tpu.memref_slice %arg4[%mul3A_2, %dma_wait3A_773] : memref<32768x1024xf32, #tpu.memory_space<hbm>> -> memref<32x1024xf32, #tpu.memory_space<hbm>>
    %dma_wait3A_775 = arith.constant 0 : i32
    %dma_wait3A_776 = arith.constant 0 : i32
    %dma_wait3A_777 = tpu.memref_slice %arg6[%dma_wait3A_766, %dma_wait3A_775, %dma_wait3A_776] : memref<2x32x1024xf32, #tpu.memory_space<vmem>> -> memref<1x32x1024xf32, #tpu.memory_space<vmem>>
    %dma_wait3A_778 = tpu.memref_squeeze %dma_wait3A_777 : memref<1x32x1024xf32, #tpu.memory_space<vmem>> -> memref<32x1024xf32, #tpu.memory_space<vmem>>
    tpu.wait_dma2 semaphore(%arg10 : memref<!tpu.dma_semaphore, #tpu.memory_space<semaphore_mem>>) src(%dma_wait3A_778 : memref<32x1024xf32, #tpu.memory_space<vmem>>) dst(%dma_wait3A_774 : memref<32x1024xf32, #tpu.memory_space<hbm>>)
    %dma_start3A_779 = arith.constant 1 : i32
    %dma_start3A_780 = arith.constant 0 : i32
    %dma_start3A_781 = arith.constant 0 : i32
    %dma_start3A_782 = tpu.memref_slice %arg6[%dma_start3A_779, %dma_start3A_780, %dma_start3A_781] : memref<2x32x1024xf32, #tpu.memory_space<vmem>> -> memref<1x32x1024xf32, #tpu.memory_space<vmem>>
    %dma_start3A_783 = tpu.memref_squeeze %dma_start3A_782 : memref<1x32x1024xf32, #tpu.memory_space<vmem>> -> memref<32x1024xf32, #tpu.memory_space<vmem>>
    %dma_start3A_784 = arith.constant 544 : i32
    %dma_start3A_785 = tpu.memref_slice %arg5[%dma_start3A_784] : memref<1024xi32, #tpu.memory_space<vmem>> -> memref<32xi32, #tpu.memory_space<vmem>>
    %dma_start3A_786 = arith.constant 0 : i32
    %dma_start3A_787 = arith.constant 0 : i32
    %dma_start3A_788 = tpu.memref_slice %arg2[%dma_start3A_786, %dma_start3A_787] : memref<8192x1024xf32, #tpu.memory_space<hbm>> -> memref<8192x1024xf32, #tpu.memory_space<hbm>>
    tpu.enqueue_indirect_dma source(%dma_start3A_788 : memref<8192x1024xf32, #tpu.memory_space<hbm>>) target(%dma_start3A_783 : memref<32x1024xf32, #tpu.memory_space<vmem>>) offsets(%dma_start3A_785 : memref<32xi32, #tpu.memory_space<vmem>>) semaphore(%arg8 : memref<!tpu.dma_semaphore, #tpu.memory_space<semaphore_mem>>)
    %dma_wait3A_789 = arith.constant 0 : i32
    %dma_wait3A_790 = arith.constant 0 : i32
    %dma_wait3A_791 = arith.constant 0 : i32
    %dma_wait3A_792 = tpu.memref_slice %arg6[%dma_wait3A_789, %dma_wait3A_790, %dma_wait3A_791] : memref<2x32x1024xf32, #tpu.memory_space<vmem>> -> memref<1x32x1024xf32, #tpu.memory_space<vmem>>
    %dma_wait3A_793 = tpu.memref_squeeze %dma_wait3A_792 : memref<1x32x1024xf32, #tpu.memory_space<vmem>> -> memref<32x1024xf32, #tpu.memory_space<vmem>>
    %dma_wait3A_794 = arith.constant 0 : i32
    %dma_wait3A_795 = tpu.memref_slice %arg5[%dma_wait3A_794] : memref<1024xi32, #tpu.memory_space<vmem>> -> memref<32xi32, #tpu.memory_space<vmem>>
    %dma_wait3A_796 = arith.constant 0 : i32
    %dma_wait3A_797 = arith.constant 0 : i32
    %dma_wait3A_798 = tpu.memref_slice %arg2[%dma_wait3A_796, %dma_wait3A_797] : memref<8192x1024xf32, #tpu.memory_space<hbm>> -> memref<8192x1024xf32, #tpu.memory_space<hbm>>
    tpu.wait_indirect_dma semaphore(%arg7 : memref<!tpu.dma_semaphore, #tpu.memory_space<semaphore_mem>>) src(%dma_wait3A_798 : memref<8192x1024xf32, #tpu.memory_space<hbm>>) dst(%dma_wait3A_793 : memref<32x1024xf32, #tpu.memory_space<vmem>>)
    %add3A_799 = arith.constant 512 : i32
    %add3A_800 = arith.addi %mul3A_2, %add3A_799 : i32
    %dma_start3A_801 = arith.constant 0 : i32
    %dma_start3A_802 = arith.constant 0 : i32
    %dma_start3A_803 = arith.constant 0 : i32
    %dma_start3A_804 = tpu.memref_slice %arg6[%dma_start3A_801, %dma_start3A_802, %dma_start3A_803] : memref<2x32x1024xf32, #tpu.memory_space<vmem>> -> memref<1x32x1024xf32, #tpu.memory_space<vmem>>
    %dma_start3A_805 = tpu.memref_squeeze %dma_start3A_804 : memref<1x32x1024xf32, #tpu.memory_space<vmem>> -> memref<32x1024xf32, #tpu.memory_space<vmem>>
    %dma_start3A_806 = arith.constant 0 : i32
    %dma_start3A_807 = tpu.memref_slice %arg4[%add3A_800, %dma_start3A_806] : memref<32768x1024xf32, #tpu.memory_space<hbm>> -> memref<32x1024xf32, #tpu.memory_space<hbm>>
    %dma_start3A_808 = arith.constant 0 : i32
    %dma_start3A_809 = tpu.memref_slice %arg4[%add3A_800, %dma_start3A_808] : memref<32768x1024xf32, #tpu.memory_space<hbm>> -> memref<32x1024xf32, #tpu.memory_space<hbm>>
    %dma_start3A_810 = arith.constant 0 : i32
    %dma_start3A_811 = arith.constant 0 : i32
    %dma_start3A_812 = tpu.memref_slice %arg6[%dma_start3A_801, %dma_start3A_810, %dma_start3A_811] : memref<2x32x1024xf32, #tpu.memory_space<vmem>> -> memref<1x32x1024xf32, #tpu.memory_space<vmem>>
    %dma_start3A_813 = tpu.memref_squeeze %dma_start3A_812 : memref<1x32x1024xf32, #tpu.memory_space<vmem>> -> memref<32x1024xf32, #tpu.memory_space<vmem>>
    tpu.enqueue_dma source(%dma_start3A_813 : memref<32x1024xf32, #tpu.memory_space<vmem>>) target(%dma_start3A_809 : memref<32x1024xf32, #tpu.memory_space<hbm>>) target_semaphore(%arg9 : memref<!tpu.dma_semaphore, #tpu.memory_space<semaphore_mem>>)
    %dma_wait3A_814 = arith.constant 0 : i32
    %dma_wait3A_815 = arith.constant 0 : i32
    %dma_wait3A_816 = arith.constant 0 : i32
    %dma_wait3A_817 = tpu.memref_slice %arg6[%dma_wait3A_814, %dma_wait3A_815, %dma_wait3A_816] : memref<2x32x1024xf32, #tpu.memory_space<vmem>> -> memref<1x32x1024xf32, #tpu.memory_space<vmem>>
    %dma_wait3A_818 = tpu.memref_squeeze %dma_wait3A_817 : memref<1x32x1024xf32, #tpu.memory_space<vmem>> -> memref<32x1024xf32, #tpu.memory_space<vmem>>
    %dma_wait3A_819 = arith.constant 0 : i32
    %dma_wait3A_820 = tpu.memref_slice %arg4[%mul3A_2, %dma_wait3A_819] : memref<32768x1024xf32, #tpu.memory_space<hbm>> -> memref<32x1024xf32, #tpu.memory_space<hbm>>
    %dma_wait3A_821 = arith.constant 0 : i32
    %dma_wait3A_822 = tpu.memref_slice %arg4[%mul3A_2, %dma_wait3A_821] : memref<32768x1024xf32, #tpu.memory_space<hbm>> -> memref<32x1024xf32, #tpu.memory_space<hbm>>
    %dma_wait3A_823 = arith.constant 0 : i32
    %dma_wait3A_824 = arith.constant 0 : i32
    %dma_wait3A_825 = tpu.memref_slice %arg6[%dma_wait3A_814, %dma_wait3A_823, %dma_wait3A_824] : memref<2x32x1024xf32, #tpu.memory_space<vmem>> -> memref<1x32x1024xf32, #tpu.memory_space<vmem>>
    %dma_wait3A_826 = tpu.memref_squeeze %dma_wait3A_825 : memref<1x32x1024xf32, #tpu.memory_space<vmem>> -> memref<32x1024xf32, #tpu.memory_space<vmem>>
    tpu.wait_dma2 semaphore(%arg9 : memref<!tpu.dma_semaphore, #tpu.memory_space<semaphore_mem>>) src(%dma_wait3A_826 : memref<32x1024xf32, #tpu.memory_space<vmem>>) dst(%dma_wait3A_822 : memref<32x1024xf32, #tpu.memory_space<hbm>>)
    %dma_start3A_827 = arith.constant 0 : i32
    %dma_start3A_828 = arith.constant 0 : i32
    %dma_start3A_829 = arith.constant 0 : i32
    %dma_start3A_830 = tpu.memref_slice %arg6[%dma_start3A_827, %dma_start3A_828, %dma_start3A_829] : memref<2x32x1024xf32, #tpu.memory_space<vmem>> -> memref<1x32x1024xf32, #tpu.memory_space<vmem>>
    %dma_start3A_831 = tpu.memref_squeeze %dma_start3A_830 : memref<1x32x1024xf32, #tpu.memory_space<vmem>> -> memref<32x1024xf32, #tpu.memory_space<vmem>>
    %dma_start3A_832 = arith.constant 576 : i32
    %dma_start3A_833 = tpu.memref_slice %arg5[%dma_start3A_832] : memref<1024xi32, #tpu.memory_space<vmem>> -> memref<32xi32, #tpu.memory_space<vmem>>
    %dma_start3A_834 = arith.constant 0 : i32
    %dma_start3A_835 = arith.constant 0 : i32
    %dma_start3A_836 = tpu.memref_slice %arg2[%dma_start3A_834, %dma_start3A_835] : memref<8192x1024xf32, #tpu.memory_space<hbm>> -> memref<8192x1024xf32, #tpu.memory_space<hbm>>
    tpu.enqueue_indirect_dma source(%dma_start3A_836 : memref<8192x1024xf32, #tpu.memory_space<hbm>>) target(%dma_start3A_831 : memref<32x1024xf32, #tpu.memory_space<vmem>>) offsets(%dma_start3A_833 : memref<32xi32, #tpu.memory_space<vmem>>) semaphore(%arg7 : memref<!tpu.dma_semaphore, #tpu.memory_space<semaphore_mem>>)
    %dma_wait3A_837 = arith.constant 1 : i32
    %dma_wait3A_838 = arith.constant 0 : i32
    %dma_wait3A_839 = arith.constant 0 : i32
    %dma_wait3A_840 = tpu.memref_slice %arg6[%dma_wait3A_837, %dma_wait3A_838, %dma_wait3A_839] : memref<2x32x1024xf32, #tpu.memory_space<vmem>> -> memref<1x32x1024xf32, #tpu.memory_space<vmem>>
    %dma_wait3A_841 = tpu.memref_squeeze %dma_wait3A_840 : memref<1x32x1024xf32, #tpu.memory_space<vmem>> -> memref<32x1024xf32, #tpu.memory_space<vmem>>
    %dma_wait3A_842 = arith.constant 0 : i32
    %dma_wait3A_843 = tpu.memref_slice %arg5[%dma_wait3A_842] : memref<1024xi32, #tpu.memory_space<vmem>> -> memref<32xi32, #tpu.memory_space<vmem>>
    %dma_wait3A_844 = arith.constant 0 : i32
    %dma_wait3A_845 = arith.constant 0 : i32
    %dma_wait3A_846 = tpu.memref_slice %arg2[%dma_wait3A_844, %dma_wait3A_845] : memref<8192x1024xf32, #tpu.memory_space<hbm>> -> memref<8192x1024xf32, #tpu.memory_space<hbm>>
    tpu.wait_indirect_dma semaphore(%arg8 : memref<!tpu.dma_semaphore, #tpu.memory_space<semaphore_mem>>) src(%dma_wait3A_846 : memref<8192x1024xf32, #tpu.memory_space<hbm>>) dst(%dma_wait3A_841 : memref<32x1024xf32, #tpu.memory_space<vmem>>)
    %add3A_847 = arith.constant 544 : i32
    %add3A_848 = arith.addi %mul3A_2, %add3A_847 : i32
    %dma_start3A_849 = arith.constant 1 : i32
    %dma_start3A_850 = arith.constant 0 : i32
    %dma_start3A_851 = arith.constant 0 : i32
    %dma_start3A_852 = tpu.memref_slice %arg6[%dma_start3A_849, %dma_start3A_850, %dma_start3A_851] : memref<2x32x1024xf32, #tpu.memory_space<vmem>> -> memref<1x32x1024xf32, #tpu.memory_space<vmem>>
    %dma_start3A_853 = tpu.memref_squeeze %dma_start3A_852 : memref<1x32x1024xf32, #tpu.memory_space<vmem>> -> memref<32x1024xf32, #tpu.memory_space<vmem>>
    %dma_start3A_854 = arith.constant 0 : i32
    %dma_start3A_855 = tpu.memref_slice %arg4[%add3A_848, %dma_start3A_854] : memref<32768x1024xf32, #tpu.memory_space<hbm>> -> memref<32x1024xf32, #tpu.memory_space<hbm>>
    %dma_start3A_856 = arith.constant 0 : i32
    %dma_start3A_857 = tpu.memref_slice %arg4[%add3A_848, %dma_start3A_856] : memref<32768x1024xf32, #tpu.memory_space<hbm>> -> memref<32x1024xf32, #tpu.memory_space<hbm>>
    %dma_start3A_858 = arith.constant 0 : i32
    %dma_start3A_859 = arith.constant 0 : i32
    %dma_start3A_860 = tpu.memref_slice %arg6[%dma_start3A_849, %dma_start3A_858, %dma_start3A_859] : memref<2x32x1024xf32, #tpu.memory_space<vmem>> -> memref<1x32x1024xf32, #tpu.memory_space<vmem>>
    %dma_start3A_861 = tpu.memref_squeeze %dma_start3A_860 : memref<1x32x1024xf32, #tpu.memory_space<vmem>> -> memref<32x1024xf32, #tpu.memory_space<vmem>>
    tpu.enqueue_dma source(%dma_start3A_861 : memref<32x1024xf32, #tpu.memory_space<vmem>>) target(%dma_start3A_857 : memref<32x1024xf32, #tpu.memory_space<hbm>>) target_semaphore(%arg10 : memref<!tpu.dma_semaphore, #tpu.memory_space<semaphore_mem>>)
    %dma_wait3A_862 = arith.constant 1 : i32
    %dma_wait3A_863 = arith.constant 0 : i32
    %dma_wait3A_864 = arith.constant 0 : i32
    %dma_wait3A_865 = tpu.memref_slice %arg6[%dma_wait3A_862, %dma_wait3A_863, %dma_wait3A_864] : memref<2x32x1024xf32, #tpu.memory_space<vmem>> -> memref<1x32x1024xf32, #tpu.memory_space<vmem>>
    %dma_wait3A_866 = tpu.memref_squeeze %dma_wait3A_865 : memref<1x32x1024xf32, #tpu.memory_space<vmem>> -> memref<32x1024xf32, #tpu.memory_space<vmem>>
    %dma_wait3A_867 = arith.constant 0 : i32
    %dma_wait3A_868 = tpu.memref_slice %arg4[%mul3A_2, %dma_wait3A_867] : memref<32768x1024xf32, #tpu.memory_space<hbm>> -> memref<32x1024xf32, #tpu.memory_space<hbm>>
    %dma_wait3A_869 = arith.constant 0 : i32
    %dma_wait3A_870 = tpu.memref_slice %arg4[%mul3A_2, %dma_wait3A_869] : memref<32768x1024xf32, #tpu.memory_space<hbm>> -> memref<32x1024xf32, #tpu.memory_space<hbm>>
    %dma_wait3A_871 = arith.constant 0 : i32
    %dma_wait3A_872 = arith.constant 0 : i32
    %dma_wait3A_873 = tpu.memref_slice %arg6[%dma_wait3A_862, %dma_wait3A_871, %dma_wait3A_872] : memref<2x32x1024xf32, #tpu.memory_space<vmem>> -> memref<1x32x1024xf32, #tpu.memory_space<vmem>>
    %dma_wait3A_874 = tpu.memref_squeeze %dma_wait3A_873 : memref<1x32x1024xf32, #tpu.memory_space<vmem>> -> memref<32x1024xf32, #tpu.memory_space<vmem>>
    tpu.wait_dma2 semaphore(%arg10 : memref<!tpu.dma_semaphore, #tpu.memory_space<semaphore_mem>>) src(%dma_wait3A_874 : memref<32x1024xf32, #tpu.memory_space<vmem>>) dst(%dma_wait3A_870 : memref<32x1024xf32, #tpu.memory_space<hbm>>)
    %dma_start3A_875 = arith.constant 1 : i32
    %dma_start3A_876 = arith.constant 0 : i32
    %dma_start3A_877 = arith.constant 0 : i32
    %dma_start3A_878 = tpu.memref_slice %arg6[%dma_start3A_875, %dma_start3A_876, %dma_start3A_877] : memref<2x32x1024xf32, #tpu.memory_space<vmem>> -> memref<1x32x1024xf32, #tpu.memory_space<vmem>>
    %dma_start3A_879 = tpu.memref_squeeze %dma_start3A_878 : memref<1x32x1024xf32, #tpu.memory_space<vmem>> -> memref<32x1024xf32, #tpu.memory_space<vmem>>
    %dma_start3A_880 = arith.constant 608 : i32
    %dma_start3A_881 = tpu.memref_slice %arg5[%dma_start3A_880] : memref<1024xi32, #tpu.memory_space<vmem>> -> memref<32xi32, #tpu.memory_space<vmem>>
    %dma_start3A_882 = arith.constant 0 : i32
    %dma_start3A_883 = arith.constant 0 : i32
    %dma_start3A_884 = tpu.memref_slice %arg2[%dma_start3A_882, %dma_start3A_883] : memref<8192x1024xf32, #tpu.memory_space<hbm>> -> memref<8192x1024xf32, #tpu.memory_space<hbm>>
    tpu.enqueue_indirect_dma source(%dma_start3A_884 : memref<8192x1024xf32, #tpu.memory_space<hbm>>) target(%dma_start3A_879 : memref<32x1024xf32, #tpu.memory_space<vmem>>) offsets(%dma_start3A_881 : memref<32xi32, #tpu.memory_space<vmem>>) semaphore(%arg8 : memref<!tpu.dma_semaphore, #tpu.memory_space<semaphore_mem>>)
    %dma_wait3A_885 = arith.constant 0 : i32
    %dma_wait3A_886 = arith.constant 0 : i32
    %dma_wait3A_887 = arith.constant 0 : i32
    %dma_wait3A_888 = tpu.memref_slice %arg6[%dma_wait3A_885, %dma_wait3A_886, %dma_wait3A_887] : memref<2x32x1024xf32, #tpu.memory_space<vmem>> -> memref<1x32x1024xf32, #tpu.memory_space<vmem>>
    %dma_wait3A_889 = tpu.memref_squeeze %dma_wait3A_888 : memref<1x32x1024xf32, #tpu.memory_space<vmem>> -> memref<32x1024xf32, #tpu.memory_space<vmem>>
    %dma_wait3A_890 = arith.constant 0 : i32
    %dma_wait3A_891 = tpu.memref_slice %arg5[%dma_wait3A_890] : memref<1024xi32, #tpu.memory_space<vmem>> -> memref<32xi32, #tpu.memory_space<vmem>>
    %dma_wait3A_892 = arith.constant 0 : i32
    %dma_wait3A_893 = arith.constant 0 : i32
    %dma_wait3A_894 = tpu.memref_slice %arg2[%dma_wait3A_892, %dma_wait3A_893] : memref<8192x1024xf32, #tpu.memory_space<hbm>> -> memref<8192x1024xf32, #tpu.memory_space<hbm>>
    tpu.wait_indirect_dma semaphore(%arg7 : memref<!tpu.dma_semaphore, #tpu.memory_space<semaphore_mem>>) src(%dma_wait3A_894 : memref<8192x1024xf32, #tpu.memory_space<hbm>>) dst(%dma_wait3A_889 : memref<32x1024xf32, #tpu.memory_space<vmem>>)
    %add3A_895 = arith.constant 576 : i32
    %add3A_896 = arith.addi %mul3A_2, %add3A_895 : i32
    %dma_start3A_897 = arith.constant 0 : i32
    %dma_start3A_898 = arith.constant 0 : i32
    %dma_start3A_899 = arith.constant 0 : i32
    %dma_start3A_900 = tpu.memref_slice %arg6[%dma_start3A_897, %dma_start3A_898, %dma_start3A_899] : memref<2x32x1024xf32, #tpu.memory_space<vmem>> -> memref<1x32x1024xf32, #tpu.memory_space<vmem>>
    %dma_start3A_901 = tpu.memref_squeeze %dma_start3A_900 : memref<1x32x1024xf32, #tpu.memory_space<vmem>> -> memref<32x1024xf32, #tpu.memory_space<vmem>>
    %dma_start3A_902 = arith.constant 0 : i32
    %dma_start3A_903 = tpu.memref_slice %arg4[%add3A_896, %dma_start3A_902] : memref<32768x1024xf32, #tpu.memory_space<hbm>> -> memref<32x1024xf32, #tpu.memory_space<hbm>>
    %dma_start3A_904 = arith.constant 0 : i32
    %dma_start3A_905 = tpu.memref_slice %arg4[%add3A_896, %dma_start3A_904] : memref<32768x1024xf32, #tpu.memory_space<hbm>> -> memref<32x1024xf32, #tpu.memory_space<hbm>>
    %dma_start3A_906 = arith.constant 0 : i32
    %dma_start3A_907 = arith.constant 0 : i32
    %dma_start3A_908 = tpu.memref_slice %arg6[%dma_start3A_897, %dma_start3A_906, %dma_start3A_907] : memref<2x32x1024xf32, #tpu.memory_space<vmem>> -> memref<1x32x1024xf32, #tpu.memory_space<vmem>>
    %dma_start3A_909 = tpu.memref_squeeze %dma_start3A_908 : memref<1x32x1024xf32, #tpu.memory_space<vmem>> -> memref<32x1024xf32, #tpu.memory_space<vmem>>
    tpu.enqueue_dma source(%dma_start3A_909 : memref<32x1024xf32, #tpu.memory_space<vmem>>) target(%dma_start3A_905 : memref<32x1024xf32, #tpu.memory_space<hbm>>) target_semaphore(%arg9 : memref<!tpu.dma_semaphore, #tpu.memory_space<semaphore_mem>>)
    %dma_wait3A_910 = arith.constant 0 : i32
    %dma_wait3A_911 = arith.constant 0 : i32
    %dma_wait3A_912 = arith.constant 0 : i32
    %dma_wait3A_913 = tpu.memref_slice %arg6[%dma_wait3A_910, %dma_wait3A_911, %dma_wait3A_912] : memref<2x32x1024xf32, #tpu.memory_space<vmem>> -> memref<1x32x1024xf32, #tpu.memory_space<vmem>>
    %dma_wait3A_914 = tpu.memref_squeeze %dma_wait3A_913 : memref<1x32x1024xf32, #tpu.memory_space<vmem>> -> memref<32x1024xf32, #tpu.memory_space<vmem>>
    %dma_wait3A_915 = arith.constant 0 : i32
    %dma_wait3A_916 = tpu.memref_slice %arg4[%mul3A_2, %dma_wait3A_915] : memref<32768x1024xf32, #tpu.memory_space<hbm>> -> memref<32x1024xf32, #tpu.memory_space<hbm>>
    %dma_wait3A_917 = arith.constant 0 : i32
    %dma_wait3A_918 = tpu.memref_slice %arg4[%mul3A_2, %dma_wait3A_917] : memref<32768x1024xf32, #tpu.memory_space<hbm>> -> memref<32x1024xf32, #tpu.memory_space<hbm>>
    %dma_wait3A_919 = arith.constant 0 : i32
    %dma_wait3A_920 = arith.constant 0 : i32
    %dma_wait3A_921 = tpu.memref_slice %arg6[%dma_wait3A_910, %dma_wait3A_919, %dma_wait3A_920] : memref<2x32x1024xf32, #tpu.memory_space<vmem>> -> memref<1x32x1024xf32, #tpu.memory_space<vmem>>
    %dma_wait3A_922 = tpu.memref_squeeze %dma_wait3A_921 : memref<1x32x1024xf32, #tpu.memory_space<vmem>> -> memref<32x1024xf32, #tpu.memory_space<vmem>>
    tpu.wait_dma2 semaphore(%arg9 : memref<!tpu.dma_semaphore, #tpu.memory_space<semaphore_mem>>) src(%dma_wait3A_922 : memref<32x1024xf32, #tpu.memory_space<vmem>>) dst(%dma_wait3A_918 : memref<32x1024xf32, #tpu.memory_space<hbm>>)
    %dma_start3A_923 = arith.constant 0 : i32
    %dma_start3A_924 = arith.constant 0 : i32
    %dma_start3A_925 = arith.constant 0 : i32
    %dma_start3A_926 = tpu.memref_slice %arg6[%dma_start3A_923, %dma_start3A_924, %dma_start3A_925] : memref<2x32x1024xf32, #tpu.memory_space<vmem>> -> memref<1x32x1024xf32, #tpu.memory_space<vmem>>
    %dma_start3A_927 = tpu.memref_squeeze %dma_start3A_926 : memref<1x32x1024xf32, #tpu.memory_space<vmem>> -> memref<32x1024xf32, #tpu.memory_space<vmem>>
    %dma_start3A_928 = arith.constant 640 : i32
    %dma_start3A_929 = tpu.memref_slice %arg5[%dma_start3A_928] : memref<1024xi32, #tpu.memory_space<vmem>> -> memref<32xi32, #tpu.memory_space<vmem>>
    %dma_start3A_930 = arith.constant 0 : i32
    %dma_start3A_931 = arith.constant 0 : i32
    %dma_start3A_932 = tpu.memref_slice %arg2[%dma_start3A_930, %dma_start3A_931] : memref<8192x1024xf32, #tpu.memory_space<hbm>> -> memref<8192x1024xf32, #tpu.memory_space<hbm>>
    tpu.enqueue_indirect_dma source(%dma_start3A_932 : memref<8192x1024xf32, #tpu.memory_space<hbm>>) target(%dma_start3A_927 : memref<32x1024xf32, #tpu.memory_space<vmem>>) offsets(%dma_start3A_929 : memref<32xi32, #tpu.memory_space<vmem>>) semaphore(%arg7 : memref<!tpu.dma_semaphore, #tpu.memory_space<semaphore_mem>>)
    %dma_wait3A_933 = arith.constant 1 : i32
    %dma_wait3A_934 = arith.constant 0 : i32
    %dma_wait3A_935 = arith.constant 0 : i32
    %dma_wait3A_936 = tpu.memref_slice %arg6[%dma_wait3A_933, %dma_wait3A_934, %dma_wait3A_935] : memref<2x32x1024xf32, #tpu.memory_space<vmem>> -> memref<1x32x1024xf32, #tpu.memory_space<vmem>>
    %dma_wait3A_937 = tpu.memref_squeeze %dma_wait3A_936 : memref<1x32x1024xf32, #tpu.memory_space<vmem>> -> memref<32x1024xf32, #tpu.memory_space<vmem>>
    %dma_wait3A_938 = arith.constant 0 : i32
    %dma_wait3A_939 = tpu.memref_slice %arg5[%dma_wait3A_938] : memref<1024xi32, #tpu.memory_space<vmem>> -> memref<32xi32, #tpu.memory_space<vmem>>
    %dma_wait3A_940 = arith.constant 0 : i32
    %dma_wait3A_941 = arith.constant 0 : i32
    %dma_wait3A_942 = tpu.memref_slice %arg2[%dma_wait3A_940, %dma_wait3A_941] : memref<8192x1024xf32, #tpu.memory_space<hbm>> -> memref<8192x1024xf32, #tpu.memory_space<hbm>>
    tpu.wait_indirect_dma semaphore(%arg8 : memref<!tpu.dma_semaphore, #tpu.memory_space<semaphore_mem>>) src(%dma_wait3A_942 : memref<8192x1024xf32, #tpu.memory_space<hbm>>) dst(%dma_wait3A_937 : memref<32x1024xf32, #tpu.memory_space<vmem>>)
    %add3A_943 = arith.constant 608 : i32
    %add3A_944 = arith.addi %mul3A_2, %add3A_943 : i32
    %dma_start3A_945 = arith.constant 1 : i32
    %dma_start3A_946 = arith.constant 0 : i32
    %dma_start3A_947 = arith.constant 0 : i32
    %dma_start3A_948 = tpu.memref_slice %arg6[%dma_start3A_945, %dma_start3A_946, %dma_start3A_947] : memref<2x32x1024xf32, #tpu.memory_space<vmem>> -> memref<1x32x1024xf32, #tpu.memory_space<vmem>>
    %dma_start3A_949 = tpu.memref_squeeze %dma_start3A_948 : memref<1x32x1024xf32, #tpu.memory_space<vmem>> -> memref<32x1024xf32, #tpu.memory_space<vmem>>
    %dma_start3A_950 = arith.constant 0 : i32
    %dma_start3A_951 = tpu.memref_slice %arg4[%add3A_944, %dma_start3A_950] : memref<32768x1024xf32, #tpu.memory_space<hbm>> -> memref<32x1024xf32, #tpu.memory_space<hbm>>
    %dma_start3A_952 = arith.constant 0 : i32
    %dma_start3A_953 = tpu.memref_slice %arg4[%add3A_944, %dma_start3A_952] : memref<32768x1024xf32, #tpu.memory_space<hbm>> -> memref<32x1024xf32, #tpu.memory_space<hbm>>
    %dma_start3A_954 = arith.constant 0 : i32
    %dma_start3A_955 = arith.constant 0 : i32
    %dma_start3A_956 = tpu.memref_slice %arg6[%dma_start3A_945, %dma_start3A_954, %dma_start3A_955] : memref<2x32x1024xf32, #tpu.memory_space<vmem>> -> memref<1x32x1024xf32, #tpu.memory_space<vmem>>
    %dma_start3A_957 = tpu.memref_squeeze %dma_start3A_956 : memref<1x32x1024xf32, #tpu.memory_space<vmem>> -> memref<32x1024xf32, #tpu.memory_space<vmem>>
    tpu.enqueue_dma source(%dma_start3A_957 : memref<32x1024xf32, #tpu.memory_space<vmem>>) target(%dma_start3A_953 : memref<32x1024xf32, #tpu.memory_space<hbm>>) target_semaphore(%arg10 : memref<!tpu.dma_semaphore, #tpu.memory_space<semaphore_mem>>)
    %dma_wait3A_958 = arith.constant 1 : i32
    %dma_wait3A_959 = arith.constant 0 : i32
    %dma_wait3A_960 = arith.constant 0 : i32
    %dma_wait3A_961 = tpu.memref_slice %arg6[%dma_wait3A_958, %dma_wait3A_959, %dma_wait3A_960] : memref<2x32x1024xf32, #tpu.memory_space<vmem>> -> memref<1x32x1024xf32, #tpu.memory_space<vmem>>
    %dma_wait3A_962 = tpu.memref_squeeze %dma_wait3A_961 : memref<1x32x1024xf32, #tpu.memory_space<vmem>> -> memref<32x1024xf32, #tpu.memory_space<vmem>>
    %dma_wait3A_963 = arith.constant 0 : i32
    %dma_wait3A_964 = tpu.memref_slice %arg4[%mul3A_2, %dma_wait3A_963] : memref<32768x1024xf32, #tpu.memory_space<hbm>> -> memref<32x1024xf32, #tpu.memory_space<hbm>>
    %dma_wait3A_965 = arith.constant 0 : i32
    %dma_wait3A_966 = tpu.memref_slice %arg4[%mul3A_2, %dma_wait3A_965] : memref<32768x1024xf32, #tpu.memory_space<hbm>> -> memref<32x1024xf32, #tpu.memory_space<hbm>>
    %dma_wait3A_967 = arith.constant 0 : i32
    %dma_wait3A_968 = arith.constant 0 : i32
    %dma_wait3A_969 = tpu.memref_slice %arg6[%dma_wait3A_958, %dma_wait3A_967, %dma_wait3A_968] : memref<2x32x1024xf32, #tpu.memory_space<vmem>> -> memref<1x32x1024xf32, #tpu.memory_space<vmem>>
    %dma_wait3A_970 = tpu.memref_squeeze %dma_wait3A_969 : memref<1x32x1024xf32, #tpu.memory_space<vmem>> -> memref<32x1024xf32, #tpu.memory_space<vmem>>
    tpu.wait_dma2 semaphore(%arg10 : memref<!tpu.dma_semaphore, #tpu.memory_space<semaphore_mem>>) src(%dma_wait3A_970 : memref<32x1024xf32, #tpu.memory_space<vmem>>) dst(%dma_wait3A_966 : memref<32x1024xf32, #tpu.memory_space<hbm>>)
    %dma_start3A_971 = arith.constant 1 : i32
    %dma_start3A_972 = arith.constant 0 : i32
    %dma_start3A_973 = arith.constant 0 : i32
    %dma_start3A_974 = tpu.memref_slice %arg6[%dma_start3A_971, %dma_start3A_972, %dma_start3A_973] : memref<2x32x1024xf32, #tpu.memory_space<vmem>> -> memref<1x32x1024xf32, #tpu.memory_space<vmem>>
    %dma_start3A_975 = tpu.memref_squeeze %dma_start3A_974 : memref<1x32x1024xf32, #tpu.memory_space<vmem>> -> memref<32x1024xf32, #tpu.memory_space<vmem>>
    %dma_start3A_976 = arith.constant 672 : i32
    %dma_start3A_977 = tpu.memref_slice %arg5[%dma_start3A_976] : memref<1024xi32, #tpu.memory_space<vmem>> -> memref<32xi32, #tpu.memory_space<vmem>>
    %dma_start3A_978 = arith.constant 0 : i32
    %dma_start3A_979 = arith.constant 0 : i32
    %dma_start3A_980 = tpu.memref_slice %arg2[%dma_start3A_978, %dma_start3A_979] : memref<8192x1024xf32, #tpu.memory_space<hbm>> -> memref<8192x1024xf32, #tpu.memory_space<hbm>>
    tpu.enqueue_indirect_dma source(%dma_start3A_980 : memref<8192x1024xf32, #tpu.memory_space<hbm>>) target(%dma_start3A_975 : memref<32x1024xf32, #tpu.memory_space<vmem>>) offsets(%dma_start3A_977 : memref<32xi32, #tpu.memory_space<vmem>>) semaphore(%arg8 : memref<!tpu.dma_semaphore, #tpu.memory_space<semaphore_mem>>)
    %dma_wait3A_981 = arith.constant 0 : i32
    %dma_wait3A_982 = arith.constant 0 : i32
    %dma_wait3A_983 = arith.constant 0 : i32
    %dma_wait3A_984 = tpu.memref_slice %arg6[%dma_wait3A_981, %dma_wait3A_982, %dma_wait3A_983] : memref<2x32x1024xf32, #tpu.memory_space<vmem>> -> memref<1x32x1024xf32, #tpu.memory_space<vmem>>
    %dma_wait3A_985 = tpu.memref_squeeze %dma_wait3A_984 : memref<1x32x1024xf32, #tpu.memory_space<vmem>> -> memref<32x1024xf32, #tpu.memory_space<vmem>>
    %dma_wait3A_986 = arith.constant 0 : i32
    %dma_wait3A_987 = tpu.memref_slice %arg5[%dma_wait3A_986] : memref<1024xi32, #tpu.memory_space<vmem>> -> memref<32xi32, #tpu.memory_space<vmem>>
    %dma_wait3A_988 = arith.constant 0 : i32
    %dma_wait3A_989 = arith.constant 0 : i32
    %dma_wait3A_990 = tpu.memref_slice %arg2[%dma_wait3A_988, %dma_wait3A_989] : memref<8192x1024xf32, #tpu.memory_space<hbm>> -> memref<8192x1024xf32, #tpu.memory_space<hbm>>
    tpu.wait_indirect_dma semaphore(%arg7 : memref<!tpu.dma_semaphore, #tpu.memory_space<semaphore_mem>>) src(%dma_wait3A_990 : memref<8192x1024xf32, #tpu.memory_space<hbm>>) dst(%dma_wait3A_985 : memref<32x1024xf32, #tpu.memory_space<vmem>>)
    %add3A_991 = arith.constant 640 : i32
    %add3A_992 = arith.addi %mul3A_2, %add3A_991 : i32
    %dma_start3A_993 = arith.constant 0 : i32
    %dma_start3A_994 = arith.constant 0 : i32
    %dma_start3A_995 = arith.constant 0 : i32
    %dma_start3A_996 = tpu.memref_slice %arg6[%dma_start3A_993, %dma_start3A_994, %dma_start3A_995] : memref<2x32x1024xf32, #tpu.memory_space<vmem>> -> memref<1x32x1024xf32, #tpu.memory_space<vmem>>
    %dma_start3A_997 = tpu.memref_squeeze %dma_start3A_996 : memref<1x32x1024xf32, #tpu.memory_space<vmem>> -> memref<32x1024xf32, #tpu.memory_space<vmem>>
    %dma_start3A_998 = arith.constant 0 : i32
    %dma_start3A_999 = tpu.memref_slice %arg4[%add3A_992, %dma_start3A_998] : memref<32768x1024xf32, #tpu.memory_space<hbm>> -> memref<32x1024xf32, #tpu.memory_space<hbm>>
    %dma_start3A_1000 = arith.constant 0 : i32
    %dma_start3A_1001 = tpu.memref_slice %arg4[%add3A_992, %dma_start3A_1000] : memref<32768x1024xf32, #tpu.memory_space<hbm>> -> memref<32x1024xf32, #tpu.memory_space<hbm>>
    %dma_start3A_1002 = arith.constant 0 : i32
    %dma_start3A_1003 = arith.constant 0 : i32
    %dma_start3A_1004 = tpu.memref_slice %arg6[%dma_start3A_993, %dma_start3A_1002, %dma_start3A_1003] : memref<2x32x1024xf32, #tpu.memory_space<vmem>> -> memref<1x32x1024xf32, #tpu.memory_space<vmem>>
    %dma_start3A_1005 = tpu.memref_squeeze %dma_start3A_1004 : memref<1x32x1024xf32, #tpu.memory_space<vmem>> -> memref<32x1024xf32, #tpu.memory_space<vmem>>
    tpu.enqueue_dma source(%dma_start3A_1005 : memref<32x1024xf32, #tpu.memory_space<vmem>>) target(%dma_start3A_1001 : memref<32x1024xf32, #tpu.memory_space<hbm>>) target_semaphore(%arg9 : memref<!tpu.dma_semaphore, #tpu.memory_space<semaphore_mem>>)
    %dma_wait3A_1006 = arith.constant 0 : i32
    %dma_wait3A_1007 = arith.constant 0 : i32
    %dma_wait3A_1008 = arith.constant 0 : i32
    %dma_wait3A_1009 = tpu.memref_slice %arg6[%dma_wait3A_1006, %dma_wait3A_1007, %dma_wait3A_1008] : memref<2x32x1024xf32, #tpu.memory_space<vmem>> -> memref<1x32x1024xf32, #tpu.memory_space<vmem>>
    %dma_wait3A_1010 = tpu.memref_squeeze %dma_wait3A_1009 : memref<1x32x1024xf32, #tpu.memory_space<vmem>> -> memref<32x1024xf32, #tpu.memory_space<vmem>>
    %dma_wait3A_1011 = arith.constant 0 : i32
    %dma_wait3A_1012 = tpu.memref_slice %arg4[%mul3A_2, %dma_wait3A_1011] : memref<32768x1024xf32, #tpu.memory_space<hbm>> -> memref<32x1024xf32, #tpu.memory_space<hbm>>
    %dma_wait3A_1013 = arith.constant 0 : i32
    %dma_wait3A_1014 = tpu.memref_slice %arg4[%mul3A_2, %dma_wait3A_1013] : memref<32768x1024xf32, #tpu.memory_space<hbm>> -> memref<32x1024xf32, #tpu.memory_space<hbm>>
    %dma_wait3A_1015 = arith.constant 0 : i32
    %dma_wait3A_1016 = arith.constant 0 : i32
    %dma_wait3A_1017 = tpu.memref_slice %arg6[%dma_wait3A_1006, %dma_wait3A_1015, %dma_wait3A_1016] : memref<2x32x1024xf32, #tpu.memory_space<vmem>> -> memref<1x32x1024xf32, #tpu.memory_space<vmem>>
    %dma_wait3A_1018 = tpu.memref_squeeze %dma_wait3A_1017 : memref<1x32x1024xf32, #tpu.memory_space<vmem>> -> memref<32x1024xf32, #tpu.memory_space<vmem>>
    tpu.wait_dma2 semaphore(%arg9 : memref<!tpu.dma_semaphore, #tpu.memory_space<semaphore_mem>>) src(%dma_wait3A_1018 : memref<32x1024xf32, #tpu.memory_space<vmem>>) dst(%dma_wait3A_1014 : memref<32x1024xf32, #tpu.memory_space<hbm>>)
    %dma_start3A_1019 = arith.constant 0 : i32
    %dma_start3A_1020 = arith.constant 0 : i32
    %dma_start3A_1021 = arith.constant 0 : i32
    %dma_start3A_1022 = tpu.memref_slice %arg6[%dma_start3A_1019, %dma_start3A_1020, %dma_start3A_1021] : memref<2x32x1024xf32, #tpu.memory_space<vmem>> -> memref<1x32x1024xf32, #tpu.memory_space<vmem>>
    %dma_start3A_1023 = tpu.memref_squeeze %dma_start3A_1022 : memref<1x32x1024xf32, #tpu.memory_space<vmem>> -> memref<32x1024xf32, #tpu.memory_space<vmem>>
    %dma_start3A_1024 = arith.constant 704 : i32
    %dma_start3A_1025 = tpu.memref_slice %arg5[%dma_start3A_1024] : memref<1024xi32, #tpu.memory_space<vmem>> -> memref<32xi32, #tpu.memory_space<vmem>>
    %dma_start3A_1026 = arith.constant 0 : i32
    %dma_start3A_1027 = arith.constant 0 : i32
    %dma_start3A_1028 = tpu.memref_slice %arg2[%dma_start3A_1026, %dma_start3A_1027] : memref<8192x1024xf32, #tpu.memory_space<hbm>> -> memref<8192x1024xf32, #tpu.memory_space<hbm>>
    tpu.enqueue_indirect_dma source(%dma_start3A_1028 : memref<8192x1024xf32, #tpu.memory_space<hbm>>) target(%dma_start3A_1023 : memref<32x1024xf32, #tpu.memory_space<vmem>>) offsets(%dma_start3A_1025 : memref<32xi32, #tpu.memory_space<vmem>>) semaphore(%arg7 : memref<!tpu.dma_semaphore, #tpu.memory_space<semaphore_mem>>)
    %dma_wait3A_1029 = arith.constant 1 : i32
    %dma_wait3A_1030 = arith.constant 0 : i32
    %dma_wait3A_1031 = arith.constant 0 : i32
    %dma_wait3A_1032 = tpu.memref_slice %arg6[%dma_wait3A_1029, %dma_wait3A_1030, %dma_wait3A_1031] : memref<2x32x1024xf32, #tpu.memory_space<vmem>> -> memref<1x32x1024xf32, #tpu.memory_space<vmem>>
    %dma_wait3A_1033 = tpu.memref_squeeze %dma_wait3A_1032 : memref<1x32x1024xf32, #tpu.memory_space<vmem>> -> memref<32x1024xf32, #tpu.memory_space<vmem>>
    %dma_wait3A_1034 = arith.constant 0 : i32
    %dma_wait3A_1035 = tpu.memref_slice %arg5[%dma_wait3A_1034] : memref<1024xi32, #tpu.memory_space<vmem>> -> memref<32xi32, #tpu.memory_space<vmem>>
    %dma_wait3A_1036 = arith.constant 0 : i32
    %dma_wait3A_1037 = arith.constant 0 : i32
    %dma_wait3A_1038 = tpu.memref_slice %arg2[%dma_wait3A_1036, %dma_wait3A_1037] : memref<8192x1024xf32, #tpu.memory_space<hbm>> -> memref<8192x1024xf32, #tpu.memory_space<hbm>>
    tpu.wait_indirect_dma semaphore(%arg8 : memref<!tpu.dma_semaphore, #tpu.memory_space<semaphore_mem>>) src(%dma_wait3A_1038 : memref<8192x1024xf32, #tpu.memory_space<hbm>>) dst(%dma_wait3A_1033 : memref<32x1024xf32, #tpu.memory_space<vmem>>)
    %add3A_1039 = arith.constant 672 : i32
    %add3A_1040 = arith.addi %mul3A_2, %add3A_1039 : i32
    %dma_start3A_1041 = arith.constant 1 : i32
    %dma_start3A_1042 = arith.constant 0 : i32
    %dma_start3A_1043 = arith.constant 0 : i32
    %dma_start3A_1044 = tpu.memref_slice %arg6[%dma_start3A_1041, %dma_start3A_1042, %dma_start3A_1043] : memref<2x32x1024xf32, #tpu.memory_space<vmem>> -> memref<1x32x1024xf32, #tpu.memory_space<vmem>>
    %dma_start3A_1045 = tpu.memref_squeeze %dma_start3A_1044 : memref<1x32x1024xf32, #tpu.memory_space<vmem>> -> memref<32x1024xf32, #tpu.memory_space<vmem>>
    %dma_start3A_1046 = arith.constant 0 : i32
    %dma_start3A_1047 = tpu.memref_slice %arg4[%add3A_1040, %dma_start3A_1046] : memref<32768x1024xf32, #tpu.memory_space<hbm>> -> memref<32x1024xf32, #tpu.memory_space<hbm>>
    %dma_start3A_1048 = arith.constant 0 : i32
    %dma_start3A_1049 = tpu.memref_slice %arg4[%add3A_1040, %dma_start3A_1048] : memref<32768x1024xf32, #tpu.memory_space<hbm>> -> memref<32x1024xf32, #tpu.memory_space<hbm>>
    %dma_start3A_1050 = arith.constant 0 : i32
    %dma_start3A_1051 = arith.constant 0 : i32
    %dma_start3A_1052 = tpu.memref_slice %arg6[%dma_start3A_1041, %dma_start3A_1050, %dma_start3A_1051] : memref<2x32x1024xf32, #tpu.memory_space<vmem>> -> memref<1x32x1024xf32, #tpu.memory_space<vmem>>
    %dma_start3A_1053 = tpu.memref_squeeze %dma_start3A_1052 : memref<1x32x1024xf32, #tpu.memory_space<vmem>> -> memref<32x1024xf32, #tpu.memory_space<vmem>>
    tpu.enqueue_dma source(%dma_start3A_1053 : memref<32x1024xf32, #tpu.memory_space<vmem>>) target(%dma_start3A_1049 : memref<32x1024xf32, #tpu.memory_space<hbm>>) target_semaphore(%arg10 : memref<!tpu.dma_semaphore, #tpu.memory_space<semaphore_mem>>)
    %dma_wait3A_1054 = arith.constant 1 : i32
    %dma_wait3A_1055 = arith.constant 0 : i32
    %dma_wait3A_1056 = arith.constant 0 : i32
    %dma_wait3A_1057 = tpu.memref_slice %arg6[%dma_wait3A_1054, %dma_wait3A_1055, %dma_wait3A_1056] : memref<2x32x1024xf32, #tpu.memory_space<vmem>> -> memref<1x32x1024xf32, #tpu.memory_space<vmem>>
    %dma_wait3A_1058 = tpu.memref_squeeze %dma_wait3A_1057 : memref<1x32x1024xf32, #tpu.memory_space<vmem>> -> memref<32x1024xf32, #tpu.memory_space<vmem>>
    %dma_wait3A_1059 = arith.constant 0 : i32
    %dma_wait3A_1060 = tpu.memref_slice %arg4[%mul3A_2, %dma_wait3A_1059] : memref<32768x1024xf32, #tpu.memory_space<hbm>> -> memref<32x1024xf32, #tpu.memory_space<hbm>>
    %dma_wait3A_1061 = arith.constant 0 : i32
    %dma_wait3A_1062 = tpu.memref_slice %arg4[%mul3A_2, %dma_wait3A_1061] : memref<32768x1024xf32, #tpu.memory_space<hbm>> -> memref<32x1024xf32, #tpu.memory_space<hbm>>
    %dma_wait3A_1063 = arith.constant 0 : i32
    %dma_wait3A_1064 = arith.constant 0 : i32
    %dma_wait3A_1065 = tpu.memref_slice %arg6[%dma_wait3A_1054, %dma_wait3A_1063, %dma_wait3A_1064] : memref<2x32x1024xf32, #tpu.memory_space<vmem>> -> memref<1x32x1024xf32, #tpu.memory_space<vmem>>
    %dma_wait3A_1066 = tpu.memref_squeeze %dma_wait3A_1065 : memref<1x32x1024xf32, #tpu.memory_space<vmem>> -> memref<32x1024xf32, #tpu.memory_space<vmem>>
    tpu.wait_dma2 semaphore(%arg10 : memref<!tpu.dma_semaphore, #tpu.memory_space<semaphore_mem>>) src(%dma_wait3A_1066 : memref<32x1024xf32, #tpu.memory_space<vmem>>) dst(%dma_wait3A_1062 : memref<32x1024xf32, #tpu.memory_space<hbm>>)
    %dma_start3A_1067 = arith.constant 1 : i32
    %dma_start3A_1068 = arith.constant 0 : i32
    %dma_start3A_1069 = arith.constant 0 : i32
    %dma_start3A_1070 = tpu.memref_slice %arg6[%dma_start3A_1067, %dma_start3A_1068, %dma_start3A_1069] : memref<2x32x1024xf32, #tpu.memory_space<vmem>> -> memref<1x32x1024xf32, #tpu.memory_space<vmem>>
    %dma_start3A_1071 = tpu.memref_squeeze %dma_start3A_1070 : memref<1x32x1024xf32, #tpu.memory_space<vmem>> -> memref<32x1024xf32, #tpu.memory_space<vmem>>
    %dma_start3A_1072 = arith.constant 736 : i32
    %dma_start3A_1073 = tpu.memref_slice %arg5[%dma_start3A_1072] : memref<1024xi32, #tpu.memory_space<vmem>> -> memref<32xi32, #tpu.memory_space<vmem>>
    %dma_start3A_1074 = arith.constant 0 : i32
    %dma_start3A_1075 = arith.constant 0 : i32
    %dma_start3A_1076 = tpu.memref_slice %arg2[%dma_start3A_1074, %dma_start3A_1075] : memref<8192x1024xf32, #tpu.memory_space<hbm>> -> memref<8192x1024xf32, #tpu.memory_space<hbm>>
    tpu.enqueue_indirect_dma source(%dma_start3A_1076 : memref<8192x1024xf32, #tpu.memory_space<hbm>>) target(%dma_start3A_1071 : memref<32x1024xf32, #tpu.memory_space<vmem>>) offsets(%dma_start3A_1073 : memref<32xi32, #tpu.memory_space<vmem>>) semaphore(%arg8 : memref<!tpu.dma_semaphore, #tpu.memory_space<semaphore_mem>>)
    %dma_wait3A_1077 = arith.constant 0 : i32
    %dma_wait3A_1078 = arith.constant 0 : i32
    %dma_wait3A_1079 = arith.constant 0 : i32
    %dma_wait3A_1080 = tpu.memref_slice %arg6[%dma_wait3A_1077, %dma_wait3A_1078, %dma_wait3A_1079] : memref<2x32x1024xf32, #tpu.memory_space<vmem>> -> memref<1x32x1024xf32, #tpu.memory_space<vmem>>
    %dma_wait3A_1081 = tpu.memref_squeeze %dma_wait3A_1080 : memref<1x32x1024xf32, #tpu.memory_space<vmem>> -> memref<32x1024xf32, #tpu.memory_space<vmem>>
    %dma_wait3A_1082 = arith.constant 0 : i32
    %dma_wait3A_1083 = tpu.memref_slice %arg5[%dma_wait3A_1082] : memref<1024xi32, #tpu.memory_space<vmem>> -> memref<32xi32, #tpu.memory_space<vmem>>
    %dma_wait3A_1084 = arith.constant 0 : i32
    %dma_wait3A_1085 = arith.constant 0 : i32
    %dma_wait3A_1086 = tpu.memref_slice %arg2[%dma_wait3A_1084, %dma_wait3A_1085] : memref<8192x1024xf32, #tpu.memory_space<hbm>> -> memref<8192x1024xf32, #tpu.memory_space<hbm>>
    tpu.wait_indirect_dma semaphore(%arg7 : memref<!tpu.dma_semaphore, #tpu.memory_space<semaphore_mem>>) src(%dma_wait3A_1086 : memref<8192x1024xf32, #tpu.memory_space<hbm>>) dst(%dma_wait3A_1081 : memref<32x1024xf32, #tpu.memory_space<vmem>>)
    %add3A_1087 = arith.constant 704 : i32
    %add3A_1088 = arith.addi %mul3A_2, %add3A_1087 : i32
    %dma_start3A_1089 = arith.constant 0 : i32
    %dma_start3A_1090 = arith.constant 0 : i32
    %dma_start3A_1091 = arith.constant 0 : i32
    %dma_start3A_1092 = tpu.memref_slice %arg6[%dma_start3A_1089, %dma_start3A_1090, %dma_start3A_1091] : memref<2x32x1024xf32, #tpu.memory_space<vmem>> -> memref<1x32x1024xf32, #tpu.memory_space<vmem>>
    %dma_start3A_1093 = tpu.memref_squeeze %dma_start3A_1092 : memref<1x32x1024xf32, #tpu.memory_space<vmem>> -> memref<32x1024xf32, #tpu.memory_space<vmem>>
    %dma_start3A_1094 = arith.constant 0 : i32
    %dma_start3A_1095 = tpu.memref_slice %arg4[%add3A_1088, %dma_start3A_1094] : memref<32768x1024xf32, #tpu.memory_space<hbm>> -> memref<32x1024xf32, #tpu.memory_space<hbm>>
    %dma_start3A_1096 = arith.constant 0 : i32
    %dma_start3A_1097 = tpu.memref_slice %arg4[%add3A_1088, %dma_start3A_1096] : memref<32768x1024xf32, #tpu.memory_space<hbm>> -> memref<32x1024xf32, #tpu.memory_space<hbm>>
    %dma_start3A_1098 = arith.constant 0 : i32
    %dma_start3A_1099 = arith.constant 0 : i32
    %dma_start3A_1100 = tpu.memref_slice %arg6[%dma_start3A_1089, %dma_start3A_1098, %dma_start3A_1099] : memref<2x32x1024xf32, #tpu.memory_space<vmem>> -> memref<1x32x1024xf32, #tpu.memory_space<vmem>>
    %dma_start3A_1101 = tpu.memref_squeeze %dma_start3A_1100 : memref<1x32x1024xf32, #tpu.memory_space<vmem>> -> memref<32x1024xf32, #tpu.memory_space<vmem>>
    tpu.enqueue_dma source(%dma_start3A_1101 : memref<32x1024xf32, #tpu.memory_space<vmem>>) target(%dma_start3A_1097 : memref<32x1024xf32, #tpu.memory_space<hbm>>) target_semaphore(%arg9 : memref<!tpu.dma_semaphore, #tpu.memory_space<semaphore_mem>>)
    %dma_wait3A_1102 = arith.constant 0 : i32
    %dma_wait3A_1103 = arith.constant 0 : i32
    %dma_wait3A_1104 = arith.constant 0 : i32
    %dma_wait3A_1105 = tpu.memref_slice %arg6[%dma_wait3A_1102, %dma_wait3A_1103, %dma_wait3A_1104] : memref<2x32x1024xf32, #tpu.memory_space<vmem>> -> memref<1x32x1024xf32, #tpu.memory_space<vmem>>
    %dma_wait3A_1106 = tpu.memref_squeeze %dma_wait3A_1105 : memref<1x32x1024xf32, #tpu.memory_space<vmem>> -> memref<32x1024xf32, #tpu.memory_space<vmem>>
    %dma_wait3A_1107 = arith.constant 0 : i32
    %dma_wait3A_1108 = tpu.memref_slice %arg4[%mul3A_2, %dma_wait3A_1107] : memref<32768x1024xf32, #tpu.memory_space<hbm>> -> memref<32x1024xf32, #tpu.memory_space<hbm>>
    %dma_wait3A_1109 = arith.constant 0 : i32
    %dma_wait3A_1110 = tpu.memref_slice %arg4[%mul3A_2, %dma_wait3A_1109] : memref<32768x1024xf32, #tpu.memory_space<hbm>> -> memref<32x1024xf32, #tpu.memory_space<hbm>>
    %dma_wait3A_1111 = arith.constant 0 : i32
    %dma_wait3A_1112 = arith.constant 0 : i32
    %dma_wait3A_1113 = tpu.memref_slice %arg6[%dma_wait3A_1102, %dma_wait3A_1111, %dma_wait3A_1112] : memref<2x32x1024xf32, #tpu.memory_space<vmem>> -> memref<1x32x1024xf32, #tpu.memory_space<vmem>>
    %dma_wait3A_1114 = tpu.memref_squeeze %dma_wait3A_1113 : memref<1x32x1024xf32, #tpu.memory_space<vmem>> -> memref<32x1024xf32, #tpu.memory_space<vmem>>
    tpu.wait_dma2 semaphore(%arg9 : memref<!tpu.dma_semaphore, #tpu.memory_space<semaphore_mem>>) src(%dma_wait3A_1114 : memref<32x1024xf32, #tpu.memory_space<vmem>>) dst(%dma_wait3A_1110 : memref<32x1024xf32, #tpu.memory_space<hbm>>)
    %dma_start3A_1115 = arith.constant 0 : i32
    %dma_start3A_1116 = arith.constant 0 : i32
    %dma_start3A_1117 = arith.constant 0 : i32
    %dma_start3A_1118 = tpu.memref_slice %arg6[%dma_start3A_1115, %dma_start3A_1116, %dma_start3A_1117] : memref<2x32x1024xf32, #tpu.memory_space<vmem>> -> memref<1x32x1024xf32, #tpu.memory_space<vmem>>
    %dma_start3A_1119 = tpu.memref_squeeze %dma_start3A_1118 : memref<1x32x1024xf32, #tpu.memory_space<vmem>> -> memref<32x1024xf32, #tpu.memory_space<vmem>>
    %dma_start3A_1120 = arith.constant 768 : i32
    %dma_start3A_1121 = tpu.memref_slice %arg5[%dma_start3A_1120] : memref<1024xi32, #tpu.memory_space<vmem>> -> memref<32xi32, #tpu.memory_space<vmem>>
    %dma_start3A_1122 = arith.constant 0 : i32
    %dma_start3A_1123 = arith.constant 0 : i32
    %dma_start3A_1124 = tpu.memref_slice %arg2[%dma_start3A_1122, %dma_start3A_1123] : memref<8192x1024xf32, #tpu.memory_space<hbm>> -> memref<8192x1024xf32, #tpu.memory_space<hbm>>
    tpu.enqueue_indirect_dma source(%dma_start3A_1124 : memref<8192x1024xf32, #tpu.memory_space<hbm>>) target(%dma_start3A_1119 : memref<32x1024xf32, #tpu.memory_space<vmem>>) offsets(%dma_start3A_1121 : memref<32xi32, #tpu.memory_space<vmem>>) semaphore(%arg7 : memref<!tpu.dma_semaphore, #tpu.memory_space<semaphore_mem>>)
    %dma_wait3A_1125 = arith.constant 1 : i32
    %dma_wait3A_1126 = arith.constant 0 : i32
    %dma_wait3A_1127 = arith.constant 0 : i32
    %dma_wait3A_1128 = tpu.memref_slice %arg6[%dma_wait3A_1125, %dma_wait3A_1126, %dma_wait3A_1127] : memref<2x32x1024xf32, #tpu.memory_space<vmem>> -> memref<1x32x1024xf32, #tpu.memory_space<vmem>>
    %dma_wait3A_1129 = tpu.memref_squeeze %dma_wait3A_1128 : memref<1x32x1024xf32, #tpu.memory_space<vmem>> -> memref<32x1024xf32, #tpu.memory_space<vmem>>
    %dma_wait3A_1130 = arith.constant 0 : i32
    %dma_wait3A_1131 = tpu.memref_slice %arg5[%dma_wait3A_1130] : memref<1024xi32, #tpu.memory_space<vmem>> -> memref<32xi32, #tpu.memory_space<vmem>>
    %dma_wait3A_1132 = arith.constant 0 : i32
    %dma_wait3A_1133 = arith.constant 0 : i32
    %dma_wait3A_1134 = tpu.memref_slice %arg2[%dma_wait3A_1132, %dma_wait3A_1133] : memref<8192x1024xf32, #tpu.memory_space<hbm>> -> memref<8192x1024xf32, #tpu.memory_space<hbm>>
    tpu.wait_indirect_dma semaphore(%arg8 : memref<!tpu.dma_semaphore, #tpu.memory_space<semaphore_mem>>) src(%dma_wait3A_1134 : memref<8192x1024xf32, #tpu.memory_space<hbm>>) dst(%dma_wait3A_1129 : memref<32x1024xf32, #tpu.memory_space<vmem>>)
    %add3A_1135 = arith.constant 736 : i32
    %add3A_1136 = arith.addi %mul3A_2, %add3A_1135 : i32
    %dma_start3A_1137 = arith.constant 1 : i32
    %dma_start3A_1138 = arith.constant 0 : i32
    %dma_start3A_1139 = arith.constant 0 : i32
    %dma_start3A_1140 = tpu.memref_slice %arg6[%dma_start3A_1137, %dma_start3A_1138, %dma_start3A_1139] : memref<2x32x1024xf32, #tpu.memory_space<vmem>> -> memref<1x32x1024xf32, #tpu.memory_space<vmem>>
    %dma_start3A_1141 = tpu.memref_squeeze %dma_start3A_1140 : memref<1x32x1024xf32, #tpu.memory_space<vmem>> -> memref<32x1024xf32, #tpu.memory_space<vmem>>
    %dma_start3A_1142 = arith.constant 0 : i32
    %dma_start3A_1143 = tpu.memref_slice %arg4[%add3A_1136, %dma_start3A_1142] : memref<32768x1024xf32, #tpu.memory_space<hbm>> -> memref<32x1024xf32, #tpu.memory_space<hbm>>
    %dma_start3A_1144 = arith.constant 0 : i32
    %dma_start3A_1145 = tpu.memref_slice %arg4[%add3A_1136, %dma_start3A_1144] : memref<32768x1024xf32, #tpu.memory_space<hbm>> -> memref<32x1024xf32, #tpu.memory_space<hbm>>
    %dma_start3A_1146 = arith.constant 0 : i32
    %dma_start3A_1147 = arith.constant 0 : i32
    %dma_start3A_1148 = tpu.memref_slice %arg6[%dma_start3A_1137, %dma_start3A_1146, %dma_start3A_1147] : memref<2x32x1024xf32, #tpu.memory_space<vmem>> -> memref<1x32x1024xf32, #tpu.memory_space<vmem>>
    %dma_start3A_1149 = tpu.memref_squeeze %dma_start3A_1148 : memref<1x32x1024xf32, #tpu.memory_space<vmem>> -> memref<32x1024xf32, #tpu.memory_space<vmem>>
    tpu.enqueue_dma source(%dma_start3A_1149 : memref<32x1024xf32, #tpu.memory_space<vmem>>) target(%dma_start3A_1145 : memref<32x1024xf32, #tpu.memory_space<hbm>>) target_semaphore(%arg10 : memref<!tpu.dma_semaphore, #tpu.memory_space<semaphore_mem>>)
    %dma_wait3A_1150 = arith.constant 1 : i32
    %dma_wait3A_1151 = arith.constant 0 : i32
    %dma_wait3A_1152 = arith.constant 0 : i32
    %dma_wait3A_1153 = tpu.memref_slice %arg6[%dma_wait3A_1150, %dma_wait3A_1151, %dma_wait3A_1152] : memref<2x32x1024xf32, #tpu.memory_space<vmem>> -> memref<1x32x1024xf32, #tpu.memory_space<vmem>>
    %dma_wait3A_1154 = tpu.memref_squeeze %dma_wait3A_1153 : memref<1x32x1024xf32, #tpu.memory_space<vmem>> -> memref<32x1024xf32, #tpu.memory_space<vmem>>
    %dma_wait3A_1155 = arith.constant 0 : i32
    %dma_wait3A_1156 = tpu.memref_slice %arg4[%mul3A_2, %dma_wait3A_1155] : memref<32768x1024xf32, #tpu.memory_space<hbm>> -> memref<32x1024xf32, #tpu.memory_space<hbm>>
    %dma_wait3A_1157 = arith.constant 0 : i32
    %dma_wait3A_1158 = tpu.memref_slice %arg4[%mul3A_2, %dma_wait3A_1157] : memref<32768x1024xf32, #tpu.memory_space<hbm>> -> memref<32x1024xf32, #tpu.memory_space<hbm>>
    %dma_wait3A_1159 = arith.constant 0 : i32
    %dma_wait3A_1160 = arith.constant 0 : i32
    %dma_wait3A_1161 = tpu.memref_slice %arg6[%dma_wait3A_1150, %dma_wait3A_1159, %dma_wait3A_1160] : memref<2x32x1024xf32, #tpu.memory_space<vmem>> -> memref<1x32x1024xf32, #tpu.memory_space<vmem>>
    %dma_wait3A_1162 = tpu.memref_squeeze %dma_wait3A_1161 : memref<1x32x1024xf32, #tpu.memory_space<vmem>> -> memref<32x1024xf32, #tpu.memory_space<vmem>>
    tpu.wait_dma2 semaphore(%arg10 : memref<!tpu.dma_semaphore, #tpu.memory_space<semaphore_mem>>) src(%dma_wait3A_1162 : memref<32x1024xf32, #tpu.memory_space<vmem>>) dst(%dma_wait3A_1158 : memref<32x1024xf32, #tpu.memory_space<hbm>>)
    %dma_start3A_1163 = arith.constant 1 : i32
    %dma_start3A_1164 = arith.constant 0 : i32
    %dma_start3A_1165 = arith.constant 0 : i32
    %dma_start3A_1166 = tpu.memref_slice %arg6[%dma_start3A_1163, %dma_start3A_1164, %dma_start3A_1165] : memref<2x32x1024xf32, #tpu.memory_space<vmem>> -> memref<1x32x1024xf32, #tpu.memory_space<vmem>>
    %dma_start3A_1167 = tpu.memref_squeeze %dma_start3A_1166 : memref<1x32x1024xf32, #tpu.memory_space<vmem>> -> memref<32x1024xf32, #tpu.memory_space<vmem>>
    %dma_start3A_1168 = arith.constant 800 : i32
    %dma_start3A_1169 = tpu.memref_slice %arg5[%dma_start3A_1168] : memref<1024xi32, #tpu.memory_space<vmem>> -> memref<32xi32, #tpu.memory_space<vmem>>
    %dma_start3A_1170 = arith.constant 0 : i32
    %dma_start3A_1171 = arith.constant 0 : i32
    %dma_start3A_1172 = tpu.memref_slice %arg2[%dma_start3A_1170, %dma_start3A_1171] : memref<8192x1024xf32, #tpu.memory_space<hbm>> -> memref<8192x1024xf32, #tpu.memory_space<hbm>>
    tpu.enqueue_indirect_dma source(%dma_start3A_1172 : memref<8192x1024xf32, #tpu.memory_space<hbm>>) target(%dma_start3A_1167 : memref<32x1024xf32, #tpu.memory_space<vmem>>) offsets(%dma_start3A_1169 : memref<32xi32, #tpu.memory_space<vmem>>) semaphore(%arg8 : memref<!tpu.dma_semaphore, #tpu.memory_space<semaphore_mem>>)
    %dma_wait3A_1173 = arith.constant 0 : i32
    %dma_wait3A_1174 = arith.constant 0 : i32
    %dma_wait3A_1175 = arith.constant 0 : i32
    %dma_wait3A_1176 = tpu.memref_slice %arg6[%dma_wait3A_1173, %dma_wait3A_1174, %dma_wait3A_1175] : memref<2x32x1024xf32, #tpu.memory_space<vmem>> -> memref<1x32x1024xf32, #tpu.memory_space<vmem>>
    %dma_wait3A_1177 = tpu.memref_squeeze %dma_wait3A_1176 : memref<1x32x1024xf32, #tpu.memory_space<vmem>> -> memref<32x1024xf32, #tpu.memory_space<vmem>>
    %dma_wait3A_1178 = arith.constant 0 : i32
    %dma_wait3A_1179 = tpu.memref_slice %arg5[%dma_wait3A_1178] : memref<1024xi32, #tpu.memory_space<vmem>> -> memref<32xi32, #tpu.memory_space<vmem>>
    %dma_wait3A_1180 = arith.constant 0 : i32
    %dma_wait3A_1181 = arith.constant 0 : i32
    %dma_wait3A_1182 = tpu.memref_slice %arg2[%dma_wait3A_1180, %dma_wait3A_1181] : memref<8192x1024xf32, #tpu.memory_space<hbm>> -> memref<8192x1024xf32, #tpu.memory_space<hbm>>
    tpu.wait_indirect_dma semaphore(%arg7 : memref<!tpu.dma_semaphore, #tpu.memory_space<semaphore_mem>>) src(%dma_wait3A_1182 : memref<8192x1024xf32, #tpu.memory_space<hbm>>) dst(%dma_wait3A_1177 : memref<32x1024xf32, #tpu.memory_space<vmem>>)
    %add3A_1183 = arith.constant 768 : i32
    %add3A_1184 = arith.addi %mul3A_2, %add3A_1183 : i32
    %dma_start3A_1185 = arith.constant 0 : i32
    %dma_start3A_1186 = arith.constant 0 : i32
    %dma_start3A_1187 = arith.constant 0 : i32
    %dma_start3A_1188 = tpu.memref_slice %arg6[%dma_start3A_1185, %dma_start3A_1186, %dma_start3A_1187] : memref<2x32x1024xf32, #tpu.memory_space<vmem>> -> memref<1x32x1024xf32, #tpu.memory_space<vmem>>
    %dma_start3A_1189 = tpu.memref_squeeze %dma_start3A_1188 : memref<1x32x1024xf32, #tpu.memory_space<vmem>> -> memref<32x1024xf32, #tpu.memory_space<vmem>>
    %dma_start3A_1190 = arith.constant 0 : i32
    %dma_start3A_1191 = tpu.memref_slice %arg4[%add3A_1184, %dma_start3A_1190] : memref<32768x1024xf32, #tpu.memory_space<hbm>> -> memref<32x1024xf32, #tpu.memory_space<hbm>>
    %dma_start3A_1192 = arith.constant 0 : i32
    %dma_start3A_1193 = tpu.memref_slice %arg4[%add3A_1184, %dma_start3A_1192] : memref<32768x1024xf32, #tpu.memory_space<hbm>> -> memref<32x1024xf32, #tpu.memory_space<hbm>>
    %dma_start3A_1194 = arith.constant 0 : i32
    %dma_start3A_1195 = arith.constant 0 : i32
    %dma_start3A_1196 = tpu.memref_slice %arg6[%dma_start3A_1185, %dma_start3A_1194, %dma_start3A_1195] : memref<2x32x1024xf32, #tpu.memory_space<vmem>> -> memref<1x32x1024xf32, #tpu.memory_space<vmem>>
    %dma_start3A_1197 = tpu.memref_squeeze %dma_start3A_1196 : memref<1x32x1024xf32, #tpu.memory_space<vmem>> -> memref<32x1024xf32, #tpu.memory_space<vmem>>
    tpu.enqueue_dma source(%dma_start3A_1197 : memref<32x1024xf32, #tpu.memory_space<vmem>>) target(%dma_start3A_1193 : memref<32x1024xf32, #tpu.memory_space<hbm>>) target_semaphore(%arg9 : memref<!tpu.dma_semaphore, #tpu.memory_space<semaphore_mem>>)
    %dma_wait3A_1198 = arith.constant 0 : i32
    %dma_wait3A_1199 = arith.constant 0 : i32
    %dma_wait3A_1200 = arith.constant 0 : i32
    %dma_wait3A_1201 = tpu.memref_slice %arg6[%dma_wait3A_1198, %dma_wait3A_1199, %dma_wait3A_1200] : memref<2x32x1024xf32, #tpu.memory_space<vmem>> -> memref<1x32x1024xf32, #tpu.memory_space<vmem>>
    %dma_wait3A_1202 = tpu.memref_squeeze %dma_wait3A_1201 : memref<1x32x1024xf32, #tpu.memory_space<vmem>> -> memref<32x1024xf32, #tpu.memory_space<vmem>>
    %dma_wait3A_1203 = arith.constant 0 : i32
    %dma_wait3A_1204 = tpu.memref_slice %arg4[%mul3A_2, %dma_wait3A_1203] : memref<32768x1024xf32, #tpu.memory_space<hbm>> -> memref<32x1024xf32, #tpu.memory_space<hbm>>
    %dma_wait3A_1205 = arith.constant 0 : i32
    %dma_wait3A_1206 = tpu.memref_slice %arg4[%mul3A_2, %dma_wait3A_1205] : memref<32768x1024xf32, #tpu.memory_space<hbm>> -> memref<32x1024xf32, #tpu.memory_space<hbm>>
    %dma_wait3A_1207 = arith.constant 0 : i32
    %dma_wait3A_1208 = arith.constant 0 : i32
    %dma_wait3A_1209 = tpu.memref_slice %arg6[%dma_wait3A_1198, %dma_wait3A_1207, %dma_wait3A_1208] : memref<2x32x1024xf32, #tpu.memory_space<vmem>> -> memref<1x32x1024xf32, #tpu.memory_space<vmem>>
    %dma_wait3A_1210 = tpu.memref_squeeze %dma_wait3A_1209 : memref<1x32x1024xf32, #tpu.memory_space<vmem>> -> memref<32x1024xf32, #tpu.memory_space<vmem>>
    tpu.wait_dma2 semaphore(%arg9 : memref<!tpu.dma_semaphore, #tpu.memory_space<semaphore_mem>>) src(%dma_wait3A_1210 : memref<32x1024xf32, #tpu.memory_space<vmem>>) dst(%dma_wait3A_1206 : memref<32x1024xf32, #tpu.memory_space<hbm>>)
    %dma_start3A_1211 = arith.constant 0 : i32
    %dma_start3A_1212 = arith.constant 0 : i32
    %dma_start3A_1213 = arith.constant 0 : i32
    %dma_start3A_1214 = tpu.memref_slice %arg6[%dma_start3A_1211, %dma_start3A_1212, %dma_start3A_1213] : memref<2x32x1024xf32, #tpu.memory_space<vmem>> -> memref<1x32x1024xf32, #tpu.memory_space<vmem>>
    %dma_start3A_1215 = tpu.memref_squeeze %dma_start3A_1214 : memref<1x32x1024xf32, #tpu.memory_space<vmem>> -> memref<32x1024xf32, #tpu.memory_space<vmem>>
    %dma_start3A_1216 = arith.constant 832 : i32
    %dma_start3A_1217 = tpu.memref_slice %arg5[%dma_start3A_1216] : memref<1024xi32, #tpu.memory_space<vmem>> -> memref<32xi32, #tpu.memory_space<vmem>>
    %dma_start3A_1218 = arith.constant 0 : i32
    %dma_start3A_1219 = arith.constant 0 : i32
    %dma_start3A_1220 = tpu.memref_slice %arg2[%dma_start3A_1218, %dma_start3A_1219] : memref<8192x1024xf32, #tpu.memory_space<hbm>> -> memref<8192x1024xf32, #tpu.memory_space<hbm>>
    tpu.enqueue_indirect_dma source(%dma_start3A_1220 : memref<8192x1024xf32, #tpu.memory_space<hbm>>) target(%dma_start3A_1215 : memref<32x1024xf32, #tpu.memory_space<vmem>>) offsets(%dma_start3A_1217 : memref<32xi32, #tpu.memory_space<vmem>>) semaphore(%arg7 : memref<!tpu.dma_semaphore, #tpu.memory_space<semaphore_mem>>)
    %dma_wait3A_1221 = arith.constant 1 : i32
    %dma_wait3A_1222 = arith.constant 0 : i32
    %dma_wait3A_1223 = arith.constant 0 : i32
    %dma_wait3A_1224 = tpu.memref_slice %arg6[%dma_wait3A_1221, %dma_wait3A_1222, %dma_wait3A_1223] : memref<2x32x1024xf32, #tpu.memory_space<vmem>> -> memref<1x32x1024xf32, #tpu.memory_space<vmem>>
    %dma_wait3A_1225 = tpu.memref_squeeze %dma_wait3A_1224 : memref<1x32x1024xf32, #tpu.memory_space<vmem>> -> memref<32x1024xf32, #tpu.memory_space<vmem>>
    %dma_wait3A_1226 = arith.constant 0 : i32
    %dma_wait3A_1227 = tpu.memref_slice %arg5[%dma_wait3A_1226] : memref<1024xi32, #tpu.memory_space<vmem>> -> memref<32xi32, #tpu.memory_space<vmem>>
    %dma_wait3A_1228 = arith.constant 0 : i32
    %dma_wait3A_1229 = arith.constant 0 : i32
    %dma_wait3A_1230 = tpu.memref_slice %arg2[%dma_wait3A_1228, %dma_wait3A_1229] : memref<8192x1024xf32, #tpu.memory_space<hbm>> -> memref<8192x1024xf32, #tpu.memory_space<hbm>>
    tpu.wait_indirect_dma semaphore(%arg8 : memref<!tpu.dma_semaphore, #tpu.memory_space<semaphore_mem>>) src(%dma_wait3A_1230 : memref<8192x1024xf32, #tpu.memory_space<hbm>>) dst(%dma_wait3A_1225 : memref<32x1024xf32, #tpu.memory_space<vmem>>)
    %add3A_1231 = arith.constant 800 : i32
    %add3A_1232 = arith.addi %mul3A_2, %add3A_1231 : i32
    %dma_start3A_1233 = arith.constant 1 : i32
    %dma_start3A_1234 = arith.constant 0 : i32
    %dma_start3A_1235 = arith.constant 0 : i32
    %dma_start3A_1236 = tpu.memref_slice %arg6[%dma_start3A_1233, %dma_start3A_1234, %dma_start3A_1235] : memref<2x32x1024xf32, #tpu.memory_space<vmem>> -> memref<1x32x1024xf32, #tpu.memory_space<vmem>>
    %dma_start3A_1237 = tpu.memref_squeeze %dma_start3A_1236 : memref<1x32x1024xf32, #tpu.memory_space<vmem>> -> memref<32x1024xf32, #tpu.memory_space<vmem>>
    %dma_start3A_1238 = arith.constant 0 : i32
    %dma_start3A_1239 = tpu.memref_slice %arg4[%add3A_1232, %dma_start3A_1238] : memref<32768x1024xf32, #tpu.memory_space<hbm>> -> memref<32x1024xf32, #tpu.memory_space<hbm>>
    %dma_start3A_1240 = arith.constant 0 : i32
    %dma_start3A_1241 = tpu.memref_slice %arg4[%add3A_1232, %dma_start3A_1240] : memref<32768x1024xf32, #tpu.memory_space<hbm>> -> memref<32x1024xf32, #tpu.memory_space<hbm>>
    %dma_start3A_1242 = arith.constant 0 : i32
    %dma_start3A_1243 = arith.constant 0 : i32
    %dma_start3A_1244 = tpu.memref_slice %arg6[%dma_start3A_1233, %dma_start3A_1242, %dma_start3A_1243] : memref<2x32x1024xf32, #tpu.memory_space<vmem>> -> memref<1x32x1024xf32, #tpu.memory_space<vmem>>
    %dma_start3A_1245 = tpu.memref_squeeze %dma_start3A_1244 : memref<1x32x1024xf32, #tpu.memory_space<vmem>> -> memref<32x1024xf32, #tpu.memory_space<vmem>>
    tpu.enqueue_dma source(%dma_start3A_1245 : memref<32x1024xf32, #tpu.memory_space<vmem>>) target(%dma_start3A_1241 : memref<32x1024xf32, #tpu.memory_space<hbm>>) target_semaphore(%arg10 : memref<!tpu.dma_semaphore, #tpu.memory_space<semaphore_mem>>)
    %dma_wait3A_1246 = arith.constant 1 : i32
    %dma_wait3A_1247 = arith.constant 0 : i32
    %dma_wait3A_1248 = arith.constant 0 : i32
    %dma_wait3A_1249 = tpu.memref_slice %arg6[%dma_wait3A_1246, %dma_wait3A_1247, %dma_wait3A_1248] : memref<2x32x1024xf32, #tpu.memory_space<vmem>> -> memref<1x32x1024xf32, #tpu.memory_space<vmem>>
    %dma_wait3A_1250 = tpu.memref_squeeze %dma_wait3A_1249 : memref<1x32x1024xf32, #tpu.memory_space<vmem>> -> memref<32x1024xf32, #tpu.memory_space<vmem>>
    %dma_wait3A_1251 = arith.constant 0 : i32
    %dma_wait3A_1252 = tpu.memref_slice %arg4[%mul3A_2, %dma_wait3A_1251] : memref<32768x1024xf32, #tpu.memory_space<hbm>> -> memref<32x1024xf32, #tpu.memory_space<hbm>>
    %dma_wait3A_1253 = arith.constant 0 : i32
    %dma_wait3A_1254 = tpu.memref_slice %arg4[%mul3A_2, %dma_wait3A_1253] : memref<32768x1024xf32, #tpu.memory_space<hbm>> -> memref<32x1024xf32, #tpu.memory_space<hbm>>
    %dma_wait3A_1255 = arith.constant 0 : i32
    %dma_wait3A_1256 = arith.constant 0 : i32
    %dma_wait3A_1257 = tpu.memref_slice %arg6[%dma_wait3A_1246, %dma_wait3A_1255, %dma_wait3A_1256] : memref<2x32x1024xf32, #tpu.memory_space<vmem>> -> memref<1x32x1024xf32, #tpu.memory_space<vmem>>
    %dma_wait3A_1258 = tpu.memref_squeeze %dma_wait3A_1257 : memref<1x32x1024xf32, #tpu.memory_space<vmem>> -> memref<32x1024xf32, #tpu.memory_space<vmem>>
    tpu.wait_dma2 semaphore(%arg10 : memref<!tpu.dma_semaphore, #tpu.memory_space<semaphore_mem>>) src(%dma_wait3A_1258 : memref<32x1024xf32, #tpu.memory_space<vmem>>) dst(%dma_wait3A_1254 : memref<32x1024xf32, #tpu.memory_space<hbm>>)
    %dma_start3A_1259 = arith.constant 1 : i32
    %dma_start3A_1260 = arith.constant 0 : i32
    %dma_start3A_1261 = arith.constant 0 : i32
    %dma_start3A_1262 = tpu.memref_slice %arg6[%dma_start3A_1259, %dma_start3A_1260, %dma_start3A_1261] : memref<2x32x1024xf32, #tpu.memory_space<vmem>> -> memref<1x32x1024xf32, #tpu.memory_space<vmem>>
    %dma_start3A_1263 = tpu.memref_squeeze %dma_start3A_1262 : memref<1x32x1024xf32, #tpu.memory_space<vmem>> -> memref<32x1024xf32, #tpu.memory_space<vmem>>
    %dma_start3A_1264 = arith.constant 864 : i32
    %dma_start3A_1265 = tpu.memref_slice %arg5[%dma_start3A_1264] : memref<1024xi32, #tpu.memory_space<vmem>> -> memref<32xi32, #tpu.memory_space<vmem>>
    %dma_start3A_1266 = arith.constant 0 : i32
    %dma_start3A_1267 = arith.constant 0 : i32
    %dma_start3A_1268 = tpu.memref_slice %arg2[%dma_start3A_1266, %dma_start3A_1267] : memref<8192x1024xf32, #tpu.memory_space<hbm>> -> memref<8192x1024xf32, #tpu.memory_space<hbm>>
    tpu.enqueue_indirect_dma source(%dma_start3A_1268 : memref<8192x1024xf32, #tpu.memory_space<hbm>>) target(%dma_start3A_1263 : memref<32x1024xf32, #tpu.memory_space<vmem>>) offsets(%dma_start3A_1265 : memref<32xi32, #tpu.memory_space<vmem>>) semaphore(%arg8 : memref<!tpu.dma_semaphore, #tpu.memory_space<semaphore_mem>>)
    %dma_wait3A_1269 = arith.constant 0 : i32
    %dma_wait3A_1270 = arith.constant 0 : i32
    %dma_wait3A_1271 = arith.constant 0 : i32
    %dma_wait3A_1272 = tpu.memref_slice %arg6[%dma_wait3A_1269, %dma_wait3A_1270, %dma_wait3A_1271] : memref<2x32x1024xf32, #tpu.memory_space<vmem>> -> memref<1x32x1024xf32, #tpu.memory_space<vmem>>
    %dma_wait3A_1273 = tpu.memref_squeeze %dma_wait3A_1272 : memref<1x32x1024xf32, #tpu.memory_space<vmem>> -> memref<32x1024xf32, #tpu.memory_space<vmem>>
    %dma_wait3A_1274 = arith.constant 0 : i32
    %dma_wait3A_1275 = tpu.memref_slice %arg5[%dma_wait3A_1274] : memref<1024xi32, #tpu.memory_space<vmem>> -> memref<32xi32, #tpu.memory_space<vmem>>
    %dma_wait3A_1276 = arith.constant 0 : i32
    %dma_wait3A_1277 = arith.constant 0 : i32
    %dma_wait3A_1278 = tpu.memref_slice %arg2[%dma_wait3A_1276, %dma_wait3A_1277] : memref<8192x1024xf32, #tpu.memory_space<hbm>> -> memref<8192x1024xf32, #tpu.memory_space<hbm>>
    tpu.wait_indirect_dma semaphore(%arg7 : memref<!tpu.dma_semaphore, #tpu.memory_space<semaphore_mem>>) src(%dma_wait3A_1278 : memref<8192x1024xf32, #tpu.memory_space<hbm>>) dst(%dma_wait3A_1273 : memref<32x1024xf32, #tpu.memory_space<vmem>>)
    %add3A_1279 = arith.constant 832 : i32
    %add3A_1280 = arith.addi %mul3A_2, %add3A_1279 : i32
    %dma_start3A_1281 = arith.constant 0 : i32
    %dma_start3A_1282 = arith.constant 0 : i32
    %dma_start3A_1283 = arith.constant 0 : i32
    %dma_start3A_1284 = tpu.memref_slice %arg6[%dma_start3A_1281, %dma_start3A_1282, %dma_start3A_1283] : memref<2x32x1024xf32, #tpu.memory_space<vmem>> -> memref<1x32x1024xf32, #tpu.memory_space<vmem>>
    %dma_start3A_1285 = tpu.memref_squeeze %dma_start3A_1284 : memref<1x32x1024xf32, #tpu.memory_space<vmem>> -> memref<32x1024xf32, #tpu.memory_space<vmem>>
    %dma_start3A_1286 = arith.constant 0 : i32
    %dma_start3A_1287 = tpu.memref_slice %arg4[%add3A_1280, %dma_start3A_1286] : memref<32768x1024xf32, #tpu.memory_space<hbm>> -> memref<32x1024xf32, #tpu.memory_space<hbm>>
    %dma_start3A_1288 = arith.constant 0 : i32
    %dma_start3A_1289 = tpu.memref_slice %arg4[%add3A_1280, %dma_start3A_1288] : memref<32768x1024xf32, #tpu.memory_space<hbm>> -> memref<32x1024xf32, #tpu.memory_space<hbm>>
    %dma_start3A_1290 = arith.constant 0 : i32
    %dma_start3A_1291 = arith.constant 0 : i32
    %dma_start3A_1292 = tpu.memref_slice %arg6[%dma_start3A_1281, %dma_start3A_1290, %dma_start3A_1291] : memref<2x32x1024xf32, #tpu.memory_space<vmem>> -> memref<1x32x1024xf32, #tpu.memory_space<vmem>>
    %dma_start3A_1293 = tpu.memref_squeeze %dma_start3A_1292 : memref<1x32x1024xf32, #tpu.memory_space<vmem>> -> memref<32x1024xf32, #tpu.memory_space<vmem>>
    tpu.enqueue_dma source(%dma_start3A_1293 : memref<32x1024xf32, #tpu.memory_space<vmem>>) target(%dma_start3A_1289 : memref<32x1024xf32, #tpu.memory_space<hbm>>) target_semaphore(%arg9 : memref<!tpu.dma_semaphore, #tpu.memory_space<semaphore_mem>>)
    %dma_wait3A_1294 = arith.constant 0 : i32
    %dma_wait3A_1295 = arith.constant 0 : i32
    %dma_wait3A_1296 = arith.constant 0 : i32
    %dma_wait3A_1297 = tpu.memref_slice %arg6[%dma_wait3A_1294, %dma_wait3A_1295, %dma_wait3A_1296] : memref<2x32x1024xf32, #tpu.memory_space<vmem>> -> memref<1x32x1024xf32, #tpu.memory_space<vmem>>
    %dma_wait3A_1298 = tpu.memref_squeeze %dma_wait3A_1297 : memref<1x32x1024xf32, #tpu.memory_space<vmem>> -> memref<32x1024xf32, #tpu.memory_space<vmem>>
    %dma_wait3A_1299 = arith.constant 0 : i32
    %dma_wait3A_1300 = tpu.memref_slice %arg4[%mul3A_2, %dma_wait3A_1299] : memref<32768x1024xf32, #tpu.memory_space<hbm>> -> memref<32x1024xf32, #tpu.memory_space<hbm>>
    %dma_wait3A_1301 = arith.constant 0 : i32
    %dma_wait3A_1302 = tpu.memref_slice %arg4[%mul3A_2, %dma_wait3A_1301] : memref<32768x1024xf32, #tpu.memory_space<hbm>> -> memref<32x1024xf32, #tpu.memory_space<hbm>>
    %dma_wait3A_1303 = arith.constant 0 : i32
    %dma_wait3A_1304 = arith.constant 0 : i32
    %dma_wait3A_1305 = tpu.memref_slice %arg6[%dma_wait3A_1294, %dma_wait3A_1303, %dma_wait3A_1304] : memref<2x32x1024xf32, #tpu.memory_space<vmem>> -> memref<1x32x1024xf32, #tpu.memory_space<vmem>>
    %dma_wait3A_1306 = tpu.memref_squeeze %dma_wait3A_1305 : memref<1x32x1024xf32, #tpu.memory_space<vmem>> -> memref<32x1024xf32, #tpu.memory_space<vmem>>
    tpu.wait_dma2 semaphore(%arg9 : memref<!tpu.dma_semaphore, #tpu.memory_space<semaphore_mem>>) src(%dma_wait3A_1306 : memref<32x1024xf32, #tpu.memory_space<vmem>>) dst(%dma_wait3A_1302 : memref<32x1024xf32, #tpu.memory_space<hbm>>)
    %dma_start3A_1307 = arith.constant 0 : i32
    %dma_start3A_1308 = arith.constant 0 : i32
    %dma_start3A_1309 = arith.constant 0 : i32
    %dma_start3A_1310 = tpu.memref_slice %arg6[%dma_start3A_1307, %dma_start3A_1308, %dma_start3A_1309] : memref<2x32x1024xf32, #tpu.memory_space<vmem>> -> memref<1x32x1024xf32, #tpu.memory_space<vmem>>
    %dma_start3A_1311 = tpu.memref_squeeze %dma_start3A_1310 : memref<1x32x1024xf32, #tpu.memory_space<vmem>> -> memref<32x1024xf32, #tpu.memory_space<vmem>>
    %dma_start3A_1312 = arith.constant 896 : i32
    %dma_start3A_1313 = tpu.memref_slice %arg5[%dma_start3A_1312] : memref<1024xi32, #tpu.memory_space<vmem>> -> memref<32xi32, #tpu.memory_space<vmem>>
    %dma_start3A_1314 = arith.constant 0 : i32
    %dma_start3A_1315 = arith.constant 0 : i32
    %dma_start3A_1316 = tpu.memref_slice %arg2[%dma_start3A_1314, %dma_start3A_1315] : memref<8192x1024xf32, #tpu.memory_space<hbm>> -> memref<8192x1024xf32, #tpu.memory_space<hbm>>
    tpu.enqueue_indirect_dma source(%dma_start3A_1316 : memref<8192x1024xf32, #tpu.memory_space<hbm>>) target(%dma_start3A_1311 : memref<32x1024xf32, #tpu.memory_space<vmem>>) offsets(%dma_start3A_1313 : memref<32xi32, #tpu.memory_space<vmem>>) semaphore(%arg7 : memref<!tpu.dma_semaphore, #tpu.memory_space<semaphore_mem>>)
    %dma_wait3A_1317 = arith.constant 1 : i32
    %dma_wait3A_1318 = arith.constant 0 : i32
    %dma_wait3A_1319 = arith.constant 0 : i32
    %dma_wait3A_1320 = tpu.memref_slice %arg6[%dma_wait3A_1317, %dma_wait3A_1318, %dma_wait3A_1319] : memref<2x32x1024xf32, #tpu.memory_space<vmem>> -> memref<1x32x1024xf32, #tpu.memory_space<vmem>>
    %dma_wait3A_1321 = tpu.memref_squeeze %dma_wait3A_1320 : memref<1x32x1024xf32, #tpu.memory_space<vmem>> -> memref<32x1024xf32, #tpu.memory_space<vmem>>
    %dma_wait3A_1322 = arith.constant 0 : i32
    %dma_wait3A_1323 = tpu.memref_slice %arg5[%dma_wait3A_1322] : memref<1024xi32, #tpu.memory_space<vmem>> -> memref<32xi32, #tpu.memory_space<vmem>>
    %dma_wait3A_1324 = arith.constant 0 : i32
    %dma_wait3A_1325 = arith.constant 0 : i32
    %dma_wait3A_1326 = tpu.memref_slice %arg2[%dma_wait3A_1324, %dma_wait3A_1325] : memref<8192x1024xf32, #tpu.memory_space<hbm>> -> memref<8192x1024xf32, #tpu.memory_space<hbm>>
    tpu.wait_indirect_dma semaphore(%arg8 : memref<!tpu.dma_semaphore, #tpu.memory_space<semaphore_mem>>) src(%dma_wait3A_1326 : memref<8192x1024xf32, #tpu.memory_space<hbm>>) dst(%dma_wait3A_1321 : memref<32x1024xf32, #tpu.memory_space<vmem>>)
    %add3A_1327 = arith.constant 864 : i32
    %add3A_1328 = arith.addi %mul3A_2, %add3A_1327 : i32
    %dma_start3A_1329 = arith.constant 1 : i32
    %dma_start3A_1330 = arith.constant 0 : i32
    %dma_start3A_1331 = arith.constant 0 : i32
    %dma_start3A_1332 = tpu.memref_slice %arg6[%dma_start3A_1329, %dma_start3A_1330, %dma_start3A_1331] : memref<2x32x1024xf32, #tpu.memory_space<vmem>> -> memref<1x32x1024xf32, #tpu.memory_space<vmem>>
    %dma_start3A_1333 = tpu.memref_squeeze %dma_start3A_1332 : memref<1x32x1024xf32, #tpu.memory_space<vmem>> -> memref<32x1024xf32, #tpu.memory_space<vmem>>
    %dma_start3A_1334 = arith.constant 0 : i32
    %dma_start3A_1335 = tpu.memref_slice %arg4[%add3A_1328, %dma_start3A_1334] : memref<32768x1024xf32, #tpu.memory_space<hbm>> -> memref<32x1024xf32, #tpu.memory_space<hbm>>
    %dma_start3A_1336 = arith.constant 0 : i32
    %dma_start3A_1337 = tpu.memref_slice %arg4[%add3A_1328, %dma_start3A_1336] : memref<32768x1024xf32, #tpu.memory_space<hbm>> -> memref<32x1024xf32, #tpu.memory_space<hbm>>
    %dma_start3A_1338 = arith.constant 0 : i32
    %dma_start3A_1339 = arith.constant 0 : i32
    %dma_start3A_1340 = tpu.memref_slice %arg6[%dma_start3A_1329, %dma_start3A_1338, %dma_start3A_1339] : memref<2x32x1024xf32, #tpu.memory_space<vmem>> -> memref<1x32x1024xf32, #tpu.memory_space<vmem>>
    %dma_start3A_1341 = tpu.memref_squeeze %dma_start3A_1340 : memref<1x32x1024xf32, #tpu.memory_space<vmem>> -> memref<32x1024xf32, #tpu.memory_space<vmem>>
    tpu.enqueue_dma source(%dma_start3A_1341 : memref<32x1024xf32, #tpu.memory_space<vmem>>) target(%dma_start3A_1337 : memref<32x1024xf32, #tpu.memory_space<hbm>>) target_semaphore(%arg10 : memref<!tpu.dma_semaphore, #tpu.memory_space<semaphore_mem>>)
    %dma_wait3A_1342 = arith.constant 1 : i32
    %dma_wait3A_1343 = arith.constant 0 : i32
    %dma_wait3A_1344 = arith.constant 0 : i32
    %dma_wait3A_1345 = tpu.memref_slice %arg6[%dma_wait3A_1342, %dma_wait3A_1343, %dma_wait3A_1344] : memref<2x32x1024xf32, #tpu.memory_space<vmem>> -> memref<1x32x1024xf32, #tpu.memory_space<vmem>>
    %dma_wait3A_1346 = tpu.memref_squeeze %dma_wait3A_1345 : memref<1x32x1024xf32, #tpu.memory_space<vmem>> -> memref<32x1024xf32, #tpu.memory_space<vmem>>
    %dma_wait3A_1347 = arith.constant 0 : i32
    %dma_wait3A_1348 = tpu.memref_slice %arg4[%mul3A_2, %dma_wait3A_1347] : memref<32768x1024xf32, #tpu.memory_space<hbm>> -> memref<32x1024xf32, #tpu.memory_space<hbm>>
    %dma_wait3A_1349 = arith.constant 0 : i32
    %dma_wait3A_1350 = tpu.memref_slice %arg4[%mul3A_2, %dma_wait3A_1349] : memref<32768x1024xf32, #tpu.memory_space<hbm>> -> memref<32x1024xf32, #tpu.memory_space<hbm>>
    %dma_wait3A_1351 = arith.constant 0 : i32
    %dma_wait3A_1352 = arith.constant 0 : i32
    %dma_wait3A_1353 = tpu.memref_slice %arg6[%dma_wait3A_1342, %dma_wait3A_1351, %dma_wait3A_1352] : memref<2x32x1024xf32, #tpu.memory_space<vmem>> -> memref<1x32x1024xf32, #tpu.memory_space<vmem>>
    %dma_wait3A_1354 = tpu.memref_squeeze %dma_wait3A_1353 : memref<1x32x1024xf32, #tpu.memory_space<vmem>> -> memref<32x1024xf32, #tpu.memory_space<vmem>>
    tpu.wait_dma2 semaphore(%arg10 : memref<!tpu.dma_semaphore, #tpu.memory_space<semaphore_mem>>) src(%dma_wait3A_1354 : memref<32x1024xf32, #tpu.memory_space<vmem>>) dst(%dma_wait3A_1350 : memref<32x1024xf32, #tpu.memory_space<hbm>>)
    %dma_start3A_1355 = arith.constant 1 : i32
    %dma_start3A_1356 = arith.constant 0 : i32
    %dma_start3A_1357 = arith.constant 0 : i32
    %dma_start3A_1358 = tpu.memref_slice %arg6[%dma_start3A_1355, %dma_start3A_1356, %dma_start3A_1357] : memref<2x32x1024xf32, #tpu.memory_space<vmem>> -> memref<1x32x1024xf32, #tpu.memory_space<vmem>>
    %dma_start3A_1359 = tpu.memref_squeeze %dma_start3A_1358 : memref<1x32x1024xf32, #tpu.memory_space<vmem>> -> memref<32x1024xf32, #tpu.memory_space<vmem>>
    %dma_start3A_1360 = arith.constant 928 : i32
    %dma_start3A_1361 = tpu.memref_slice %arg5[%dma_start3A_1360] : memref<1024xi32, #tpu.memory_space<vmem>> -> memref<32xi32, #tpu.memory_space<vmem>>
    %dma_start3A_1362 = arith.constant 0 : i32
    %dma_start3A_1363 = arith.constant 0 : i32
    %dma_start3A_1364 = tpu.memref_slice %arg2[%dma_start3A_1362, %dma_start3A_1363] : memref<8192x1024xf32, #tpu.memory_space<hbm>> -> memref<8192x1024xf32, #tpu.memory_space<hbm>>
    tpu.enqueue_indirect_dma source(%dma_start3A_1364 : memref<8192x1024xf32, #tpu.memory_space<hbm>>) target(%dma_start3A_1359 : memref<32x1024xf32, #tpu.memory_space<vmem>>) offsets(%dma_start3A_1361 : memref<32xi32, #tpu.memory_space<vmem>>) semaphore(%arg8 : memref<!tpu.dma_semaphore, #tpu.memory_space<semaphore_mem>>)
    %dma_wait3A_1365 = arith.constant 0 : i32
    %dma_wait3A_1366 = arith.constant 0 : i32
    %dma_wait3A_1367 = arith.constant 0 : i32
    %dma_wait3A_1368 = tpu.memref_slice %arg6[%dma_wait3A_1365, %dma_wait3A_1366, %dma_wait3A_1367] : memref<2x32x1024xf32, #tpu.memory_space<vmem>> -> memref<1x32x1024xf32, #tpu.memory_space<vmem>>
    %dma_wait3A_1369 = tpu.memref_squeeze %dma_wait3A_1368 : memref<1x32x1024xf32, #tpu.memory_space<vmem>> -> memref<32x1024xf32, #tpu.memory_space<vmem>>
    %dma_wait3A_1370 = arith.constant 0 : i32
    %dma_wait3A_1371 = tpu.memref_slice %arg5[%dma_wait3A_1370] : memref<1024xi32, #tpu.memory_space<vmem>> -> memref<32xi32, #tpu.memory_space<vmem>>
    %dma_wait3A_1372 = arith.constant 0 : i32
    %dma_wait3A_1373 = arith.constant 0 : i32
    %dma_wait3A_1374 = tpu.memref_slice %arg2[%dma_wait3A_1372, %dma_wait3A_1373] : memref<8192x1024xf32, #tpu.memory_space<hbm>> -> memref<8192x1024xf32, #tpu.memory_space<hbm>>
    tpu.wait_indirect_dma semaphore(%arg7 : memref<!tpu.dma_semaphore, #tpu.memory_space<semaphore_mem>>) src(%dma_wait3A_1374 : memref<8192x1024xf32, #tpu.memory_space<hbm>>) dst(%dma_wait3A_1369 : memref<32x1024xf32, #tpu.memory_space<vmem>>)
    %add3A_1375 = arith.constant 896 : i32
    %add3A_1376 = arith.addi %mul3A_2, %add3A_1375 : i32
    %dma_start3A_1377 = arith.constant 0 : i32
    %dma_start3A_1378 = arith.constant 0 : i32
    %dma_start3A_1379 = arith.constant 0 : i32
    %dma_start3A_1380 = tpu.memref_slice %arg6[%dma_start3A_1377, %dma_start3A_1378, %dma_start3A_1379] : memref<2x32x1024xf32, #tpu.memory_space<vmem>> -> memref<1x32x1024xf32, #tpu.memory_space<vmem>>
    %dma_start3A_1381 = tpu.memref_squeeze %dma_start3A_1380 : memref<1x32x1024xf32, #tpu.memory_space<vmem>> -> memref<32x1024xf32, #tpu.memory_space<vmem>>
    %dma_start3A_1382 = arith.constant 0 : i32
    %dma_start3A_1383 = tpu.memref_slice %arg4[%add3A_1376, %dma_start3A_1382] : memref<32768x1024xf32, #tpu.memory_space<hbm>> -> memref<32x1024xf32, #tpu.memory_space<hbm>>
    %dma_start3A_1384 = arith.constant 0 : i32
    %dma_start3A_1385 = tpu.memref_slice %arg4[%add3A_1376, %dma_start3A_1384] : memref<32768x1024xf32, #tpu.memory_space<hbm>> -> memref<32x1024xf32, #tpu.memory_space<hbm>>
    %dma_start3A_1386 = arith.constant 0 : i32
    %dma_start3A_1387 = arith.constant 0 : i32
    %dma_start3A_1388 = tpu.memref_slice %arg6[%dma_start3A_1377, %dma_start3A_1386, %dma_start3A_1387] : memref<2x32x1024xf32, #tpu.memory_space<vmem>> -> memref<1x32x1024xf32, #tpu.memory_space<vmem>>
    %dma_start3A_1389 = tpu.memref_squeeze %dma_start3A_1388 : memref<1x32x1024xf32, #tpu.memory_space<vmem>> -> memref<32x1024xf32, #tpu.memory_space<vmem>>
    tpu.enqueue_dma source(%dma_start3A_1389 : memref<32x1024xf32, #tpu.memory_space<vmem>>) target(%dma_start3A_1385 : memref<32x1024xf32, #tpu.memory_space<hbm>>) target_semaphore(%arg9 : memref<!tpu.dma_semaphore, #tpu.memory_space<semaphore_mem>>)
    %dma_wait3A_1390 = arith.constant 0 : i32
    %dma_wait3A_1391 = arith.constant 0 : i32
    %dma_wait3A_1392 = arith.constant 0 : i32
    %dma_wait3A_1393 = tpu.memref_slice %arg6[%dma_wait3A_1390, %dma_wait3A_1391, %dma_wait3A_1392] : memref<2x32x1024xf32, #tpu.memory_space<vmem>> -> memref<1x32x1024xf32, #tpu.memory_space<vmem>>
    %dma_wait3A_1394 = tpu.memref_squeeze %dma_wait3A_1393 : memref<1x32x1024xf32, #tpu.memory_space<vmem>> -> memref<32x1024xf32, #tpu.memory_space<vmem>>
    %dma_wait3A_1395 = arith.constant 0 : i32
    %dma_wait3A_1396 = tpu.memref_slice %arg4[%mul3A_2, %dma_wait3A_1395] : memref<32768x1024xf32, #tpu.memory_space<hbm>> -> memref<32x1024xf32, #tpu.memory_space<hbm>>
    %dma_wait3A_1397 = arith.constant 0 : i32
    %dma_wait3A_1398 = tpu.memref_slice %arg4[%mul3A_2, %dma_wait3A_1397] : memref<32768x1024xf32, #tpu.memory_space<hbm>> -> memref<32x1024xf32, #tpu.memory_space<hbm>>
    %dma_wait3A_1399 = arith.constant 0 : i32
    %dma_wait3A_1400 = arith.constant 0 : i32
    %dma_wait3A_1401 = tpu.memref_slice %arg6[%dma_wait3A_1390, %dma_wait3A_1399, %dma_wait3A_1400] : memref<2x32x1024xf32, #tpu.memory_space<vmem>> -> memref<1x32x1024xf32, #tpu.memory_space<vmem>>
    %dma_wait3A_1402 = tpu.memref_squeeze %dma_wait3A_1401 : memref<1x32x1024xf32, #tpu.memory_space<vmem>> -> memref<32x1024xf32, #tpu.memory_space<vmem>>
    tpu.wait_dma2 semaphore(%arg9 : memref<!tpu.dma_semaphore, #tpu.memory_space<semaphore_mem>>) src(%dma_wait3A_1402 : memref<32x1024xf32, #tpu.memory_space<vmem>>) dst(%dma_wait3A_1398 : memref<32x1024xf32, #tpu.memory_space<hbm>>)
    %dma_start3A_1403 = arith.constant 0 : i32
    %dma_start3A_1404 = arith.constant 0 : i32
    %dma_start3A_1405 = arith.constant 0 : i32
    %dma_start3A_1406 = tpu.memref_slice %arg6[%dma_start3A_1403, %dma_start3A_1404, %dma_start3A_1405] : memref<2x32x1024xf32, #tpu.memory_space<vmem>> -> memref<1x32x1024xf32, #tpu.memory_space<vmem>>
    %dma_start3A_1407 = tpu.memref_squeeze %dma_start3A_1406 : memref<1x32x1024xf32, #tpu.memory_space<vmem>> -> memref<32x1024xf32, #tpu.memory_space<vmem>>
    %dma_start3A_1408 = arith.constant 960 : i32
    %dma_start3A_1409 = tpu.memref_slice %arg5[%dma_start3A_1408] : memref<1024xi32, #tpu.memory_space<vmem>> -> memref<32xi32, #tpu.memory_space<vmem>>
    %dma_start3A_1410 = arith.constant 0 : i32
    %dma_start3A_1411 = arith.constant 0 : i32
    %dma_start3A_1412 = tpu.memref_slice %arg2[%dma_start3A_1410, %dma_start3A_1411] : memref<8192x1024xf32, #tpu.memory_space<hbm>> -> memref<8192x1024xf32, #tpu.memory_space<hbm>>
    tpu.enqueue_indirect_dma source(%dma_start3A_1412 : memref<8192x1024xf32, #tpu.memory_space<hbm>>) target(%dma_start3A_1407 : memref<32x1024xf32, #tpu.memory_space<vmem>>) offsets(%dma_start3A_1409 : memref<32xi32, #tpu.memory_space<vmem>>) semaphore(%arg7 : memref<!tpu.dma_semaphore, #tpu.memory_space<semaphore_mem>>)
    %dma_wait3A_1413 = arith.constant 1 : i32
    %dma_wait3A_1414 = arith.constant 0 : i32
    %dma_wait3A_1415 = arith.constant 0 : i32
    %dma_wait3A_1416 = tpu.memref_slice %arg6[%dma_wait3A_1413, %dma_wait3A_1414, %dma_wait3A_1415] : memref<2x32x1024xf32, #tpu.memory_space<vmem>> -> memref<1x32x1024xf32, #tpu.memory_space<vmem>>
    %dma_wait3A_1417 = tpu.memref_squeeze %dma_wait3A_1416 : memref<1x32x1024xf32, #tpu.memory_space<vmem>> -> memref<32x1024xf32, #tpu.memory_space<vmem>>
    %dma_wait3A_1418 = arith.constant 0 : i32
    %dma_wait3A_1419 = tpu.memref_slice %arg5[%dma_wait3A_1418] : memref<1024xi32, #tpu.memory_space<vmem>> -> memref<32xi32, #tpu.memory_space<vmem>>
    %dma_wait3A_1420 = arith.constant 0 : i32
    %dma_wait3A_1421 = arith.constant 0 : i32
    %dma_wait3A_1422 = tpu.memref_slice %arg2[%dma_wait3A_1420, %dma_wait3A_1421] : memref<8192x1024xf32, #tpu.memory_space<hbm>> -> memref<8192x1024xf32, #tpu.memory_space<hbm>>
    tpu.wait_indirect_dma semaphore(%arg8 : memref<!tpu.dma_semaphore, #tpu.memory_space<semaphore_mem>>) src(%dma_wait3A_1422 : memref<8192x1024xf32, #tpu.memory_space<hbm>>) dst(%dma_wait3A_1417 : memref<32x1024xf32, #tpu.memory_space<vmem>>)
    %add3A_1423 = arith.constant 928 : i32
    %add3A_1424 = arith.addi %mul3A_2, %add3A_1423 : i32
    %dma_start3A_1425 = arith.constant 1 : i32
    %dma_start3A_1426 = arith.constant 0 : i32
    %dma_start3A_1427 = arith.constant 0 : i32
    %dma_start3A_1428 = tpu.memref_slice %arg6[%dma_start3A_1425, %dma_start3A_1426, %dma_start3A_1427] : memref<2x32x1024xf32, #tpu.memory_space<vmem>> -> memref<1x32x1024xf32, #tpu.memory_space<vmem>>
    %dma_start3A_1429 = tpu.memref_squeeze %dma_start3A_1428 : memref<1x32x1024xf32, #tpu.memory_space<vmem>> -> memref<32x1024xf32, #tpu.memory_space<vmem>>
    %dma_start3A_1430 = arith.constant 0 : i32
    %dma_start3A_1431 = tpu.memref_slice %arg4[%add3A_1424, %dma_start3A_1430] : memref<32768x1024xf32, #tpu.memory_space<hbm>> -> memref<32x1024xf32, #tpu.memory_space<hbm>>
    %dma_start3A_1432 = arith.constant 0 : i32
    %dma_start3A_1433 = tpu.memref_slice %arg4[%add3A_1424, %dma_start3A_1432] : memref<32768x1024xf32, #tpu.memory_space<hbm>> -> memref<32x1024xf32, #tpu.memory_space<hbm>>
    %dma_start3A_1434 = arith.constant 0 : i32
    %dma_start3A_1435 = arith.constant 0 : i32
    %dma_start3A_1436 = tpu.memref_slice %arg6[%dma_start3A_1425, %dma_start3A_1434, %dma_start3A_1435] : memref<2x32x1024xf32, #tpu.memory_space<vmem>> -> memref<1x32x1024xf32, #tpu.memory_space<vmem>>
    %dma_start3A_1437 = tpu.memref_squeeze %dma_start3A_1436 : memref<1x32x1024xf32, #tpu.memory_space<vmem>> -> memref<32x1024xf32, #tpu.memory_space<vmem>>
    tpu.enqueue_dma source(%dma_start3A_1437 : memref<32x1024xf32, #tpu.memory_space<vmem>>) target(%dma_start3A_1433 : memref<32x1024xf32, #tpu.memory_space<hbm>>) target_semaphore(%arg10 : memref<!tpu.dma_semaphore, #tpu.memory_space<semaphore_mem>>)
    %dma_wait3A_1438 = arith.constant 1 : i32
    %dma_wait3A_1439 = arith.constant 0 : i32
    %dma_wait3A_1440 = arith.constant 0 : i32
    %dma_wait3A_1441 = tpu.memref_slice %arg6[%dma_wait3A_1438, %dma_wait3A_1439, %dma_wait3A_1440] : memref<2x32x1024xf32, #tpu.memory_space<vmem>> -> memref<1x32x1024xf32, #tpu.memory_space<vmem>>
    %dma_wait3A_1442 = tpu.memref_squeeze %dma_wait3A_1441 : memref<1x32x1024xf32, #tpu.memory_space<vmem>> -> memref<32x1024xf32, #tpu.memory_space<vmem>>
    %dma_wait3A_1443 = arith.constant 0 : i32
    %dma_wait3A_1444 = tpu.memref_slice %arg4[%mul3A_2, %dma_wait3A_1443] : memref<32768x1024xf32, #tpu.memory_space<hbm>> -> memref<32x1024xf32, #tpu.memory_space<hbm>>
    %dma_wait3A_1445 = arith.constant 0 : i32
    %dma_wait3A_1446 = tpu.memref_slice %arg4[%mul3A_2, %dma_wait3A_1445] : memref<32768x1024xf32, #tpu.memory_space<hbm>> -> memref<32x1024xf32, #tpu.memory_space<hbm>>
    %dma_wait3A_1447 = arith.constant 0 : i32
    %dma_wait3A_1448 = arith.constant 0 : i32
    %dma_wait3A_1449 = tpu.memref_slice %arg6[%dma_wait3A_1438, %dma_wait3A_1447, %dma_wait3A_1448] : memref<2x32x1024xf32, #tpu.memory_space<vmem>> -> memref<1x32x1024xf32, #tpu.memory_space<vmem>>
    %dma_wait3A_1450 = tpu.memref_squeeze %dma_wait3A_1449 : memref<1x32x1024xf32, #tpu.memory_space<vmem>> -> memref<32x1024xf32, #tpu.memory_space<vmem>>
    tpu.wait_dma2 semaphore(%arg10 : memref<!tpu.dma_semaphore, #tpu.memory_space<semaphore_mem>>) src(%dma_wait3A_1450 : memref<32x1024xf32, #tpu.memory_space<vmem>>) dst(%dma_wait3A_1446 : memref<32x1024xf32, #tpu.memory_space<hbm>>)
    %dma_start3A_1451 = arith.constant 1 : i32
    %dma_start3A_1452 = arith.constant 0 : i32
    %dma_start3A_1453 = arith.constant 0 : i32
    %dma_start3A_1454 = tpu.memref_slice %arg6[%dma_start3A_1451, %dma_start3A_1452, %dma_start3A_1453] : memref<2x32x1024xf32, #tpu.memory_space<vmem>> -> memref<1x32x1024xf32, #tpu.memory_space<vmem>>
    %dma_start3A_1455 = tpu.memref_squeeze %dma_start3A_1454 : memref<1x32x1024xf32, #tpu.memory_space<vmem>> -> memref<32x1024xf32, #tpu.memory_space<vmem>>
    %dma_start3A_1456 = arith.constant 992 : i32
    %dma_start3A_1457 = tpu.memref_slice %arg5[%dma_start3A_1456] : memref<1024xi32, #tpu.memory_space<vmem>> -> memref<32xi32, #tpu.memory_space<vmem>>
    %dma_start3A_1458 = arith.constant 0 : i32
    %dma_start3A_1459 = arith.constant 0 : i32
    %dma_start3A_1460 = tpu.memref_slice %arg2[%dma_start3A_1458, %dma_start3A_1459] : memref<8192x1024xf32, #tpu.memory_space<hbm>> -> memref<8192x1024xf32, #tpu.memory_space<hbm>>
    tpu.enqueue_indirect_dma source(%dma_start3A_1460 : memref<8192x1024xf32, #tpu.memory_space<hbm>>) target(%dma_start3A_1455 : memref<32x1024xf32, #tpu.memory_space<vmem>>) offsets(%dma_start3A_1457 : memref<32xi32, #tpu.memory_space<vmem>>) semaphore(%arg8 : memref<!tpu.dma_semaphore, #tpu.memory_space<semaphore_mem>>)
    %dma_wait3A_1461 = arith.constant 0 : i32
    %dma_wait3A_1462 = arith.constant 0 : i32
    %dma_wait3A_1463 = arith.constant 0 : i32
    %dma_wait3A_1464 = tpu.memref_slice %arg6[%dma_wait3A_1461, %dma_wait3A_1462, %dma_wait3A_1463] : memref<2x32x1024xf32, #tpu.memory_space<vmem>> -> memref<1x32x1024xf32, #tpu.memory_space<vmem>>
    %dma_wait3A_1465 = tpu.memref_squeeze %dma_wait3A_1464 : memref<1x32x1024xf32, #tpu.memory_space<vmem>> -> memref<32x1024xf32, #tpu.memory_space<vmem>>
    %dma_wait3A_1466 = arith.constant 0 : i32
    %dma_wait3A_1467 = tpu.memref_slice %arg5[%dma_wait3A_1466] : memref<1024xi32, #tpu.memory_space<vmem>> -> memref<32xi32, #tpu.memory_space<vmem>>
    %dma_wait3A_1468 = arith.constant 0 : i32
    %dma_wait3A_1469 = arith.constant 0 : i32
    %dma_wait3A_1470 = tpu.memref_slice %arg2[%dma_wait3A_1468, %dma_wait3A_1469] : memref<8192x1024xf32, #tpu.memory_space<hbm>> -> memref<8192x1024xf32, #tpu.memory_space<hbm>>
    tpu.wait_indirect_dma semaphore(%arg7 : memref<!tpu.dma_semaphore, #tpu.memory_space<semaphore_mem>>) src(%dma_wait3A_1470 : memref<8192x1024xf32, #tpu.memory_space<hbm>>) dst(%dma_wait3A_1465 : memref<32x1024xf32, #tpu.memory_space<vmem>>)
    %add3A_1471 = arith.constant 960 : i32
    %add3A_1472 = arith.addi %mul3A_2, %add3A_1471 : i32
    %dma_start3A_1473 = arith.constant 0 : i32
    %dma_start3A_1474 = arith.constant 0 : i32
    %dma_start3A_1475 = arith.constant 0 : i32
    %dma_start3A_1476 = tpu.memref_slice %arg6[%dma_start3A_1473, %dma_start3A_1474, %dma_start3A_1475] : memref<2x32x1024xf32, #tpu.memory_space<vmem>> -> memref<1x32x1024xf32, #tpu.memory_space<vmem>>
    %dma_start3A_1477 = tpu.memref_squeeze %dma_start3A_1476 : memref<1x32x1024xf32, #tpu.memory_space<vmem>> -> memref<32x1024xf32, #tpu.memory_space<vmem>>
    %dma_start3A_1478 = arith.constant 0 : i32
    %dma_start3A_1479 = tpu.memref_slice %arg4[%add3A_1472, %dma_start3A_1478] : memref<32768x1024xf32, #tpu.memory_space<hbm>> -> memref<32x1024xf32, #tpu.memory_space<hbm>>
    %dma_start3A_1480 = arith.constant 0 : i32
    %dma_start3A_1481 = tpu.memref_slice %arg4[%add3A_1472, %dma_start3A_1480] : memref<32768x1024xf32, #tpu.memory_space<hbm>> -> memref<32x1024xf32, #tpu.memory_space<hbm>>
    %dma_start3A_1482 = arith.constant 0 : i32
    %dma_start3A_1483 = arith.constant 0 : i32
    %dma_start3A_1484 = tpu.memref_slice %arg6[%dma_start3A_1473, %dma_start3A_1482, %dma_start3A_1483] : memref<2x32x1024xf32, #tpu.memory_space<vmem>> -> memref<1x32x1024xf32, #tpu.memory_space<vmem>>
    %dma_start3A_1485 = tpu.memref_squeeze %dma_start3A_1484 : memref<1x32x1024xf32, #tpu.memory_space<vmem>> -> memref<32x1024xf32, #tpu.memory_space<vmem>>
    tpu.enqueue_dma source(%dma_start3A_1485 : memref<32x1024xf32, #tpu.memory_space<vmem>>) target(%dma_start3A_1481 : memref<32x1024xf32, #tpu.memory_space<hbm>>) target_semaphore(%arg9 : memref<!tpu.dma_semaphore, #tpu.memory_space<semaphore_mem>>)
    %dma_wait3A_1486 = arith.constant 1 : i32
    %dma_wait3A_1487 = arith.constant 0 : i32
    %dma_wait3A_1488 = arith.constant 0 : i32
    %dma_wait3A_1489 = tpu.memref_slice %arg6[%dma_wait3A_1486, %dma_wait3A_1487, %dma_wait3A_1488] : memref<2x32x1024xf32, #tpu.memory_space<vmem>> -> memref<1x32x1024xf32, #tpu.memory_space<vmem>>
    %dma_wait3A_1490 = tpu.memref_squeeze %dma_wait3A_1489 : memref<1x32x1024xf32, #tpu.memory_space<vmem>> -> memref<32x1024xf32, #tpu.memory_space<vmem>>
    %dma_wait3A_1491 = arith.constant 0 : i32
    %dma_wait3A_1492 = tpu.memref_slice %arg5[%dma_wait3A_1491] : memref<1024xi32, #tpu.memory_space<vmem>> -> memref<32xi32, #tpu.memory_space<vmem>>
    %dma_wait3A_1493 = arith.constant 0 : i32
    %dma_wait3A_1494 = arith.constant 0 : i32
    %dma_wait3A_1495 = tpu.memref_slice %arg2[%dma_wait3A_1493, %dma_wait3A_1494] : memref<8192x1024xf32, #tpu.memory_space<hbm>> -> memref<8192x1024xf32, #tpu.memory_space<hbm>>
    tpu.wait_indirect_dma semaphore(%arg8 : memref<!tpu.dma_semaphore, #tpu.memory_space<semaphore_mem>>) src(%dma_wait3A_1495 : memref<8192x1024xf32, #tpu.memory_space<hbm>>) dst(%dma_wait3A_1490 : memref<32x1024xf32, #tpu.memory_space<vmem>>)
    %add3A_1496 = arith.constant 992 : i32
    %add3A_1497 = arith.addi %mul3A_2, %add3A_1496 : i32
    %dma_start3A_1498 = arith.constant 1 : i32
    %dma_start3A_1499 = arith.constant 0 : i32
    %dma_start3A_1500 = arith.constant 0 : i32
    %dma_start3A_1501 = tpu.memref_slice %arg6[%dma_start3A_1498, %dma_start3A_1499, %dma_start3A_1500] : memref<2x32x1024xf32, #tpu.memory_space<vmem>> -> memref<1x32x1024xf32, #tpu.memory_space<vmem>>
    %dma_start3A_1502 = tpu.memref_squeeze %dma_start3A_1501 : memref<1x32x1024xf32, #tpu.memory_space<vmem>> -> memref<32x1024xf32, #tpu.memory_space<vmem>>
    %dma_start3A_1503 = arith.constant 0 : i32
    %dma_start3A_1504 = tpu.memref_slice %arg4[%add3A_1497, %dma_start3A_1503] : memref<32768x1024xf32, #tpu.memory_space<hbm>> -> memref<32x1024xf32, #tpu.memory_space<hbm>>
    %dma_start3A_1505 = arith.constant 0 : i32
    %dma_start3A_1506 = tpu.memref_slice %arg4[%add3A_1497, %dma_start3A_1505] : memref<32768x1024xf32, #tpu.memory_space<hbm>> -> memref<32x1024xf32, #tpu.memory_space<hbm>>
    %dma_start3A_1507 = arith.constant 0 : i32
    %dma_start3A_1508 = arith.constant 0 : i32
    %dma_start3A_1509 = tpu.memref_slice %arg6[%dma_start3A_1498, %dma_start3A_1507, %dma_start3A_1508] : memref<2x32x1024xf32, #tpu.memory_space<vmem>> -> memref<1x32x1024xf32, #tpu.memory_space<vmem>>
    %dma_start3A_1510 = tpu.memref_squeeze %dma_start3A_1509 : memref<1x32x1024xf32, #tpu.memory_space<vmem>> -> memref<32x1024xf32, #tpu.memory_space<vmem>>
    tpu.enqueue_dma source(%dma_start3A_1510 : memref<32x1024xf32, #tpu.memory_space<vmem>>) target(%dma_start3A_1506 : memref<32x1024xf32, #tpu.memory_space<hbm>>) target_semaphore(%arg10 : memref<!tpu.dma_semaphore, #tpu.memory_space<semaphore_mem>>)
    %dma_wait3A_1511 = arith.constant 0 : i32
    %dma_wait3A_1512 = arith.constant 0 : i32
    %dma_wait3A_1513 = arith.constant 0 : i32
    %dma_wait3A_1514 = tpu.memref_slice %arg6[%dma_wait3A_1511, %dma_wait3A_1512, %dma_wait3A_1513] : memref<2x32x1024xf32, #tpu.memory_space<vmem>> -> memref<1x32x1024xf32, #tpu.memory_space<vmem>>
    %dma_wait3A_1515 = tpu.memref_squeeze %dma_wait3A_1514 : memref<1x32x1024xf32, #tpu.memory_space<vmem>> -> memref<32x1024xf32, #tpu.memory_space<vmem>>
    %dma_wait3A_1516 = arith.constant 0 : i32
    %dma_wait3A_1517 = tpu.memref_slice %arg4[%mul3A_2, %dma_wait3A_1516] : memref<32768x1024xf32, #tpu.memory_space<hbm>> -> memref<32x1024xf32, #tpu.memory_space<hbm>>
    %dma_wait3A_1518 = arith.constant 0 : i32
    %dma_wait3A_1519 = tpu.memref_slice %arg4[%mul3A_2, %dma_wait3A_1518] : memref<32768x1024xf32, #tpu.memory_space<hbm>> -> memref<32x1024xf32, #tpu.memory_space<hbm>>
    %dma_wait3A_1520 = arith.constant 0 : i32
    %dma_wait3A_1521 = arith.constant 0 : i32
    %dma_wait3A_1522 = tpu.memref_slice %arg6[%dma_wait3A_1511, %dma_wait3A_1520, %dma_wait3A_1521] : memref<2x32x1024xf32, #tpu.memory_space<vmem>> -> memref<1x32x1024xf32, #tpu.memory_space<vmem>>
    %dma_wait3A_1523 = tpu.memref_squeeze %dma_wait3A_1522 : memref<1x32x1024xf32, #tpu.memory_space<vmem>> -> memref<32x1024xf32, #tpu.memory_space<vmem>>
    tpu.wait_dma2 semaphore(%arg9 : memref<!tpu.dma_semaphore, #tpu.memory_space<semaphore_mem>>) src(%dma_wait3A_1523 : memref<32x1024xf32, #tpu.memory_space<vmem>>) dst(%dma_wait3A_1519 : memref<32x1024xf32, #tpu.memory_space<hbm>>)
    %dma_wait3A_1524 = arith.constant 1 : i32
    %dma_wait3A_1525 = arith.constant 0 : i32
    %dma_wait3A_1526 = arith.constant 0 : i32
    %dma_wait3A_1527 = tpu.memref_slice %arg6[%dma_wait3A_1524, %dma_wait3A_1525, %dma_wait3A_1526] : memref<2x32x1024xf32, #tpu.memory_space<vmem>> -> memref<1x32x1024xf32, #tpu.memory_space<vmem>>
    %dma_wait3A_1528 = tpu.memref_squeeze %dma_wait3A_1527 : memref<1x32x1024xf32, #tpu.memory_space<vmem>> -> memref<32x1024xf32, #tpu.memory_space<vmem>>
    %dma_wait3A_1529 = arith.constant 0 : i32
    %dma_wait3A_1530 = tpu.memref_slice %arg4[%mul3A_2, %dma_wait3A_1529] : memref<32768x1024xf32, #tpu.memory_space<hbm>> -> memref<32x1024xf32, #tpu.memory_space<hbm>>
    %dma_wait3A_1531 = arith.constant 0 : i32
    %dma_wait3A_1532 = tpu.memref_slice %arg4[%mul3A_2, %dma_wait3A_1531] : memref<32768x1024xf32, #tpu.memory_space<hbm>> -> memref<32x1024xf32, #tpu.memory_space<hbm>>
    %dma_wait3A_1533 = arith.constant 0 : i32
    %dma_wait3A_1534 = arith.constant 0 : i32
    %dma_wait3A_1535 = tpu.memref_slice %arg6[%dma_wait3A_1524, %dma_wait3A_1533, %dma_wait3A_1534] : memref<2x32x1024xf32, #tpu.memory_space<vmem>> -> memref<1x32x1024xf32, #tpu.memory_space<vmem>>
    %dma_wait3A_1536 = tpu.memref_squeeze %dma_wait3A_1535 : memref<1x32x1024xf32, #tpu.memory_space<vmem>> -> memref<32x1024xf32, #tpu.memory_space<vmem>>
    tpu.wait_dma2 semaphore(%arg10 : memref<!tpu.dma_semaphore, #tpu.memory_space<semaphore_mem>>) src(%dma_wait3A_1536 : memref<32x1024xf32, #tpu.memory_space<vmem>>) dst(%dma_wait3A_1532 : memref<32x1024xf32, #tpu.memory_space<hbm>>)
    return
  }
}

</mosaic_0001>

<sc_bundles>
// kernel: _gather_rows.3.cloned.1.call-start
scs
__scs_entry_jumppad:
0x0: {  	(pc) =	sbr.rel $0x88, $3  }
0x1: {  	(tag) =	ssettag $0x0;
	lr =	simm.s32 $0x1  }
0x2: {  	[smem:$0x3F9F] =	sst lr;
	_ =	strace $0xD0000000  }
0x3: {  	_ = 	snop  }
0x4: {  	_ = 	snop  }
0x5: {  	_ = 	snop  }
0x6: {  	_ = 	snop  }
0x7: {  	_ = 	snop  }
__scs_overlays_trampoline_lowered:
0x8: {  	[smem:$0x3FAE] =	sst s0  }
0x9: {  	[smem:$0x3FAF] =	sst s1  }
0xa: {  	[smem:$0x3FB0] =	sst s2  }
0xb: {  	[smem:$0x3FB1] =	sst s3  }
0xc: {  	[smem:$0x3FB2] =	sst s4  }
0xd: {  	[smem:$0x3FB3] =	sst s5  }
0xe: {  	[smem:$0x3FB4] =	sst s6  }
0xf: {  	[smem:$0x3FB5] =	sst s7  }
0x10: {  	[smem:$0x3FB6] =	sst s8  }
0x11: {  	[smem:$0x3FB7] =	sst s9;
	s0 =	simm.s32 @!p0 $0x0  }
0x12: {  	s1 =	sld [smem:$0x3F9D];
	s0 =	simm.s32 @p0 $0x1  }
0x13: {  	[smem:$0x3FB8] =	sst s0;
	s0 =	simm.s32 @!p1 $0x0  }
0x14: {  	s2 =	sld [smem:$0x3F9C];
	s0 =	simm.s32 @p1 $0x1  }
0x15: {  	[smem:$0x3FB9] =	sst s0;
	s0 =	simm.s32 @!p2 $0x0  }
0x16: {  	s3 =	sld [smem:$0x3FDB];
	s0 =	simm.s32 @p2 $0x1  }
0x17: {  	s4 =	simm.s32 $0x1BF5;
	[smem:$0x3FBB] =	sst s0  }
0x18: {  	s0 =	sld [smem:$0x3F9E];
	_ =	swait.ge [sflag:s4], $0x0  }
0x19: {  	s7 =	sld [smem:$0x3F9F]  }
0x1a: {  	s8 =	sadd.s32 $0xFFFFE003, lr  }
0x1b: {  	s9 =	sadd.s32 $0xFFFFFEF7, lr;
	s5 =	simm.s32 $0xFFFFFFFF;
	p2 =	slt.u32 s8, $0xFFFFF086  }
0x1c: {  	p1 =	slt.u32 s9, $0xF7A;
	s5 =	simm.s32 @!p2 $0x0  }
0x1d: {  	s5 =	simm.s32 @p1 $0x1;
	p0 =	seq.s32 s7, s2  }
0x1e: {  	s7 =	smul.u32 @!p0 $0xF7A, s2;
	p2 =	seq.s32 @!p0 s5, $0x0  }
0x1f: {  	s9 =	smul.u32 $0xF7A, s1;
	s8 =	simm.s32 @!p0 $0x1BF5;
	p2 =	por !p2, p0  }
0x20: {  	[sflag:s8] =	ssyncset.s32 @!p0 $0xFFFFF086;
	s6 =	sadd.s32 @!p0 s3, s7;
	s7 =	simm.s32 @!p0 $0x108  }
0x21: {  	s3 =	sadd.s32 s3, s9;
	s6 =	sadd.s32 @!p0 $0x88, s6;
	s7 =	simm.s32 @p2 $0x1082  }
0x22: {  	[simem:s7], [sflag:s8] =	dma.local @!p0 [hbm:s6], $0xF7A  }
0x23: {  	s9 =	sor.u32 $0xD0000000, s2;
	s6 =	simm.s32 $0x108;
	_ =	swait.ge @!p0 [sflag:s8], $0x0  }
0x24: {  	s3 =	sadd.s32 $0x88, s3;
	s6 =	simm.s32 @!p1 $0x1082;
	[sflag:s4] =	ssyncset.s32 $0xFFFFF086  }
0x25: {  	[simem:s6], [sflag:s4] =	dma.local [hbm:s3], $0xF7A  }
0x26: {  	[smem:$0x3F9F] =	sst s1;
	(tag) =	ssettag s2;
	_ =	strace s9  }
0x27: {  	s1 =	sld [smem:$0x3FAF]  }
0x28: {  	s2 =	sld [smem:$0x3FB0]  }
0x29: {  	s4 =	sld [smem:$0x3FB2]  }
0x2a: {  	p0 =	seq.s32 s5, $0x0;
	s5 =	sld [smem:$0x3FB3]  }
0x2b: {  	s6 =	sld [smem:$0x3FB4]  }
0x2c: {  	s7 =	sld [smem:$0x3FB5]  }
0x2d: {  	s3 =	simm.s32 $0x108;
	s8 =	sld [smem:$0x3FB6]  }
0x2e: {  	s3 =	simm.s32 @!p0 $0x1082;
	s9 =	sld [smem:$0x3FB7]  }
0x2f: {  	lr =	sadd.s32 s0, s3;
	s0 =	sld [smem:$0x3FAE]  }
0x30: {  	s3 =	sld [smem:$0x3FB1]  }
0x31: {  	[smem:$0x3FBA] =	sst s10  }
0x32: {  	s10 =	sld [smem:$0x3FB8];
	_ =	sdelay $0x3  }
0x33: {  	p0 =	seq.s32 s10, $0x1;
	s10 =	sld [smem:$0x3FBA];
	_ =	sdelay $0x3  }
0x34: {  	[smem:$0x3FBA] =	sst s10  }
0x35: {  	s10 =	sld [smem:$0x3FB9];
	_ =	sdelay $0x3  }
0x36: {  	p1 =	seq.s32 s10, $0x1;
	s10 =	sld [smem:$0x3FBA];
	_ =	sdelay $0x3  }
0x37: {  	[smem:$0x3FBA] =	sst s10  }
0x38: {  	s10 =	sld [smem:$0x3FBB]  }
0x39: {  	_ = 	snop;
	(pc) =	sbr.ind lr, $3  }
0x3a: {  	_ = 	snop  }
0x3b: {  	_ = 	snop  }
0x3c: {  	p2 =	seq.s32 s10, $0x1;
	s10 =	sld [smem:$0x3FBA]  }
0x3d: {  	_ =	shalt  }
0x3e: {  	_ =	shalt  }
0x3f: {  	_ =	shalt  }
0x40: {  	_ =	shalt  }
0x41: {  	_ =	shalt  }
0x42: {  	_ =	shalt  }
0x43: {  	_ =	shalt  }
0x44: {  	_ =	shalt  }
0x45: {  	_ =	shalt  }
0x46: {  	_ =	shalt  }
0x47: {  	_ =	shalt  }
0x48: {  	_ =	shalt  }
0x49: {  	_ =	shalt  }
0x4a: {  	_ =	shalt  }
0x4b: {  	_ =	shalt  }
0x4c: {  	_ =	shalt  }
0x4d: {  	_ =	shalt  }
0x4e: {  	_ =	shalt  }
0x4f: {  	_ =	shalt  }
0x50: {  	_ =	shalt  }
0x51: {  	_ =	shalt  }
0x52: {  	_ =	shalt  }
0x53: {  	_ =	shalt  }
0x54: {  	_ =	shalt  }
0x55: {  	_ =	shalt  }
0x56: {  	_ =	shalt  }
0x57: {  	_ =	shalt  }
0x58: {  	_ =	shalt  }
0x59: {  	_ =	shalt  }
0x5a: {  	_ =	shalt  }
0x5b: {  	_ =	shalt  }
0x5c: {  	_ =	shalt  }
0x5d: {  	_ =	shalt  }
0x5e: {  	_ =	shalt  }
0x5f: {  	_ =	shalt  }
0x60: {  	_ =	shalt  }
0x61: {  	_ =	shalt  }
0x62: {  	_ =	shalt  }
0x63: {  	_ =	shalt  }
0x64: {  	_ =	shalt  }
0x65: {  	_ =	shalt  }
0x66: {  	_ =	shalt  }
0x67: {  	_ =	shalt  }
0x68: {  	_ =	shalt  }
0x69: {  	_ =	shalt  }
0x6a: {  	_ =	shalt  }
0x6b: {  	_ =	shalt  }
0x6c: {  	_ =	shalt  }
0x6d: {  	_ =	shalt  }
0x6e: {  	_ =	shalt  }
0x6f: {  	_ =	shalt  }
0x70: {  	_ =	shalt  }
0x71: {  	_ =	shalt  }
0x72: {  	_ =	shalt  }
0x73: {  	_ =	shalt  }
0x74: {  	_ =	shalt  }
0x75: {  	_ =	shalt  }
0x76: {  	_ =	shalt  }
0x77: {  	_ =	shalt  }
0x78: {  	_ =	shalt  }
0x79: {  	_ =	shalt  }
0x7a: {  	_ =	shalt  }
0x7b: {  	_ =	shalt  }
0x7c: {  	_ =	shalt  }
0x7d: {  	_ =	shalt  }
0x7e: {  	_ =	shalt  }
0x7f: {  	_ =	shalt  }
0x80: {  	_ =	shalt  }
0x81: {  	_ =	shalt  }
0x82: {  	_ =	shalt  }
0x83: {  	_ =	shalt  }
0x84: {  	_ =	shalt  }
0x85: {  	_ =	shalt  }
0x86: {  	_ =	shalt  }
0x87: {  	_ =	shalt  }
.Lfunc_end0:
.L_simem_size_0:
called_computation_lowered:
.L_overlay_start_0:
0x88: {  	s2 =	sld [smem:$0x3FD9]  }
0x89: {  	s3 =	sld [smem:$0x3FFE];
	_ =	sdelay $0x1  }
0x8a: {  	s1 =	srdreg.scid  }
0x8b: {  	s0 =	sand.u32 $0x1, s1  }
0x8c: {  	s18 =	sshll.u32 s0, $0xA;
	s2 =	sadd.s32 s3, s2  }
0x8d: {  	s2 =	sadd.s32 s2, s18  }
0x8e: {  	[smem:$0x3FC6] =	sst s2  }
0x8f: {  	_ = 	snop  }
0x90: {  	s2 =	sld [smem:$0x3FC9]  }
0x91: {  	s19 =	sld [smem:$0x3FC8]  }
0x92: {  	s4 =	sld [smem:$0x3FD0];
	(tm) =	ssettm $0x1  }
0x93: {  	s5 =	sld [smem:$0x3FFB];
	_ =	sdelay $0x3  }
0x94: {  	_ =	strace s5  }
0x95: {  	s5 =	sld [smem:$0x3FFC];
	_ =	sdelay $0x3  }
0x96: {  	_ =	strace s5  }
0x97: {  	s5 =	sld [smem:$0x3FFD];
	_ =	sdelay $0x3  }
0x98: {  	_ =	strace s5  }
0x99: {  	_ =	strace $0x8FFFFFFF  }
0x9a: {  	s20 =	sld [smem:$0x3FDB];
	_ =	sdelay $0x1  }
0x9b: {  	s6 =	simm.s32 $_scs_section_size  }
0x9c: {  	s7 =	simm.s32 $_size__tile_overlayer_lowered;
	s8 =	simm.s32 $_tile_overlayer_lowered  }
0x9d: {  	s23 =	simm.s32 $0x1BFF;
	s22 =	sshll.u32 s8, $0x1;
	s5 =	sadd.s32 s6, s20  }
0x9e: {  	s9 =	simm.s32 $0x0;
	s21 =	sshll.u32 s7, $0x1;
	s7 =	sadd.s32 s22, s5  }
0x9f: {  	[timem:s9], [sflag:s23] =	dma.local [hbm:s7], s21  }
0xa0: {  	_ =	swait.ge [sflag:s23], s21  }
0xa1: {  	s6 =	ssub.s32 $0x0, s21;
	[sflag:s23] =	ssyncset.done $0x0  }
0xa2: {  	[sflag:s23] =	ssyncadd.s32 s6;
	_ =	sdelay $0x1  }
0xa3: {  	s24 =	simm.s32 $0x1B8B  }
0xa4: {  	_ =	swait.ge [sflag:s24], $0x1  }
0xa5: {  	[sflag:s24] =	ssyncset.done $0x0  }
0xa6: {  	s25 =	simm.s32 $0x1B8E;
	[sflag:s24] =	ssyncadd.s32 $0xFFFFFFFF  }
0xa7: {  	s26 =	simm.s32 $execute0_lowered;
	[smem:$0x3FD2] =	sst s25  }
0xa8: {  	s6 =	sshll.u32 s26, $0x1;
	_ =	strace $0x80000046;
	[dreg:$0x1] =	wrdreg $0xFFFFFFFF  }
0xa9: {  	s28 =	simm.s32 $_size_execute0_lowered;
	s5 =	sadd.s32 s5, s6;
	[dreg:$0x0] =	wrdreg $0x0  }
0xaa: {  	s6 =	sshll.u32 s28, $0x1;
	[dreg:$0x2] =	wrdreg s5  }
0xab: {  	[dreg:$0x3] =	wrdreg s6  }
0xac: {  	[dreg:$0x4] =	wrdreg $0xC0  }
0xad: {  	_ =	task [dreg:s9], $0x5FFFF  }
0xae: {  	[dreg:$0x1] =	wrdreg $0xFFFFFFFF  }
0xaf: {  	[dreg:$0x0] =	wrdreg $0x60  }
0xb0: {  	[dreg:$0x2] =	wrdreg s2  }
0xb1: {  	[dreg:$0x3] =	wrdreg s19  }
0xb2: {  	[dreg:$0x4] =	wrdreg s4  }
0xb3: {  	[dreg:$0x5] =	wrdreg $0x9  }
0xb4: {  	_ =	task.clear_ibuf [dreg:s9], $0x6FFFF;
	_ =	strace $0x90000046  }
0xb5: {  	s29 =	simm.s32 $0x9;
	_ =	strace $0x80000048  }
0xb6: {  	_ =	swait.ge [sflag:s29], $0x1  }
0xb7: {  	[sflag:s29] =	ssyncadd.s32 $0xFFFFFFFF  }
0xb8: {  	_ =	strace $0x90000048  }
0xb9: {  	_ =	sfence  }
0xba: {  	s30 =	sld [smem:$0x0];
	_ =	sdelay $0x2  }
0xbb: {  	s31 =	sshll.u32 s1, $0xD;
	s1 =	sshrl.u32 s1, $0x2  }
0xbc: {  	s3 =	sand.u32 $0x4000, s31;
	s1 =	sadd.s32 s1, s30  }
0xbd: {  	s0 =	sor.u32 s3, s0;
	s1 =	sshll.u32 s1, $0x11  }
0xbe: {  	s0 =	sor.u32 s1, s0  }
0xbf: {  	s0 =	sadd.s32 $0x8F2B, s0  }
0xc0: {  	[sflag:s0] =	ssyncadd.remote.s32 $0x1  }
0xc1: {  	_ =	sfence.sel $0xFFFF  }
0xc2: {  	[dreg:$0x0] =	wrdreg $0xFFFFFFFF;
	(pc) =	sbr.abs _section_cstart, $3  }
0xc3: {  	[dreg:$0x1] =	wrdreg $0xFFFFFFFF  }
0xc4: {  	_ =	task.clear_ibuf [dreg:s9], $0x2FFFF;
	_ =	strace $0x9FFFFFFF  }
0xc5: {  	(tm) =	ssettm $0x7FFFFFFF  }
tec
execute0_lowered:
.L_overlay_start_1:
0x0: {  	(tag) =	ssettag $0x1  }
0x1: {  	s0 =	srdreg.scid  }
0x2: {  	s3 =	stileid.u32;
	s0 =	sand.u32 $0x1, s0  }
0x3: {  	s1 =	rddreg [dreg:$0x0];
	s5 =	sshll.u32 s3, $0xB;
	s6 =	sshll.u32 s0, $0xA  }
0x4: {  	s2 =	rddreg [dreg:$0x1];
	s5 =	sor.u32 s6, s5  }
0x5: {  	s4 =	rddreg [dreg:$0x2];
	s3 =	simm.s32 $0x0;
	s6 =	sshrl.u32 s5, $0x3  }
0x6: {  	[smem:$0x7FF] =	sst s3;
	s5 =	sshll.u32 s5, $0x7;
	s2 =	sadd.s32 s2, s6  }
0x7: {  	_ =	strace $0x80000047;
	s8 =	sadd.s32 s4, s5;
	[dreg:$0x4] =	wrdreg s2  }
0x8: {  	s25 =	sadd.s32 $0x1000, s8;
	[smem:$0x7FC] =	sst s8  }
0x9: {  	s26 =	sadd.s32 $0x2000, s8;
	[dreg:$0x5] =	wrdreg s25  }
0xa: {  	s28 =	sadd.s32 $0x3000, s8;
	[dreg:$0x6] =	wrdreg s26  }
0xb: {  	s29 =	sadd.s32 $0x4000, s8;
	[dreg:$0x7] =	wrdreg s28  }
0xc: {  	s30 =	sadd.s32 $0x5000, s8;
	[dreg:$0x8] =	wrdreg s29  }
0xd: {  	s31 =	sadd.s32 $0x6000, s8;
	[dreg:$0x9] =	wrdreg s30  }
0xe: {  	s4 =	sadd.s32 $0x7000, s8;
	[dreg:$0xa] =	wrdreg s31  }
0xf: {  	s5 =	sadd.s32 $0x8000, s8;
	[dreg:$0xb] =	wrdreg s4  }
0x10: {  	s6 =	sadd.s32 $0x9000, s8;
	[dreg:$0xc] =	wrdreg s5  }
0x11: {  	s7 =	sadd.s32 $0xA000, s8;
	[dreg:$0xd] =	wrdreg s6  }
0x12: {  	s9 =	sadd.s32 $0xB000, s8;
	[dreg:$0xe] =	wrdreg s7  }
0x13: {  	s10 =	sadd.s32 $0xC000, s8;
	[dreg:$0xf] =	wrdreg s9  }
0x14: {  	s11 =	sadd.s32 $0xD000, s8;
	[dreg:$0x10] =	wrdreg s10  }
0x15: {  	s12 =	sadd.s32 $0xE000, s8;
	[dreg:$0x11] =	wrdreg s11  }
0x16: {  	s13 =	sadd.s32 $0xF000, s8;
	[dreg:$0x12] =	wrdreg s12  }
0x17: {  	s14 =	sadd.s32 $0x10000, s8;
	[dreg:$0x13] =	wrdreg s13  }
0x18: {  	s15 =	sadd.s32 $0x11000, s8;
	[dreg:$0x14] =	wrdreg s14  }
0x19: {  	s16 =	sadd.s32 $0x12000, s8;
	[dreg:$0x15] =	wrdreg s15  }
0x1a: {  	s17 =	sadd.s32 $0x13000, s8;
	[dreg:$0x16] =	wrdreg s16  }
0x1b: {  	s18 =	sadd.s32 $0x14000, s8;
	[dreg:$0x17] =	wrdreg s17  }
0x1c: {  	s19 =	sadd.s32 $0x15000, s8;
	[dreg:$0x18] =	wrdreg s18  }
0x1d: {  	s20 =	sadd.s32 $0x16000, s8;
	[dreg:$0x19] =	wrdreg s19  }
0x1e: {  	s21 =	sadd.s32 $0x17000, s8;
	[dreg:$0x1a] =	wrdreg s20  }
0x1f: {  	s22 =	sadd.s32 $0x18000, s8;
	[dreg:$0x1b] =	wrdreg s21  }
0x20: {  	s23 =	sadd.s32 $0x19000, s8;
	[dreg:$0x1c] =	wrdreg s22  }
0x21: {  	s0 =	ssub.s32 $0x2, s0;
	s24 =	sadd.s32 $0x1A000, s8;
	[dreg:$0x1d] =	wrdreg s23  }
0x22: {  	s25 =	sshrl.u32 s0, $0x1;
	[dreg:$0x1e] =	wrdreg s24  }
0x23: {  	s26 =	sadd.s32 $0x1B000, s8;
	s28 =	sadd.s32 $0x1C000, s8;
	s5 =	sadd.s32 $0x100, s1  }
0x24: {  	s29 =	sadd.s32 $0x1D000, s8;
	s6 =	sadd.s32 $0x200, s1;
	s30 =	sadd.s32 $0x1E000, s8  }
0x25: {  	s7 =	sadd.s32 $0x300, s1;
	s31 =	sadd.s32 $0x1F000, s8;
	[dreg:$0x1f] =	wrdreg s26  }
0x26: {  	s22 =	simm.s32 $0x400;
	s17 =	simm.s32 $0x1;
	[smem:$0x7F9] =	sst s28  }
0x27: {  	v2 =	vlaneseq.u32;
	s18 =	simm.s32 $0x3;
	s19 =	simm.s32 $0x2;
	[smem:$0x7FA] =	sst s29  }
0x28: {  	vm0 =	vmmov $0xffff;
	v1 =	vshrl.u32 v2, $0x3;
	s20 =	simm.s32 $0x4;
	s0 =	ssub.s32 s0, s25;
	[smem:$0x7FB] =	sst s30  }
0x29: {  	v0 =	vand.u32 $0x7, v2;
	v2 =	vor.u32 $0x8, v2;
	v1 =	vmul.u32 $0x8, v1;
	[smem:$0x7FD] =	sst s31;
	s26 =	simm.s32 $0x8400;
	s21 =	smax.u32 s0, $0x1  }
.LBB2_1:
0x2a: {  	[smem:$0x7F8] =	sst s21  }
0x2b: {  	s12 =	rddreg [dreg:$0x4];
	s13 =	simm.s32 $0x5  }
0x2c: {  	[tilespmem:s3], [sflag:$0x5] =	stream.linear.gather [hbm4b:s12+s3], $0x400, $0x38;
	[tilespmem:$0x10400] =	vst v63  }
0x2d: {  	_ =	swait.ge [sflag:s13], $0x400  }
0x2e: {  	[sflag:s13] =	ssyncset.done $0x0  }
0x2f: {  	[sflag:s13] =	ssyncadd.s32 $0xFFFFFC00  }
0x30: {  	v3 =	vld [tilespmem:$0x0];
	_ =	sdelay $0x4  }
0x31: {  	v4 =	vshll.u32 v3, $0x3  }
0x32: {  	v3 =	vand.u32 $0x7, v3;
	v4 =	vand.u32 $0xFFFFFFC0, v4  }
0x33: {  	v3 =	vor.u32 v3, v4  }
0x34: {  	v4 =	vperm.xlane v3, v0;
	_ =	sdelay $0x1  }
0x35: {  	v4 =	vadd.s32 v1, v4;
	_ =	sdelay $0x4  }
0x36: {  	[tilespmem:s22], [sflag:$0x1] =	stream.indirect_vreg.gather [hbm4b:s1+s3], $0x80, v4, vm0, $0xb8;
	[tilespmem:$0x10400] =	vst v63  }
0x37: {  	s0 =	simm.s32 $0xC00;
	v3 =	vperm.xlane v3, v2  }
0x38: {  	[tilespmem:s0], [sflag:$0x1] =	stream.indirect_vreg.gather [hbm4b:s5+s3], $0x80, v4, vm0, $0xb8;
	[tilespmem:$0x10400] =	vst v63  }
0x39: {  	s14 =	simm.s32 $0x1400;
	v3 =	vadd.s32 v1, v3  }
0x3a: {  	[tilespmem:s14], [sflag:$0x1] =	stream.indirect_vreg.gather [hbm4b:s6+s3], $0x80, v4, vm0, $0xb8;
	[tilespmem:$0x10400] =	vst v63  }
0x3b: {  	s15 =	simm.s32 $0x1C00  }
0x3c: {  	[tilespmem:s15], [sflag:$0x1] =	stream.indirect_vreg.gather [hbm4b:s7+s3], $0x80, v4, vm0, $0xb8;
	[tilespmem:$0x10400] =	vst v63  }
0x3d: {  	s16 =	simm.s32 $0x2400  }
0x3e: {  	[tilespmem:s16], [sflag:$0x1] =	stream.indirect_vreg.gather [hbm4b:s1+s3], $0x80, v3, vm0, $0xb8;
	[tilespmem:$0x10400] =	vst v63  }
0x3f: {  	s21 =	simm.s32 $0x2C00  }
0x40: {  	[tilespmem:s21], [sflag:$0x1] =	stream.indirect_vreg.gather [hbm4b:s5+s3], $0x80, v3, vm0, $0xb8;
	[tilespmem:$0x10400] =	vst v63  }
0x41: {  	s23 =	simm.s32 $0x3400  }
0x42: {  	[tilespmem:s23], [sflag:$0x1] =	stream.indirect_vreg.gather [hbm4b:s6+s3], $0x80, v3, vm0, $0xb8;
	[tilespmem:$0x10400] =	vst v63  }
0x43: {  	s24 =	simm.s32 $0x3C00  }
0x44: {  	[tilespmem:s24], [sflag:$0x1] =	stream.indirect_vreg.gather [hbm4b:s7+s3], $0x80, v3, vm0, $0xb8;
	[tilespmem:$0x10400] =	vst v63  }
0x45: {  	v3 =	vld [tilespmem:$0x10];
	_ =	sdelay $0x4  }
0x46: {  	v57 =	vshll.u32 v3, $0x3  }
0x47: {  	v3 =	vand.u32 $0x7, v3;
	v4 =	vand.u32 $0xFFFFFFC0, v57  }
0x48: {  	v3 =	vor.u32 v3, v4  }
0x49: {  	v4 =	vperm.xlane v3, v0;
	_ =	sdelay $0x1  }
0x4a: {  	v4 =	vadd.s32 v1, v4;
	_ =	sdelay $0x3  }
0x4b: {  	s25 =	simm.s32 $0x4400  }
0x4c: {  	[tilespmem:s25], [sflag:$0x1] =	stream.indirect_vreg.gather [hbm4b:s1+s3], $0x80, v4, vm0, $0xb8;
	[tilespmem:$0x10400] =	vst v63  }
0x4d: {  	s28 =	simm.s32 $0x4C00;
	v3 =	vperm.xlane v3, v2  }
0x4e: {  	[tilespmem:s28], [sflag:$0x1] =	stream.indirect_vreg.gather [hbm4b:s5+s3], $0x80, v4, vm0, $0xb8;
	[tilespmem:$0x10400] =	vst v63  }
0x4f: {  	s29 =	simm.s32 $0x5400;
	v3 =	vadd.s32 v1, v3  }
0x50: {  	[tilespmem:s29], [sflag:$0x1] =	stream.indirect_vreg.gather [hbm4b:s6+s3], $0x80, v4, vm0, $0xb8;
	[tilespmem:$0x10400] =	vst v63  }
0x51: {  	s30 =	simm.s32 $0x5C00  }
0x52: {  	[tilespmem:s30], [sflag:$0x1] =	stream.indirect_vreg.gather [hbm4b:s7+s3], $0x80, v4, vm0, $0xb8;
	[tilespmem:$0x10400] =	vst v63  }
0x53: {  	s31 =	simm.s32 $0x6400  }
0x54: {  	[tilespmem:s31], [sflag:$0x1] =	stream.indirect_vreg.gather [hbm4b:s1+s3], $0x80, v3, vm0, $0xb8;
	[tilespmem:$0x10400] =	vst v63  }
0x55: {  	s9 =	simm.s32 $0x6C00  }
0x56: {  	[tilespmem:s9], [sflag:$0x1] =	stream.indirect_vreg.gather [hbm4b:s5+s3], $0x80, v3, vm0, $0xb8;
	[tilespmem:$0x10400] =	vst v63  }
0x57: {  	s10 =	simm.s32 $0x7400  }
0x58: {  	[tilespmem:s10], [sflag:$0x1] =	stream.indirect_vreg.gather [hbm4b:s6+s3], $0x80, v3, vm0, $0xb8;
	[tilespmem:$0x10400] =	vst v63  }
0x59: {  	s14 =	simm.s32 $0x7C00  }
0x5a: {  	[tilespmem:s14], [sflag:$0x1] =	stream.indirect_vreg.gather [hbm4b:s7+s3], $0x80, v3, vm0, $0xb8;
	[tilespmem:$0x10400] =	vst v63  }
0x5b: {  	v3 =	vld [tilespmem:$0x20];
	_ =	sdelay $0x4  }
0x5c: {  	v58 =	vshll.u32 v3, $0x3  }
0x5d: {  	v3 =	vand.u32 $0x7, v3;
	v4 =	vand.u32 $0xFFFFFFC0, v58  }
0x5e: {  	v3 =	vor.u32 v3, v4  }
0x5f: {  	v4 =	vperm.xlane v3, v0;
	_ =	sdelay $0x1  }
0x60: {  	v4 =	vadd.s32 v1, v4;
	_ =	sdelay $0x4  }
0x61: {  	[tilespmem:s26], [sflag:$0x2] =	stream.indirect_vreg.gather [hbm4b:s1+s3], $0x80, v4, vm0, $0xb8;
	[tilespmem:$0x10400] =	vst v63  }
0x62: {  	s16 =	simm.s32 $0x8C00;
	v3 =	vperm.xlane v3, v2  }
0x63: {  	[tilespmem:s16], [sflag:$0x2] =	stream.indirect_vreg.gather [hbm4b:s5+s3], $0x80, v4, vm0, $0xb8;
	[tilespmem:$0x10400] =	vst v63  }
0x64: {  	s21 =	simm.s32 $0x9400;
	v3 =	vadd.s32 v1, v3  }
0x65: {  	[tilespmem:s21], [sflag:$0x2] =	stream.indirect_vreg.gather [hbm4b:s6+s3], $0x80, v4, vm0, $0xb8;
	[tilespmem:$0x10400] =	vst v63  }
0x66: {  	s24 =	simm.s32 $0x9C00  }
0x67: {  	[tilespmem:s24], [sflag:$0x2] =	stream.indirect_vreg.gather [hbm4b:s7+s3], $0x80, v4, vm0, $0xb8;
	[tilespmem:$0x10400] =	vst v63  }
0x68: {  	s25 =	simm.s32 $0xA400  }
0x69: {  	[tilespmem:s25], [sflag:$0x2] =	stream.indirect_vreg.gather [hbm4b:s1+s3], $0x80, v3, vm0, $0xb8;
	[tilespmem:$0x10400] =	vst v63  }
0x6a: {  	s28 =	simm.s32 $0xAC00  }
0x6b: {  	[tilespmem:s28], [sflag:$0x2] =	stream.indirect_vreg.gather [hbm4b:s5+s3], $0x80, v3, vm0, $0xb8;
	[tilespmem:$0x10400] =	vst v63  }
0x6c: {  	s29 =	simm.s32 $0xB400  }
0x6d: {  	[tilespmem:s29], [sflag:$0x2] =	stream.indirect_vreg.gather [hbm4b:s6+s3], $0x80, v3, vm0, $0xb8;
	[tilespmem:$0x10400] =	vst v63  }
0x6e: {  	s31 =	simm.s32 $0xBC00  }
0x6f: {  	[tilespmem:s31], [sflag:$0x2] =	stream.indirect_vreg.gather [hbm4b:s7+s3], $0x80, v3, vm0, $0xb8;
	[tilespmem:$0x10400] =	vst v63  }
0x70: {  	v3 =	vld [tilespmem:$0x30];
	_ =	sdelay $0x4  }
0x71: {  	v59 =	vshll.u32 v3, $0x3  }
0x72: {  	v3 =	vand.u32 $0x7, v3;
	v4 =	vand.u32 $0xFFFFFFC0, v59  }
0x73: {  	v3 =	vor.u32 v3, v4  }
0x74: {  	v4 =	vperm.xlane v3, v0;
	_ =	sdelay $0x1  }
0x75: {  	v4 =	vadd.s32 v1, v4;
	_ =	sdelay $0x3  }
0x76: {  	s0 =	simm.s32 $0xC400  }
0x77: {  	[tilespmem:s0], [sflag:$0x2] =	stream.indirect_vreg.gather [hbm4b:s1+s3], $0x80, v4, vm0, $0xb8;
	[tilespmem:$0x10400] =	vst v63  }
0x78: {  	s9 =	simm.s32 $0xCC00;
	v3 =	vperm.xlane v3, v2  }
0x79: {  	[tilespmem:s9], [sflag:$0x2] =	stream.indirect_vreg.gather [hbm4b:s5+s3], $0x80, v4, vm0, $0xb8;
	[tilespmem:$0x10400] =	vst v63  }
0x7a: {  	s10 =	simm.s32 $0xD400;
	v3 =	vadd.s32 v1, v3  }
0x7b: {  	[tilespmem:s10], [sflag:$0x2] =	stream.indirect_vreg.gather [hbm4b:s6+s3], $0x80, v4, vm0, $0xb8;
	[tilespmem:$0x10400] =	vst v63  }
0x7c: {  	s14 =	simm.s32 $0xDC00  }
0x7d: {  	[tilespmem:s14], [sflag:$0x2] =	stream.indirect_vreg.gather [hbm4b:s7+s3], $0x80, v4, vm0, $0xb8;
	[tilespmem:$0x10400] =	vst v63  }
0x7e: {  	s16 =	simm.s32 $0xE400  }
0x7f: {  	[tilespmem:s16], [sflag:$0x2] =	stream.indirect_vreg.gather [hbm4b:s1+s3], $0x80, v3, vm0, $0xb8;
	[tilespmem:$0x10400] =	vst v63  }
0x80: {  	s0 =	simm.s32 $0xEC00  }
0x81: {  	[tilespmem:s0], [sflag:$0x2] =	stream.indirect_vreg.gather [hbm4b:s5+s3], $0x80, v3, vm0, $0xb8;
	[tilespmem:$0x10400] =	vst v63  }
0x82: {  	s9 =	simm.s32 $0xF400  }
0x83: {  	[tilespmem:s9], [sflag:$0x2] =	stream.indirect_vreg.gather [hbm4b:s6+s3], $0x80, v3, vm0, $0xb8;
	[tilespmem:$0x10400] =	vst v63  }
0x84: {  	s10 =	simm.s32 $0xFC00  }
0x85: {  	[tilespmem:s10], [sflag:$0x2] =	stream.indirect_vreg.gather [hbm4b:s7+s3], $0x80, v3, vm0, $0xb8;
	[tilespmem:$0x10400] =	vst v63  }
0x86: {  	_ =	swait.ge [sflag:s17], $0x8000  }
0x87: {  	s14 =	sld [smem:$0x7FC]  }
0x88: {  	[sflag:s17] =	ssyncset.done $0x0  }
0x89: {  	[sflag:s17] =	ssyncadd.s32 $0xFFFF8000  }
0x8a: {  	[hbm4b:s14+s3] =	stream.linear.scatter [tilespmem:s22], [sflag:$0x3], $0x8000, $0x38;
	[tilespmem:$0x10400] =	vst v63  }
0x8b: {  	_ =	swait.ge [sflag:s18], $0x8000  }
0x8c: {  	[sflag:s18] =	ssyncset.done $0x0  }
0x8d: {  	[sflag:s18] =	ssyncadd.s32 $0xFFFF8000  }
0x8e: {  	v3 =	vld [tilespmem:$0x40];
	_ =	sdelay $0x4  }
0x8f: {  	v60 =	vshll.u32 v3, $0x3  }
0x90: {  	v3 =	vand.u32 $0x7, v3;
	v4 =	vand.u32 $0xFFFFFFC0, v60  }
0x91: {  	v3 =	vor.u32 v3, v4  }
0x92: {  	v4 =	vperm.xlane v3, v0;
	_ =	sdelay $0x1  }
0x93: {  	v4 =	vadd.s32 v1, v4;
	_ =	sdelay $0x4  }
0x94: {  	[tilespmem:s22], [sflag:$0x1] =	stream.indirect_vreg.gather [hbm4b:s1+s3], $0x80, v4, vm0, $0xb8;
	[tilespmem:$0x10400] =	vst v63  }
0x95: {  	s8 =	simm.s32 $0xC00;
	v3 =	vperm.xlane v3, v2  }
0x96: {  	[tilespmem:s8], [sflag:$0x1] =	stream.indirect_vreg.gather [hbm4b:s5+s3], $0x80, v4, vm0, $0xb8;
	[tilespmem:$0x10400] =	vst v63  }
0x97: {  	s2 =	simm.s32 $0x1400;
	v3 =	vadd.s32 v1, v3  }
0x98: {  	[tilespmem:s2], [sflag:$0x1] =	stream.indirect_vreg.gather [hbm4b:s6+s3], $0x80, v4, vm0, $0xb8;
	[tilespmem:$0x10400] =	vst v63  }
0x99: {  	s4 =	simm.s32 $0x1C00  }
0x9a: {  	[tilespmem:s4], [sflag:$0x1] =	stream.indirect_vreg.gather [hbm4b:s7+s3], $0x80, v4, vm0, $0xb8;
	[tilespmem:$0x10400] =	vst v63  }
0x9b: {  	s10 =	simm.s32 $0x2400  }
0x9c: {  	[tilespmem:s10], [sflag:$0x1] =	stream.indirect_vreg.gather [hbm4b:s1+s3], $0x80, v3, vm0, $0xb8;
	[tilespmem:$0x10400] =	vst v63  }
0x9d: {  	s8 =	simm.s32 $0x2C00  }
0x9e: {  	[tilespmem:s8], [sflag:$0x1] =	stream.indirect_vreg.gather [hbm4b:s5+s3], $0x80, v3, vm0, $0xb8;
	[tilespmem:$0x10400] =	vst v63  }
0x9f: {  	s9 =	simm.s32 $0x3400  }
0xa0: {  	[tilespmem:s9], [sflag:$0x1] =	stream.indirect_vreg.gather [hbm4b:s6+s3], $0x80, v3, vm0, $0xb8;
	[tilespmem:$0x10400] =	vst v63  }
0xa1: {  	s12 =	simm.s32 $0x3C00  }
0xa2: {  	[tilespmem:s12], [sflag:$0x1] =	stream.indirect_vreg.gather [hbm4b:s7+s3], $0x80, v3, vm0, $0xb8;
	[tilespmem:$0x10400] =	vst v63  }
0xa3: {  	v3 =	vld [tilespmem:$0x50];
	_ =	sdelay $0x4  }
0xa4: {  	v61 =	vshll.u32 v3, $0x3  }
0xa5: {  	v3 =	vand.u32 $0x7, v3;
	v4 =	vand.u32 $0xFFFFFFC0, v61  }
0xa6: {  	v3 =	vor.u32 v3, v4  }
0xa7: {  	v4 =	vperm.xlane v3, v0;
	_ =	sdelay $0x1  }
0xa8: {  	v4 =	vadd.s32 v1, v4;
	_ =	sdelay $0x3  }
0xa9: {  	s14 =	simm.s32 $0x4400  }
0xaa: {  	[tilespmem:s14], [sflag:$0x1] =	stream.indirect_vreg.gather [hbm4b:s1+s3], $0x80, v4, vm0, $0xb8;
	[tilespmem:$0x10400] =	vst v63  }
0xab: {  	s12 =	simm.s32 $0x4C00;
	v3 =	vperm.xlane v3, v2  }
0xac: {  	[tilespmem:s12], [sflag:$0x1] =	stream.indirect_vreg.gather [hbm4b:s5+s3], $0x80, v4, vm0, $0xb8;
	[tilespmem:$0x10400] =	vst v63  }
0xad: {  	s15 =	simm.s32 $0x5400;
	v3 =	vadd.s32 v1, v3  }
0xae: {  	[tilespmem:s15], [sflag:$0x1] =	stream.indirect_vreg.gather [hbm4b:s6+s3], $0x80, v4, vm0, $0xb8;
	[tilespmem:$0x10400] =	vst v63  }
0xaf: {  	s13 =	simm.s32 $0x5C00  }
0xb0: {  	[tilespmem:s13], [sflag:$0x1] =	stream.indirect_vreg.gather [hbm4b:s7+s3], $0x80, v4, vm0, $0xb8;
	[tilespmem:$0x10400] =	vst v63  }
0xb1: {  	s11 =	simm.s32 $0x6400  }
0xb2: {  	[tilespmem:s11], [sflag:$0x1] =	stream.indirect_vreg.gather [hbm4b:s1+s3], $0x80, v3, vm0, $0xb8;
	[tilespmem:$0x10400] =	vst v63  }
0xb3: {  	s11 =	simm.s32 $0x6C00  }
0xb4: {  	[tilespmem:s11], [sflag:$0x1] =	stream.indirect_vreg.gather [hbm4b:s5+s3], $0x80, v3, vm0, $0xb8;
	[tilespmem:$0x10400] =	vst v63  }
0xb5: {  	s4 =	simm.s32 $0x7400  }
0xb6: {  	[tilespmem:s4], [sflag:$0x1] =	stream.indirect_vreg.gather [hbm4b:s6+s3], $0x80, v3, vm0, $0xb8;
	[tilespmem:$0x10400] =	vst v63  }
0xb7: {  	s13 =	simm.s32 $0x7C00  }
0xb8: {  	[tilespmem:s13], [sflag:$0x1] =	stream.indirect_vreg.gather [hbm4b:s7+s3], $0x80, v3, vm0, $0xb8;
	[tilespmem:$0x10400] =	vst v63  }
0xb9: {  	_ =	swait.ge [sflag:s19], $0x8000  }
0xba: {  	[sflag:s19] =	ssyncset.done $0x0  }
0xbb: {  	s15 =	rddreg [dreg:$0x5];
	[sflag:s19] =	ssyncadd.s32 $0xFFFF8000  }
0xbc: {  	[hbm4b:s15+s3] =	stream.linear.scatter [tilespmem:s26], [sflag:$0x4], $0x8000, $0x38;
	[tilespmem:$0x10400] =	vst v63  }
0xbd: {  	_ =	swait.ge [sflag:s20], $0x8000  }
0xbe: {  	[sflag:s20] =	ssyncset.done $0x0  }
0xbf: {  	[sflag:s20] =	ssyncadd.s32 $0xFFFF8000  }
0xc0: {  	v3 =	vld [tilespmem:$0x60];
	_ =	sdelay $0x4  }
0xc1: {  	v62 =	vshll.u32 v3, $0x3  }
0xc2: {  	v3 =	vand.u32 $0x7, v3;
	v4 =	vand.u32 $0xFFFFFFC0, v62  }
0xc3: {  	v3 =	vor.u32 v3, v4  }
0xc4: {  	v4 =	vperm.xlane v3, v0;
	_ =	sdelay $0x1  }
0xc5: {  	v4 =	vadd.s32 v1, v4;
	_ =	sdelay $0x4  }
0xc6: {  	[tilespmem:s26], [sflag:$0x2] =	stream.indirect_vreg.gather [hbm4b:s1+s3], $0x80, v4, vm0, $0xb8;
	[tilespmem:$0x10400] =	vst v63  }
0xc7: {  	s23 =	simm.s32 $0x8C00;
	v3 =	vperm.xlane v3, v2  }
0xc8: {  	[tilespmem:s23], [sflag:$0x2] =	stream.indirect_vreg.gather [hbm4b:s5+s3], $0x80, v4, vm0, $0xb8;
	[tilespmem:$0x10400] =	vst v63  }
0xc9: {  	s0 =	simm.s32 $0x9400;
	v3 =	vadd.s32 v1, v3  }
0xca: {  	[tilespmem:s0], [sflag:$0x2] =	stream.indirect_vreg.gather [hbm4b:s6+s3], $0x80, v4, vm0, $0xb8;
	[tilespmem:$0x10400] =	vst v63  }
0xcb: {  	s2 =	simm.s32 $0x9C00  }
0xcc: {  	[tilespmem:s2], [sflag:$0x2] =	stream.indirect_vreg.gather [hbm4b:s7+s3], $0x80, v4, vm0, $0xb8;
	[tilespmem:$0x10400] =	vst v63  }
0xcd: {  	s30 =	simm.s32 $0xA400  }
0xce: {  	[tilespmem:s30], [sflag:$0x2] =	stream.indirect_vreg.gather [hbm4b:s1+s3], $0x80, v3, vm0, $0xb8;
	[tilespmem:$0x10400] =	vst v63  }
0xcf: {  	s21 =	simm.s32 $0xAC00  }
0xd0: {  	[tilespmem:s21], [sflag:$0x2] =	stream.indirect_vreg.gather [hbm4b:s5+s3], $0x80, v3, vm0, $0xb8;
	[tilespmem:$0x10400] =	vst v63  }
0xd1: {  	s29 =	simm.s32 $0xB400  }
0xd2: {  	[tilespmem:s29], [sflag:$0x2] =	stream.indirect_vreg.gather [hbm4b:s6+s3], $0x80, v3, vm0, $0xb8;
	[tilespmem:$0x10400] =	vst v63  }
0xd3: {  	s24 =	simm.s32 $0xBC00  }
0xd4: {  	[tilespmem:s24], [sflag:$0x2] =	stream.indirect_vreg.gather [hbm4b:s7+s3], $0x80, v3, vm0, $0xb8;
	[tilespmem:$0x10400] =	vst v63  }
0xd5: {  	v3 =	vld [tilespmem:$0x70];
	_ =	sdelay $0x4  }
0xd6: {  	v63 =	vshll.u32 v3, $0x3  }
0xd7: {  	v3 =	vand.u32 $0x7, v3;
	v4 =	vand.u32 $0xFFFFFFC0, v63  }
0xd8: {  	v3 =	vor.u32 v3, v4  }
0xd9: {  	v4 =	vperm.xlane v3, v0;
	_ =	sdelay $0x1  }
0xda: {  	v4 =	vadd.s32 v1, v4;
	_ =	sdelay $0x3  }
0xdb: {  	s25 =	simm.s32 $0xC400  }
0xdc: {  	[tilespmem:s25], [sflag:$0x2] =	stream.indirect_vreg.gather [hbm4b:s1+s3], $0x80, v4, vm0, $0xb8;
	[tilespmem:$0x10400] =	vst v63  }
0xdd: {  	s28 =	simm.s32 $0xCC00;
	v3 =	vperm.xlane v3, v2  }
0xde: {  	[tilespmem:s28], [sflag:$0x2] =	stream.indirect_vreg.gather [hbm4b:s5+s3], $0x80, v4, vm0, $0xb8;
	[tilespmem:$0x10400] =	vst v63  }
0xdf: {  	s31 =	simm.s32 $0xD400;
	v3 =	vadd.s32 v1, v3  }
0xe0: {  	[tilespmem:s31], [sflag:$0x2] =	stream.indirect_vreg.gather [hbm4b:s6+s3], $0x80, v4, vm0, $0xb8;
	[tilespmem:$0x10400] =	vst v63  }
0xe1: {  	s25 =	simm.s32 $0xDC00  }
0xe2: {  	[tilespmem:s25], [sflag:$0x2] =	stream.indirect_vreg.gather [hbm4b:s7+s3], $0x80, v4, vm0, $0xb8;
	[tilespmem:$0x10400] =	vst v63  }
0xe3: {  	s28 =	simm.s32 $0xE400  }
0xe4: {  	[tilespmem:s28], [sflag:$0x2] =	stream.indirect_vreg.gather [hbm4b:s1+s3], $0x80, v3, vm0, $0xb8;
	[tilespmem:$0x10400] =	vst v63  }
0xe5: {  	s29 =	simm.s32 $0xEC00  }
0xe6: {  	[tilespmem:s29], [sflag:$0x2] =	stream.indirect_vreg.gather [hbm4b:s5+s3], $0x80, v3, vm0, $0xb8;
	[tilespmem:$0x10400] =	vst v63  }
0xe7: {  	s25 =	simm.s32 $0xF400  }
0xe8: {  	[tilespmem:s25], [sflag:$0x2] =	stream.indirect_vreg.gather [hbm4b:s6+s3], $0x80, v3, vm0, $0xb8;
	[tilespmem:$0x10400] =	vst v63  }
0xe9: {  	s16 =	simm.s32 $0xFC00  }
0xea: {  	[tilespmem:s16], [sflag:$0x2] =	stream.indirect_vreg.gather [hbm4b:s7+s3], $0x80, v3, vm0, $0xb8;
	[tilespmem:$0x10400] =	vst v63  }
0xeb: {  	_ =	swait.ge [sflag:s17], $0x8000  }
0xec: {  	[sflag:s17] =	ssyncset.done $0x0  }
0xed: {  	s21 =	rddreg [dreg:$0x6];
	[sflag:s17] =	ssyncadd.s32 $0xFFFF8000  }
0xee: {  	[hbm4b:s21+s3] =	stream.linear.scatter [tilespmem:s22], [sflag:$0x3], $0x8000, $0x38;
	[tilespmem:$0x10400] =	vst v63  }
0xef: {  	_ =	swait.ge [sflag:s18], $0x8000  }
0xf0: {  	[sflag:s18] =	ssyncset.done $0x0  }
0xf1: {  	[sflag:s18] =	ssyncadd.s32 $0xFFFF8000  }
0xf2: {  	v3 =	vld [tilespmem:$0x80];
	_ =	sdelay $0x4  }
0xf3: {  	v8 =	vshll.u32 v3, $0x3  }
0xf4: {  	v3 =	vand.u32 $0x7, v3;
	v4 =	vand.u32 $0xFFFFFFC0, v8  }
0xf5: {  	v3 =	vor.u32 v3, v4  }
0xf6: {  	v4 =	vperm.xlane v3, v0;
	_ =	sdelay $0x1  }
0xf7: {  	v4 =	vadd.s32 v1, v4;
	_ =	sdelay $0x4  }
0xf8: {  	[tilespmem:s22], [sflag:$0x1] =	stream.indirect_vreg.gather [hbm4b:s1+s3], $0x80, v4, vm0, $0xb8;
	[tilespmem:$0x10400] =	vst v63  }
0xf9: {  	s21 =	simm.s32 $0xC00;
	v3 =	vperm.xlane v3, v2  }
0xfa: {  	[tilespmem:s21], [sflag:$0x1] =	stream.indirect_vreg.gather [hbm4b:s5+s3], $0x80, v4, vm0, $0xb8;
	[tilespmem:$0x10400] =	vst v63  }
0xfb: {  	v3 =	vadd.s32 v1, v3;
	s21 =	simm.s32 $0x1400  }
0xfc: {  	[tilespmem:s21], [sflag:$0x1] =	stream.indirect_vreg.gather [hbm4b:s6+s3], $0x80, v4, vm0, $0xb8;
	[tilespmem:$0x10400] =	vst v63  }
0xfd: {  	s21 =	simm.s32 $0x1C00  }
0xfe: {  	[tilespmem:s21], [sflag:$0x1] =	stream.indirect_vreg.gather [hbm4b:s7+s3], $0x80, v4, vm0, $0xb8;
	[tilespmem:$0x10400] =	vst v63  }
0xff: {  	_ = 	snop  }
0x100: {  	[tilespmem:s10], [sflag:$0x1] =	stream.indirect_vreg.gather [hbm4b:s1+s3], $0x80, v3, vm0, $0xb8;
	[tilespmem:$0x10400] =	vst v63  }
0x101: {  	_ = 	snop  }
0x102: {  	[tilespmem:s8], [sflag:$0x1] =	stream.indirect_vreg.gather [hbm4b:s5+s3], $0x80, v3, vm0, $0xb8;
	[tilespmem:$0x10400] =	vst v63  }
0x103: {  	_ = 	snop  }
0x104: {  	[tilespmem:s9], [sflag:$0x1] =	stream.indirect_vreg.gather [hbm4b:s6+s3], $0x80, v3, vm0, $0xb8;
	[tilespmem:$0x10400] =	vst v63  }
0x105: {  	s21 =	simm.s32 $0x3C00  }
0x106: {  	[tilespmem:s21], [sflag:$0x1] =	stream.indirect_vreg.gather [hbm4b:s7+s3], $0x80, v3, vm0, $0xb8;
	[tilespmem:$0x10400] =	vst v63  }
0x107: {  	v3 =	vld [tilespmem:$0x90];
	_ =	sdelay $0x4  }
0x108: {  	v9 =	vshll.u32 v3, $0x3  }
0x109: {  	v3 =	vand.u32 $0x7, v3;
	v4 =	vand.u32 $0xFFFFFFC0, v9  }
0x10a: {  	v3 =	vor.u32 v3, v4  }
0x10b: {  	v4 =	vperm.xlane v3, v0;
	_ =	sdelay $0x1  }
0x10c: {  	v4 =	vadd.s32 v1, v4;
	_ =	sdelay $0x4  }
0x10d: {  	[tilespmem:s14], [sflag:$0x1] =	stream.indirect_vreg.gather [hbm4b:s1+s3], $0x80, v4, vm0, $0xb8;
	[tilespmem:$0x10400] =	vst v63  }
0x10e: {  	v3 =	vperm.xlane v3, v2  }
0x10f: {  	[tilespmem:s12], [sflag:$0x1] =	stream.indirect_vreg.gather [hbm4b:s5+s3], $0x80, v4, vm0, $0xb8;
	[tilespmem:$0x10400] =	vst v63  }
0x110: {  	s21 =	simm.s32 $0x5400;
	v3 =	vadd.s32 v1, v3  }
0x111: {  	[tilespmem:s21], [sflag:$0x1] =	stream.indirect_vreg.gather [hbm4b:s6+s3], $0x80, v4, vm0, $0xb8;
	[tilespmem:$0x10400] =	vst v63  }
0x112: {  	s21 =	simm.s32 $0x5C00  }
0x113: {  	[tilespmem:s21], [sflag:$0x1] =	stream.indirect_vreg.gather [hbm4b:s7+s3], $0x80, v4, vm0, $0xb8;
	[tilespmem:$0x10400] =	vst v63  }
0x114: {  	s21 =	simm.s32 $0x6400  }
0x115: {  	[tilespmem:s21], [sflag:$0x1] =	stream.indirect_vreg.gather [hbm4b:s1+s3], $0x80, v3, vm0, $0xb8;
	[tilespmem:$0x10400] =	vst v63  }
0x116: {  	_ = 	snop  }
0x117: {  	[tilespmem:s11], [sflag:$0x1] =	stream.indirect_vreg.gather [hbm4b:s5+s3], $0x80, v3, vm0, $0xb8;
	[tilespmem:$0x10400] =	vst v63  }
0x118: {  	_ = 	snop  }
0x119: {  	[tilespmem:s4], [sflag:$0x1] =	stream.indirect_vreg.gather [hbm4b:s6+s3], $0x80, v3, vm0, $0xb8;
	[tilespmem:$0x10400] =	vst v63  }
0x11a: {  	_ = 	snop  }
0x11b: {  	[tilespmem:s13], [sflag:$0x1] =	stream.indirect_vreg.gather [hbm4b:s7+s3], $0x80, v3, vm0, $0xb8;
	[tilespmem:$0x10400] =	vst v63  }
0x11c: {  	_ =	swait.ge [sflag:s19], $0x8000  }
0x11d: {  	[sflag:s19] =	ssyncset.done $0x0  }
0x11e: {  	s13 =	rddreg [dreg:$0x7];
	[sflag:s19] =	ssyncadd.s32 $0xFFFF8000  }
0x11f: {  	[hbm4b:s13+s3] =	stream.linear.scatter [tilespmem:s26], [sflag:$0x4], $0x8000, $0x38;
	[tilespmem:$0x10400] =	vst v63  }
0x120: {  	_ =	swait.ge [sflag:s20], $0x8000  }
0x121: {  	[sflag:s20] =	ssyncset.done $0x0  }
0x122: {  	[sflag:s20] =	ssyncadd.s32 $0xFFFF8000  }
0x123: {  	v3 =	vld [tilespmem:$0xA0];
	_ =	sdelay $0x4  }
0x124: {  	v10 =	vshll.u32 v3, $0x3  }
0x125: {  	v3 =	vand.u32 $0x7, v3;
	v4 =	vand.u32 $0xFFFFFFC0, v10  }
0x126: {  	v3 =	vor.u32 v3, v4  }
0x127: {  	v4 =	vperm.xlane v3, v0;
	_ =	sdelay $0x1  }
0x128: {  	v4 =	vadd.s32 v1, v4;
	_ =	sdelay $0x4  }
0x129: {  	[tilespmem:s26], [sflag:$0x2] =	stream.indirect_vreg.gather [hbm4b:s1+s3], $0x80, v4, vm0, $0xb8;
	[tilespmem:$0x10400] =	vst v63  }
0x12a: {  	s21 =	simm.s32 $0x8C00;
	v3 =	vperm.xlane v3, v2  }
0x12b: {  	[tilespmem:s21], [sflag:$0x2] =	stream.indirect_vreg.gather [hbm4b:s5+s3], $0x80, v4, vm0, $0xb8;
	[tilespmem:$0x10400] =	vst v63  }
0x12c: {  	v3 =	vadd.s32 v1, v3  }
0x12d: {  	[tilespmem:s0], [sflag:$0x2] =	stream.indirect_vreg.gather [hbm4b:s6+s3], $0x80, v4, vm0, $0xb8;
	[tilespmem:$0x10400] =	vst v63  }
0x12e: {  	_ = 	snop  }
0x12f: {  	[tilespmem:s2], [sflag:$0x2] =	stream.indirect_vreg.gather [hbm4b:s7+s3], $0x80, v4, vm0, $0xb8;
	[tilespmem:$0x10400] =	vst v63  }
0x130: {  	s23 =	simm.s32 $0xA400  }
0x131: {  	[tilespmem:s23], [sflag:$0x2] =	stream.indirect_vreg.gather [hbm4b:s1+s3], $0x80, v3, vm0, $0xb8;
	[tilespmem:$0x10400] =	vst v63  }
0x132: {  	s30 =	simm.s32 $0xAC00  }
0x133: {  	[tilespmem:s30], [sflag:$0x2] =	stream.indirect_vreg.gather [hbm4b:s5+s3], $0x80, v3, vm0, $0xb8;
	[tilespmem:$0x10400] =	vst v63  }
0x134: {  	s15 =	simm.s32 $0xB400  }
0x135: {  	[tilespmem:s15], [sflag:$0x2] =	stream.indirect_vreg.gather [hbm4b:s6+s3], $0x80, v3, vm0, $0xb8;
	[tilespmem:$0x10400] =	vst v63  }
0x136: {  	s30 =	simm.s32 $0xBC00  }
0x137: {  	[tilespmem:s30], [sflag:$0x2] =	stream.indirect_vreg.gather [hbm4b:s7+s3], $0x80, v3, vm0, $0xb8;
	[tilespmem:$0x10400] =	vst v63  }
0x138: {  	v3 =	vld [tilespmem:$0xB0];
	_ =	sdelay $0x4  }
0x139: {  	v11 =	vshll.u32 v3, $0x3  }
0x13a: {  	v3 =	vand.u32 $0x7, v3;
	v4 =	vand.u32 $0xFFFFFFC0, v11  }
0x13b: {  	v3 =	vor.u32 v3, v4  }
0x13c: {  	v4 =	vperm.xlane v3, v0;
	_ =	sdelay $0x1  }
0x13d: {  	v4 =	vadd.s32 v1, v4;
	_ =	sdelay $0x3  }
0x13e: {  	s30 =	simm.s32 $0xC400  }
0x13f: {  	[tilespmem:s30], [sflag:$0x2] =	stream.indirect_vreg.gather [hbm4b:s1+s3], $0x80, v4, vm0, $0xb8;
	[tilespmem:$0x10400] =	vst v63  }
0x140: {  	v3 =	vperm.xlane v3, v2;
	s30 =	simm.s32 $0xCC00  }
0x141: {  	[tilespmem:s30], [sflag:$0x2] =	stream.indirect_vreg.gather [hbm4b:s5+s3], $0x80, v4, vm0, $0xb8;
	[tilespmem:$0x10400] =	vst v63  }
0x142: {  	s24 =	simm.s32 $0xD400;
	v3 =	vadd.s32 v1, v3  }
0x143: {  	[tilespmem:s24], [sflag:$0x2] =	stream.indirect_vreg.gather [hbm4b:s6+s3], $0x80, v4, vm0, $0xb8;
	[tilespmem:$0x10400] =	vst v63  }
0x144: {  	s31 =	simm.s32 $0xDC00  }
0x145: {  	[tilespmem:s31], [sflag:$0x2] =	stream.indirect_vreg.gather [hbm4b:s7+s3], $0x80, v4, vm0, $0xb8;
	[tilespmem:$0x10400] =	vst v63  }
0x146: {  	s28 =	simm.s32 $0xE400  }
0x147: {  	[tilespmem:s28], [sflag:$0x2] =	stream.indirect_vreg.gather [hbm4b:s1+s3], $0x80, v3, vm0, $0xb8;
	[tilespmem:$0x10400] =	vst v63  }
0x148: {  	s29 =	simm.s32 $0xEC00  }
0x149: {  	[tilespmem:s29], [sflag:$0x2] =	stream.indirect_vreg.gather [hbm4b:s5+s3], $0x80, v3, vm0, $0xb8;
	[tilespmem:$0x10400] =	vst v63  }
0x14a: {  	s25 =	simm.s32 $0xF400  }
0x14b: {  	[tilespmem:s25], [sflag:$0x2] =	stream.indirect_vreg.gather [hbm4b:s6+s3], $0x80, v3, vm0, $0xb8;
	[tilespmem:$0x10400] =	vst v63  }
0x14c: {  	s16 =	simm.s32 $0xFC00  }
0x14d: {  	[tilespmem:s16], [sflag:$0x2] =	stream.indirect_vreg.gather [hbm4b:s7+s3], $0x80, v3, vm0, $0xb8;
	[tilespmem:$0x10400] =	vst v63  }
0x14e: {  	_ =	swait.ge [sflag:s17], $0x8000  }
0x14f: {  	[sflag:s17] =	ssyncset.done $0x0  }
0x150: {  	s29 =	rddreg [dreg:$0x8];
	[sflag:s17] =	ssyncadd.s32 $0xFFFF8000  }
0x151: {  	[hbm4b:s29+s3] =	stream.linear.scatter [tilespmem:s22], [sflag:$0x3], $0x8000, $0x38;
	[tilespmem:$0x10400] =	vst v63  }
0x152: {  	_ =	swait.ge [sflag:s18], $0x8000  }
0x153: {  	[sflag:s18] =	ssyncset.done $0x0  }
0x154: {  	[sflag:s18] =	ssyncadd.s32 $0xFFFF8000  }
0x155: {  	v3 =	vld [tilespmem:$0xC0];
	_ =	sdelay $0x4  }
0x156: {  	v12 =	vshll.u32 v3, $0x3  }
0x157: {  	v3 =	vand.u32 $0x7, v3;
	v4 =	vand.u32 $0xFFFFFFC0, v12  }
0x158: {  	v3 =	vor.u32 v3, v4  }
0x159: {  	v4 =	vperm.xlane v3, v0;
	_ =	sdelay $0x1  }
0x15a: {  	v4 =	vadd.s32 v1, v4;
	_ =	sdelay $0x4  }
0x15b: {  	[tilespmem:s22], [sflag:$0x1] =	stream.indirect_vreg.gather [hbm4b:s1+s3], $0x80, v4, vm0, $0xb8;
	[tilespmem:$0x10400] =	vst v63  }
0x15c: {  	s29 =	simm.s32 $0xC00;
	v3 =	vperm.xlane v3, v2  }
0x15d: {  	[tilespmem:s29], [sflag:$0x1] =	stream.indirect_vreg.gather [hbm4b:s5+s3], $0x80, v4, vm0, $0xb8;
	[tilespmem:$0x10400] =	vst v63  }
0x15e: {  	v3 =	vadd.s32 v1, v3;
	s29 =	simm.s32 $0x1400  }
0x15f: {  	[tilespmem:s29], [sflag:$0x1] =	stream.indirect_vreg.gather [hbm4b:s6+s3], $0x80, v4, vm0, $0xb8;
	[tilespmem:$0x10400] =	vst v63  }
0x160: {  	s29 =	simm.s32 $0x1C00  }
0x161: {  	[tilespmem:s29], [sflag:$0x1] =	stream.indirect_vreg.gather [hbm4b:s7+s3], $0x80, v4, vm0, $0xb8;
	[tilespmem:$0x10400] =	vst v63  }
0x162: {  	s10 =	simm.s32 $0x2400  }
0x163: {  	[tilespmem:s10], [sflag:$0x1] =	stream.indirect_vreg.gather [hbm4b:s1+s3], $0x80, v3, vm0, $0xb8;
	[tilespmem:$0x10400] =	vst v63  }
0x164: {  	s8 =	simm.s32 $0x2C00  }
0x165: {  	[tilespmem:s8], [sflag:$0x1] =	stream.indirect_vreg.gather [hbm4b:s5+s3], $0x80, v3, vm0, $0xb8;
	[tilespmem:$0x10400] =	vst v63  }
0x166: {  	s9 =	simm.s32 $0x3400  }
0x167: {  	[tilespmem:s9], [sflag:$0x1] =	stream.indirect_vreg.gather [hbm4b:s6+s3], $0x80, v3, vm0, $0xb8;
	[tilespmem:$0x10400] =	vst v63  }
0x168: {  	s21 =	simm.s32 $0x3C00  }
0x169: {  	[tilespmem:s21], [sflag:$0x1] =	stream.indirect_vreg.gather [hbm4b:s7+s3], $0x80, v3, vm0, $0xb8;
	[tilespmem:$0x10400] =	vst v63  }
0x16a: {  	v3 =	vld [tilespmem:$0xD0];
	_ =	sdelay $0x4  }
0x16b: {  	v13 =	vshll.u32 v3, $0x3  }
0x16c: {  	v3 =	vand.u32 $0x7, v3;
	v4 =	vand.u32 $0xFFFFFFC0, v13  }
0x16d: {  	v3 =	vor.u32 v3, v4  }
0x16e: {  	v4 =	vperm.xlane v3, v0;
	_ =	sdelay $0x1  }
0x16f: {  	v4 =	vadd.s32 v1, v4;
	_ =	sdelay $0x3  }
0x170: {  	s10 =	simm.s32 $0x4400  }
0x171: {  	[tilespmem:s10], [sflag:$0x1] =	stream.indirect_vreg.gather [hbm4b:s1+s3], $0x80, v4, vm0, $0xb8;
	[tilespmem:$0x10400] =	vst v63  }
0x172: {  	s12 =	simm.s32 $0x4C00;
	v3 =	vperm.xlane v3, v2  }
0x173: {  	[tilespmem:s12], [sflag:$0x1] =	stream.indirect_vreg.gather [hbm4b:s5+s3], $0x80, v4, vm0, $0xb8;
	[tilespmem:$0x10400] =	vst v63  }
0x174: {  	s21 =	simm.s32 $0x5400;
	v3 =	vadd.s32 v1, v3  }
0x175: {  	[tilespmem:s21], [sflag:$0x1] =	stream.indirect_vreg.gather [hbm4b:s6+s3], $0x80, v4, vm0, $0xb8;
	[tilespmem:$0x10400] =	vst v63  }
0x176: {  	s21 =	simm.s32 $0x5C00  }
0x177: {  	[tilespmem:s21], [sflag:$0x1] =	stream.indirect_vreg.gather [hbm4b:s7+s3], $0x80, v4, vm0, $0xb8;
	[tilespmem:$0x10400] =	vst v63  }
0x178: {  	s21 =	simm.s32 $0x6400  }
0x179: {  	[tilespmem:s21], [sflag:$0x1] =	stream.indirect_vreg.gather [hbm4b:s1+s3], $0x80, v3, vm0, $0xb8;
	[tilespmem:$0x10400] =	vst v63  }
0x17a: {  	s14 =	simm.s32 $0x6C00  }
0x17b: {  	[tilespmem:s14], [sflag:$0x1] =	stream.indirect_vreg.gather [hbm4b:s5+s3], $0x80, v3, vm0, $0xb8;
	[tilespmem:$0x10400] =	vst v63  }
0x17c: {  	s4 =	simm.s32 $0x7400  }
0x17d: {  	[tilespmem:s4], [sflag:$0x1] =	stream.indirect_vreg.gather [hbm4b:s6+s3], $0x80, v3, vm0, $0xb8;
	[tilespmem:$0x10400] =	vst v63  }
0x17e: {  	s11 =	simm.s32 $0x7C00  }
0x17f: {  	[tilespmem:s11], [sflag:$0x1] =	stream.indirect_vreg.gather [hbm4b:s7+s3], $0x80, v3, vm0, $0xb8;
	[tilespmem:$0x10400] =	vst v63  }
0x180: {  	_ =	swait.ge [sflag:s19], $0x8000  }
0x181: {  	[sflag:s19] =	ssyncset.done $0x0  }
0x182: {  	s12 =	rddreg [dreg:$0x9];
	[sflag:s19] =	ssyncadd.s32 $0xFFFF8000  }
0x183: {  	[hbm4b:s12+s3] =	stream.linear.scatter [tilespmem:s26], [sflag:$0x4], $0x8000, $0x38;
	[tilespmem:$0x10400] =	vst v63  }
0x184: {  	_ =	swait.ge [sflag:s20], $0x8000  }
0x185: {  	[sflag:s20] =	ssyncset.done $0x0  }
0x186: {  	[sflag:s20] =	ssyncadd.s32 $0xFFFF8000  }
0x187: {  	v3 =	vld [tilespmem:$0xE0];
	_ =	sdelay $0x4  }
0x188: {  	v14 =	vshll.u32 v3, $0x3  }
0x189: {  	v3 =	vand.u32 $0x7, v3;
	v4 =	vand.u32 $0xFFFFFFC0, v14  }
0x18a: {  	v3 =	vor.u32 v3, v4  }
0x18b: {  	v4 =	vperm.xlane v3, v0;
	_ =	sdelay $0x1  }
0x18c: {  	v4 =	vadd.s32 v1, v4;
	_ =	sdelay $0x4  }
0x18d: {  	[tilespmem:s26], [sflag:$0x2] =	stream.indirect_vreg.gather [hbm4b:s1+s3], $0x80, v4, vm0, $0xb8;
	[tilespmem:$0x10400] =	vst v63  }
0x18e: {  	s21 =	simm.s32 $0x8C00;
	v3 =	vperm.xlane v3, v2  }
0x18f: {  	[tilespmem:s21], [sflag:$0x2] =	stream.indirect_vreg.gather [hbm4b:s5+s3], $0x80, v4, vm0, $0xb8;
	[tilespmem:$0x10400] =	vst v63  }
0x190: {  	s0 =	simm.s32 $0x9400;
	v3 =	vadd.s32 v1, v3  }
0x191: {  	[tilespmem:s0], [sflag:$0x2] =	stream.indirect_vreg.gather [hbm4b:s6+s3], $0x80, v4, vm0, $0xb8;
	[tilespmem:$0x10400] =	vst v63  }
0x192: {  	s2 =	simm.s32 $0x9C00  }
0x193: {  	[tilespmem:s2], [sflag:$0x2] =	stream.indirect_vreg.gather [hbm4b:s7+s3], $0x80, v4, vm0, $0xb8;
	[tilespmem:$0x10400] =	vst v63  }
0x194: {  	s23 =	simm.s32 $0xA400  }
0x195: {  	[tilespmem:s23], [sflag:$0x2] =	stream.indirect_vreg.gather [hbm4b:s1+s3], $0x80, v3, vm0, $0xb8;
	[tilespmem:$0x10400] =	vst v63  }
0x196: {  	s13 =	simm.s32 $0xAC00  }
0x197: {  	[tilespmem:s13], [sflag:$0x2] =	stream.indirect_vreg.gather [hbm4b:s5+s3], $0x80, v3, vm0, $0xb8;
	[tilespmem:$0x10400] =	vst v63  }
0x198: {  	s15 =	simm.s32 $0xB400  }
0x199: {  	[tilespmem:s15], [sflag:$0x2] =	stream.indirect_vreg.gather [hbm4b:s6+s3], $0x80, v3, vm0, $0xb8;
	[tilespmem:$0x10400] =	vst v63  }
0x19a: {  	s21 =	simm.s32 $0xBC00  }
0x19b: {  	[tilespmem:s21], [sflag:$0x2] =	stream.indirect_vreg.gather [hbm4b:s7+s3], $0x80, v3, vm0, $0xb8;
	[tilespmem:$0x10400] =	vst v63  }
0x19c: {  	v3 =	vld [tilespmem:$0xF0];
	_ =	sdelay $0x4  }
0x19d: {  	v15 =	vshll.u32 v3, $0x3  }
0x19e: {  	v3 =	vand.u32 $0x7, v3;
	v4 =	vand.u32 $0xFFFFFFC0, v15  }
0x19f: {  	v3 =	vor.u32 v3, v4  }
0x1a0: {  	v4 =	vperm.xlane v3, v0;
	_ =	sdelay $0x1  }
0x1a1: {  	v4 =	vadd.s32 v1, v4;
	_ =	sdelay $0x3  }
0x1a2: {  	s21 =	simm.s32 $0xC400  }
0x1a3: {  	[tilespmem:s21], [sflag:$0x2] =	stream.indirect_vreg.gather [hbm4b:s1+s3], $0x80, v4, vm0, $0xb8;
	[tilespmem:$0x10400] =	vst v63  }
0x1a4: {  	v3 =	vperm.xlane v3, v2;
	s21 =	simm.s32 $0xCC00  }
0x1a5: {  	[tilespmem:s21], [sflag:$0x2] =	stream.indirect_vreg.gather [hbm4b:s5+s3], $0x80, v4, vm0, $0xb8;
	[tilespmem:$0x10400] =	vst v63  }
0x1a6: {  	s24 =	simm.s32 $0xD400;
	v3 =	vadd.s32 v1, v3  }
0x1a7: {  	[tilespmem:s24], [sflag:$0x2] =	stream.indirect_vreg.gather [hbm4b:s6+s3], $0x80, v4, vm0, $0xb8;
	[tilespmem:$0x10400] =	vst v63  }
0x1a8: {  	s30 =	simm.s32 $0xDC00  }
0x1a9: {  	[tilespmem:s30], [sflag:$0x2] =	stream.indirect_vreg.gather [hbm4b:s7+s3], $0x80, v4, vm0, $0xb8;
	[tilespmem:$0x10400] =	vst v63  }
0x1aa: {  	s31 =	simm.s32 $0xE400  }
0x1ab: {  	[tilespmem:s31], [sflag:$0x2] =	stream.indirect_vreg.gather [hbm4b:s1+s3], $0x80, v3, vm0, $0xb8;
	[tilespmem:$0x10400] =	vst v63  }
0x1ac: {  	s28 =	simm.s32 $0xEC00  }
0x1ad: {  	[tilespmem:s28], [sflag:$0x2] =	stream.indirect_vreg.gather [hbm4b:s5+s3], $0x80, v3, vm0, $0xb8;
	[tilespmem:$0x10400] =	vst v63  }
0x1ae: {  	s25 =	simm.s32 $0xF400  }
0x1af: {  	[tilespmem:s25], [sflag:$0x2] =	stream.indirect_vreg.gather [hbm4b:s6+s3], $0x80, v3, vm0, $0xb8;
	[tilespmem:$0x10400] =	vst v63  }
0x1b0: {  	s16 =	simm.s32 $0xFC00  }
0x1b1: {  	[tilespmem:s16], [sflag:$0x2] =	stream.indirect_vreg.gather [hbm4b:s7+s3], $0x80, v3, vm0, $0xb8;
	[tilespmem:$0x10400] =	vst v63  }
0x1b2: {  	_ =	swait.ge [sflag:s17], $0x8000  }
0x1b3: {  	[sflag:s17] =	ssyncset.done $0x0  }
0x1b4: {  	s25 =	rddreg [dreg:$0xa];
	[sflag:s17] =	ssyncadd.s32 $0xFFFF8000  }
0x1b5: {  	[hbm4b:s25+s3] =	stream.linear.scatter [tilespmem:s22], [sflag:$0x3], $0x8000, $0x38;
	[tilespmem:$0x10400] =	vst v63  }
0x1b6: {  	_ =	swait.ge [sflag:s18], $0x8000  }
0x1b7: {  	[sflag:s18] =	ssyncset.done $0x0  }
0x1b8: {  	[sflag:s18] =	ssyncadd.s32 $0xFFFF8000  }
0x1b9: {  	v3 =	vld [tilespmem:$0x100];
	_ =	sdelay $0x4  }
0x1ba: {  	v16 =	vshll.u32 v3, $0x3  }
0x1bb: {  	v3 =	vand.u32 $0x7, v3;
	v4 =	vand.u32 $0xFFFFFFC0, v16  }
0x1bc: {  	v3 =	vor.u32 v3, v4  }
0x1bd: {  	v4 =	vperm.xlane v3, v0;
	_ =	sdelay $0x1  }
0x1be: {  	v4 =	vadd.s32 v1, v4;
	_ =	sdelay $0x4  }
0x1bf: {  	[tilespmem:s22], [sflag:$0x1] =	stream.indirect_vreg.gather [hbm4b:s1+s3], $0x80, v4, vm0, $0xb8;
	[tilespmem:$0x10400] =	vst v63  }
0x1c0: {  	s31 =	simm.s32 $0xC00;
	v3 =	vperm.xlane v3, v2  }
0x1c1: {  	[tilespmem:s31], [sflag:$0x1] =	stream.indirect_vreg.gather [hbm4b:s5+s3], $0x80, v4, vm0, $0xb8;
	[tilespmem:$0x10400] =	vst v63  }
0x1c2: {  	s25 =	simm.s32 $0x1400;
	v3 =	vadd.s32 v1, v3  }
0x1c3: {  	[tilespmem:s25], [sflag:$0x1] =	stream.indirect_vreg.gather [hbm4b:s6+s3], $0x80, v4, vm0, $0xb8;
	[tilespmem:$0x10400] =	vst v63  }
0x1c4: {  	s31 =	simm.s32 $0x1C00  }
0x1c5: {  	[tilespmem:s31], [sflag:$0x1] =	stream.indirect_vreg.gather [hbm4b:s7+s3], $0x80, v4, vm0, $0xb8;
	[tilespmem:$0x10400] =	vst v63  }
0x1c6: {  	s25 =	simm.s32 $0x2400  }
0x1c7: {  	[tilespmem:s25], [sflag:$0x1] =	stream.indirect_vreg.gather [hbm4b:s1+s3], $0x80, v3, vm0, $0xb8;
	[tilespmem:$0x10400] =	vst v63  }
0x1c8: {  	s29 =	simm.s32 $0x2C00  }
0x1c9: {  	[tilespmem:s29], [sflag:$0x1] =	stream.indirect_vreg.gather [hbm4b:s5+s3], $0x80, v3, vm0, $0xb8;
	[tilespmem:$0x10400] =	vst v63  }
0x1ca: {  	s9 =	simm.s32 $0x3400  }
0x1cb: {  	[tilespmem:s9], [sflag:$0x1] =	stream.indirect_vreg.gather [hbm4b:s6+s3], $0x80, v3, vm0, $0xb8;
	[tilespmem:$0x10400] =	vst v63  }
0x1cc: {  	s29 =	simm.s32 $0x3C00  }
0x1cd: {  	[tilespmem:s29], [sflag:$0x1] =	stream.indirect_vreg.gather [hbm4b:s7+s3], $0x80, v3, vm0, $0xb8;
	[tilespmem:$0x10400] =	vst v63  }
0x1ce: {  	v3 =	vld [tilespmem:$0x110];
	_ =	sdelay $0x4  }
0x1cf: {  	v17 =	vshll.u32 v3, $0x3  }
0x1d0: {  	v3 =	vand.u32 $0x7, v3;
	v4 =	vand.u32 $0xFFFFFFC0, v17  }
0x1d1: {  	v3 =	vor.u32 v3, v4  }
0x1d2: {  	v4 =	vperm.xlane v3, v0;
	_ =	sdelay $0x1  }
0x1d3: {  	v4 =	vadd.s32 v1, v4;
	_ =	sdelay $0x3  }
0x1d4: {  	s8 =	simm.s32 $0x4400  }
0x1d5: {  	[tilespmem:s8], [sflag:$0x1] =	stream.indirect_vreg.gather [hbm4b:s1+s3], $0x80, v4, vm0, $0xb8;
	[tilespmem:$0x10400] =	vst v63  }
0x1d6: {  	s10 =	simm.s32 $0x4C00;
	v3 =	vperm.xlane v3, v2  }
0x1d7: {  	[tilespmem:s10], [sflag:$0x1] =	stream.indirect_vreg.gather [hbm4b:s5+s3], $0x80, v4, vm0, $0xb8;
	[tilespmem:$0x10400] =	vst v63  }
0x1d8: {  	s25 =	simm.s32 $0x5400;
	v3 =	vadd.s32 v1, v3  }
0x1d9: {  	[tilespmem:s25], [sflag:$0x1] =	stream.indirect_vreg.gather [hbm4b:s6+s3], $0x80, v4, vm0, $0xb8;
	[tilespmem:$0x10400] =	vst v63  }
0x1da: {  	s21 =	simm.s32 $0x5C00  }
0x1db: {  	[tilespmem:s21], [sflag:$0x1] =	stream.indirect_vreg.gather [hbm4b:s7+s3], $0x80, v4, vm0, $0xb8;
	[tilespmem:$0x10400] =	vst v63  }
0x1dc: {  	s25 =	simm.s32 $0x6400  }
0x1dd: {  	[tilespmem:s25], [sflag:$0x1] =	stream.indirect_vreg.gather [hbm4b:s1+s3], $0x80, v3, vm0, $0xb8;
	[tilespmem:$0x10400] =	vst v63  }
0x1de: {  	s14 =	simm.s32 $0x6C00  }
0x1df: {  	[tilespmem:s14], [sflag:$0x1] =	stream.indirect_vreg.gather [hbm4b:s5+s3], $0x80, v3, vm0, $0xb8;
	[tilespmem:$0x10400] =	vst v63  }
0x1e0: {  	s4 =	simm.s32 $0x7400  }
0x1e1: {  	[tilespmem:s4], [sflag:$0x1] =	stream.indirect_vreg.gather [hbm4b:s6+s3], $0x80, v3, vm0, $0xb8;
	[tilespmem:$0x10400] =	vst v63  }
0x1e2: {  	s11 =	simm.s32 $0x7C00  }
0x1e3: {  	[tilespmem:s11], [sflag:$0x1] =	stream.indirect_vreg.gather [hbm4b:s7+s3], $0x80, v3, vm0, $0xb8;
	[tilespmem:$0x10400] =	vst v63  }
0x1e4: {  	_ =	swait.ge [sflag:s19], $0x8000  }
0x1e5: {  	[sflag:s19] =	ssyncset.done $0x0  }
0x1e6: {  	s11 =	rddreg [dreg:$0xb];
	[sflag:s19] =	ssyncadd.s32 $0xFFFF8000  }
0x1e7: {  	[hbm4b:s11+s3] =	stream.linear.scatter [tilespmem:s26], [sflag:$0x4], $0x8000, $0x38;
	[tilespmem:$0x10400] =	vst v63  }
0x1e8: {  	_ =	swait.ge [sflag:s20], $0x8000  }
0x1e9: {  	[sflag:s20] =	ssyncset.done $0x0  }
0x1ea: {  	[sflag:s20] =	ssyncadd.s32 $0xFFFF8000  }
0x1eb: {  	v3 =	vld [tilespmem:$0x120];
	_ =	sdelay $0x4  }
0x1ec: {  	v18 =	vshll.u32 v3, $0x3  }
0x1ed: {  	v3 =	vand.u32 $0x7, v3;
	v4 =	vand.u32 $0xFFFFFFC0, v18  }
0x1ee: {  	v3 =	vor.u32 v3, v4  }
0x1ef: {  	v4 =	vperm.xlane v3, v0;
	_ =	sdelay $0x1  }
0x1f0: {  	v4 =	vadd.s32 v1, v4;
	_ =	sdelay $0x4  }
0x1f1: {  	[tilespmem:s26], [sflag:$0x2] =	stream.indirect_vreg.gather [hbm4b:s1+s3], $0x80, v4, vm0, $0xb8;
	[tilespmem:$0x10400] =	vst v63  }
0x1f2: {  	s14 =	simm.s32 $0x8C00;
	v3 =	vperm.xlane v3, v2  }
0x1f3: {  	[tilespmem:s14], [sflag:$0x2] =	stream.indirect_vreg.gather [hbm4b:s5+s3], $0x80, v4, vm0, $0xb8;
	[tilespmem:$0x10400] =	vst v63  }
0x1f4: {  	s0 =	simm.s32 $0x9400;
	v3 =	vadd.s32 v1, v3  }
0x1f5: {  	[tilespmem:s0], [sflag:$0x2] =	stream.indirect_vreg.gather [hbm4b:s6+s3], $0x80, v4, vm0, $0xb8;
	[tilespmem:$0x10400] =	vst v63  }
0x1f6: {  	s2 =	simm.s32 $0x9C00  }
0x1f7: {  	[tilespmem:s2], [sflag:$0x2] =	stream.indirect_vreg.gather [hbm4b:s7+s3], $0x80, v4, vm0, $0xb8;
	[tilespmem:$0x10400] =	vst v63  }
0x1f8: {  	s23 =	simm.s32 $0xA400  }
0x1f9: {  	[tilespmem:s23], [sflag:$0x2] =	stream.indirect_vreg.gather [hbm4b:s1+s3], $0x80, v3, vm0, $0xb8;
	[tilespmem:$0x10400] =	vst v63  }
0x1fa: {  	s12 =	simm.s32 $0xAC00  }
0x1fb: {  	[tilespmem:s12], [sflag:$0x2] =	stream.indirect_vreg.gather [hbm4b:s5+s3], $0x80, v3, vm0, $0xb8;
	[tilespmem:$0x10400] =	vst v63  }
0x1fc: {  	s13 =	simm.s32 $0xB400  }
0x1fd: {  	[tilespmem:s13], [sflag:$0x2] =	stream.indirect_vreg.gather [hbm4b:s6+s3], $0x80, v3, vm0, $0xb8;
	[tilespmem:$0x10400] =	vst v63  }
0x1fe: {  	s21 =	simm.s32 $0xBC00  }
0x1ff: {  	[tilespmem:s21], [sflag:$0x2] =	stream.indirect_vreg.gather [hbm4b:s7+s3], $0x80, v3, vm0, $0xb8;
	[tilespmem:$0x10400] =	vst v63  }
0x200: {  	v3 =	vld [tilespmem:$0x130];
	_ =	sdelay $0x4  }
0x201: {  	v19 =	vshll.u32 v3, $0x3  }
0x202: {  	v3 =	vand.u32 $0x7, v3;
	v4 =	vand.u32 $0xFFFFFFC0, v19  }
0x203: {  	v3 =	vor.u32 v3, v4  }
0x204: {  	v4 =	vperm.xlane v3, v0;
	_ =	sdelay $0x1  }
0x205: {  	v4 =	vadd.s32 v1, v4;
	_ =	sdelay $0x3  }
0x206: {  	s23 =	simm.s32 $0xC400  }
0x207: {  	[tilespmem:s23], [sflag:$0x2] =	stream.indirect_vreg.gather [hbm4b:s1+s3], $0x80, v4, vm0, $0xb8;
	[tilespmem:$0x10400] =	vst v63  }
0x208: {  	s21 =	simm.s32 $0xCC00;
	v3 =	vperm.xlane v3, v2  }
0x209: {  	[tilespmem:s21], [sflag:$0x2] =	stream.indirect_vreg.gather [hbm4b:s5+s3], $0x80, v4, vm0, $0xb8;
	[tilespmem:$0x10400] =	vst v63  }
0x20a: {  	s15 =	simm.s32 $0xD400;
	v3 =	vadd.s32 v1, v3  }
0x20b: {  	[tilespmem:s15], [sflag:$0x2] =	stream.indirect_vreg.gather [hbm4b:s6+s3], $0x80, v4, vm0, $0xb8;
	[tilespmem:$0x10400] =	vst v63  }
0x20c: {  	s23 =	simm.s32 $0xDC00  }
0x20d: {  	[tilespmem:s23], [sflag:$0x2] =	stream.indirect_vreg.gather [hbm4b:s7+s3], $0x80, v4, vm0, $0xb8;
	[tilespmem:$0x10400] =	vst v63  }
0x20e: {  	s30 =	simm.s32 $0xE400  }
0x20f: {  	[tilespmem:s30], [sflag:$0x2] =	stream.indirect_vreg.gather [hbm4b:s1+s3], $0x80, v3, vm0, $0xb8;
	[tilespmem:$0x10400] =	vst v63  }
0x210: {  	s28 =	simm.s32 $0xEC00  }
0x211: {  	[tilespmem:s28], [sflag:$0x2] =	stream.indirect_vreg.gather [hbm4b:s5+s3], $0x80, v3, vm0, $0xb8;
	[tilespmem:$0x10400] =	vst v63  }
0x212: {  	s24 =	simm.s32 $0xF400  }
0x213: {  	[tilespmem:s24], [sflag:$0x2] =	stream.indirect_vreg.gather [hbm4b:s6+s3], $0x80, v3, vm0, $0xb8;
	[tilespmem:$0x10400] =	vst v63  }
0x214: {  	s16 =	simm.s32 $0xFC00  }
0x215: {  	[tilespmem:s16], [sflag:$0x2] =	stream.indirect_vreg.gather [hbm4b:s7+s3], $0x80, v3, vm0, $0xb8;
	[tilespmem:$0x10400] =	vst v63  }
0x216: {  	_ =	swait.ge [sflag:s17], $0x8000  }
0x217: {  	[sflag:s17] =	ssyncset.done $0x0  }
0x218: {  	s24 =	rddreg [dreg:$0xc];
	[sflag:s17] =	ssyncadd.s32 $0xFFFF8000  }
0x219: {  	[hbm4b:s24+s3] =	stream.linear.scatter [tilespmem:s22], [sflag:$0x3], $0x8000, $0x38;
	[tilespmem:$0x10400] =	vst v63  }
0x21a: {  	_ =	swait.ge [sflag:s18], $0x8000  }
0x21b: {  	[sflag:s18] =	ssyncset.done $0x0  }
0x21c: {  	[sflag:s18] =	ssyncadd.s32 $0xFFFF8000  }
0x21d: {  	v3 =	vld [tilespmem:$0x140];
	_ =	sdelay $0x4  }
0x21e: {  	v20 =	vshll.u32 v3, $0x3  }
0x21f: {  	v3 =	vand.u32 $0x7, v3;
	v4 =	vand.u32 $0xFFFFFFC0, v20  }
0x220: {  	v3 =	vor.u32 v3, v4  }
0x221: {  	v4 =	vperm.xlane v3, v0;
	_ =	sdelay $0x1  }
0x222: {  	v4 =	vadd.s32 v1, v4;
	_ =	sdelay $0x4  }
0x223: {  	[tilespmem:s22], [sflag:$0x1] =	stream.indirect_vreg.gather [hbm4b:s1+s3], $0x80, v4, vm0, $0xb8;
	[tilespmem:$0x10400] =	vst v63  }
0x224: {  	s28 =	simm.s32 $0xC00;
	v3 =	vperm.xlane v3, v2  }
0x225: {  	[tilespmem:s28], [sflag:$0x1] =	stream.indirect_vreg.gather [hbm4b:s5+s3], $0x80, v4, vm0, $0xb8;
	[tilespmem:$0x10400] =	vst v63  }
0x226: {  	s24 =	simm.s32 $0x1400;
	v3 =	vadd.s32 v1, v3  }
0x227: {  	[tilespmem:s24], [sflag:$0x1] =	stream.indirect_vreg.gather [hbm4b:s6+s3], $0x80, v4, vm0, $0xb8;
	[tilespmem:$0x10400] =	vst v63  }
0x228: {  	s28 =	simm.s32 $0x1C00  }
0x229: {  	[tilespmem:s28], [sflag:$0x1] =	stream.indirect_vreg.gather [hbm4b:s7+s3], $0x80, v4, vm0, $0xb8;
	[tilespmem:$0x10400] =	vst v63  }
0x22a: {  	s31 =	simm.s32 $0x2400  }
0x22b: {  	[tilespmem:s31], [sflag:$0x1] =	stream.indirect_vreg.gather [hbm4b:s1+s3], $0x80, v3, vm0, $0xb8;
	[tilespmem:$0x10400] =	vst v63  }
0x22c: {  	s31 =	simm.s32 $0x2C00  }
0x22d: {  	[tilespmem:s31], [sflag:$0x1] =	stream.indirect_vreg.gather [hbm4b:s5+s3], $0x80, v3, vm0, $0xb8;
	[tilespmem:$0x10400] =	vst v63  }
0x22e: {  	s9 =	simm.s32 $0x3400  }
0x22f: {  	[tilespmem:s9], [sflag:$0x1] =	stream.indirect_vreg.gather [hbm4b:s6+s3], $0x80, v3, vm0, $0xb8;
	[tilespmem:$0x10400] =	vst v63  }
0x230: {  	s21 =	simm.s32 $0x3C00  }
0x231: {  	[tilespmem:s21], [sflag:$0x1] =	stream.indirect_vreg.gather [hbm4b:s7+s3], $0x80, v3, vm0, $0xb8;
	[tilespmem:$0x10400] =	vst v63  }
0x232: {  	v3 =	vld [tilespmem:$0x150];
	_ =	sdelay $0x4  }
0x233: {  	v21 =	vshll.u32 v3, $0x3  }
0x234: {  	v3 =	vand.u32 $0x7, v3;
	v4 =	vand.u32 $0xFFFFFFC0, v21  }
0x235: {  	v3 =	vor.u32 v3, v4  }
0x236: {  	v4 =	vperm.xlane v3, v0;
	_ =	sdelay $0x1  }
0x237: {  	v4 =	vadd.s32 v1, v4;
	_ =	sdelay $0x3  }
0x238: {  	s29 =	simm.s32 $0x4400  }
0x239: {  	[tilespmem:s29], [sflag:$0x1] =	stream.indirect_vreg.gather [hbm4b:s1+s3], $0x80, v4, vm0, $0xb8;
	[tilespmem:$0x10400] =	vst v63  }
0x23a: {  	s10 =	simm.s32 $0x4C00;
	v3 =	vperm.xlane v3, v2  }
0x23b: {  	[tilespmem:s10], [sflag:$0x1] =	stream.indirect_vreg.gather [hbm4b:s5+s3], $0x80, v4, vm0, $0xb8;
	[tilespmem:$0x10400] =	vst v63  }
0x23c: {  	s21 =	simm.s32 $0x5400;
	v3 =	vadd.s32 v1, v3  }
0x23d: {  	[tilespmem:s21], [sflag:$0x1] =	stream.indirect_vreg.gather [hbm4b:s6+s3], $0x80, v4, vm0, $0xb8;
	[tilespmem:$0x10400] =	vst v63  }
0x23e: {  	s10 =	simm.s32 $0x5C00  }
0x23f: {  	[tilespmem:s10], [sflag:$0x1] =	stream.indirect_vreg.gather [hbm4b:s7+s3], $0x80, v4, vm0, $0xb8;
	[tilespmem:$0x10400] =	vst v63  }
0x240: {  	s21 =	simm.s32 $0x6400  }
0x241: {  	[tilespmem:s21], [sflag:$0x1] =	stream.indirect_vreg.gather [hbm4b:s1+s3], $0x80, v3, vm0, $0xb8;
	[tilespmem:$0x10400] =	vst v63  }
0x242: {  	s25 =	simm.s32 $0x6C00  }
0x243: {  	[tilespmem:s25], [sflag:$0x1] =	stream.indirect_vreg.gather [hbm4b:s5+s3], $0x80, v3, vm0, $0xb8;
	[tilespmem:$0x10400] =	vst v63  }
0x244: {  	s4 =	simm.s32 $0x7400  }
0x245: {  	[tilespmem:s4], [sflag:$0x1] =	stream.indirect_vreg.gather [hbm4b:s6+s3], $0x80, v3, vm0, $0xb8;
	[tilespmem:$0x10400] =	vst v63  }
0x246: {  	s8 =	simm.s32 $0x7C00  }
0x247: {  	[tilespmem:s8], [sflag:$0x1] =	stream.indirect_vreg.gather [hbm4b:s7+s3], $0x80, v3, vm0, $0xb8;
	[tilespmem:$0x10400] =	vst v63  }
0x248: {  	_ =	swait.ge [sflag:s19], $0x8000  }
0x249: {  	[sflag:s19] =	ssyncset.done $0x0  }
0x24a: {  	s8 =	rddreg [dreg:$0xd];
	[sflag:s19] =	ssyncadd.s32 $0xFFFF8000  }
0x24b: {  	[hbm4b:s8+s3] =	stream.linear.scatter [tilespmem:s26], [sflag:$0x4], $0x8000, $0x38;
	[tilespmem:$0x10400] =	vst v63  }
0x24c: {  	_ =	swait.ge [sflag:s20], $0x8000  }
0x24d: {  	[sflag:s20] =	ssyncset.done $0x0  }
0x24e: {  	[sflag:s20] =	ssyncadd.s32 $0xFFFF8000  }
0x24f: {  	v3 =	vld [tilespmem:$0x160];
	_ =	sdelay $0x4  }
0x250: {  	v22 =	vshll.u32 v3, $0x3  }
0x251: {  	v3 =	vand.u32 $0x7, v3;
	v4 =	vand.u32 $0xFFFFFFC0, v22  }
0x252: {  	v3 =	vor.u32 v3, v4  }
0x253: {  	v4 =	vperm.xlane v3, v0;
	_ =	sdelay $0x1  }
0x254: {  	v4 =	vadd.s32 v1, v4;
	_ =	sdelay $0x4  }
0x255: {  	[tilespmem:s26], [sflag:$0x2] =	stream.indirect_vreg.gather [hbm4b:s1+s3], $0x80, v4, vm0, $0xb8;
	[tilespmem:$0x10400] =	vst v63  }
0x256: {  	s9 =	simm.s32 $0x8C00;
	v3 =	vperm.xlane v3, v2  }
0x257: {  	[tilespmem:s9], [sflag:$0x2] =	stream.indirect_vreg.gather [hbm4b:s5+s3], $0x80, v4, vm0, $0xb8;
	[tilespmem:$0x10400] =	vst v63  }
0x258: {  	s0 =	simm.s32 $0x9400;
	v3 =	vadd.s32 v1, v3  }
0x259: {  	[tilespmem:s0], [sflag:$0x2] =	stream.indirect_vreg.gather [hbm4b:s6+s3], $0x80, v4, vm0, $0xb8;
	[tilespmem:$0x10400] =	vst v63  }
0x25a: {  	s2 =	simm.s32 $0x9C00  }
0x25b: {  	[tilespmem:s2], [sflag:$0x2] =	stream.indirect_vreg.gather [hbm4b:s7+s3], $0x80, v4, vm0, $0xb8;
	[tilespmem:$0x10400] =	vst v63  }
0x25c: {  	s14 =	simm.s32 $0xA400  }
0x25d: {  	[tilespmem:s14], [sflag:$0x2] =	stream.indirect_vreg.gather [hbm4b:s1+s3], $0x80, v3, vm0, $0xb8;
	[tilespmem:$0x10400] =	vst v63  }
0x25e: {  	s11 =	simm.s32 $0xAC00  }
0x25f: {  	[tilespmem:s11], [sflag:$0x2] =	stream.indirect_vreg.gather [hbm4b:s5+s3], $0x80, v3, vm0, $0xb8;
	[tilespmem:$0x10400] =	vst v63  }
0x260: {  	s12 =	simm.s32 $0xB400  }
0x261: {  	[tilespmem:s12], [sflag:$0x2] =	stream.indirect_vreg.gather [hbm4b:s6+s3], $0x80, v3, vm0, $0xb8;
	[tilespmem:$0x10400] =	vst v63  }
0x262: {  	s12 =	simm.s32 $0xBC00  }
0x263: {  	[tilespmem:s12], [sflag:$0x2] =	stream.indirect_vreg.gather [hbm4b:s7+s3], $0x80, v3, vm0, $0xb8;
	[tilespmem:$0x10400] =	vst v63  }
0x264: {  	v3 =	vld [tilespmem:$0x170];
	_ =	sdelay $0x4  }
0x265: {  	v23 =	vshll.u32 v3, $0x3  }
0x266: {  	v3 =	vand.u32 $0x7, v3;
	v4 =	vand.u32 $0xFFFFFFC0, v23  }
0x267: {  	v3 =	vor.u32 v3, v4  }
0x268: {  	v4 =	vperm.xlane v3, v0;
	_ =	sdelay $0x1  }
0x269: {  	v4 =	vadd.s32 v1, v4;
	_ =	sdelay $0x3  }
0x26a: {  	s21 =	simm.s32 $0xC400  }
0x26b: {  	[tilespmem:s21], [sflag:$0x2] =	stream.indirect_vreg.gather [hbm4b:s1+s3], $0x80, v4, vm0, $0xb8;
	[tilespmem:$0x10400] =	vst v63  }
0x26c: {  	s12 =	simm.s32 $0xCC00;
	v3 =	vperm.xlane v3, v2  }
0x26d: {  	[tilespmem:s12], [sflag:$0x2] =	stream.indirect_vreg.gather [hbm4b:s5+s3], $0x80, v4, vm0, $0xb8;
	[tilespmem:$0x10400] =	vst v63  }
0x26e: {  	s13 =	simm.s32 $0xD400;
	v3 =	vadd.s32 v1, v3  }
0x26f: {  	[tilespmem:s13], [sflag:$0x2] =	stream.indirect_vreg.gather [hbm4b:s6+s3], $0x80, v4, vm0, $0xb8;
	[tilespmem:$0x10400] =	vst v63  }
0x270: {  	s13 =	simm.s32 $0xDC00  }
0x271: {  	[tilespmem:s13], [sflag:$0x2] =	stream.indirect_vreg.gather [hbm4b:s7+s3], $0x80, v4, vm0, $0xb8;
	[tilespmem:$0x10400] =	vst v63  }
0x272: {  	s30 =	simm.s32 $0xE400  }
0x273: {  	[tilespmem:s30], [sflag:$0x2] =	stream.indirect_vreg.gather [hbm4b:s1+s3], $0x80, v3, vm0, $0xb8;
	[tilespmem:$0x10400] =	vst v63  }
0x274: {  	s23 =	simm.s32 $0xEC00  }
0x275: {  	[tilespmem:s23], [sflag:$0x2] =	stream.indirect_vreg.gather [hbm4b:s5+s3], $0x80, v3, vm0, $0xb8;
	[tilespmem:$0x10400] =	vst v63  }
0x276: {  	s15 =	simm.s32 $0xF400  }
0x277: {  	[tilespmem:s15], [sflag:$0x2] =	stream.indirect_vreg.gather [hbm4b:s6+s3], $0x80, v3, vm0, $0xb8;
	[tilespmem:$0x10400] =	vst v63  }
0x278: {  	s16 =	simm.s32 $0xFC00  }
0x279: {  	[tilespmem:s16], [sflag:$0x2] =	stream.indirect_vreg.gather [hbm4b:s7+s3], $0x80, v3, vm0, $0xb8;
	[tilespmem:$0x10400] =	vst v63  }
0x27a: {  	_ =	swait.ge [sflag:s17], $0x8000  }
0x27b: {  	[sflag:s17] =	ssyncset.done $0x0  }
0x27c: {  	s16 =	rddreg [dreg:$0xe];
	[sflag:s17] =	ssyncadd.s32 $0xFFFF8000  }
0x27d: {  	[hbm4b:s16+s3] =	stream.linear.scatter [tilespmem:s22], [sflag:$0x3], $0x8000, $0x38;
	[tilespmem:$0x10400] =	vst v63  }
0x27e: {  	_ =	swait.ge [sflag:s18], $0x8000  }
0x27f: {  	[sflag:s18] =	ssyncset.done $0x0  }
0x280: {  	[sflag:s18] =	ssyncadd.s32 $0xFFFF8000  }
0x281: {  	v3 =	vld [tilespmem:$0x180];
	_ =	sdelay $0x4  }
0x282: {  	v24 =	vshll.u32 v3, $0x3  }
0x283: {  	v3 =	vand.u32 $0x7, v3;
	v4 =	vand.u32 $0xFFFFFFC0, v24  }
0x284: {  	v3 =	vor.u32 v3, v4  }
0x285: {  	v4 =	vperm.xlane v3, v0;
	_ =	sdelay $0x1  }
0x286: {  	v4 =	vadd.s32 v1, v4;
	_ =	sdelay $0x4  }
0x287: {  	[tilespmem:s22], [sflag:$0x1] =	stream.indirect_vreg.gather [hbm4b:s1+s3], $0x80, v4, vm0, $0xb8;
	[tilespmem:$0x10400] =	vst v63  }
0x288: {  	s23 =	simm.s32 $0xC00;
	v3 =	vperm.xlane v3, v2  }
0x289: {  	[tilespmem:s23], [sflag:$0x1] =	stream.indirect_vreg.gather [hbm4b:s5+s3], $0x80, v4, vm0, $0xb8;
	[tilespmem:$0x10400] =	vst v63  }
0x28a: {  	s21 =	simm.s32 $0x1400;
	v3 =	vadd.s32 v1, v3  }
0x28b: {  	[tilespmem:s21], [sflag:$0x1] =	stream.indirect_vreg.gather [hbm4b:s6+s3], $0x80, v4, vm0, $0xb8;
	[tilespmem:$0x10400] =	vst v63  }
0x28c: {  	s23 =	simm.s32 $0x1C00  }
0x28d: {  	[tilespmem:s23], [sflag:$0x1] =	stream.indirect_vreg.gather [hbm4b:s7+s3], $0x80, v4, vm0, $0xb8;
	[tilespmem:$0x10400] =	vst v63  }
0x28e: {  	s28 =	simm.s32 $0x2400  }
0x28f: {  	[tilespmem:s28], [sflag:$0x1] =	stream.indirect_vreg.gather [hbm4b:s1+s3], $0x80, v3, vm0, $0xb8;
	[tilespmem:$0x10400] =	vst v63  }
0x290: {  	s24 =	simm.s32 $0x2C00  }
0x291: {  	[tilespmem:s24], [sflag:$0x1] =	stream.indirect_vreg.gather [hbm4b:s5+s3], $0x80, v3, vm0, $0xb8;
	[tilespmem:$0x10400] =	vst v63  }
0x292: {  	s31 =	simm.s32 $0x3400  }
0x293: {  	[tilespmem:s31], [sflag:$0x1] =	stream.indirect_vreg.gather [hbm4b:s6+s3], $0x80, v3, vm0, $0xb8;
	[tilespmem:$0x10400] =	vst v63  }
0x294: {  	s24 =	simm.s32 $0x3C00  }
0x295: {  	[tilespmem:s24], [sflag:$0x1] =	stream.indirect_vreg.gather [hbm4b:s7+s3], $0x80, v3, vm0, $0xb8;
	[tilespmem:$0x10400] =	vst v63  }
0x296: {  	v3 =	vld [tilespmem:$0x190];
	_ =	sdelay $0x4  }
0x297: {  	v25 =	vshll.u32 v3, $0x3  }
0x298: {  	v3 =	vand.u32 $0x7, v3;
	v4 =	vand.u32 $0xFFFFFFC0, v25  }
0x299: {  	v3 =	vor.u32 v3, v4  }
0x29a: {  	v4 =	vperm.xlane v3, v0;
	_ =	sdelay $0x1  }
0x29b: {  	v4 =	vadd.s32 v1, v4;
	_ =	sdelay $0x3  }
0x29c: {  	s29 =	simm.s32 $0x4400  }
0x29d: {  	[tilespmem:s29], [sflag:$0x1] =	stream.indirect_vreg.gather [hbm4b:s1+s3], $0x80, v4, vm0, $0xb8;
	[tilespmem:$0x10400] =	vst v63  }
0x29e: {  	s31 =	simm.s32 $0x4C00;
	v3 =	vperm.xlane v3, v2  }
0x29f: {  	[tilespmem:s31], [sflag:$0x1] =	stream.indirect_vreg.gather [hbm4b:s5+s3], $0x80, v4, vm0, $0xb8;
	[tilespmem:$0x10400] =	vst v63  }
0x2a0: {  	s24 =	simm.s32 $0x5400;
	v3 =	vadd.s32 v1, v3  }
0x2a1: {  	[tilespmem:s24], [sflag:$0x1] =	stream.indirect_vreg.gather [hbm4b:s6+s3], $0x80, v4, vm0, $0xb8;
	[tilespmem:$0x10400] =	vst v63  }
0x2a2: {  	s24 =	simm.s32 $0x5C00  }
0x2a3: {  	[tilespmem:s24], [sflag:$0x1] =	stream.indirect_vreg.gather [hbm4b:s7+s3], $0x80, v4, vm0, $0xb8;
	[tilespmem:$0x10400] =	vst v63  }
0x2a4: {  	s24 =	simm.s32 $0x6400  }
0x2a5: {  	[tilespmem:s24], [sflag:$0x1] =	stream.indirect_vreg.gather [hbm4b:s1+s3], $0x80, v3, vm0, $0xb8;
	[tilespmem:$0x10400] =	vst v63  }
0x2a6: {  	s25 =	simm.s32 $0x6C00  }
0x2a7: {  	[tilespmem:s25], [sflag:$0x1] =	stream.indirect_vreg.gather [hbm4b:s5+s3], $0x80, v3, vm0, $0xb8;
	[tilespmem:$0x10400] =	vst v63  }
0x2a8: {  	s4 =	simm.s32 $0x7400  }
0x2a9: {  	[tilespmem:s4], [sflag:$0x1] =	stream.indirect_vreg.gather [hbm4b:s6+s3], $0x80, v3, vm0, $0xb8;
	[tilespmem:$0x10400] =	vst v63  }
0x2aa: {  	s10 =	simm.s32 $0x7C00  }
0x2ab: {  	[tilespmem:s10], [sflag:$0x1] =	stream.indirect_vreg.gather [hbm4b:s7+s3], $0x80, v3, vm0, $0xb8;
	[tilespmem:$0x10400] =	vst v63  }
0x2ac: {  	_ =	swait.ge [sflag:s19], $0x8000  }
0x2ad: {  	[sflag:s19] =	ssyncset.done $0x0  }
0x2ae: {  	s24 =	rddreg [dreg:$0xf];
	[sflag:s19] =	ssyncadd.s32 $0xFFFF8000  }
0x2af: {  	[hbm4b:s24+s3] =	stream.linear.scatter [tilespmem:s26], [sflag:$0x4], $0x8000, $0x38;
	[tilespmem:$0x10400] =	vst v63  }
0x2b0: {  	_ =	swait.ge [sflag:s20], $0x8000  }
0x2b1: {  	[sflag:s20] =	ssyncset.done $0x0  }
0x2b2: {  	[sflag:s20] =	ssyncadd.s32 $0xFFFF8000  }
0x2b3: {  	v3 =	vld [tilespmem:$0x1A0];
	_ =	sdelay $0x4  }
0x2b4: {  	v26 =	vshll.u32 v3, $0x3  }
0x2b5: {  	v3 =	vand.u32 $0x7, v3;
	v4 =	vand.u32 $0xFFFFFFC0, v26  }
0x2b6: {  	v3 =	vor.u32 v3, v4  }
0x2b7: {  	v4 =	vperm.xlane v3, v0;
	_ =	sdelay $0x1  }
0x2b8: {  	v4 =	vadd.s32 v1, v4;
	_ =	sdelay $0x4  }
0x2b9: {  	[tilespmem:s26], [sflag:$0x2] =	stream.indirect_vreg.gather [hbm4b:s1+s3], $0x80, v4, vm0, $0xb8;
	[tilespmem:$0x10400] =	vst v63  }
0x2ba: {  	s24 =	simm.s32 $0x8C00;
	v3 =	vperm.xlane v3, v2  }
0x2bb: {  	[tilespmem:s24], [sflag:$0x2] =	stream.indirect_vreg.gather [hbm4b:s5+s3], $0x80, v4, vm0, $0xb8;
	[tilespmem:$0x10400] =	vst v63  }
0x2bc: {  	s0 =	simm.s32 $0x9400;
	v3 =	vadd.s32 v1, v3  }
0x2bd: {  	[tilespmem:s0], [sflag:$0x2] =	stream.indirect_vreg.gather [hbm4b:s6+s3], $0x80, v4, vm0, $0xb8;
	[tilespmem:$0x10400] =	vst v63  }
0x2be: {  	s2 =	simm.s32 $0x9C00  }
0x2bf: {  	[tilespmem:s2], [sflag:$0x2] =	stream.indirect_vreg.gather [hbm4b:s7+s3], $0x80, v4, vm0, $0xb8;
	[tilespmem:$0x10400] =	vst v63  }
0x2c0: {  	s14 =	simm.s32 $0xA400  }
0x2c1: {  	[tilespmem:s14], [sflag:$0x2] =	stream.indirect_vreg.gather [hbm4b:s1+s3], $0x80, v3, vm0, $0xb8;
	[tilespmem:$0x10400] =	vst v63  }
0x2c2: {  	s8 =	simm.s32 $0xAC00  }
0x2c3: {  	[tilespmem:s8], [sflag:$0x2] =	stream.indirect_vreg.gather [hbm4b:s5+s3], $0x80, v3, vm0, $0xb8;
	[tilespmem:$0x10400] =	vst v63  }
0x2c4: {  	s9 =	simm.s32 $0xB400  }
0x2c5: {  	[tilespmem:s9], [sflag:$0x2] =	stream.indirect_vreg.gather [hbm4b:s6+s3], $0x80, v3, vm0, $0xb8;
	[tilespmem:$0x10400] =	vst v63  }
0x2c6: {  	s24 =	simm.s32 $0xBC00  }
0x2c7: {  	[tilespmem:s24], [sflag:$0x2] =	stream.indirect_vreg.gather [hbm4b:s7+s3], $0x80, v3, vm0, $0xb8;
	[tilespmem:$0x10400] =	vst v63  }
0x2c8: {  	v3 =	vld [tilespmem:$0x1B0];
	_ =	sdelay $0x4  }
0x2c9: {  	v27 =	vshll.u32 v3, $0x3  }
0x2ca: {  	v3 =	vand.u32 $0x7, v3;
	v4 =	vand.u32 $0xFFFFFFC0, v27  }
0x2cb: {  	v3 =	vor.u32 v3, v4  }
0x2cc: {  	v4 =	vperm.xlane v3, v0;
	_ =	sdelay $0x1  }
0x2cd: {  	v4 =	vadd.s32 v1, v4;
	_ =	sdelay $0x3  }
0x2ce: {  	s24 =	simm.s32 $0xC400  }
0x2cf: {  	[tilespmem:s24], [sflag:$0x2] =	stream.indirect_vreg.gather [hbm4b:s1+s3], $0x80, v4, vm0, $0xb8;
	[tilespmem:$0x10400] =	vst v63  }
0x2d0: {  	v3 =	vperm.xlane v3, v2;
	s24 =	simm.s32 $0xCC00  }
0x2d1: {  	[tilespmem:s24], [sflag:$0x2] =	stream.indirect_vreg.gather [hbm4b:s5+s3], $0x80, v4, vm0, $0xb8;
	[tilespmem:$0x10400] =	vst v63  }
0x2d2: {  	s11 =	simm.s32 $0xD400;
	v3 =	vadd.s32 v1, v3  }
0x2d3: {  	[tilespmem:s11], [sflag:$0x2] =	stream.indirect_vreg.gather [hbm4b:s6+s3], $0x80, v4, vm0, $0xb8;
	[tilespmem:$0x10400] =	vst v63  }
0x2d4: {  	s24 =	simm.s32 $0xDC00  }
0x2d5: {  	[tilespmem:s24], [sflag:$0x2] =	stream.indirect_vreg.gather [hbm4b:s7+s3], $0x80, v4, vm0, $0xb8;
	[tilespmem:$0x10400] =	vst v63  }
0x2d6: {  	s30 =	simm.s32 $0xE400  }
0x2d7: {  	[tilespmem:s30], [sflag:$0x2] =	stream.indirect_vreg.gather [hbm4b:s1+s3], $0x80, v3, vm0, $0xb8;
	[tilespmem:$0x10400] =	vst v63  }
0x2d8: {  	s13 =	simm.s32 $0xEC00  }
0x2d9: {  	[tilespmem:s13], [sflag:$0x2] =	stream.indirect_vreg.gather [hbm4b:s5+s3], $0x80, v3, vm0, $0xb8;
	[tilespmem:$0x10400] =	vst v63  }
0x2da: {  	s12 =	simm.s32 $0xF400  }
0x2db: {  	[tilespmem:s12], [sflag:$0x2] =	stream.indirect_vreg.gather [hbm4b:s6+s3], $0x80, v3, vm0, $0xb8;
	[tilespmem:$0x10400] =	vst v63  }
0x2dc: {  	s15 =	simm.s32 $0xFC00  }
0x2dd: {  	[tilespmem:s15], [sflag:$0x2] =	stream.indirect_vreg.gather [hbm4b:s7+s3], $0x80, v3, vm0, $0xb8;
	[tilespmem:$0x10400] =	vst v63  }
0x2de: {  	_ =	swait.ge [sflag:s17], $0x8000  }
0x2df: {  	[sflag:s17] =	ssyncset.done $0x0  }
0x2e0: {  	s21 =	rddreg [dreg:$0x10];
	[sflag:s17] =	ssyncadd.s32 $0xFFFF8000  }
0x2e1: {  	[hbm4b:s21+s3] =	stream.linear.scatter [tilespmem:s22], [sflag:$0x3], $0x8000, $0x38;
	[tilespmem:$0x10400] =	vst v63  }
0x2e2: {  	_ =	swait.ge [sflag:s18], $0x8000  }
0x2e3: {  	[sflag:s18] =	ssyncset.done $0x0  }
0x2e4: {  	[sflag:s18] =	ssyncadd.s32 $0xFFFF8000  }
0x2e5: {  	v3 =	vld [tilespmem:$0x1C0];
	_ =	sdelay $0x4  }
0x2e6: {  	v28 =	vshll.u32 v3, $0x3  }
0x2e7: {  	v3 =	vand.u32 $0x7, v3;
	v4 =	vand.u32 $0xFFFFFFC0, v28  }
0x2e8: {  	v3 =	vor.u32 v3, v4  }
0x2e9: {  	v4 =	vperm.xlane v3, v0;
	_ =	sdelay $0x1  }
0x2ea: {  	v4 =	vadd.s32 v1, v4;
	_ =	sdelay $0x4  }
0x2eb: {  	[tilespmem:s22], [sflag:$0x1] =	stream.indirect_vreg.gather [hbm4b:s1+s3], $0x80, v4, vm0, $0xb8;
	[tilespmem:$0x10400] =	vst v63  }
0x2ec: {  	s21 =	simm.s32 $0xC00;
	v3 =	vperm.xlane v3, v2  }
0x2ed: {  	[tilespmem:s21], [sflag:$0x1] =	stream.indirect_vreg.gather [hbm4b:s5+s3], $0x80, v4, vm0, $0xb8;
	[tilespmem:$0x10400] =	vst v63  }
0x2ee: {  	v3 =	vadd.s32 v1, v3;
	s21 =	simm.s32 $0x1400  }
0x2ef: {  	[tilespmem:s21], [sflag:$0x1] =	stream.indirect_vreg.gather [hbm4b:s6+s3], $0x80, v4, vm0, $0xb8;
	[tilespmem:$0x10400] =	vst v63  }
0x2f0: {  	s21 =	simm.s32 $0x1C00  }
0x2f1: {  	[tilespmem:s21], [sflag:$0x1] =	stream.indirect_vreg.gather [hbm4b:s7+s3], $0x80, v4, vm0, $0xb8;
	[tilespmem:$0x10400] =	vst v63  }
0x2f2: {  	s23 =	simm.s32 $0x2400  }
0x2f3: {  	[tilespmem:s23], [sflag:$0x1] =	stream.indirect_vreg.gather [hbm4b:s1+s3], $0x80, v3, vm0, $0xb8;
	[tilespmem:$0x10400] =	vst v63  }
0x2f4: {  	s16 =	simm.s32 $0x2C00  }
0x2f5: {  	[tilespmem:s16], [sflag:$0x1] =	stream.indirect_vreg.gather [hbm4b:s5+s3], $0x80, v3, vm0, $0xb8;
	[tilespmem:$0x10400] =	vst v63  }
0x2f6: {  	s28 =	simm.s32 $0x3400  }
0x2f7: {  	[tilespmem:s28], [sflag:$0x1] =	stream.indirect_vreg.gather [hbm4b:s6+s3], $0x80, v3, vm0, $0xb8;
	[tilespmem:$0x10400] =	vst v63  }
0x2f8: {  	s21 =	simm.s32 $0x3C00  }
0x2f9: {  	[tilespmem:s21], [sflag:$0x1] =	stream.indirect_vreg.gather [hbm4b:s7+s3], $0x80, v3, vm0, $0xb8;
	[tilespmem:$0x10400] =	vst v63  }
0x2fa: {  	v3 =	vld [tilespmem:$0x1D0];
	_ =	sdelay $0x4  }
0x2fb: {  	v29 =	vshll.u32 v3, $0x3  }
0x2fc: {  	v3 =	vand.u32 $0x7, v3;
	v4 =	vand.u32 $0xFFFFFFC0, v29  }
0x2fd: {  	v3 =	vor.u32 v3, v4  }
0x2fe: {  	v4 =	vperm.xlane v3, v0;
	_ =	sdelay $0x1  }
0x2ff: {  	v4 =	vadd.s32 v1, v4;
	_ =	sdelay $0x3  }
0x300: {  	s29 =	simm.s32 $0x4400  }
0x301: {  	[tilespmem:s29], [sflag:$0x1] =	stream.indirect_vreg.gather [hbm4b:s1+s3], $0x80, v4, vm0, $0xb8;
	[tilespmem:$0x10400] =	vst v63  }
0x302: {  	s31 =	simm.s32 $0x4C00;
	v3 =	vperm.xlane v3, v2  }
0x303: {  	[tilespmem:s31], [sflag:$0x1] =	stream.indirect_vreg.gather [hbm4b:s5+s3], $0x80, v4, vm0, $0xb8;
	[tilespmem:$0x10400] =	vst v63  }
0x304: {  	s21 =	simm.s32 $0x5400;
	v3 =	vadd.s32 v1, v3  }
0x305: {  	[tilespmem:s21], [sflag:$0x1] =	stream.indirect_vreg.gather [hbm4b:s6+s3], $0x80, v4, vm0, $0xb8;
	[tilespmem:$0x10400] =	vst v63  }
0x306: {  	s21 =	simm.s32 $0x5C00  }
0x307: {  	[tilespmem:s21], [sflag:$0x1] =	stream.indirect_vreg.gather [hbm4b:s7+s3], $0x80, v4, vm0, $0xb8;
	[tilespmem:$0x10400] =	vst v63  }
0x308: {  	s21 =	simm.s32 $0x6400  }
0x309: {  	[tilespmem:s21], [sflag:$0x1] =	stream.indirect_vreg.gather [hbm4b:s1+s3], $0x80, v3, vm0, $0xb8;
	[tilespmem:$0x10400] =	vst v63  }
0x30a: {  	s25 =	simm.s32 $0x6C00  }
0x30b: {  	[tilespmem:s25], [sflag:$0x1] =	stream.indirect_vreg.gather [hbm4b:s5+s3], $0x80, v3, vm0, $0xb8;
	[tilespmem:$0x10400] =	vst v63  }
0x30c: {  	s4 =	simm.s32 $0x7400  }
0x30d: {  	[tilespmem:s4], [sflag:$0x1] =	stream.indirect_vreg.gather [hbm4b:s6+s3], $0x80, v3, vm0, $0xb8;
	[tilespmem:$0x10400] =	vst v63  }
0x30e: {  	s10 =	simm.s32 $0x7C00  }
0x30f: {  	[tilespmem:s10], [sflag:$0x1] =	stream.indirect_vreg.gather [hbm4b:s7+s3], $0x80, v3, vm0, $0xb8;
	[tilespmem:$0x10400] =	vst v63  }
0x310: {  	_ =	swait.ge [sflag:s19], $0x8000  }
0x311: {  	[sflag:s19] =	ssyncset.done $0x0  }
0x312: {  	s21 =	rddreg [dreg:$0x11];
	[sflag:s19] =	ssyncadd.s32 $0xFFFF8000  }
0x313: {  	[hbm4b:s21+s3] =	stream.linear.scatter [tilespmem:s26], [sflag:$0x4], $0x8000, $0x38;
	[tilespmem:$0x10400] =	vst v63  }
0x314: {  	_ =	swait.ge [sflag:s20], $0x8000  }
0x315: {  	[sflag:s20] =	ssyncset.done $0x0  }
0x316: {  	[sflag:s20] =	ssyncadd.s32 $0xFFFF8000  }
0x317: {  	v3 =	vld [tilespmem:$0x1E0];
	_ =	sdelay $0x4  }
0x318: {  	v30 =	vshll.u32 v3, $0x3  }
0x319: {  	v3 =	vand.u32 $0x7, v3;
	v4 =	vand.u32 $0xFFFFFFC0, v30  }
0x31a: {  	v3 =	vor.u32 v3, v4  }
0x31b: {  	v4 =	vperm.xlane v3, v0;
	_ =	sdelay $0x1  }
0x31c: {  	v4 =	vadd.s32 v1, v4;
	_ =	sdelay $0x4  }
0x31d: {  	[tilespmem:s26], [sflag:$0x2] =	stream.indirect_vreg.gather [hbm4b:s1+s3], $0x80, v4, vm0, $0xb8;
	[tilespmem:$0x10400] =	vst v63  }
0x31e: {  	s21 =	simm.s32 $0x8C00;
	v3 =	vperm.xlane v3, v2  }
0x31f: {  	[tilespmem:s21], [sflag:$0x2] =	stream.indirect_vreg.gather [hbm4b:s5+s3], $0x80, v4, vm0, $0xb8;
	[tilespmem:$0x10400] =	vst v63  }
0x320: {  	s0 =	simm.s32 $0x9400;
	v3 =	vadd.s32 v1, v3  }
0x321: {  	[tilespmem:s0], [sflag:$0x2] =	stream.indirect_vreg.gather [hbm4b:s6+s3], $0x80, v4, vm0, $0xb8;
	[tilespmem:$0x10400] =	vst v63  }
0x322: {  	s2 =	simm.s32 $0x9C00  }
0x323: {  	[tilespmem:s2], [sflag:$0x2] =	stream.indirect_vreg.gather [hbm4b:s7+s3], $0x80, v4, vm0, $0xb8;
	[tilespmem:$0x10400] =	vst v63  }
0x324: {  	s14 =	simm.s32 $0xA400  }
0x325: {  	[tilespmem:s14], [sflag:$0x2] =	stream.indirect_vreg.gather [hbm4b:s1+s3], $0x80, v3, vm0, $0xb8;
	[tilespmem:$0x10400] =	vst v63  }
0x326: {  	s8 =	simm.s32 $0xAC00  }
0x327: {  	[tilespmem:s8], [sflag:$0x2] =	stream.indirect_vreg.gather [hbm4b:s5+s3], $0x80, v3, vm0, $0xb8;
	[tilespmem:$0x10400] =	vst v63  }
0x328: {  	s9 =	simm.s32 $0xB400  }
0x329: {  	[tilespmem:s9], [sflag:$0x2] =	stream.indirect_vreg.gather [hbm4b:s6+s3], $0x80, v3, vm0, $0xb8;
	[tilespmem:$0x10400] =	vst v63  }
0x32a: {  	s21 =	simm.s32 $0xBC00  }
0x32b: {  	[tilespmem:s21], [sflag:$0x2] =	stream.indirect_vreg.gather [hbm4b:s7+s3], $0x80, v3, vm0, $0xb8;
	[tilespmem:$0x10400] =	vst v63  }
0x32c: {  	v3 =	vld [tilespmem:$0x1F0];
	_ =	sdelay $0x4  }
0x32d: {  	v31 =	vshll.u32 v3, $0x3  }
0x32e: {  	v3 =	vand.u32 $0x7, v3;
	v4 =	vand.u32 $0xFFFFFFC0, v31  }
0x32f: {  	v3 =	vor.u32 v3, v4  }
0x330: {  	v4 =	vperm.xlane v3, v0;
	_ =	sdelay $0x1  }
0x331: {  	v4 =	vadd.s32 v1, v4;
	_ =	sdelay $0x3  }
0x332: {  	s21 =	simm.s32 $0xC400  }
0x333: {  	[tilespmem:s21], [sflag:$0x2] =	stream.indirect_vreg.gather [hbm4b:s1+s3], $0x80, v4, vm0, $0xb8;
	[tilespmem:$0x10400] =	vst v63  }
0x334: {  	v3 =	vperm.xlane v3, v2;
	s21 =	simm.s32 $0xCC00  }
0x335: {  	[tilespmem:s21], [sflag:$0x2] =	stream.indirect_vreg.gather [hbm4b:s5+s3], $0x80, v4, vm0, $0xb8;
	[tilespmem:$0x10400] =	vst v63  }
0x336: {  	s11 =	simm.s32 $0xD400;
	v3 =	vadd.s32 v1, v3  }
0x337: {  	[tilespmem:s11], [sflag:$0x2] =	stream.indirect_vreg.gather [hbm4b:s6+s3], $0x80, v4, vm0, $0xb8;
	[tilespmem:$0x10400] =	vst v63  }
0x338: {  	s24 =	simm.s32 $0xDC00  }
0x339: {  	[tilespmem:s24], [sflag:$0x2] =	stream.indirect_vreg.gather [hbm4b:s7+s3], $0x80, v4, vm0, $0xb8;
	[tilespmem:$0x10400] =	vst v63  }
0x33a: {  	s30 =	simm.s32 $0xE400  }
0x33b: {  	[tilespmem:s30], [sflag:$0x2] =	stream.indirect_vreg.gather [hbm4b:s1+s3], $0x80, v3, vm0, $0xb8;
	[tilespmem:$0x10400] =	vst v63  }
0x33c: {  	s13 =	simm.s32 $0xEC00  }
0x33d: {  	[tilespmem:s13], [sflag:$0x2] =	stream.indirect_vreg.gather [hbm4b:s5+s3], $0x80, v3, vm0, $0xb8;
	[tilespmem:$0x10400] =	vst v63  }
0x33e: {  	s12 =	simm.s32 $0xF400  }
0x33f: {  	[tilespmem:s12], [sflag:$0x2] =	stream.indirect_vreg.gather [hbm4b:s6+s3], $0x80, v3, vm0, $0xb8;
	[tilespmem:$0x10400] =	vst v63  }
0x340: {  	s15 =	simm.s32 $0xFC00  }
0x341: {  	[tilespmem:s15], [sflag:$0x2] =	stream.indirect_vreg.gather [hbm4b:s7+s3], $0x80, v3, vm0, $0xb8;
	[tilespmem:$0x10400] =	vst v63  }
0x342: {  	_ =	swait.ge [sflag:s17], $0x8000  }
0x343: {  	[sflag:s17] =	ssyncset.done $0x0  }
0x344: {  	s21 =	rddreg [dreg:$0x12];
	[sflag:s17] =	ssyncadd.s32 $0xFFFF8000  }
0x345: {  	[hbm4b:s21+s3] =	stream.linear.scatter [tilespmem:s22], [sflag:$0x3], $0x8000, $0x38;
	[tilespmem:$0x10400] =	vst v63  }
0x346: {  	_ =	swait.ge [sflag:s18], $0x8000  }
0x347: {  	[sflag:s18] =	ssyncset.done $0x0  }
0x348: {  	[sflag:s18] =	ssyncadd.s32 $0xFFFF8000  }
0x349: {  	v3 =	vld [tilespmem:$0x200];
	_ =	sdelay $0x4  }
0x34a: {  	v32 =	vshll.u32 v3, $0x3  }
0x34b: {  	v3 =	vand.u32 $0x7, v3;
	v4 =	vand.u32 $0xFFFFFFC0, v32  }
0x34c: {  	v3 =	vor.u32 v3, v4  }
0x34d: {  	v4 =	vperm.xlane v3, v0;
	_ =	sdelay $0x1  }
0x34e: {  	v4 =	vadd.s32 v1, v4;
	_ =	sdelay $0x4  }
0x34f: {  	[tilespmem:s22], [sflag:$0x1] =	stream.indirect_vreg.gather [hbm4b:s1+s3], $0x80, v4, vm0, $0xb8;
	[tilespmem:$0x10400] =	vst v63  }
0x350: {  	s21 =	simm.s32 $0xC00;
	v3 =	vperm.xlane v3, v2  }
0x351: {  	[tilespmem:s21], [sflag:$0x1] =	stream.indirect_vreg.gather [hbm4b:s5+s3], $0x80, v4, vm0, $0xb8;
	[tilespmem:$0x10400] =	vst v63  }
0x352: {  	v3 =	vadd.s32 v1, v3;
	s21 =	simm.s32 $0x1400  }
0x353: {  	[tilespmem:s21], [sflag:$0x1] =	stream.indirect_vreg.gather [hbm4b:s6+s3], $0x80, v4, vm0, $0xb8;
	[tilespmem:$0x10400] =	vst v63  }
0x354: {  	s21 =	simm.s32 $0x1C00  }
0x355: {  	[tilespmem:s21], [sflag:$0x1] =	stream.indirect_vreg.gather [hbm4b:s7+s3], $0x80, v4, vm0, $0xb8;
	[tilespmem:$0x10400] =	vst v63  }
0x356: {  	s23 =	simm.s32 $0x2400  }
0x357: {  	[tilespmem:s23], [sflag:$0x1] =	stream.indirect_vreg.gather [hbm4b:s1+s3], $0x80, v3, vm0, $0xb8;
	[tilespmem:$0x10400] =	vst v63  }
0x358: {  	s16 =	simm.s32 $0x2C00  }
0x359: {  	[tilespmem:s16], [sflag:$0x1] =	stream.indirect_vreg.gather [hbm4b:s5+s3], $0x80, v3, vm0, $0xb8;
	[tilespmem:$0x10400] =	vst v63  }
0x35a: {  	s28 =	simm.s32 $0x3400  }
0x35b: {  	[tilespmem:s28], [sflag:$0x1] =	stream.indirect_vreg.gather [hbm4b:s6+s3], $0x80, v3, vm0, $0xb8;
	[tilespmem:$0x10400] =	vst v63  }
0x35c: {  	s28 =	simm.s32 $0x3C00  }
0x35d: {  	[tilespmem:s28], [sflag:$0x1] =	stream.indirect_vreg.gather [hbm4b:s7+s3], $0x80, v3, vm0, $0xb8;
	[tilespmem:$0x10400] =	vst v63  }
0x35e: {  	v3 =	vld [tilespmem:$0x210];
	_ =	sdelay $0x4  }
0x35f: {  	v33 =	vshll.u32 v3, $0x3  }
0x360: {  	v3 =	vand.u32 $0x7, v3;
	v4 =	vand.u32 $0xFFFFFFC0, v33  }
0x361: {  	v3 =	vor.u32 v3, v4  }
0x362: {  	v4 =	vperm.xlane v3, v0;
	_ =	sdelay $0x1  }
0x363: {  	v4 =	vadd.s32 v1, v4;
	_ =	sdelay $0x3  }
0x364: {  	s29 =	simm.s32 $0x4400  }
0x365: {  	[tilespmem:s29], [sflag:$0x1] =	stream.indirect_vreg.gather [hbm4b:s1+s3], $0x80, v4, vm0, $0xb8;
	[tilespmem:$0x10400] =	vst v63  }
0x366: {  	s31 =	simm.s32 $0x4C00;
	v3 =	vperm.xlane v3, v2  }
0x367: {  	[tilespmem:s31], [sflag:$0x1] =	stream.indirect_vreg.gather [hbm4b:s5+s3], $0x80, v4, vm0, $0xb8;
	[tilespmem:$0x10400] =	vst v63  }
0x368: {  	v3 =	vadd.s32 v1, v3;
	s31 =	simm.s32 $0x5400  }
0x369: {  	[tilespmem:s31], [sflag:$0x1] =	stream.indirect_vreg.gather [hbm4b:s6+s3], $0x80, v4, vm0, $0xb8;
	[tilespmem:$0x10400] =	vst v63  }
0x36a: {  	s31 =	simm.s32 $0x5C00  }
0x36b: {  	[tilespmem:s31], [sflag:$0x1] =	stream.indirect_vreg.gather [hbm4b:s7+s3], $0x80, v4, vm0, $0xb8;
	[tilespmem:$0x10400] =	vst v63  }
0x36c: {  	s31 =	simm.s32 $0x6400  }
0x36d: {  	[tilespmem:s31], [sflag:$0x1] =	stream.indirect_vreg.gather [hbm4b:s1+s3], $0x80, v3, vm0, $0xb8;
	[tilespmem:$0x10400] =	vst v63  }
0x36e: {  	s25 =	simm.s32 $0x6C00  }
0x36f: {  	[tilespmem:s25], [sflag:$0x1] =	stream.indirect_vreg.gather [hbm4b:s5+s3], $0x80, v3, vm0, $0xb8;
	[tilespmem:$0x10400] =	vst v63  }
0x370: {  	s4 =	simm.s32 $0x7400  }
0x371: {  	[tilespmem:s4], [sflag:$0x1] =	stream.indirect_vreg.gather [hbm4b:s6+s3], $0x80, v3, vm0, $0xb8;
	[tilespmem:$0x10400] =	vst v63  }
0x372: {  	s10 =	simm.s32 $0x7C00  }
0x373: {  	[tilespmem:s10], [sflag:$0x1] =	stream.indirect_vreg.gather [hbm4b:s7+s3], $0x80, v3, vm0, $0xb8;
	[tilespmem:$0x10400] =	vst v63  }
0x374: {  	_ =	swait.ge [sflag:s19], $0x8000  }
0x375: {  	[sflag:s19] =	ssyncset.done $0x0  }
0x376: {  	s10 =	rddreg [dreg:$0x13];
	[sflag:s19] =	ssyncadd.s32 $0xFFFF8000  }
0x377: {  	[hbm4b:s10+s3] =	stream.linear.scatter [tilespmem:s26], [sflag:$0x4], $0x8000, $0x38;
	[tilespmem:$0x10400] =	vst v63  }
0x378: {  	_ =	swait.ge [sflag:s20], $0x8000  }
0x379: {  	[sflag:s20] =	ssyncset.done $0x0  }
0x37a: {  	[sflag:s20] =	ssyncadd.s32 $0xFFFF8000  }
0x37b: {  	v3 =	vld [tilespmem:$0x220];
	_ =	sdelay $0x4  }
0x37c: {  	v34 =	vshll.u32 v3, $0x3  }
0x37d: {  	v3 =	vand.u32 $0x7, v3;
	v4 =	vand.u32 $0xFFFFFFC0, v34  }
0x37e: {  	v3 =	vor.u32 v3, v4  }
0x37f: {  	v4 =	vperm.xlane v3, v0;
	_ =	sdelay $0x1  }
0x380: {  	v4 =	vadd.s32 v1, v4;
	_ =	sdelay $0x4  }
0x381: {  	[tilespmem:s26], [sflag:$0x2] =	stream.indirect_vreg.gather [hbm4b:s1+s3], $0x80, v4, vm0, $0xb8;
	[tilespmem:$0x10400] =	vst v63  }
0x382: {  	s21 =	simm.s32 $0x8C00;
	v3 =	vperm.xlane v3, v2  }
0x383: {  	[tilespmem:s21], [sflag:$0x2] =	stream.indirect_vreg.gather [hbm4b:s5+s3], $0x80, v4, vm0, $0xb8;
	[tilespmem:$0x10400] =	vst v63  }
0x384: {  	s0 =	simm.s32 $0x9400;
	v3 =	vadd.s32 v1, v3  }
0x385: {  	[tilespmem:s0], [sflag:$0x2] =	stream.indirect_vreg.gather [hbm4b:s6+s3], $0x80, v4, vm0, $0xb8;
	[tilespmem:$0x10400] =	vst v63  }
0x386: {  	s2 =	simm.s32 $0x9C00  }
0x387: {  	[tilespmem:s2], [sflag:$0x2] =	stream.indirect_vreg.gather [hbm4b:s7+s3], $0x80, v4, vm0, $0xb8;
	[tilespmem:$0x10400] =	vst v63  }
0x388: {  	s14 =	simm.s32 $0xA400  }
0x389: {  	[tilespmem:s14], [sflag:$0x2] =	stream.indirect_vreg.gather [hbm4b:s1+s3], $0x80, v3, vm0, $0xb8;
	[tilespmem:$0x10400] =	vst v63  }
0x38a: {  	s8 =	simm.s32 $0xAC00  }
0x38b: {  	[tilespmem:s8], [sflag:$0x2] =	stream.indirect_vreg.gather [hbm4b:s5+s3], $0x80, v3, vm0, $0xb8;
	[tilespmem:$0x10400] =	vst v63  }
0x38c: {  	s9 =	simm.s32 $0xB400  }
0x38d: {  	[tilespmem:s9], [sflag:$0x2] =	stream.indirect_vreg.gather [hbm4b:s6+s3], $0x80, v3, vm0, $0xb8;
	[tilespmem:$0x10400] =	vst v63  }
0x38e: {  	s21 =	simm.s32 $0xBC00  }
0x38f: {  	[tilespmem:s21], [sflag:$0x2] =	stream.indirect_vreg.gather [hbm4b:s7+s3], $0x80, v3, vm0, $0xb8;
	[tilespmem:$0x10400] =	vst v63  }
0x390: {  	v3 =	vld [tilespmem:$0x230];
	_ =	sdelay $0x4  }
0x391: {  	v35 =	vshll.u32 v3, $0x3  }
0x392: {  	v3 =	vand.u32 $0x7, v3;
	v4 =	vand.u32 $0xFFFFFFC0, v35  }
0x393: {  	v3 =	vor.u32 v3, v4  }
0x394: {  	v4 =	vperm.xlane v3, v0;
	_ =	sdelay $0x1  }
0x395: {  	v4 =	vadd.s32 v1, v4;
	_ =	sdelay $0x3  }
0x396: {  	s21 =	simm.s32 $0xC400  }
0x397: {  	[tilespmem:s21], [sflag:$0x2] =	stream.indirect_vreg.gather [hbm4b:s1+s3], $0x80, v4, vm0, $0xb8;
	[tilespmem:$0x10400] =	vst v63  }
0x398: {  	v3 =	vperm.xlane v3, v2;
	s21 =	simm.s32 $0xCC00  }
0x399: {  	[tilespmem:s21], [sflag:$0x2] =	stream.indirect_vreg.gather [hbm4b:s5+s3], $0x80, v4, vm0, $0xb8;
	[tilespmem:$0x10400] =	vst v63  }
0x39a: {  	s11 =	simm.s32 $0xD400;
	v3 =	vadd.s32 v1, v3  }
0x39b: {  	[tilespmem:s11], [sflag:$0x2] =	stream.indirect_vreg.gather [hbm4b:s6+s3], $0x80, v4, vm0, $0xb8;
	[tilespmem:$0x10400] =	vst v63  }
0x39c: {  	s24 =	simm.s32 $0xDC00  }
0x39d: {  	[tilespmem:s24], [sflag:$0x2] =	stream.indirect_vreg.gather [hbm4b:s7+s3], $0x80, v4, vm0, $0xb8;
	[tilespmem:$0x10400] =	vst v63  }
0x39e: {  	s30 =	simm.s32 $0xE400  }
0x39f: {  	[tilespmem:s30], [sflag:$0x2] =	stream.indirect_vreg.gather [hbm4b:s1+s3], $0x80, v3, vm0, $0xb8;
	[tilespmem:$0x10400] =	vst v63  }
0x3a0: {  	s13 =	simm.s32 $0xEC00  }
0x3a1: {  	[tilespmem:s13], [sflag:$0x2] =	stream.indirect_vreg.gather [hbm4b:s5+s3], $0x80, v3, vm0, $0xb8;
	[tilespmem:$0x10400] =	vst v63  }
0x3a2: {  	s12 =	simm.s32 $0xF400  }
0x3a3: {  	[tilespmem:s12], [sflag:$0x2] =	stream.indirect_vreg.gather [hbm4b:s6+s3], $0x80, v3, vm0, $0xb8;
	[tilespmem:$0x10400] =	vst v63  }
0x3a4: {  	s15 =	simm.s32 $0xFC00  }
0x3a5: {  	[tilespmem:s15], [sflag:$0x2] =	stream.indirect_vreg.gather [hbm4b:s7+s3], $0x80, v3, vm0, $0xb8;
	[tilespmem:$0x10400] =	vst v63  }
0x3a6: {  	_ =	swait.ge [sflag:s17], $0x8000  }
0x3a7: {  	[sflag:s17] =	ssyncset.done $0x0  }
0x3a8: {  	s30 =	rddreg [dreg:$0x14];
	[sflag:s17] =	ssyncadd.s32 $0xFFFF8000  }
0x3a9: {  	[hbm4b:s30+s3] =	stream.linear.scatter [tilespmem:s22], [sflag:$0x3], $0x8000, $0x38;
	[tilespmem:$0x10400] =	vst v63  }
0x3aa: {  	_ =	swait.ge [sflag:s18], $0x8000  }
0x3ab: {  	[sflag:s18] =	ssyncset.done $0x0  }
0x3ac: {  	[sflag:s18] =	ssyncadd.s32 $0xFFFF8000  }
0x3ad: {  	v3 =	vld [tilespmem:$0x240];
	_ =	sdelay $0x4  }
0x3ae: {  	v36 =	vshll.u32 v3, $0x3  }
0x3af: {  	v3 =	vand.u32 $0x7, v3;
	v4 =	vand.u32 $0xFFFFFFC0, v36  }
0x3b0: {  	v3 =	vor.u32 v3, v4  }
0x3b1: {  	v4 =	vperm.xlane v3, v0;
	_ =	sdelay $0x1  }
0x3b2: {  	v4 =	vadd.s32 v1, v4;
	_ =	sdelay $0x4  }
0x3b3: {  	[tilespmem:s22], [sflag:$0x1] =	stream.indirect_vreg.gather [hbm4b:s1+s3], $0x80, v4, vm0, $0xb8;
	[tilespmem:$0x10400] =	vst v63  }
0x3b4: {  	s30 =	simm.s32 $0xC00;
	v3 =	vperm.xlane v3, v2  }
0x3b5: {  	[tilespmem:s30], [sflag:$0x1] =	stream.indirect_vreg.gather [hbm4b:s5+s3], $0x80, v4, vm0, $0xb8;
	[tilespmem:$0x10400] =	vst v63  }
0x3b6: {  	v3 =	vadd.s32 v1, v3;
	s30 =	simm.s32 $0x1400  }
0x3b7: {  	[tilespmem:s30], [sflag:$0x1] =	stream.indirect_vreg.gather [hbm4b:s6+s3], $0x80, v4, vm0, $0xb8;
	[tilespmem:$0x10400] =	vst v63  }
0x3b8: {  	s30 =	simm.s32 $0x1C00  }
0x3b9: {  	[tilespmem:s30], [sflag:$0x1] =	stream.indirect_vreg.gather [hbm4b:s7+s3], $0x80, v4, vm0, $0xb8;
	[tilespmem:$0x10400] =	vst v63  }
0x3ba: {  	s23 =	simm.s32 $0x2400  }
0x3bb: {  	[tilespmem:s23], [sflag:$0x1] =	stream.indirect_vreg.gather [hbm4b:s1+s3], $0x80, v3, vm0, $0xb8;
	[tilespmem:$0x10400] =	vst v63  }
0x3bc: {  	s16 =	simm.s32 $0x2C00  }
0x3bd: {  	[tilespmem:s16], [sflag:$0x1] =	stream.indirect_vreg.gather [hbm4b:s5+s3], $0x80, v3, vm0, $0xb8;
	[tilespmem:$0x10400] =	vst v63  }
0x3be: {  	s30 =	simm.s32 $0x3400  }
0x3bf: {  	[tilespmem:s30], [sflag:$0x1] =	stream.indirect_vreg.gather [hbm4b:s6+s3], $0x80, v3, vm0, $0xb8;
	[tilespmem:$0x10400] =	vst v63  }
0x3c0: {  	s21 =	simm.s32 $0x3C00  }
0x3c1: {  	[tilespmem:s21], [sflag:$0x1] =	stream.indirect_vreg.gather [hbm4b:s7+s3], $0x80, v3, vm0, $0xb8;
	[tilespmem:$0x10400] =	vst v63  }
0x3c2: {  	v3 =	vld [tilespmem:$0x250];
	_ =	sdelay $0x4  }
0x3c3: {  	v37 =	vshll.u32 v3, $0x3  }
0x3c4: {  	v3 =	vand.u32 $0x7, v3;
	v4 =	vand.u32 $0xFFFFFFC0, v37  }
0x3c5: {  	v3 =	vor.u32 v3, v4  }
0x3c6: {  	v4 =	vperm.xlane v3, v0;
	_ =	sdelay $0x1  }
0x3c7: {  	v4 =	vadd.s32 v1, v4;
	_ =	sdelay $0x3  }
0x3c8: {  	s28 =	simm.s32 $0x4400  }
0x3c9: {  	[tilespmem:s28], [sflag:$0x1] =	stream.indirect_vreg.gather [hbm4b:s1+s3], $0x80, v4, vm0, $0xb8;
	[tilespmem:$0x10400] =	vst v63  }
0x3ca: {  	s29 =	simm.s32 $0x4C00;
	v3 =	vperm.xlane v3, v2  }
0x3cb: {  	[tilespmem:s29], [sflag:$0x1] =	stream.indirect_vreg.gather [hbm4b:s5+s3], $0x80, v4, vm0, $0xb8;
	[tilespmem:$0x10400] =	vst v63  }
0x3cc: {  	s21 =	simm.s32 $0x5400;
	v3 =	vadd.s32 v1, v3  }
0x3cd: {  	[tilespmem:s21], [sflag:$0x1] =	stream.indirect_vreg.gather [hbm4b:s6+s3], $0x80, v4, vm0, $0xb8;
	[tilespmem:$0x10400] =	vst v63  }
0x3ce: {  	s21 =	simm.s32 $0x5C00  }
0x3cf: {  	[tilespmem:s21], [sflag:$0x1] =	stream.indirect_vreg.gather [hbm4b:s7+s3], $0x80, v4, vm0, $0xb8;
	[tilespmem:$0x10400] =	vst v63  }
0x3d0: {  	s21 =	simm.s32 $0x6400  }
0x3d1: {  	[tilespmem:s21], [sflag:$0x1] =	stream.indirect_vreg.gather [hbm4b:s1+s3], $0x80, v3, vm0, $0xb8;
	[tilespmem:$0x10400] =	vst v63  }
0x3d2: {  	s31 =	simm.s32 $0x6C00  }
0x3d3: {  	[tilespmem:s31], [sflag:$0x1] =	stream.indirect_vreg.gather [hbm4b:s5+s3], $0x80, v3, vm0, $0xb8;
	[tilespmem:$0x10400] =	vst v63  }
0x3d4: {  	s25 =	simm.s32 $0x7400  }
0x3d5: {  	[tilespmem:s25], [sflag:$0x1] =	stream.indirect_vreg.gather [hbm4b:s6+s3], $0x80, v3, vm0, $0xb8;
	[tilespmem:$0x10400] =	vst v63  }
0x3d6: {  	s4 =	simm.s32 $0x7C00  }
0x3d7: {  	[tilespmem:s4], [sflag:$0x1] =	stream.indirect_vreg.gather [hbm4b:s7+s3], $0x80, v3, vm0, $0xb8;
	[tilespmem:$0x10400] =	vst v63  }
0x3d8: {  	_ =	swait.ge [sflag:s19], $0x8000  }
0x3d9: {  	[sflag:s19] =	ssyncset.done $0x0  }
0x3da: {  	s21 =	rddreg [dreg:$0x15];
	[sflag:s19] =	ssyncadd.s32 $0xFFFF8000  }
0x3db: {  	[hbm4b:s21+s3] =	stream.linear.scatter [tilespmem:s26], [sflag:$0x4], $0x8000, $0x38;
	[tilespmem:$0x10400] =	vst v63  }
0x3dc: {  	_ =	swait.ge [sflag:s20], $0x8000  }
0x3dd: {  	[sflag:s20] =	ssyncset.done $0x0  }
0x3de: {  	[sflag:s20] =	ssyncadd.s32 $0xFFFF8000  }
0x3df: {  	v3 =	vld [tilespmem:$0x260];
	_ =	sdelay $0x4  }
0x3e0: {  	v38 =	vshll.u32 v3, $0x3  }
0x3e1: {  	v3 =	vand.u32 $0x7, v3;
	v4 =	vand.u32 $0xFFFFFFC0, v38  }
0x3e2: {  	v3 =	vor.u32 v3, v4  }
0x3e3: {  	v4 =	vperm.xlane v3, v0;
	_ =	sdelay $0x1  }
0x3e4: {  	v4 =	vadd.s32 v1, v4;
	_ =	sdelay $0x4  }
0x3e5: {  	[tilespmem:s26], [sflag:$0x2] =	stream.indirect_vreg.gather [hbm4b:s1+s3], $0x80, v4, vm0, $0xb8;
	[tilespmem:$0x10400] =	vst v63  }
0x3e6: {  	s21 =	simm.s32 $0x8C00;
	v3 =	vperm.xlane v3, v2  }
0x3e7: {  	[tilespmem:s21], [sflag:$0x2] =	stream.indirect_vreg.gather [hbm4b:s5+s3], $0x80, v4, vm0, $0xb8;
	[tilespmem:$0x10400] =	vst v63  }
0x3e8: {  	s0 =	simm.s32 $0x9400;
	v3 =	vadd.s32 v1, v3  }
0x3e9: {  	[tilespmem:s0], [sflag:$0x2] =	stream.indirect_vreg.gather [hbm4b:s6+s3], $0x80, v4, vm0, $0xb8;
	[tilespmem:$0x10400] =	vst v63  }
0x3ea: {  	s2 =	simm.s32 $0x9C00  }
0x3eb: {  	[tilespmem:s2], [sflag:$0x2] =	stream.indirect_vreg.gather [hbm4b:s7+s3], $0x80, v4, vm0, $0xb8;
	[tilespmem:$0x10400] =	vst v63  }
0x3ec: {  	s14 =	simm.s32 $0xA400  }
0x3ed: {  	[tilespmem:s14], [sflag:$0x2] =	stream.indirect_vreg.gather [hbm4b:s1+s3], $0x80, v3, vm0, $0xb8;
	[tilespmem:$0x10400] =	vst v63  }
0x3ee: {  	s8 =	simm.s32 $0xAC00  }
0x3ef: {  	[tilespmem:s8], [sflag:$0x2] =	stream.indirect_vreg.gather [hbm4b:s5+s3], $0x80, v3, vm0, $0xb8;
	[tilespmem:$0x10400] =	vst v63  }
0x3f0: {  	s9 =	simm.s32 $0xB400  }
0x3f1: {  	[tilespmem:s9], [sflag:$0x2] =	stream.indirect_vreg.gather [hbm4b:s6+s3], $0x80, v3, vm0, $0xb8;
	[tilespmem:$0x10400] =	vst v63  }
0x3f2: {  	s21 =	simm.s32 $0xBC00  }
0x3f3: {  	[tilespmem:s21], [sflag:$0x2] =	stream.indirect_vreg.gather [hbm4b:s7+s3], $0x80, v3, vm0, $0xb8;
	[tilespmem:$0x10400] =	vst v63  }
0x3f4: {  	v3 =	vld [tilespmem:$0x270];
	_ =	sdelay $0x4  }
0x3f5: {  	v39 =	vshll.u32 v3, $0x3  }
0x3f6: {  	v3 =	vand.u32 $0x7, v3;
	v4 =	vand.u32 $0xFFFFFFC0, v39  }
0x3f7: {  	v3 =	vor.u32 v3, v4  }
0x3f8: {  	v4 =	vperm.xlane v3, v0;
	_ =	sdelay $0x1  }
0x3f9: {  	v4 =	vadd.s32 v1, v4;
	_ =	sdelay $0x3  }
0x3fa: {  	s21 =	simm.s32 $0xC400  }
0x3fb: {  	[tilespmem:s21], [sflag:$0x2] =	stream.indirect_vreg.gather [hbm4b:s1+s3], $0x80, v4, vm0, $0xb8;
	[tilespmem:$0x10400] =	vst v63  }
0x3fc: {  	v3 =	vperm.xlane v3, v2;
	s21 =	simm.s32 $0xCC00  }
0x3fd: {  	[tilespmem:s21], [sflag:$0x2] =	stream.indirect_vreg.gather [hbm4b:s5+s3], $0x80, v4, vm0, $0xb8;
	[tilespmem:$0x10400] =	vst v63  }
0x3fe: {  	s10 =	simm.s32 $0xD400;
	v3 =	vadd.s32 v1, v3  }
0x3ff: {  	[tilespmem:s10], [sflag:$0x2] =	stream.indirect_vreg.gather [hbm4b:s6+s3], $0x80, v4, vm0, $0xb8;
	[tilespmem:$0x10400] =	vst v63  }
0x400: {  	s11 =	simm.s32 $0xDC00  }
0x401: {  	[tilespmem:s11], [sflag:$0x2] =	stream.indirect_vreg.gather [hbm4b:s7+s3], $0x80, v4, vm0, $0xb8;
	[tilespmem:$0x10400] =	vst v63  }
0x402: {  	s24 =	simm.s32 $0xE400  }
0x403: {  	[tilespmem:s24], [sflag:$0x2] =	stream.indirect_vreg.gather [hbm4b:s1+s3], $0x80, v3, vm0, $0xb8;
	[tilespmem:$0x10400] =	vst v63  }
0x404: {  	s13 =	simm.s32 $0xEC00  }
0x405: {  	[tilespmem:s13], [sflag:$0x2] =	stream.indirect_vreg.gather [hbm4b:s5+s3], $0x80, v3, vm0, $0xb8;
	[tilespmem:$0x10400] =	vst v63  }
0x406: {  	s12 =	simm.s32 $0xF400  }
0x407: {  	[tilespmem:s12], [sflag:$0x2] =	stream.indirect_vreg.gather [hbm4b:s6+s3], $0x80, v3, vm0, $0xb8;
	[tilespmem:$0x10400] =	vst v63  }
0x408: {  	s15 =	simm.s32 $0xFC00  }
0x409: {  	[tilespmem:s15], [sflag:$0x2] =	stream.indirect_vreg.gather [hbm4b:s7+s3], $0x80, v3, vm0, $0xb8;
	[tilespmem:$0x10400] =	vst v63  }
0x40a: {  	_ =	swait.ge [sflag:s17], $0x8000  }
0x40b: {  	[sflag:s17] =	ssyncset.done $0x0  }
0x40c: {  	s21 =	rddreg [dreg:$0x16];
	[sflag:s17] =	ssyncadd.s32 $0xFFFF8000  }
0x40d: {  	[hbm4b:s21+s3] =	stream.linear.scatter [tilespmem:s22], [sflag:$0x3], $0x8000, $0x38;
	[tilespmem:$0x10400] =	vst v63  }
0x40e: {  	_ =	swait.ge [sflag:s18], $0x8000  }
0x40f: {  	[sflag:s18] =	ssyncset.done $0x0  }
0x410: {  	[sflag:s18] =	ssyncadd.s32 $0xFFFF8000  }
0x411: {  	v3 =	vld [tilespmem:$0x280];
	_ =	sdelay $0x4  }
0x412: {  	v40 =	vshll.u32 v3, $0x3  }
0x413: {  	v3 =	vand.u32 $0x7, v3;
	v4 =	vand.u32 $0xFFFFFFC0, v40  }
0x414: {  	v3 =	vor.u32 v3, v4  }
0x415: {  	v4 =	vperm.xlane v3, v0;
	_ =	sdelay $0x1  }
0x416: {  	v4 =	vadd.s32 v1, v4;
	_ =	sdelay $0x4  }
0x417: {  	[tilespmem:s22], [sflag:$0x1] =	stream.indirect_vreg.gather [hbm4b:s1+s3], $0x80, v4, vm0, $0xb8;
	[tilespmem:$0x10400] =	vst v63  }
0x418: {  	s21 =	simm.s32 $0xC00;
	v3 =	vperm.xlane v3, v2  }
0x419: {  	[tilespmem:s21], [sflag:$0x1] =	stream.indirect_vreg.gather [hbm4b:s5+s3], $0x80, v4, vm0, $0xb8;
	[tilespmem:$0x10400] =	vst v63  }
0x41a: {  	v3 =	vadd.s32 v1, v3;
	s21 =	simm.s32 $0x1400  }
0x41b: {  	[tilespmem:s21], [sflag:$0x1] =	stream.indirect_vreg.gather [hbm4b:s6+s3], $0x80, v4, vm0, $0xb8;
	[tilespmem:$0x10400] =	vst v63  }
0x41c: {  	s21 =	simm.s32 $0x1C00  }
0x41d: {  	[tilespmem:s21], [sflag:$0x1] =	stream.indirect_vreg.gather [hbm4b:s7+s3], $0x80, v4, vm0, $0xb8;
	[tilespmem:$0x10400] =	vst v63  }
0x41e: {  	s23 =	simm.s32 $0x2400  }
0x41f: {  	[tilespmem:s23], [sflag:$0x1] =	stream.indirect_vreg.gather [hbm4b:s1+s3], $0x80, v3, vm0, $0xb8;
	[tilespmem:$0x10400] =	vst v63  }
0x420: {  	s16 =	simm.s32 $0x2C00  }
0x421: {  	[tilespmem:s16], [sflag:$0x1] =	stream.indirect_vreg.gather [hbm4b:s5+s3], $0x80, v3, vm0, $0xb8;
	[tilespmem:$0x10400] =	vst v63  }
0x422: {  	s30 =	simm.s32 $0x3400  }
0x423: {  	[tilespmem:s30], [sflag:$0x1] =	stream.indirect_vreg.gather [hbm4b:s6+s3], $0x80, v3, vm0, $0xb8;
	[tilespmem:$0x10400] =	vst v63  }
0x424: {  	s30 =	simm.s32 $0x3C00  }
0x425: {  	[tilespmem:s30], [sflag:$0x1] =	stream.indirect_vreg.gather [hbm4b:s7+s3], $0x80, v3, vm0, $0xb8;
	[tilespmem:$0x10400] =	vst v63  }
0x426: {  	v3 =	vld [tilespmem:$0x290];
	_ =	sdelay $0x4  }
0x427: {  	v41 =	vshll.u32 v3, $0x3  }
0x428: {  	v3 =	vand.u32 $0x7, v3;
	v4 =	vand.u32 $0xFFFFFFC0, v41  }
0x429: {  	v3 =	vor.u32 v3, v4  }
0x42a: {  	v4 =	vperm.xlane v3, v0;
	_ =	sdelay $0x1  }
0x42b: {  	v4 =	vadd.s32 v1, v4;
	_ =	sdelay $0x3  }
0x42c: {  	s28 =	simm.s32 $0x4400  }
0x42d: {  	[tilespmem:s28], [sflag:$0x1] =	stream.indirect_vreg.gather [hbm4b:s1+s3], $0x80, v4, vm0, $0xb8;
	[tilespmem:$0x10400] =	vst v63  }
0x42e: {  	s29 =	simm.s32 $0x4C00;
	v3 =	vperm.xlane v3, v2  }
0x42f: {  	[tilespmem:s29], [sflag:$0x1] =	stream.indirect_vreg.gather [hbm4b:s5+s3], $0x80, v4, vm0, $0xb8;
	[tilespmem:$0x10400] =	vst v63  }
0x430: {  	v3 =	vadd.s32 v1, v3;
	s29 =	simm.s32 $0x5400  }
0x431: {  	[tilespmem:s29], [sflag:$0x1] =	stream.indirect_vreg.gather [hbm4b:s6+s3], $0x80, v4, vm0, $0xb8;
	[tilespmem:$0x10400] =	vst v63  }
0x432: {  	s29 =	simm.s32 $0x5C00  }
0x433: {  	[tilespmem:s29], [sflag:$0x1] =	stream.indirect_vreg.gather [hbm4b:s7+s3], $0x80, v4, vm0, $0xb8;
	[tilespmem:$0x10400] =	vst v63  }
0x434: {  	s29 =	simm.s32 $0x6400  }
0x435: {  	[tilespmem:s29], [sflag:$0x1] =	stream.indirect_vreg.gather [hbm4b:s1+s3], $0x80, v3, vm0, $0xb8;
	[tilespmem:$0x10400] =	vst v63  }
0x436: {  	s31 =	simm.s32 $0x6C00  }
0x437: {  	[tilespmem:s31], [sflag:$0x1] =	stream.indirect_vreg.gather [hbm4b:s5+s3], $0x80, v3, vm0, $0xb8;
	[tilespmem:$0x10400] =	vst v63  }
0x438: {  	s25 =	simm.s32 $0x7400  }
0x439: {  	[tilespmem:s25], [sflag:$0x1] =	stream.indirect_vreg.gather [hbm4b:s6+s3], $0x80, v3, vm0, $0xb8;
	[tilespmem:$0x10400] =	vst v63  }
0x43a: {  	s4 =	simm.s32 $0x7C00  }
0x43b: {  	[tilespmem:s4], [sflag:$0x1] =	stream.indirect_vreg.gather [hbm4b:s7+s3], $0x80, v3, vm0, $0xb8;
	[tilespmem:$0x10400] =	vst v63  }
0x43c: {  	_ =	swait.ge [sflag:s19], $0x8000  }
0x43d: {  	[sflag:s19] =	ssyncset.done $0x0  }
0x43e: {  	s31 =	rddreg [dreg:$0x17];
	[sflag:s19] =	ssyncadd.s32 $0xFFFF8000  }
0x43f: {  	[hbm4b:s31+s3] =	stream.linear.scatter [tilespmem:s26], [sflag:$0x4], $0x8000, $0x38;
	[tilespmem:$0x10400] =	vst v63  }
0x440: {  	_ =	swait.ge [sflag:s20], $0x8000  }
0x441: {  	[sflag:s20] =	ssyncset.done $0x0  }
0x442: {  	[sflag:s20] =	ssyncadd.s32 $0xFFFF8000  }
0x443: {  	v3 =	vld [tilespmem:$0x2A0];
	_ =	sdelay $0x4  }
0x444: {  	v42 =	vshll.u32 v3, $0x3  }
0x445: {  	v3 =	vand.u32 $0x7, v3;
	v4 =	vand.u32 $0xFFFFFFC0, v42  }
0x446: {  	v3 =	vor.u32 v3, v4  }
0x447: {  	v4 =	vperm.xlane v3, v0;
	_ =	sdelay $0x1  }
0x448: {  	v4 =	vadd.s32 v1, v4;
	_ =	sdelay $0x4  }
0x449: {  	[tilespmem:s26], [sflag:$0x2] =	stream.indirect_vreg.gather [hbm4b:s1+s3], $0x80, v4, vm0, $0xb8;
	[tilespmem:$0x10400] =	vst v63  }
0x44a: {  	s31 =	simm.s32 $0x8C00;
	v3 =	vperm.xlane v3, v2  }
0x44b: {  	[tilespmem:s31], [sflag:$0x2] =	stream.indirect_vreg.gather [hbm4b:s5+s3], $0x80, v4, vm0, $0xb8;
	[tilespmem:$0x10400] =	vst v63  }
0x44c: {  	s0 =	simm.s32 $0x9400;
	v3 =	vadd.s32 v1, v3  }
0x44d: {  	[tilespmem:s0], [sflag:$0x2] =	stream.indirect_vreg.gather [hbm4b:s6+s3], $0x80, v4, vm0, $0xb8;
	[tilespmem:$0x10400] =	vst v63  }
0x44e: {  	s2 =	simm.s32 $0x9C00  }
0x44f: {  	[tilespmem:s2], [sflag:$0x2] =	stream.indirect_vreg.gather [hbm4b:s7+s3], $0x80, v4, vm0, $0xb8;
	[tilespmem:$0x10400] =	vst v63  }
0x450: {  	s14 =	simm.s32 $0xA400  }
0x451: {  	[tilespmem:s14], [sflag:$0x2] =	stream.indirect_vreg.gather [hbm4b:s1+s3], $0x80, v3, vm0, $0xb8;
	[tilespmem:$0x10400] =	vst v63  }
0x452: {  	s8 =	simm.s32 $0xAC00  }
0x453: {  	[tilespmem:s8], [sflag:$0x2] =	stream.indirect_vreg.gather [hbm4b:s5+s3], $0x80, v3, vm0, $0xb8;
	[tilespmem:$0x10400] =	vst v63  }
0x454: {  	s9 =	simm.s32 $0xB400  }
0x455: {  	[tilespmem:s9], [sflag:$0x2] =	stream.indirect_vreg.gather [hbm4b:s6+s3], $0x80, v3, vm0, $0xb8;
	[tilespmem:$0x10400] =	vst v63  }
0x456: {  	s31 =	simm.s32 $0xBC00  }
0x457: {  	[tilespmem:s31], [sflag:$0x2] =	stream.indirect_vreg.gather [hbm4b:s7+s3], $0x80, v3, vm0, $0xb8;
	[tilespmem:$0x10400] =	vst v63  }
0x458: {  	v3 =	vld [tilespmem:$0x2B0];
	_ =	sdelay $0x4  }
0x459: {  	v43 =	vshll.u32 v3, $0x3  }
0x45a: {  	v3 =	vand.u32 $0x7, v3;
	v4 =	vand.u32 $0xFFFFFFC0, v43  }
0x45b: {  	v3 =	vor.u32 v3, v4  }
0x45c: {  	v4 =	vperm.xlane v3, v0;
	_ =	sdelay $0x1  }
0x45d: {  	v4 =	vadd.s32 v1, v4;
	_ =	sdelay $0x3  }
0x45e: {  	s21 =	simm.s32 $0xC400  }
0x45f: {  	[tilespmem:s21], [sflag:$0x2] =	stream.indirect_vreg.gather [hbm4b:s1+s3], $0x80, v4, vm0, $0xb8;
	[tilespmem:$0x10400] =	vst v63  }
0x460: {  	v3 =	vperm.xlane v3, v2;
	s21 =	simm.s32 $0xCC00  }
0x461: {  	[tilespmem:s21], [sflag:$0x2] =	stream.indirect_vreg.gather [hbm4b:s5+s3], $0x80, v4, vm0, $0xb8;
	[tilespmem:$0x10400] =	vst v63  }
0x462: {  	s10 =	simm.s32 $0xD400;
	v3 =	vadd.s32 v1, v3  }
0x463: {  	[tilespmem:s10], [sflag:$0x2] =	stream.indirect_vreg.gather [hbm4b:s6+s3], $0x80, v4, vm0, $0xb8;
	[tilespmem:$0x10400] =	vst v63  }
0x464: {  	s11 =	simm.s32 $0xDC00  }
0x465: {  	[tilespmem:s11], [sflag:$0x2] =	stream.indirect_vreg.gather [hbm4b:s7+s3], $0x80, v4, vm0, $0xb8;
	[tilespmem:$0x10400] =	vst v63  }
0x466: {  	s24 =	simm.s32 $0xE400  }
0x467: {  	[tilespmem:s24], [sflag:$0x2] =	stream.indirect_vreg.gather [hbm4b:s1+s3], $0x80, v3, vm0, $0xb8;
	[tilespmem:$0x10400] =	vst v63  }
0x468: {  	s13 =	simm.s32 $0xEC00  }
0x469: {  	[tilespmem:s13], [sflag:$0x2] =	stream.indirect_vreg.gather [hbm4b:s5+s3], $0x80, v3, vm0, $0xb8;
	[tilespmem:$0x10400] =	vst v63  }
0x46a: {  	s12 =	simm.s32 $0xF400  }
0x46b: {  	[tilespmem:s12], [sflag:$0x2] =	stream.indirect_vreg.gather [hbm4b:s6+s3], $0x80, v3, vm0, $0xb8;
	[tilespmem:$0x10400] =	vst v63  }
0x46c: {  	s15 =	simm.s32 $0xFC00  }
0x46d: {  	[tilespmem:s15], [sflag:$0x2] =	stream.indirect_vreg.gather [hbm4b:s7+s3], $0x80, v3, vm0, $0xb8;
	[tilespmem:$0x10400] =	vst v63  }
0x46e: {  	_ =	swait.ge [sflag:s17], $0x8000  }
0x46f: {  	[sflag:s17] =	ssyncset.done $0x0  }
0x470: {  	s21 =	rddreg [dreg:$0x18];
	[sflag:s17] =	ssyncadd.s32 $0xFFFF8000  }
0x471: {  	[hbm4b:s21+s3] =	stream.linear.scatter [tilespmem:s22], [sflag:$0x3], $0x8000, $0x38;
	[tilespmem:$0x10400] =	vst v63  }
0x472: {  	_ =	swait.ge [sflag:s18], $0x8000  }
0x473: {  	[sflag:s18] =	ssyncset.done $0x0  }
0x474: {  	[sflag:s18] =	ssyncadd.s32 $0xFFFF8000  }
0x475: {  	v3 =	vld [tilespmem:$0x2C0];
	_ =	sdelay $0x4  }
0x476: {  	v44 =	vshll.u32 v3, $0x3  }
0x477: {  	v3 =	vand.u32 $0x7, v3;
	v4 =	vand.u32 $0xFFFFFFC0, v44  }
0x478: {  	v3 =	vor.u32 v3, v4  }
0x479: {  	v4 =	vperm.xlane v3, v0;
	_ =	sdelay $0x1  }
0x47a: {  	v4 =	vadd.s32 v1, v4;
	_ =	sdelay $0x4  }
0x47b: {  	[tilespmem:s22], [sflag:$0x1] =	stream.indirect_vreg.gather [hbm4b:s1+s3], $0x80, v4, vm0, $0xb8;
	[tilespmem:$0x10400] =	vst v63  }
0x47c: {  	s21 =	simm.s32 $0xC00;
	v3 =	vperm.xlane v3, v2  }
0x47d: {  	[tilespmem:s21], [sflag:$0x1] =	stream.indirect_vreg.gather [hbm4b:s5+s3], $0x80, v4, vm0, $0xb8;
	[tilespmem:$0x10400] =	vst v63  }
0x47e: {  	v3 =	vadd.s32 v1, v3;
	s21 =	simm.s32 $0x1400  }
0x47f: {  	[tilespmem:s21], [sflag:$0x1] =	stream.indirect_vreg.gather [hbm4b:s6+s3], $0x80, v4, vm0, $0xb8;
	[tilespmem:$0x10400] =	vst v63  }
0x480: {  	s21 =	simm.s32 $0x1C00  }
0x481: {  	[tilespmem:s21], [sflag:$0x1] =	stream.indirect_vreg.gather [hbm4b:s7+s3], $0x80, v4, vm0, $0xb8;
	[tilespmem:$0x10400] =	vst v63  }
0x482: {  	s23 =	simm.s32 $0x2400  }
0x483: {  	[tilespmem:s23], [sflag:$0x1] =	stream.indirect_vreg.gather [hbm4b:s1+s3], $0x80, v3, vm0, $0xb8;
	[tilespmem:$0x10400] =	vst v63  }
0x484: {  	s16 =	simm.s32 $0x2C00  }
0x485: {  	[tilespmem:s16], [sflag:$0x1] =	stream.indirect_vreg.gather [hbm4b:s5+s3], $0x80, v3, vm0, $0xb8;
	[tilespmem:$0x10400] =	vst v63  }
0x486: {  	s21 =	simm.s32 $0x3400  }
0x487: {  	[tilespmem:s21], [sflag:$0x1] =	stream.indirect_vreg.gather [hbm4b:s6+s3], $0x80, v3, vm0, $0xb8;
	[tilespmem:$0x10400] =	vst v63  }
0x488: {  	s21 =	simm.s32 $0x3C00  }
0x489: {  	[tilespmem:s21], [sflag:$0x1] =	stream.indirect_vreg.gather [hbm4b:s7+s3], $0x80, v3, vm0, $0xb8;
	[tilespmem:$0x10400] =	vst v63  }
0x48a: {  	v3 =	vld [tilespmem:$0x2D0];
	_ =	sdelay $0x4  }
0x48b: {  	v45 =	vshll.u32 v3, $0x3  }
0x48c: {  	v3 =	vand.u32 $0x7, v3;
	v4 =	vand.u32 $0xFFFFFFC0, v45  }
0x48d: {  	v3 =	vor.u32 v3, v4  }
0x48e: {  	v4 =	vperm.xlane v3, v0;
	_ =	sdelay $0x1  }
0x48f: {  	v4 =	vadd.s32 v1, v4;
	_ =	sdelay $0x3  }
0x490: {  	s28 =	simm.s32 $0x4400  }
0x491: {  	[tilespmem:s28], [sflag:$0x1] =	stream.indirect_vreg.gather [hbm4b:s1+s3], $0x80, v4, vm0, $0xb8;
	[tilespmem:$0x10400] =	vst v63  }
0x492: {  	s30 =	simm.s32 $0x4C00;
	v3 =	vperm.xlane v3, v2  }
0x493: {  	[tilespmem:s30], [sflag:$0x1] =	stream.indirect_vreg.gather [hbm4b:s5+s3], $0x80, v4, vm0, $0xb8;
	[tilespmem:$0x10400] =	vst v63  }
0x494: {  	v3 =	vadd.s32 v1, v3;
	s30 =	simm.s32 $0x5400  }
0x495: {  	[tilespmem:s30], [sflag:$0x1] =	stream.indirect_vreg.gather [hbm4b:s6+s3], $0x80, v4, vm0, $0xb8;
	[tilespmem:$0x10400] =	vst v63  }
0x496: {  	s30 =	simm.s32 $0x5C00  }
0x497: {  	[tilespmem:s30], [sflag:$0x1] =	stream.indirect_vreg.gather [hbm4b:s7+s3], $0x80, v4, vm0, $0xb8;
	[tilespmem:$0x10400] =	vst v63  }
0x498: {  	s30 =	simm.s32 $0x6400  }
0x499: {  	[tilespmem:s30], [sflag:$0x1] =	stream.indirect_vreg.gather [hbm4b:s1+s3], $0x80, v3, vm0, $0xb8;
	[tilespmem:$0x10400] =	vst v63  }
0x49a: {  	s29 =	simm.s32 $0x6C00  }
0x49b: {  	[tilespmem:s29], [sflag:$0x1] =	stream.indirect_vreg.gather [hbm4b:s5+s3], $0x80, v3, vm0, $0xb8;
	[tilespmem:$0x10400] =	vst v63  }
0x49c: {  	s25 =	simm.s32 $0x7400  }
0x49d: {  	[tilespmem:s25], [sflag:$0x1] =	stream.indirect_vreg.gather [hbm4b:s6+s3], $0x80, v3, vm0, $0xb8;
	[tilespmem:$0x10400] =	vst v63  }
0x49e: {  	s4 =	simm.s32 $0x7C00  }
0x49f: {  	[tilespmem:s4], [sflag:$0x1] =	stream.indirect_vreg.gather [hbm4b:s7+s3], $0x80, v3, vm0, $0xb8;
	[tilespmem:$0x10400] =	vst v63  }
0x4a0: {  	_ =	swait.ge [sflag:s19], $0x8000  }
0x4a1: {  	[sflag:s19] =	ssyncset.done $0x0  }
0x4a2: {  	s29 =	rddreg [dreg:$0x19];
	[sflag:s19] =	ssyncadd.s32 $0xFFFF8000  }
0x4a3: {  	[hbm4b:s29+s3] =	stream.linear.scatter [tilespmem:s26], [sflag:$0x4], $0x8000, $0x38;
	[tilespmem:$0x10400] =	vst v63  }
0x4a4: {  	_ =	swait.ge [sflag:s20], $0x8000  }
0x4a5: {  	[sflag:s20] =	ssyncset.done $0x0  }
0x4a6: {  	[sflag:s20] =	ssyncadd.s32 $0xFFFF8000  }
0x4a7: {  	v3 =	vld [tilespmem:$0x2E0];
	_ =	sdelay $0x4  }
0x4a8: {  	v46 =	vshll.u32 v3, $0x3  }
0x4a9: {  	v3 =	vand.u32 $0x7, v3;
	v4 =	vand.u32 $0xFFFFFFC0, v46  }
0x4aa: {  	v3 =	vor.u32 v3, v4  }
0x4ab: {  	v4 =	vperm.xlane v3, v0;
	_ =	sdelay $0x1  }
0x4ac: {  	v4 =	vadd.s32 v1, v4;
	_ =	sdelay $0x4  }
0x4ad: {  	[tilespmem:s26], [sflag:$0x2] =	stream.indirect_vreg.gather [hbm4b:s1+s3], $0x80, v4, vm0, $0xb8;
	[tilespmem:$0x10400] =	vst v63  }
0x4ae: {  	s29 =	simm.s32 $0x8C00;
	v3 =	vperm.xlane v3, v2  }
0x4af: {  	[tilespmem:s29], [sflag:$0x2] =	stream.indirect_vreg.gather [hbm4b:s5+s3], $0x80, v4, vm0, $0xb8;
	[tilespmem:$0x10400] =	vst v63  }
0x4b0: {  	s0 =	simm.s32 $0x9400;
	v3 =	vadd.s32 v1, v3  }
0x4b1: {  	[tilespmem:s0], [sflag:$0x2] =	stream.indirect_vreg.gather [hbm4b:s6+s3], $0x80, v4, vm0, $0xb8;
	[tilespmem:$0x10400] =	vst v63  }
0x4b2: {  	s2 =	simm.s32 $0x9C00  }
0x4b3: {  	[tilespmem:s2], [sflag:$0x2] =	stream.indirect_vreg.gather [hbm4b:s7+s3], $0x80, v4, vm0, $0xb8;
	[tilespmem:$0x10400] =	vst v63  }
0x4b4: {  	s14 =	simm.s32 $0xA400  }
0x4b5: {  	[tilespmem:s14], [sflag:$0x2] =	stream.indirect_vreg.gather [hbm4b:s1+s3], $0x80, v3, vm0, $0xb8;
	[tilespmem:$0x10400] =	vst v63  }
0x4b6: {  	s8 =	simm.s32 $0xAC00  }
0x4b7: {  	[tilespmem:s8], [sflag:$0x2] =	stream.indirect_vreg.gather [hbm4b:s5+s3], $0x80, v3, vm0, $0xb8;
	[tilespmem:$0x10400] =	vst v63  }
0x4b8: {  	s9 =	simm.s32 $0xB400  }
0x4b9: {  	[tilespmem:s9], [sflag:$0x2] =	stream.indirect_vreg.gather [hbm4b:s6+s3], $0x80, v3, vm0, $0xb8;
	[tilespmem:$0x10400] =	vst v63  }
0x4ba: {  	s31 =	simm.s32 $0xBC00  }
0x4bb: {  	[tilespmem:s31], [sflag:$0x2] =	stream.indirect_vreg.gather [hbm4b:s7+s3], $0x80, v3, vm0, $0xb8;
	[tilespmem:$0x10400] =	vst v63  }
0x4bc: {  	v3 =	vld [tilespmem:$0x2F0];
	_ =	sdelay $0x4  }
0x4bd: {  	v47 =	vshll.u32 v3, $0x3  }
0x4be: {  	v3 =	vand.u32 $0x7, v3;
	v4 =	vand.u32 $0xFFFFFFC0, v47  }
0x4bf: {  	v3 =	vor.u32 v3, v4  }
0x4c0: {  	v4 =	vperm.xlane v3, v0;
	_ =	sdelay $0x1  }
0x4c1: {  	v4 =	vadd.s32 v1, v4;
	_ =	sdelay $0x3  }
0x4c2: {  	s31 =	simm.s32 $0xC400  }
0x4c3: {  	[tilespmem:s31], [sflag:$0x2] =	stream.indirect_vreg.gather [hbm4b:s1+s3], $0x80, v4, vm0, $0xb8;
	[tilespmem:$0x10400] =	vst v63  }
0x4c4: {  	s21 =	simm.s32 $0xCC00;
	v3 =	vperm.xlane v3, v2  }
0x4c5: {  	[tilespmem:s21], [sflag:$0x2] =	stream.indirect_vreg.gather [hbm4b:s5+s3], $0x80, v4, vm0, $0xb8;
	[tilespmem:$0x10400] =	vst v63  }
0x4c6: {  	s10 =	simm.s32 $0xD400;
	v3 =	vadd.s32 v1, v3  }
0x4c7: {  	[tilespmem:s10], [sflag:$0x2] =	stream.indirect_vreg.gather [hbm4b:s6+s3], $0x80, v4, vm0, $0xb8;
	[tilespmem:$0x10400] =	vst v63  }
0x4c8: {  	s11 =	simm.s32 $0xDC00  }
0x4c9: {  	[tilespmem:s11], [sflag:$0x2] =	stream.indirect_vreg.gather [hbm4b:s7+s3], $0x80, v4, vm0, $0xb8;
	[tilespmem:$0x10400] =	vst v63  }
0x4ca: {  	s24 =	simm.s32 $0xE400  }
0x4cb: {  	[tilespmem:s24], [sflag:$0x2] =	stream.indirect_vreg.gather [hbm4b:s1+s3], $0x80, v3, vm0, $0xb8;
	[tilespmem:$0x10400] =	vst v63  }
0x4cc: {  	s13 =	simm.s32 $0xEC00  }
0x4cd: {  	[tilespmem:s13], [sflag:$0x2] =	stream.indirect_vreg.gather [hbm4b:s5+s3], $0x80, v3, vm0, $0xb8;
	[tilespmem:$0x10400] =	vst v63  }
0x4ce: {  	s12 =	simm.s32 $0xF400  }
0x4cf: {  	[tilespmem:s12], [sflag:$0x2] =	stream.indirect_vreg.gather [hbm4b:s6+s3], $0x80, v3, vm0, $0xb8;
	[tilespmem:$0x10400] =	vst v63  }
0x4d0: {  	s15 =	simm.s32 $0xFC00  }
0x4d1: {  	[tilespmem:s15], [sflag:$0x2] =	stream.indirect_vreg.gather [hbm4b:s7+s3], $0x80, v3, vm0, $0xb8;
	[tilespmem:$0x10400] =	vst v63  }
0x4d2: {  	_ =	swait.ge [sflag:s17], $0x8000  }
0x4d3: {  	[sflag:s17] =	ssyncset.done $0x0  }
0x4d4: {  	s21 =	rddreg [dreg:$0x1a];
	[sflag:s17] =	ssyncadd.s32 $0xFFFF8000  }
0x4d5: {  	[hbm4b:s21+s3] =	stream.linear.scatter [tilespmem:s22], [sflag:$0x3], $0x8000, $0x38;
	[tilespmem:$0x10400] =	vst v63  }
0x4d6: {  	_ =	swait.ge [sflag:s18], $0x8000  }
0x4d7: {  	[sflag:s18] =	ssyncset.done $0x0  }
0x4d8: {  	[sflag:s18] =	ssyncadd.s32 $0xFFFF8000  }
0x4d9: {  	v3 =	vld [tilespmem:$0x300];
	_ =	sdelay $0x4  }
0x4da: {  	v48 =	vshll.u32 v3, $0x3  }
0x4db: {  	v3 =	vand.u32 $0x7, v3;
	v4 =	vand.u32 $0xFFFFFFC0, v48  }
0x4dc: {  	v3 =	vor.u32 v3, v4  }
0x4dd: {  	v4 =	vperm.xlane v3, v0;
	_ =	sdelay $0x1  }
0x4de: {  	v4 =	vadd.s32 v1, v4;
	_ =	sdelay $0x4  }
0x4df: {  	[tilespmem:s22], [sflag:$0x1] =	stream.indirect_vreg.gather [hbm4b:s1+s3], $0x80, v4, vm0, $0xb8;
	[tilespmem:$0x10400] =	vst v63  }
0x4e0: {  	s21 =	simm.s32 $0xC00;
	v3 =	vperm.xlane v3, v2  }
0x4e1: {  	[tilespmem:s21], [sflag:$0x1] =	stream.indirect_vreg.gather [hbm4b:s5+s3], $0x80, v4, vm0, $0xb8;
	[tilespmem:$0x10400] =	vst v63  }
0x4e2: {  	v3 =	vadd.s32 v1, v3;
	s21 =	simm.s32 $0x1400  }
0x4e3: {  	[tilespmem:s21], [sflag:$0x1] =	stream.indirect_vreg.gather [hbm4b:s6+s3], $0x80, v4, vm0, $0xb8;
	[tilespmem:$0x10400] =	vst v63  }
0x4e4: {  	s21 =	simm.s32 $0x1C00  }
0x4e5: {  	[tilespmem:s21], [sflag:$0x1] =	stream.indirect_vreg.gather [hbm4b:s7+s3], $0x80, v4, vm0, $0xb8;
	[tilespmem:$0x10400] =	vst v63  }
0x4e6: {  	s23 =	simm.s32 $0x2400  }
0x4e7: {  	[tilespmem:s23], [sflag:$0x1] =	stream.indirect_vreg.gather [hbm4b:s1+s3], $0x80, v3, vm0, $0xb8;
	[tilespmem:$0x10400] =	vst v63  }
0x4e8: {  	s16 =	simm.s32 $0x2C00  }
0x4e9: {  	[tilespmem:s16], [sflag:$0x1] =	stream.indirect_vreg.gather [hbm4b:s5+s3], $0x80, v3, vm0, $0xb8;
	[tilespmem:$0x10400] =	vst v63  }
0x4ea: {  	s21 =	simm.s32 $0x3400  }
0x4eb: {  	[tilespmem:s21], [sflag:$0x1] =	stream.indirect_vreg.gather [hbm4b:s6+s3], $0x80, v3, vm0, $0xb8;
	[tilespmem:$0x10400] =	vst v63  }
0x4ec: {  	s21 =	simm.s32 $0x3C00  }
0x4ed: {  	[tilespmem:s21], [sflag:$0x1] =	stream.indirect_vreg.gather [hbm4b:s7+s3], $0x80, v3, vm0, $0xb8;
	[tilespmem:$0x10400] =	vst v63  }
0x4ee: {  	v3 =	vld [tilespmem:$0x310];
	_ =	sdelay $0x4  }
0x4ef: {  	v49 =	vshll.u32 v3, $0x3  }
0x4f0: {  	v3 =	vand.u32 $0x7, v3;
	v4 =	vand.u32 $0xFFFFFFC0, v49  }
0x4f1: {  	v3 =	vor.u32 v3, v4  }
0x4f2: {  	v4 =	vperm.xlane v3, v0;
	_ =	sdelay $0x1  }
0x4f3: {  	v4 =	vadd.s32 v1, v4;
	_ =	sdelay $0x3  }
0x4f4: {  	s28 =	simm.s32 $0x4400  }
0x4f5: {  	[tilespmem:s28], [sflag:$0x1] =	stream.indirect_vreg.gather [hbm4b:s1+s3], $0x80, v4, vm0, $0xb8;
	[tilespmem:$0x10400] =	vst v63  }
0x4f6: {  	s21 =	simm.s32 $0x4C00;
	v3 =	vperm.xlane v3, v2  }
0x4f7: {  	[tilespmem:s21], [sflag:$0x1] =	stream.indirect_vreg.gather [hbm4b:s5+s3], $0x80, v4, vm0, $0xb8;
	[tilespmem:$0x10400] =	vst v63  }
0x4f8: {  	v3 =	vadd.s32 v1, v3;
	s21 =	simm.s32 $0x5400  }
0x4f9: {  	[tilespmem:s21], [sflag:$0x1] =	stream.indirect_vreg.gather [hbm4b:s6+s3], $0x80, v4, vm0, $0xb8;
	[tilespmem:$0x10400] =	vst v63  }
0x4fa: {  	s21 =	simm.s32 $0x5C00  }
0x4fb: {  	[tilespmem:s21], [sflag:$0x1] =	stream.indirect_vreg.gather [hbm4b:s7+s3], $0x80, v4, vm0, $0xb8;
	[tilespmem:$0x10400] =	vst v63  }
0x4fc: {  	s21 =	simm.s32 $0x6400  }
0x4fd: {  	[tilespmem:s21], [sflag:$0x1] =	stream.indirect_vreg.gather [hbm4b:s1+s3], $0x80, v3, vm0, $0xb8;
	[tilespmem:$0x10400] =	vst v63  }
0x4fe: {  	s30 =	simm.s32 $0x6C00  }
0x4ff: {  	[tilespmem:s30], [sflag:$0x1] =	stream.indirect_vreg.gather [hbm4b:s5+s3], $0x80, v3, vm0, $0xb8;
	[tilespmem:$0x10400] =	vst v63  }
0x500: {  	s25 =	simm.s32 $0x7400  }
0x501: {  	[tilespmem:s25], [sflag:$0x1] =	stream.indirect_vreg.gather [hbm4b:s6+s3], $0x80, v3, vm0, $0xb8;
	[tilespmem:$0x10400] =	vst v63  }
0x502: {  	s4 =	simm.s32 $0x7C00  }
0x503: {  	[tilespmem:s4], [sflag:$0x1] =	stream.indirect_vreg.gather [hbm4b:s7+s3], $0x80, v3, vm0, $0xb8;
	[tilespmem:$0x10400] =	vst v63  }
0x504: {  	_ =	swait.ge [sflag:s19], $0x8000  }
0x505: {  	[sflag:s19] =	ssyncset.done $0x0  }
0x506: {  	s21 =	rddreg [dreg:$0x1b];
	[sflag:s19] =	ssyncadd.s32 $0xFFFF8000  }
0x507: {  	[hbm4b:s21+s3] =	stream.linear.scatter [tilespmem:s26], [sflag:$0x4], $0x8000, $0x38;
	[tilespmem:$0x10400] =	vst v63  }
0x508: {  	_ =	swait.ge [sflag:s20], $0x8000  }
0x509: {  	[sflag:s20] =	ssyncset.done $0x0  }
0x50a: {  	[sflag:s20] =	ssyncadd.s32 $0xFFFF8000  }
0x50b: {  	v3 =	vld [tilespmem:$0x320];
	_ =	sdelay $0x4  }
0x50c: {  	v50 =	vshll.u32 v3, $0x3  }
0x50d: {  	v3 =	vand.u32 $0x7, v3;
	v4 =	vand.u32 $0xFFFFFFC0, v50  }
0x50e: {  	v3 =	vor.u32 v3, v4  }
0x50f: {  	v4 =	vperm.xlane v3, v0;
	_ =	sdelay $0x1  }
0x510: {  	v4 =	vadd.s32 v1, v4;
	_ =	sdelay $0x4  }
0x511: {  	[tilespmem:s26], [sflag:$0x2] =	stream.indirect_vreg.gather [hbm4b:s1+s3], $0x80, v4, vm0, $0xb8;
	[tilespmem:$0x10400] =	vst v63  }
0x512: {  	s21 =	simm.s32 $0x8C00;
	v3 =	vperm.xlane v3, v2  }
0x513: {  	[tilespmem:s21], [sflag:$0x2] =	stream.indirect_vreg.gather [hbm4b:s5+s3], $0x80, v4, vm0, $0xb8;
	[tilespmem:$0x10400] =	vst v63  }
0x514: {  	s0 =	simm.s32 $0x9400;
	v3 =	vadd.s32 v1, v3  }
0x515: {  	[tilespmem:s0], [sflag:$0x2] =	stream.indirect_vreg.gather [hbm4b:s6+s3], $0x80, v4, vm0, $0xb8;
	[tilespmem:$0x10400] =	vst v63  }
0x516: {  	s2 =	simm.s32 $0x9C00  }
0x517: {  	[tilespmem:s2], [sflag:$0x2] =	stream.indirect_vreg.gather [hbm4b:s7+s3], $0x80, v4, vm0, $0xb8;
	[tilespmem:$0x10400] =	vst v63  }
0x518: {  	s14 =	simm.s32 $0xA400  }
0x519: {  	[tilespmem:s14], [sflag:$0x2] =	stream.indirect_vreg.gather [hbm4b:s1+s3], $0x80, v3, vm0, $0xb8;
	[tilespmem:$0x10400] =	vst v63  }
0x51a: {  	s8 =	simm.s32 $0xAC00  }
0x51b: {  	[tilespmem:s8], [sflag:$0x2] =	stream.indirect_vreg.gather [hbm4b:s5+s3], $0x80, v3, vm0, $0xb8;
	[tilespmem:$0x10400] =	vst v63  }
0x51c: {  	s9 =	simm.s32 $0xB400  }
0x51d: {  	[tilespmem:s9], [sflag:$0x2] =	stream.indirect_vreg.gather [hbm4b:s6+s3], $0x80, v3, vm0, $0xb8;
	[tilespmem:$0x10400] =	vst v63  }
0x51e: {  	s29 =	simm.s32 $0xBC00  }
0x51f: {  	[tilespmem:s29], [sflag:$0x2] =	stream.indirect_vreg.gather [hbm4b:s7+s3], $0x80, v3, vm0, $0xb8;
	[tilespmem:$0x10400] =	vst v63  }
0x520: {  	v3 =	vld [tilespmem:$0x330];
	_ =	sdelay $0x4  }
0x521: {  	v51 =	vshll.u32 v3, $0x3  }
0x522: {  	v3 =	vand.u32 $0x7, v3;
	v4 =	vand.u32 $0xFFFFFFC0, v51  }
0x523: {  	v3 =	vor.u32 v3, v4  }
0x524: {  	v4 =	vperm.xlane v3, v0;
	_ =	sdelay $0x1  }
0x525: {  	v4 =	vadd.s32 v1, v4;
	_ =	sdelay $0x3  }
0x526: {  	s31 =	simm.s32 $0xC400  }
0x527: {  	[tilespmem:s31], [sflag:$0x2] =	stream.indirect_vreg.gather [hbm4b:s1+s3], $0x80, v4, vm0, $0xb8;
	[tilespmem:$0x10400] =	vst v63  }
0x528: {  	s21 =	simm.s32 $0xCC00;
	v3 =	vperm.xlane v3, v2  }
0x529: {  	[tilespmem:s21], [sflag:$0x2] =	stream.indirect_vreg.gather [hbm4b:s5+s3], $0x80, v4, vm0, $0xb8;
	[tilespmem:$0x10400] =	vst v63  }
0x52a: {  	s10 =	simm.s32 $0xD400;
	v3 =	vadd.s32 v1, v3  }
0x52b: {  	[tilespmem:s10], [sflag:$0x2] =	stream.indirect_vreg.gather [hbm4b:s6+s3], $0x80, v4, vm0, $0xb8;
	[tilespmem:$0x10400] =	vst v63  }
0x52c: {  	s11 =	simm.s32 $0xDC00  }
0x52d: {  	[tilespmem:s11], [sflag:$0x2] =	stream.indirect_vreg.gather [hbm4b:s7+s3], $0x80, v4, vm0, $0xb8;
	[tilespmem:$0x10400] =	vst v63  }
0x52e: {  	s24 =	simm.s32 $0xE400  }
0x52f: {  	[tilespmem:s24], [sflag:$0x2] =	stream.indirect_vreg.gather [hbm4b:s1+s3], $0x80, v3, vm0, $0xb8;
	[tilespmem:$0x10400] =	vst v63  }
0x530: {  	s13 =	simm.s32 $0xEC00  }
0x531: {  	[tilespmem:s13], [sflag:$0x2] =	stream.indirect_vreg.gather [hbm4b:s5+s3], $0x80, v3, vm0, $0xb8;
	[tilespmem:$0x10400] =	vst v63  }
0x532: {  	s12 =	simm.s32 $0xF400  }
0x533: {  	[tilespmem:s12], [sflag:$0x2] =	stream.indirect_vreg.gather [hbm4b:s6+s3], $0x80, v3, vm0, $0xb8;
	[tilespmem:$0x10400] =	vst v63  }
0x534: {  	s15 =	simm.s32 $0xFC00  }
0x535: {  	[tilespmem:s15], [sflag:$0x2] =	stream.indirect_vreg.gather [hbm4b:s7+s3], $0x80, v3, vm0, $0xb8;
	[tilespmem:$0x10400] =	vst v63  }
0x536: {  	_ =	swait.ge [sflag:s17], $0x8000  }
0x537: {  	[sflag:s17] =	ssyncset.done $0x0  }
0x538: {  	s21 =	rddreg [dreg:$0x1c];
	[sflag:s17] =	ssyncadd.s32 $0xFFFF8000  }
0x539: {  	[hbm4b:s21+s3] =	stream.linear.scatter [tilespmem:s22], [sflag:$0x3], $0x8000, $0x38;
	[tilespmem:$0x10400] =	vst v63  }
0x53a: {  	_ =	swait.ge [sflag:s18], $0x8000  }
0x53b: {  	[sflag:s18] =	ssyncset.done $0x0  }
0x53c: {  	[sflag:s18] =	ssyncadd.s32 $0xFFFF8000  }
0x53d: {  	v3 =	vld [tilespmem:$0x340];
	_ =	sdelay $0x4  }
0x53e: {  	v52 =	vshll.u32 v3, $0x3  }
0x53f: {  	v3 =	vand.u32 $0x7, v3;
	v4 =	vand.u32 $0xFFFFFFC0, v52  }
0x540: {  	v3 =	vor.u32 v3, v4  }
0x541: {  	v4 =	vperm.xlane v3, v0;
	_ =	sdelay $0x1  }
0x542: {  	v4 =	vadd.s32 v1, v4;
	_ =	sdelay $0x4  }
0x543: {  	[tilespmem:s22], [sflag:$0x1] =	stream.indirect_vreg.gather [hbm4b:s1+s3], $0x80, v4, vm0, $0xb8;
	[tilespmem:$0x10400] =	vst v63  }
0x544: {  	s21 =	simm.s32 $0xC00;
	v3 =	vperm.xlane v3, v2  }
0x545: {  	[tilespmem:s21], [sflag:$0x1] =	stream.indirect_vreg.gather [hbm4b:s5+s3], $0x80, v4, vm0, $0xb8;
	[tilespmem:$0x10400] =	vst v63  }
0x546: {  	v3 =	vadd.s32 v1, v3;
	s21 =	simm.s32 $0x1400  }
0x547: {  	[tilespmem:s21], [sflag:$0x1] =	stream.indirect_vreg.gather [hbm4b:s6+s3], $0x80, v4, vm0, $0xb8;
	[tilespmem:$0x10400] =	vst v63  }
0x548: {  	s21 =	simm.s32 $0x1C00  }
0x549: {  	[tilespmem:s21], [sflag:$0x1] =	stream.indirect_vreg.gather [hbm4b:s7+s3], $0x80, v4, vm0, $0xb8;
	[tilespmem:$0x10400] =	vst v63  }
0x54a: {  	s23 =	simm.s32 $0x2400  }
0x54b: {  	[tilespmem:s23], [sflag:$0x1] =	stream.indirect_vreg.gather [hbm4b:s1+s3], $0x80, v3, vm0, $0xb8;
	[tilespmem:$0x10400] =	vst v63  }
0x54c: {  	s16 =	simm.s32 $0x2C00  }
0x54d: {  	[tilespmem:s16], [sflag:$0x1] =	stream.indirect_vreg.gather [hbm4b:s5+s3], $0x80, v3, vm0, $0xb8;
	[tilespmem:$0x10400] =	vst v63  }
0x54e: {  	s21 =	simm.s32 $0x3400  }
0x54f: {  	[tilespmem:s21], [sflag:$0x1] =	stream.indirect_vreg.gather [hbm4b:s6+s3], $0x80, v3, vm0, $0xb8;
	[tilespmem:$0x10400] =	vst v63  }
0x550: {  	s21 =	simm.s32 $0x3C00  }
0x551: {  	[tilespmem:s21], [sflag:$0x1] =	stream.indirect_vreg.gather [hbm4b:s7+s3], $0x80, v3, vm0, $0xb8;
	[tilespmem:$0x10400] =	vst v63  }
0x552: {  	v3 =	vld [tilespmem:$0x350];
	_ =	sdelay $0x4  }
0x553: {  	v53 =	vshll.u32 v3, $0x3  }
0x554: {  	v3 =	vand.u32 $0x7, v3;
	v4 =	vand.u32 $0xFFFFFFC0, v53  }
0x555: {  	v3 =	vor.u32 v3, v4  }
0x556: {  	v4 =	vperm.xlane v3, v0;
	_ =	sdelay $0x1  }
0x557: {  	v4 =	vadd.s32 v1, v4;
	_ =	sdelay $0x3  }
0x558: {  	s28 =	simm.s32 $0x4400  }
0x559: {  	[tilespmem:s28], [sflag:$0x1] =	stream.indirect_vreg.gather [hbm4b:s1+s3], $0x80, v4, vm0, $0xb8;
	[tilespmem:$0x10400] =	vst v63  }
0x55a: {  	s21 =	simm.s32 $0x4C00;
	v3 =	vperm.xlane v3, v2  }
0x55b: {  	[tilespmem:s21], [sflag:$0x1] =	stream.indirect_vreg.gather [hbm4b:s5+s3], $0x80, v4, vm0, $0xb8;
	[tilespmem:$0x10400] =	vst v63  }
0x55c: {  	v3 =	vadd.s32 v1, v3;
	s21 =	simm.s32 $0x5400  }
0x55d: {  	[tilespmem:s21], [sflag:$0x1] =	stream.indirect_vreg.gather [hbm4b:s6+s3], $0x80, v4, vm0, $0xb8;
	[tilespmem:$0x10400] =	vst v63  }
0x55e: {  	s21 =	simm.s32 $0x5C00  }
0x55f: {  	[tilespmem:s21], [sflag:$0x1] =	stream.indirect_vreg.gather [hbm4b:s7+s3], $0x80, v4, vm0, $0xb8;
	[tilespmem:$0x10400] =	vst v63  }
0x560: {  	s21 =	simm.s32 $0x6400  }
0x561: {  	[tilespmem:s21], [sflag:$0x1] =	stream.indirect_vreg.gather [hbm4b:s1+s3], $0x80, v3, vm0, $0xb8;
	[tilespmem:$0x10400] =	vst v63  }
0x562: {  	s30 =	simm.s32 $0x6C00  }
0x563: {  	[tilespmem:s30], [sflag:$0x1] =	stream.indirect_vreg.gather [hbm4b:s5+s3], $0x80, v3, vm0, $0xb8;
	[tilespmem:$0x10400] =	vst v63  }
0x564: {  	s25 =	simm.s32 $0x7400  }
0x565: {  	[tilespmem:s25], [sflag:$0x1] =	stream.indirect_vreg.gather [hbm4b:s6+s3], $0x80, v3, vm0, $0xb8;
	[tilespmem:$0x10400] =	vst v63  }
0x566: {  	s4 =	simm.s32 $0x7C00  }
0x567: {  	[tilespmem:s4], [sflag:$0x1] =	stream.indirect_vreg.gather [hbm4b:s7+s3], $0x80, v3, vm0, $0xb8;
	[tilespmem:$0x10400] =	vst v63  }
0x568: {  	_ =	swait.ge [sflag:s19], $0x8000  }
0x569: {  	[sflag:s19] =	ssyncset.done $0x0  }
0x56a: {  	s30 =	rddreg [dreg:$0x1d];
	[sflag:s19] =	ssyncadd.s32 $0xFFFF8000  }
0x56b: {  	[hbm4b:s30+s3] =	stream.linear.scatter [tilespmem:s26], [sflag:$0x4], $0x8000, $0x38;
	[tilespmem:$0x10400] =	vst v63  }
0x56c: {  	_ =	swait.ge [sflag:s20], $0x8000  }
0x56d: {  	[sflag:s20] =	ssyncset.done $0x0  }
0x56e: {  	[sflag:s20] =	ssyncadd.s32 $0xFFFF8000  }
0x56f: {  	v3 =	vld [tilespmem:$0x360];
	_ =	sdelay $0x4  }
0x570: {  	v54 =	vshll.u32 v3, $0x3  }
0x571: {  	v3 =	vand.u32 $0x7, v3;
	v4 =	vand.u32 $0xFFFFFFC0, v54  }
0x572: {  	v3 =	vor.u32 v3, v4  }
0x573: {  	v4 =	vperm.xlane v3, v0;
	_ =	sdelay $0x1  }
0x574: {  	v4 =	vadd.s32 v1, v4;
	_ =	sdelay $0x4  }
0x575: {  	[tilespmem:s26], [sflag:$0x2] =	stream.indirect_vreg.gather [hbm4b:s1+s3], $0x80, v4, vm0, $0xb8;
	[tilespmem:$0x10400] =	vst v63  }
0x576: {  	s30 =	simm.s32 $0x8C00;
	v3 =	vperm.xlane v3, v2  }
0x577: {  	[tilespmem:s30], [sflag:$0x2] =	stream.indirect_vreg.gather [hbm4b:s5+s3], $0x80, v4, vm0, $0xb8;
	[tilespmem:$0x10400] =	vst v63  }
0x578: {  	s0 =	simm.s32 $0x9400;
	v3 =	vadd.s32 v1, v3  }
0x579: {  	[tilespmem:s0], [sflag:$0x2] =	stream.indirect_vreg.gather [hbm4b:s6+s3], $0x80, v4, vm0, $0xb8;
	[tilespmem:$0x10400] =	vst v63  }
0x57a: {  	s2 =	simm.s32 $0x9C00  }
0x57b: {  	[tilespmem:s2], [sflag:$0x2] =	stream.indirect_vreg.gather [hbm4b:s7+s3], $0x80, v4, vm0, $0xb8;
	[tilespmem:$0x10400] =	vst v63  }
0x57c: {  	s14 =	simm.s32 $0xA400  }
0x57d: {  	[tilespmem:s14], [sflag:$0x2] =	stream.indirect_vreg.gather [hbm4b:s1+s3], $0x80, v3, vm0, $0xb8;
	[tilespmem:$0x10400] =	vst v63  }
0x57e: {  	s8 =	simm.s32 $0xAC00  }
0x57f: {  	[tilespmem:s8], [sflag:$0x2] =	stream.indirect_vreg.gather [hbm4b:s5+s3], $0x80, v3, vm0, $0xb8;
	[tilespmem:$0x10400] =	vst v63  }
0x580: {  	s9 =	simm.s32 $0xB400  }
0x581: {  	[tilespmem:s9], [sflag:$0x2] =	stream.indirect_vreg.gather [hbm4b:s6+s3], $0x80, v3, vm0, $0xb8;
	[tilespmem:$0x10400] =	vst v63  }
0x582: {  	s29 =	simm.s32 $0xBC00  }
0x583: {  	[tilespmem:s29], [sflag:$0x2] =	stream.indirect_vreg.gather [hbm4b:s7+s3], $0x80, v3, vm0, $0xb8;
	[tilespmem:$0x10400] =	vst v63  }
0x584: {  	v3 =	vld [tilespmem:$0x370];
	_ =	sdelay $0x4  }
0x585: {  	v55 =	vshll.u32 v3, $0x3  }
0x586: {  	v3 =	vand.u32 $0x7, v3;
	v4 =	vand.u32 $0xFFFFFFC0, v55  }
0x587: {  	v3 =	vor.u32 v3, v4  }
0x588: {  	v4 =	vperm.xlane v3, v0;
	_ =	sdelay $0x1  }
0x589: {  	v4 =	vadd.s32 v1, v4;
	_ =	sdelay $0x3  }
0x58a: {  	s31 =	simm.s32 $0xC400  }
0x58b: {  	[tilespmem:s31], [sflag:$0x2] =	stream.indirect_vreg.gather [hbm4b:s1+s3], $0x80, v4, vm0, $0xb8;
	[tilespmem:$0x10400] =	vst v63  }
0x58c: {  	s29 =	simm.s32 $0xCC00;
	v3 =	vperm.xlane v3, v2  }
0x58d: {  	[tilespmem:s29], [sflag:$0x2] =	stream.indirect_vreg.gather [hbm4b:s5+s3], $0x80, v4, vm0, $0xb8;
	[tilespmem:$0x10400] =	vst v63  }
0x58e: {  	s10 =	simm.s32 $0xD400;
	v3 =	vadd.s32 v1, v3  }
0x58f: {  	[tilespmem:s10], [sflag:$0x2] =	stream.indirect_vreg.gather [hbm4b:s6+s3], $0x80, v4, vm0, $0xb8;
	[tilespmem:$0x10400] =	vst v63  }
0x590: {  	s11 =	simm.s32 $0xDC00  }
0x591: {  	[tilespmem:s11], [sflag:$0x2] =	stream.indirect_vreg.gather [hbm4b:s7+s3], $0x80, v4, vm0, $0xb8;
	[tilespmem:$0x10400] =	vst v63  }
0x592: {  	s24 =	simm.s32 $0xE400  }
0x593: {  	[tilespmem:s24], [sflag:$0x2] =	stream.indirect_vreg.gather [hbm4b:s1+s3], $0x80, v3, vm0, $0xb8;
	[tilespmem:$0x10400] =	vst v63  }
0x594: {  	s13 =	simm.s32 $0xEC00  }
0x595: {  	[tilespmem:s13], [sflag:$0x2] =	stream.indirect_vreg.gather [hbm4b:s5+s3], $0x80, v3, vm0, $0xb8;
	[tilespmem:$0x10400] =	vst v63  }
0x596: {  	s12 =	simm.s32 $0xF400  }
0x597: {  	[tilespmem:s12], [sflag:$0x2] =	stream.indirect_vreg.gather [hbm4b:s6+s3], $0x80, v3, vm0, $0xb8;
	[tilespmem:$0x10400] =	vst v63  }
0x598: {  	s15 =	simm.s32 $0xFC00  }
0x599: {  	[tilespmem:s15], [sflag:$0x2] =	stream.indirect_vreg.gather [hbm4b:s7+s3], $0x80, v3, vm0, $0xb8;
	[tilespmem:$0x10400] =	vst v63  }
0x59a: {  	_ =	swait.ge [sflag:s17], $0x8000  }
0x59b: {  	[sflag:s17] =	ssyncset.done $0x0  }
0x59c: {  	s30 =	rddreg [dreg:$0x1e];
	[sflag:s17] =	ssyncadd.s32 $0xFFFF8000  }
0x59d: {  	[hbm4b:s30+s3] =	stream.linear.scatter [tilespmem:s22], [sflag:$0x3], $0x8000, $0x38;
	[tilespmem:$0x10400] =	vst v63  }
0x59e: {  	_ =	swait.ge [sflag:s18], $0x8000  }
0x59f: {  	[sflag:s18] =	ssyncset.done $0x0  }
0x5a0: {  	[sflag:s18] =	ssyncadd.s32 $0xFFFF8000  }
0x5a1: {  	v3 =	vld [tilespmem:$0x380];
	_ =	sdelay $0x4  }
0x5a2: {  	v56 =	vshll.u32 v3, $0x3  }
0x5a3: {  	v3 =	vand.u32 $0x7, v3;
	v4 =	vand.u32 $0xFFFFFFC0, v56  }
0x5a4: {  	v3 =	vor.u32 v3, v4  }
0x5a5: {  	v4 =	vperm.xlane v3, v0;
	_ =	sdelay $0x1  }
0x5a6: {  	v4 =	vadd.s32 v1, v4;
	_ =	sdelay $0x4  }
0x5a7: {  	[tilespmem:s22], [sflag:$0x1] =	stream.indirect_vreg.gather [hbm4b:s1+s3], $0x80, v4, vm0, $0xb8;
	[tilespmem:$0x10400] =	vst v63  }
0x5a8: {  	s31 =	simm.s32 $0xC00;
	v3 =	vperm.xlane v3, v2  }
0x5a9: {  	[tilespmem:s31], [sflag:$0x1] =	stream.indirect_vreg.gather [hbm4b:s5+s3], $0x80, v4, vm0, $0xb8;
	[tilespmem:$0x10400] =	vst v63  }
0x5aa: {  	s13 =	simm.s32 $0x1400;
	v3 =	vadd.s32 v1, v3  }
0x5ab: {  	[tilespmem:s13], [sflag:$0x1] =	stream.indirect_vreg.gather [hbm4b:s6+s3], $0x80, v4, vm0, $0xb8;
	[tilespmem:$0x10400] =	vst v63  }
0x5ac: {  	s15 =	simm.s32 $0x1C00  }
0x5ad: {  	[tilespmem:s15], [sflag:$0x1] =	stream.indirect_vreg.gather [hbm4b:s7+s3], $0x80, v4, vm0, $0xb8;
	[tilespmem:$0x10400] =	vst v63  }
0x5ae: {  	s23 =	simm.s32 $0x2400  }
0x5af: {  	[tilespmem:s23], [sflag:$0x1] =	stream.indirect_vreg.gather [hbm4b:s1+s3], $0x80, v3, vm0, $0xb8;
	[tilespmem:$0x10400] =	vst v63  }
0x5b0: {  	s16 =	simm.s32 $0x2C00  }
0x5b1: {  	[tilespmem:s16], [sflag:$0x1] =	stream.indirect_vreg.gather [hbm4b:s5+s3], $0x80, v3, vm0, $0xb8;
	[tilespmem:$0x10400] =	vst v63  }
0x5b2: {  	s16 =	simm.s32 $0x3400  }
0x5b3: {  	[tilespmem:s16], [sflag:$0x1] =	stream.indirect_vreg.gather [hbm4b:s6+s3], $0x80, v3, vm0, $0xb8;
	[tilespmem:$0x10400] =	vst v63  }
0x5b4: {  	s21 =	simm.s32 $0x3C00  }
0x5b5: {  	[tilespmem:s21], [sflag:$0x1] =	stream.indirect_vreg.gather [hbm4b:s7+s3], $0x80, v3, vm0, $0xb8;
	[tilespmem:$0x10400] =	vst v63  }
0x5b6: {  	v3 =	vld [tilespmem:$0x390];
	_ =	sdelay $0x4  }
0x5b7: {  	v57 =	vshll.u32 v3, $0x3  }
0x5b8: {  	v3 =	vand.u32 $0x7, v3;
	v4 =	vand.u32 $0xFFFFFFC0, v57  }
0x5b9: {  	v3 =	vor.u32 v3, v4  }
0x5ba: {  	v4 =	vperm.xlane v3, v0;
	_ =	sdelay $0x1  }
0x5bb: {  	v4 =	vadd.s32 v1, v4;
	_ =	sdelay $0x3  }
0x5bc: {  	s28 =	simm.s32 $0x4400  }
0x5bd: {  	[tilespmem:s28], [sflag:$0x1] =	stream.indirect_vreg.gather [hbm4b:s1+s3], $0x80, v4, vm0, $0xb8;
	[tilespmem:$0x10400] =	vst v63  }
0x5be: {  	s30 =	simm.s32 $0x4C00;
	v3 =	vperm.xlane v3, v2  }
0x5bf: {  	[tilespmem:s30], [sflag:$0x1] =	stream.indirect_vreg.gather [hbm4b:s5+s3], $0x80, v4, vm0, $0xb8;
	[tilespmem:$0x10400] =	vst v63  }
0x5c0: {  	s31 =	simm.s32 $0x5400;
	v3 =	vadd.s32 v1, v3  }
0x5c1: {  	[tilespmem:s31], [sflag:$0x1] =	stream.indirect_vreg.gather [hbm4b:s6+s3], $0x80, v4, vm0, $0xb8;
	[tilespmem:$0x10400] =	vst v63  }
0x5c2: {  	s21 =	simm.s32 $0x5C00  }
0x5c3: {  	[tilespmem:s21], [sflag:$0x1] =	stream.indirect_vreg.gather [hbm4b:s7+s3], $0x80, v4, vm0, $0xb8;
	[tilespmem:$0x10400] =	vst v63  }
0x5c4: {  	s28 =	simm.s32 $0x6400  }
0x5c5: {  	[tilespmem:s28], [sflag:$0x1] =	stream.indirect_vreg.gather [hbm4b:s1+s3], $0x80, v3, vm0, $0xb8;
	[tilespmem:$0x10400] =	vst v63  }
0x5c6: {  	s31 =	simm.s32 $0x6C00  }
0x5c7: {  	[tilespmem:s31], [sflag:$0x1] =	stream.indirect_vreg.gather [hbm4b:s5+s3], $0x80, v3, vm0, $0xb8;
	[tilespmem:$0x10400] =	vst v63  }
0x5c8: {  	s25 =	simm.s32 $0x7400  }
0x5c9: {  	[tilespmem:s25], [sflag:$0x1] =	stream.indirect_vreg.gather [hbm4b:s6+s3], $0x80, v3, vm0, $0xb8;
	[tilespmem:$0x10400] =	vst v63  }
0x5ca: {  	s4 =	simm.s32 $0x7C00  }
0x5cb: {  	[tilespmem:s4], [sflag:$0x1] =	stream.indirect_vreg.gather [hbm4b:s7+s3], $0x80, v3, vm0, $0xb8;
	[tilespmem:$0x10400] =	vst v63  }
0x5cc: {  	_ =	swait.ge [sflag:s19], $0x8000  }
0x5cd: {  	[sflag:s19] =	ssyncset.done $0x0  }
0x5ce: {  	s4 =	rddreg [dreg:$0x1f];
	[sflag:s19] =	ssyncadd.s32 $0xFFFF8000  }
0x5cf: {  	[hbm4b:s4+s3] =	stream.linear.scatter [tilespmem:s26], [sflag:$0x4], $0x8000, $0x38;
	[tilespmem:$0x10400] =	vst v63  }
0x5d0: {  	_ =	swait.ge [sflag:s20], $0x8000  }
0x5d1: {  	[sflag:s20] =	ssyncset.done $0x0  }
0x5d2: {  	[sflag:s20] =	ssyncadd.s32 $0xFFFF8000  }
0x5d3: {  	v3 =	vld [tilespmem:$0x3A0];
	_ =	sdelay $0x4  }
0x5d4: {  	v58 =	vshll.u32 v3, $0x3  }
0x5d5: {  	v3 =	vand.u32 $0x7, v3;
	v4 =	vand.u32 $0xFFFFFFC0, v58  }
0x5d6: {  	v3 =	vor.u32 v3, v4  }
0x5d7: {  	v4 =	vperm.xlane v3, v0;
	_ =	sdelay $0x1  }
0x5d8: {  	v4 =	vadd.s32 v1, v4;
	_ =	sdelay $0x4  }
0x5d9: {  	[tilespmem:s26], [sflag:$0x2] =	stream.indirect_vreg.gather [hbm4b:s1+s3], $0x80, v4, vm0, $0xb8;
	[tilespmem:$0x10400] =	vst v63  }
0x5da: {  	s25 =	simm.s32 $0x8C00;
	v3 =	vperm.xlane v3, v2  }
0x5db: {  	[tilespmem:s25], [sflag:$0x2] =	stream.indirect_vreg.gather [hbm4b:s5+s3], $0x80, v4, vm0, $0xb8;
	[tilespmem:$0x10400] =	vst v63  }
0x5dc: {  	s0 =	simm.s32 $0x9400;
	v3 =	vadd.s32 v1, v3  }
0x5dd: {  	[tilespmem:s0], [sflag:$0x2] =	stream.indirect_vreg.gather [hbm4b:s6+s3], $0x80, v4, vm0, $0xb8;
	[tilespmem:$0x10400] =	vst v63  }
0x5de: {  	s2 =	simm.s32 $0x9C00  }
0x5df: {  	[tilespmem:s2], [sflag:$0x2] =	stream.indirect_vreg.gather [hbm4b:s7+s3], $0x80, v4, vm0, $0xb8;
	[tilespmem:$0x10400] =	vst v63  }
0x5e0: {  	s14 =	simm.s32 $0xA400  }
0x5e1: {  	[tilespmem:s14], [sflag:$0x2] =	stream.indirect_vreg.gather [hbm4b:s1+s3], $0x80, v3, vm0, $0xb8;
	[tilespmem:$0x10400] =	vst v63  }
0x5e2: {  	s8 =	simm.s32 $0xAC00  }
0x5e3: {  	[tilespmem:s8], [sflag:$0x2] =	stream.indirect_vreg.gather [hbm4b:s5+s3], $0x80, v3, vm0, $0xb8;
	[tilespmem:$0x10400] =	vst v63  }
0x5e4: {  	s9 =	simm.s32 $0xB400  }
0x5e5: {  	[tilespmem:s9], [sflag:$0x2] =	stream.indirect_vreg.gather [hbm4b:s6+s3], $0x80, v3, vm0, $0xb8;
	[tilespmem:$0x10400] =	vst v63  }
0x5e6: {  	s14 =	simm.s32 $0xBC00  }
0x5e7: {  	[tilespmem:s14], [sflag:$0x2] =	stream.indirect_vreg.gather [hbm4b:s7+s3], $0x80, v3, vm0, $0xb8;
	[tilespmem:$0x10400] =	vst v63  }
0x5e8: {  	v3 =	vld [tilespmem:$0x3B0];
	_ =	sdelay $0x4  }
0x5e9: {  	v59 =	vshll.u32 v3, $0x3  }
0x5ea: {  	v3 =	vand.u32 $0x7, v3;
	v4 =	vand.u32 $0xFFFFFFC0, v59  }
0x5eb: {  	v3 =	vor.u32 v3, v4  }
0x5ec: {  	v4 =	vperm.xlane v3, v0;
	_ =	sdelay $0x1  }
0x5ed: {  	v4 =	vadd.s32 v1, v4;
	_ =	sdelay $0x3  }
0x5ee: {  	s21 =	simm.s32 $0xC400  }
0x5ef: {  	[tilespmem:s21], [sflag:$0x2] =	stream.indirect_vreg.gather [hbm4b:s1+s3], $0x80, v4, vm0, $0xb8;
	[tilespmem:$0x10400] =	vst v63  }
0x5f0: {  	s14 =	simm.s32 $0xCC00;
	v3 =	vperm.xlane v3, v2  }
0x5f1: {  	[tilespmem:s14], [sflag:$0x2] =	stream.indirect_vreg.gather [hbm4b:s5+s3], $0x80, v4, vm0, $0xb8;
	[tilespmem:$0x10400] =	vst v63  }
0x5f2: {  	s10 =	simm.s32 $0xD400;
	v3 =	vadd.s32 v1, v3  }
0x5f3: {  	[tilespmem:s10], [sflag:$0x2] =	stream.indirect_vreg.gather [hbm4b:s6+s3], $0x80, v4, vm0, $0xb8;
	[tilespmem:$0x10400] =	vst v63  }
0x5f4: {  	s11 =	simm.s32 $0xDC00  }
0x5f5: {  	[tilespmem:s11], [sflag:$0x2] =	stream.indirect_vreg.gather [hbm4b:s7+s3], $0x80, v4, vm0, $0xb8;
	[tilespmem:$0x10400] =	vst v63  }
0x5f6: {  	s21 =	simm.s32 $0xE400  }
0x5f7: {  	[tilespmem:s21], [sflag:$0x2] =	stream.indirect_vreg.gather [hbm4b:s1+s3], $0x80, v3, vm0, $0xb8;
	[tilespmem:$0x10400] =	vst v63  }
0x5f8: {  	s29 =	simm.s32 $0xEC00  }
0x5f9: {  	[tilespmem:s29], [sflag:$0x2] =	stream.indirect_vreg.gather [hbm4b:s5+s3], $0x80, v3, vm0, $0xb8;
	[tilespmem:$0x10400] =	vst v63  }
0x5fa: {  	s24 =	simm.s32 $0xF400  }
0x5fb: {  	[tilespmem:s24], [sflag:$0x2] =	stream.indirect_vreg.gather [hbm4b:s6+s3], $0x80, v3, vm0, $0xb8;
	[tilespmem:$0x10400] =	vst v63  }
0x5fc: {  	s24 =	simm.s32 $0xFC00  }
0x5fd: {  	[tilespmem:s24], [sflag:$0x2] =	stream.indirect_vreg.gather [hbm4b:s7+s3], $0x80, v3, vm0, $0xb8;
	[tilespmem:$0x10400] =	vst v63  }
0x5fe: {  	_ =	swait.ge [sflag:s17], $0x8000  }
0x5ff: {  	s29 =	sld [smem:$0x7F9]  }
0x600: {  	[sflag:s17] =	ssyncset.done $0x0  }
0x601: {  	[sflag:s17] =	ssyncadd.s32 $0xFFFF8000  }
0x602: {  	[hbm4b:s29+s3] =	stream.linear.scatter [tilespmem:s22], [sflag:$0x3], $0x8000, $0x38;
	[tilespmem:$0x10400] =	vst v63  }
0x603: {  	_ =	swait.ge [sflag:s18], $0x8000  }
0x604: {  	[sflag:s18] =	ssyncset.done $0x0  }
0x605: {  	[sflag:s18] =	ssyncadd.s32 $0xFFFF8000  }
0x606: {  	v3 =	vld [tilespmem:$0x3C0];
	_ =	sdelay $0x4  }
0x607: {  	v60 =	vshll.u32 v3, $0x3  }
0x608: {  	v3 =	vand.u32 $0x7, v3;
	v4 =	vand.u32 $0xFFFFFFC0, v60  }
0x609: {  	v3 =	vor.u32 v3, v4  }
0x60a: {  	v4 =	vperm.xlane v3, v0;
	_ =	sdelay $0x1  }
0x60b: {  	v4 =	vadd.s32 v1, v4;
	_ =	sdelay $0x4  }
0x60c: {  	[tilespmem:s22], [sflag:$0x1] =	stream.indirect_vreg.gather [hbm4b:s1+s3], $0x80, v4, vm0, $0xb8;
	[tilespmem:$0x10400] =	vst v63  }
0x60d: {  	s29 =	simm.s32 $0xC00;
	v3 =	vperm.xlane v3, v2  }
0x60e: {  	[tilespmem:s29], [sflag:$0x1] =	stream.indirect_vreg.gather [hbm4b:s5+s3], $0x80, v4, vm0, $0xb8;
	[tilespmem:$0x10400] =	vst v63  }
0x60f: {  	v3 =	vadd.s32 v1, v3;
	s29 =	simm.s32 $0x1400  }
0x610: {  	[tilespmem:s29], [sflag:$0x1] =	stream.indirect_vreg.gather [hbm4b:s6+s3], $0x80, v4, vm0, $0xb8;
	[tilespmem:$0x10400] =	vst v63  }
0x611: {  	s29 =	simm.s32 $0x1C00  }
0x612: {  	[tilespmem:s29], [sflag:$0x1] =	stream.indirect_vreg.gather [hbm4b:s7+s3], $0x80, v4, vm0, $0xb8;
	[tilespmem:$0x10400] =	vst v63  }
0x613: {  	s15 =	simm.s32 $0x2400  }
0x614: {  	[tilespmem:s15], [sflag:$0x1] =	stream.indirect_vreg.gather [hbm4b:s1+s3], $0x80, v3, vm0, $0xb8;
	[tilespmem:$0x10400] =	vst v63  }
0x615: {  	s23 =	simm.s32 $0x2C00  }
0x616: {  	[tilespmem:s23], [sflag:$0x1] =	stream.indirect_vreg.gather [hbm4b:s5+s3], $0x80, v3, vm0, $0xb8;
	[tilespmem:$0x10400] =	vst v63  }
0x617: {  	s13 =	simm.s32 $0x3400  }
0x618: {  	[tilespmem:s13], [sflag:$0x1] =	stream.indirect_vreg.gather [hbm4b:s6+s3], $0x80, v3, vm0, $0xb8;
	[tilespmem:$0x10400] =	vst v63  }
0x619: {  	s23 =	simm.s32 $0x3C00  }
0x61a: {  	[tilespmem:s23], [sflag:$0x1] =	stream.indirect_vreg.gather [hbm4b:s7+s3], $0x80, v3, vm0, $0xb8;
	[tilespmem:$0x10400] =	vst v63  }
0x61b: {  	v3 =	vld [tilespmem:$0x3D0];
	_ =	sdelay $0x4  }
0x61c: {  	v61 =	vshll.u32 v3, $0x3  }
0x61d: {  	v3 =	vand.u32 $0x7, v3;
	v4 =	vand.u32 $0xFFFFFFC0, v61  }
0x61e: {  	v3 =	vor.u32 v3, v4  }
0x61f: {  	v4 =	vperm.xlane v3, v0;
	_ =	sdelay $0x1  }
0x620: {  	v4 =	vadd.s32 v1, v4;
	_ =	sdelay $0x3  }
0x621: {  	s12 =	simm.s32 $0x4400  }
0x622: {  	[tilespmem:s12], [sflag:$0x1] =	stream.indirect_vreg.gather [hbm4b:s1+s3], $0x80, v4, vm0, $0xb8;
	[tilespmem:$0x10400] =	vst v63  }
0x623: {  	s30 =	simm.s32 $0x4C00;
	v3 =	vperm.xlane v3, v2  }
0x624: {  	[tilespmem:s30], [sflag:$0x1] =	stream.indirect_vreg.gather [hbm4b:s5+s3], $0x80, v4, vm0, $0xb8;
	[tilespmem:$0x10400] =	vst v63  }
0x625: {  	s29 =	simm.s32 $0x5400;
	v3 =	vadd.s32 v1, v3  }
0x626: {  	[tilespmem:s29], [sflag:$0x1] =	stream.indirect_vreg.gather [hbm4b:s6+s3], $0x80, v4, vm0, $0xb8;
	[tilespmem:$0x10400] =	vst v63  }
0x627: {  	s30 =	simm.s32 $0x5C00  }
0x628: {  	[tilespmem:s30], [sflag:$0x1] =	stream.indirect_vreg.gather [hbm4b:s7+s3], $0x80, v4, vm0, $0xb8;
	[tilespmem:$0x10400] =	vst v63  }
0x629: {  	s13 =	simm.s32 $0x6400  }
0x62a: {  	[tilespmem:s13], [sflag:$0x1] =	stream.indirect_vreg.gather [hbm4b:s1+s3], $0x80, v3, vm0, $0xb8;
	[tilespmem:$0x10400] =	vst v63  }
0x62b: {  	s31 =	simm.s32 $0x6C00  }
0x62c: {  	[tilespmem:s31], [sflag:$0x1] =	stream.indirect_vreg.gather [hbm4b:s5+s3], $0x80, v3, vm0, $0xb8;
	[tilespmem:$0x10400] =	vst v63  }
0x62d: {  	s28 =	simm.s32 $0x7400  }
0x62e: {  	[tilespmem:s28], [sflag:$0x1] =	stream.indirect_vreg.gather [hbm4b:s6+s3], $0x80, v3, vm0, $0xb8;
	[tilespmem:$0x10400] =	vst v63  }
0x62f: {  	s16 =	simm.s32 $0x7C00  }
0x630: {  	[tilespmem:s16], [sflag:$0x1] =	stream.indirect_vreg.gather [hbm4b:s7+s3], $0x80, v3, vm0, $0xb8;
	[tilespmem:$0x10400] =	vst v63  }
0x631: {  	_ =	swait.ge [sflag:s19], $0x8000  }
0x632: {  	s15 =	sld [smem:$0x7FA]  }
0x633: {  	[sflag:s19] =	ssyncset.done $0x0  }
0x634: {  	[sflag:s19] =	ssyncadd.s32 $0xFFFF8000  }
0x635: {  	[hbm4b:s15+s3] =	stream.linear.scatter [tilespmem:s26], [sflag:$0x4], $0x8000, $0x38;
	[tilespmem:$0x10400] =	vst v63  }
0x636: {  	_ =	swait.ge [sflag:s20], $0x8000  }
0x637: {  	[sflag:s20] =	ssyncset.done $0x0  }
0x638: {  	[sflag:s20] =	ssyncadd.s32 $0xFFFF8000  }
0x639: {  	v3 =	vld [tilespmem:$0x3E0];
	_ =	sdelay $0x4  }
0x63a: {  	v62 =	vshll.u32 v3, $0x3  }
0x63b: {  	v3 =	vand.u32 $0x7, v3;
	v4 =	vand.u32 $0xFFFFFFC0, v62  }
0x63c: {  	v3 =	vor.u32 v3, v4  }
0x63d: {  	v4 =	vperm.xlane v3, v0;
	_ =	sdelay $0x1  }
0x63e: {  	v4 =	vadd.s32 v1, v4;
	_ =	sdelay $0x4  }
0x63f: {  	[tilespmem:s26], [sflag:$0x2] =	stream.indirect_vreg.gather [hbm4b:s1+s3], $0x80, v4, vm0, $0xb8;
	[tilespmem:$0x10400] =	vst v63  }
0x640: {  	s16 =	simm.s32 $0x8C00;
	v3 =	vperm.xlane v3, v2  }
0x641: {  	[tilespmem:s16], [sflag:$0x2] =	stream.indirect_vreg.gather [hbm4b:s5+s3], $0x80, v4, vm0, $0xb8;
	[tilespmem:$0x10400] =	vst v63  }
0x642: {  	s4 =	simm.s32 $0x9400;
	v3 =	vadd.s32 v1, v3  }
0x643: {  	[tilespmem:s4], [sflag:$0x2] =	stream.indirect_vreg.gather [hbm4b:s6+s3], $0x80, v4, vm0, $0xb8;
	[tilespmem:$0x10400] =	vst v63  }
0x644: {  	s0 =	simm.s32 $0x9C00  }
0x645: {  	[tilespmem:s0], [sflag:$0x2] =	stream.indirect_vreg.gather [hbm4b:s7+s3], $0x80, v4, vm0, $0xb8;
	[tilespmem:$0x10400] =	vst v63  }
0x646: {  	s25 =	simm.s32 $0xA400  }
0x647: {  	[tilespmem:s25], [sflag:$0x2] =	stream.indirect_vreg.gather [hbm4b:s1+s3], $0x80, v3, vm0, $0xb8;
	[tilespmem:$0x10400] =	vst v63  }
0x648: {  	s2 =	simm.s32 $0xAC00  }
0x649: {  	[tilespmem:s2], [sflag:$0x2] =	stream.indirect_vreg.gather [hbm4b:s5+s3], $0x80, v3, vm0, $0xb8;
	[tilespmem:$0x10400] =	vst v63  }
0x64a: {  	s8 =	simm.s32 $0xB400  }
0x64b: {  	[tilespmem:s8], [sflag:$0x2] =	stream.indirect_vreg.gather [hbm4b:s6+s3], $0x80, v3, vm0, $0xb8;
	[tilespmem:$0x10400] =	vst v63  }
0x64c: {  	s21 =	simm.s32 $0xBC00  }
0x64d: {  	[tilespmem:s21], [sflag:$0x2] =	stream.indirect_vreg.gather [hbm4b:s7+s3], $0x80, v3, vm0, $0xb8;
	[tilespmem:$0x10400] =	vst v63  }
0x64e: {  	v3 =	vld [tilespmem:$0x3F0];
	_ =	sdelay $0x4  }
0x64f: {  	v63 =	vshll.u32 v3, $0x3  }
0x650: {  	v3 =	vand.u32 $0x7, v3;
	v4 =	vand.u32 $0xFFFFFFC0, v63  }
0x651: {  	v3 =	vor.u32 v3, v4  }
0x652: {  	v4 =	vperm.xlane v3, v0;
	_ =	sdelay $0x1  }
0x653: {  	v4 =	vadd.s32 v1, v4;
	_ =	sdelay $0x3  }
0x654: {  	s23 =	simm.s32 $0xC400  }
0x655: {  	[tilespmem:s23], [sflag:$0x2] =	stream.indirect_vreg.gather [hbm4b:s1+s3], $0x80, v4, vm0, $0xb8;
	[tilespmem:$0x10400] =	vst v63  }
0x656: {  	s25 =	simm.s32 $0xCC00;
	v3 =	vperm.xlane v3, v2  }
0x657: {  	[tilespmem:s25], [sflag:$0x2] =	stream.indirect_vreg.gather [hbm4b:s5+s3], $0x80, v4, vm0, $0xb8;
	[tilespmem:$0x10400] =	vst v63  }
0x658: {  	s9 =	simm.s32 $0xD400;
	v3 =	vadd.s32 v1, v3  }
0x659: {  	[tilespmem:s9], [sflag:$0x2] =	stream.indirect_vreg.gather [hbm4b:s6+s3], $0x80, v4, vm0, $0xb8;
	[tilespmem:$0x10400] =	vst v63  }
0x65a: {  	s10 =	simm.s32 $0xDC00  }
0x65b: {  	[tilespmem:s10], [sflag:$0x2] =	stream.indirect_vreg.gather [hbm4b:s7+s3], $0x80, v4, vm0, $0xb8;
	[tilespmem:$0x10400] =	vst v63  }
0x65c: {  	s28 =	simm.s32 $0xE400  }
0x65d: {  	[tilespmem:s28], [sflag:$0x2] =	stream.indirect_vreg.gather [hbm4b:s1+s3], $0x80, v3, vm0, $0xb8;
	[tilespmem:$0x10400] =	vst v63  }
0x65e: {  	s14 =	simm.s32 $0xEC00  }
0x65f: {  	[tilespmem:s14], [sflag:$0x2] =	stream.indirect_vreg.gather [hbm4b:s5+s3], $0x80, v3, vm0, $0xb8;
	[tilespmem:$0x10400] =	vst v63  }
0x660: {  	s11 =	simm.s32 $0xF400  }
0x661: {  	[tilespmem:s11], [sflag:$0x2] =	stream.indirect_vreg.gather [hbm4b:s6+s3], $0x80, v3, vm0, $0xb8;
	[tilespmem:$0x10400] =	vst v63  }
0x662: {  	s24 =	simm.s32 $0xFC00  }
0x663: {  	[tilespmem:s24], [sflag:$0x2] =	stream.indirect_vreg.gather [hbm4b:s7+s3], $0x80, v3, vm0, $0xb8;
	[tilespmem:$0x10400] =	vst v63  }
0x664: {  	_ =	swait.ge [sflag:s17], $0x8000  }
0x665: {  	s29 =	sld [smem:$0x7FB]  }
0x666: {  	[sflag:s17] =	ssyncset.done $0x0  }
0x667: {  	[sflag:s17] =	ssyncadd.s32 $0xFFFF8000  }
0x668: {  	[hbm4b:s29+s3] =	stream.linear.scatter [tilespmem:s22], [sflag:$0x3], $0x8000, $0x38;
	[tilespmem:$0x10400] =	vst v63  }
0x669: {  	_ =	swait.ge [sflag:s19], $0x8000  }
0x66a: {  	s30 =	sld [smem:$0x7FD]  }
0x66b: {  	[sflag:s19] =	ssyncset.done $0x0;
	s31 =	sld [smem:$0x7F8]  }
0x66c: {  	[sflag:s19] =	ssyncadd.s32 $0xFFFF8000  }
0x66d: {  	[hbm4b:s30+s3] =	stream.linear.scatter [tilespmem:s26], [sflag:$0x4], $0x8000, $0x38;
	[tilespmem:$0x10400] =	vst v63  }
0x66e: {  	p0 =	sne.s32 s31, $0x1;
	_ =	swait.ge [sflag:s18], $0x8000  }
.Ltmp0:
0x66f: {  	[sflag:s18] =	ssyncset.done $0x0;
	(pc) =	sbr.rel @p0 .LBB2_1-.Ltmp0, $4  }
0x670: {  	[sflag:s18] =	ssyncadd.s32 $0xFFFF8000  }
0x671: {  	_ =	swait.ge [sflag:s20], $0x8000  }
0x672: {  	[sflag:s20] =	ssyncset.done $0x0  }
0x673: {  	s21 =	sadd.s32 $0xFFFFFFFF, s31;
	[sflag:s20] =	ssyncadd.s32 $0xFFFF8000  }
0x674: {  	_ =	sfence.sel $0x180000  }
0x675: {  	[bflag:$0x0] =	sbarrier.arrive $0xFFFF  }
0x676: {  	_ =	strace $0x90000047  }
0x677: {  	s0 =	stileid.u32;
	[bflag:$0x2] =	sbarrier.arrive $0xFFFF  }
0x678: {  	p0 =	sne.s32 s0, $0x0;
	s0 =	rddreg [dreg:$0x3]  }
0x679: {  	s0 =	sadd.s32 @!p0 $0x100000, s0  }
0x67a: {  	[sflag:s0] =	ssyncadd.tile.s32 @!p0 $0x1;
	_ =	shalt  }
.Lfunc_end2:
_tile_overlayer_lowered:
.L_overlay_start_2:
0x67b: {  	(tag) =	ssettag $0x2  }
0x67c: {  	s0 =	rddreg [dreg:$0x0];
	s2 =	stileid.u32  }
0x67d: {  	s1 =	rddreg [dreg:$0x1];
	p0 =	sne.s32 s2, $0x0  }
0x67e: {  	s3 =	rddreg [dreg:$0x2];
	[bflag:$0x3] =	sbarrier.arrive $0xFFFF;
	s2 =	simm.s32 @!p0 $0x1C05  }
0x67f: {  	[timem:s3], [sflag:s2] =	dma.local @!p0 [hbm:s0], s1  }
0x680: {  	s0 =	simm.s32 @!p0 $0x5  }
0x681: {  	_ =	swait.ge @!p0 [sflag:s0], s1  }
0x682: {  	s1 =	ssub.s32 @!p0 $0x0, s1;
	[sflag:s0] =	ssyncset.done @!p0 $0x0  }
0x683: {  	[sflag:s0] =	ssyncadd.s32 @!p0 s1  }
0x684: {  	[bflag:$0x3] =	sbarrier.arrive $0xFFFF  }
0x685: {  	_ =	shalt  }

</sc_bundles>
